<compile_context>
chip_gen: v7x
topology: tpu7x:2x2x1
jax: 0.10.2.dev20260603
libtpu: 0.0.44.dev20260713+nightly
codegen_flags: <defaults>
</compile_context>

<pallas_src>
import functools

import jax
import jax.numpy as jnp
from jax import lax
from jax.experimental import pallas as pl
from jax.experimental.pallas import tpu as pltpu
from jax.experimental.pallas import tpu_sc as plsc

_BM = 16000
_FRACS = (3, 2)
_K = len(_FRACS)
_G = 128
_GPC = 8
_NSUB = 16
_NW = 2 * _NSUB
_ACC = 10240




def _mm_body(x_ref, w_ref, b_ref, o_ref):
    y = jnp.dot(x_ref[...], w_ref[...], preferred_element_type=jnp.float32)
    o_ref[...] = jnp.maximum(y + b_ref[...], 0.0)


def _matmul_relu(x, row0, rows, rows_padded, w, b):
    d_in = x.shape[1]
    d_out = w.shape[1]
    off = row0 // _BM
    return pl.pallas_call(
        _mm_body,
        grid=(rows // _BM,),
        in_specs=[
            pl.BlockSpec((_BM, d_in), lambda k: (k + off, 0)),
            pl.BlockSpec((d_in, d_out), lambda k: (0, 0)),
            pl.BlockSpec((1, d_out), lambda k: (0, 0)),
        ],
        out_specs=pl.BlockSpec((_BM, d_out), lambda k: (k, 0)),
        out_shape=jax.ShapeDtypeStruct((rows_padded, d_out), jnp.float32),
    )(x, w, b.reshape(1, d_out))




def _segment_partials_sc(p, idx2d):
    d = p.shape[1]
    n_rows = idx2d.shape[0]
    rpw = n_rows // _NW
    n_groups = rpw // _GPC
    mpt = _ACC // _NSUB
    assert rpw * _NW == n_rows and rpw % _GPC == 0
    mesh = plsc.VectorSubcoreMesh(core_axis_name="c", subcore_axis_name="s")

    @functools.partial(
        pl.kernel,
        mesh=mesh,
        out_type=(
            jax.ShapeDtypeStruct((2, _ACC, d), jnp.float32),
            jax.ShapeDtypeStruct((2, 1, _ACC), jnp.float32),
        ),
        scratch_types=[
            pltpu.VMEM((_G, d), jnp.float32),
            pltpu.VMEM((_G, d), jnp.float32),
            pltpu.VMEM((n_groups, _GPC, _G), jnp.int32),
            pltpu.VMEM((_G,), jnp.float32),
            pltpu.VMEM((mpt,), jnp.float32),
            pltpu.SemaphoreType.DMA,
            pltpu.SemaphoreType.DMA,
            pltpu.SemaphoreType.DMA,
            pltpu.VMEM_SHARED((_ACC, d), jnp.float32),
            pltpu.VMEM_SHARED((_ACC,), jnp.float32),
        ],
    )
    def seg_part(p_hbm, idx_hbm, sums_out, cnts_out, buf0, buf1, idx_v,
                 ones_v, zero_v, sem0, sem1, csem, sums_sh, cnts_sh):
        c = lax.axis_index("c")
        s = lax.axis_index("s")
        w = c * _NSUB + s
        bufs = (buf0, buf1)
        sems = (sem0, sem1)

        zeros16 = jnp.zeros((16,), jnp.float32)
        ones16 = jnp.ones((16,), jnp.float32)

        def zero_body(m, carry):
            for j in range(d // 16):
                buf0[m, pl.ds(16 * j, 16)] = zeros16
            return carry

        lax.fori_loop(0, _G, zero_body, 0)
        for k in range(_G // 16):
            ones_v[pl.ds(16 * k, 16)] = ones16
        for k in range(mpt // 16):
            zero_v[pl.ds(16 * k, 16)] = zeros16

        z0 = s * mpt
        for k in range(mpt // _G):
            pltpu.sync_copy(buf0, sums_sh.at[pl.ds(z0 + k * _G, _G)])
        pltpu.sync_copy(zero_v, cnts_sh.at[pl.ds(z0, mpt)])
        plsc.subcore_barrier()

        row_base = w * rpw

        def src(pc):
            return p_hbm.at[pl.ds((row_base + pc) * _G, _G)]

        for pc in range(2):
            pltpu.async_copy(src(pc), bufs[pc], sems[pc])

        def group_body(t, carry):
            base = t * _GPC
            pltpu.sync_copy(idx_hbm.at[pl.ds(row_base + base, _GPC)],
                            idx_v.at[t])
            for j in range(_GPC):
                b = j % 2
                pc = base + j
                pltpu.make_async_copy(src(pc), bufs[b], sems[b]).wait()
                pltpu.sync_copy(bufs[b], sums_sh.at[idx_v.at[t].at[j]],
                                add=True)
                pltpu.async_copy(ones_v, cnts_sh.at[idx_v.at[t].at[j]],
                                 csem, add=True)

                @pl.when(pc + 2 < rpw)
                def _next():
                    pltpu.async_copy(src(pc + 2), bufs[b], sems[b])
            return carry

        lax.fori_loop(0, n_groups, group_body, 0)

        for t in range(n_groups):
            for j in range(_GPC):
                pltpu.make_async_copy(
                    ones_v, cnts_sh.at[idx_v.at[t].at[j]], csem).wait()
        plsc.subcore_barrier()

        pltpu.sync_copy(sums_sh.at[pl.ds(z0, mpt)],
                        sums_out.at[c].at[pl.ds(z0, mpt)])

        @pl.when(s == 0)
        def _dump_counts():
            pltpu.sync_copy(cnts_sh, cnts_out.at[c].at[0])

    return seg_part(p, idx2d)



_CM = 1024


def _combine_body(*refs):
    s_refs = refs[:_K]
    c_refs = refs[_K:2 * _K]
    o_ref = refs[2 * _K]
    cs = sum(c_ref[0] + c_ref[1] for c_ref in c_refs)
    ss = sum(s_ref[0] + s_ref[1] for s_ref in s_refs)
    r = 1.0 / jnp.maximum(cs, 1.0)
    o_ref[...] = ss * r[:, None]


def _combine(sums_list, cnts_list, n_mols, d):
    grid = (-(-n_mols // _CM),)
    return pl.pallas_call(
        _combine_body,
        grid=grid,
        in_specs=(
            [pl.BlockSpec((2, _CM, d), lambda k: (0, k, 0))] * _K
            + [pl.BlockSpec((2, _CM), lambda k: (0, k))] * _K
        ),
        out_specs=pl.BlockSpec((_CM, d), lambda k: (k, 0)),
        out_shape=jax.ShapeDtypeStruct((n_mols, d), jnp.float32),
    )(*sums_list, *cnts_list)


def kernel(vi, atom_mol_batch, N, W, b):
    n_mols = N.shape[0]
    n_atoms = vi.shape[0] - n_mols
    d = W.shape[1]
    chunk_sizes = [n_atoms * f // sum(_FRACS) for f in _FRACS]
    chunk_sizes[-1] += n_atoms - sum(chunk_sizes)
    sums_list, cnts_list = [], []
    row0 = 0
    for cr in chunk_sizes:
        rpw = _GPC * (-(-cr // (_G * _GPC * _NW)))
        n_rows = rpw * _NW
        p_k = _matmul_relu(vi, row0, cr, n_rows * _G, W, b)
        idx_k = lax.dynamic_slice_in_dim(atom_mol_batch, row0, cr)
        idx_pad = jnp.full((n_rows * _G - cr,), n_mols, dtype=jnp.int32)
        idx2d = jnp.concatenate([idx_k, idx_pad]).reshape(n_rows, _G)
        s_k, c_k = _segment_partials_sc(p_k, idx2d)
        sums_list.append(s_k)
        cnts_list.append(c_k.reshape(2, _ACC))
        row0 += cr
    return _combine(sums_list, cnts_list, n_mols, d)

# --- scband reference (transcript-rebuilt; emitter-appended) ---
"""Pipeline reference for scband-global-node-readout-pooling-32195074851226 (READ-ONLY COPY).

The authoritative reference and input builder live on the scoring server;
editing this copy changes nothing except your own understanding.
"""

import jax, jax.numpy as jnp
import numpy as np

N_ATOMS = 320000
N_MOLS = 10000
D_IN = 128
D_OUT = 128


def setup_inputs(seed: int = 0) -> dict:
    key = jax.random.key(seed)
    k1, k2, k3 = jax.random.split(key, 3)
    vi = jax.random.normal(k1, (N_ATOMS + N_MOLS, D_IN), dtype=jnp.float32)
    atom_mol_batch = jnp.sort(jax.random.randint(k2, (N_ATOMS,), 0, N_MOLS, dtype=jnp.int32))
    N = jnp.ones((N_MOLS,), dtype=jnp.int32)
    W = jax.random.normal(k3, (D_IN, D_OUT), dtype=jnp.float32) * (1.0 / np.sqrt(D_IN))
    b = jnp.zeros((D_OUT,), dtype=jnp.float32)
    return {"vi": vi, "atom_mol_batch": atom_mol_batch, "N": N, "W": W, "b": b}


def reference(vi, atom_mol_batch, N, W, b):
    # use_embed == 'atom' path of GlobalNodeReadoutPooling
    n_mols = N.shape[0]
    atom_embed = vi[:-n_mols, :]                      # [N_ATOMS, D_IN]
    # readout_layer ('lin' readout with activation): Linear + activation
    atom_prop = jax.nn.relu(atom_embed @ W + b)       # [N_ATOMS, D_OUT]
    # scatter(reduce='mean', src=atom_prop, index=atom_mol_batch, dim=0)
    sums = jax.ops.segment_sum(atom_prop, atom_mol_batch, num_segments=n_mols)
    counts = jax.ops.segment_sum(jnp.ones((atom_prop.shape[0],), dtype=atom_prop.dtype),
                                 atom_mol_batch, num_segments=n_mols)
    mol_prop = sums / jnp.maximum(counts, 1.0)[:, None]
    return mol_prop

if __name__ == "__main__":
    import jax
    _d = setup_inputs()
    print(jax.jit(kernel)(*tuple(_d.values())))

</pallas_src>

<mosaic_0001>
#map = affine_map<(d0, d1) -> (0, 0)>
#map1 = affine_map<(d0, d1) -> (0, 0, 0)>
module attributes {stable_mosaic.version = 14 : i64} {
  func.func @seg_part(%arg0: i32, %arg1: i32, %arg2: memref<131072x128xf32, #tpu.memory_space<hbm>>, %arg3: memref<1024x128xi32, #tpu.memory_space<hbm>>, %arg4: memref<2x10240x128xf32, #tpu.memory_space<hbm>>, %arg5: memref<2x1x10240xf32, #tpu.memory_space<hbm>>, %arg6: memref<128x128xf32, #tpu.memory_space<vmem>>, %arg7: memref<128x128xf32, #tpu.memory_space<vmem>>, %arg8: memref<4x8x128xi32, #tpu.memory_space<vmem>>, %arg9: memref<128xf32, #tpu.memory_space<vmem>>, %arg10: memref<640xf32, #tpu.memory_space<vmem>>, %arg11: memref<!tpu.dma_semaphore, #tpu.memory_space<semaphore_mem>>, %arg12: memref<!tpu.dma_semaphore, #tpu.memory_space<semaphore_mem>>, %arg13: memref<!tpu.dma_semaphore, #tpu.memory_space<semaphore_mem>>, %arg14: memref<10240x128xf32, #tpu.memory_space<vmem_shared>>, %arg15: memref<10240xf32, #tpu.memory_space<vmem_shared>>) attributes {dimension_semantics = [#tpu.dimension_semantics<core_parallel>, #tpu.dimension_semantics<subcore_parallel>], iteration_bounds = array<i64: 2, 16>, scalar_prefetch = 0 : i64, scratch_operands = 10 : i64, tpu.core_type = #tpu.core_type<sc_vector_subcore>, window_params = [{transform_indices = #map}, {transform_indices = #map}, {transform_indices = #map1}, {transform_indices = #map1}]} {
    %mul3A = arith.constant 16 : i32
    %mul3A_0 = arith.muli %arg0, %mul3A : i32
    %add3A = arith.addi %mul3A_0, %arg1 : i32
    %broadcast_in_dim3A = arith.constant 0.000000e+00 : f32
    %broadcast_in_dim3A_1 = vector.broadcast %broadcast_in_dim3A : f32 to vector<16xf32>
    %broadcast_in_dim3A_2 = arith.constant 1.000000e+00 : f32
    %broadcast_in_dim3A_3 = vector.broadcast %broadcast_in_dim3A_2 : f32 to vector<16xf32>
    %scan3A = arith.constant 0 : i32
    %scan3A_4 = arith.constant 0 : i32
    %scan3A_5 = arith.constant 128 : i32
    %scan3A_6 = arith.addi %scan3A_4, %scan3A_5 : i32
    %scan3A_7 = arith.constant 1 : i32
    scf.for %scan3A_589 = %scan3A_4 to %scan3A_6 step %scan3A_7  : i32 {
      %swap3A_590 = arith.index_cast %scan3A_589 : i32 to index
      %swap3A_591 = arith.constant 0 : index
      %swap3A_592 = tpu.vector_load %arg6[%swap3A_590, %swap3A_591] {strides = array<i32>} : memref<128x128xf32, #tpu.memory_space<vmem>>, vector<1x16xf32>,
      %swap3A_593 = vector.shape_cast %swap3A_592 : vector<1x16xf32> to vector<16xf32>
      %swap3A_594 = vector.shape_cast %broadcast_in_dim3A_1 : vector<16xf32> to vector<1x16xf32>
      tpu.vector_store %arg6[%swap3A_590, %swap3A_591], %swap3A_594 {strides = array<i32>} : memref<128x128xf32, #tpu.memory_space<vmem>>, vector<1x16xf32>,
      %swap3A_595 = arith.index_cast %scan3A_589 : i32 to index
      %swap3A_596 = arith.constant 16 : index
      %swap3A_597 = tpu.vector_load %arg6[%swap3A_595, %swap3A_596] {strides = array<i32>} : memref<128x128xf32, #tpu.memory_space<vmem>>, vector<1x16xf32>,
      %swap3A_598 = vector.shape_cast %swap3A_597 : vector<1x16xf32> to vector<16xf32>
      %swap3A_599 = vector.shape_cast %broadcast_in_dim3A_1 : vector<16xf32> to vector<1x16xf32>
      tpu.vector_store %arg6[%swap3A_595, %swap3A_596], %swap3A_599 {strides = array<i32>} : memref<128x128xf32, #tpu.memory_space<vmem>>, vector<1x16xf32>,
      %swap3A_600 = arith.index_cast %scan3A_589 : i32 to index
      %swap3A_601 = arith.constant 32 : index
      %swap3A_602 = tpu.vector_load %arg6[%swap3A_600, %swap3A_601] {strides = array<i32>} : memref<128x128xf32, #tpu.memory_space<vmem>>, vector<1x16xf32>,
      %swap3A_603 = vector.shape_cast %swap3A_602 : vector<1x16xf32> to vector<16xf32>
      %swap3A_604 = vector.shape_cast %broadcast_in_dim3A_1 : vector<16xf32> to vector<1x16xf32>
      tpu.vector_store %arg6[%swap3A_600, %swap3A_601], %swap3A_604 {strides = array<i32>} : memref<128x128xf32, #tpu.memory_space<vmem>>, vector<1x16xf32>,
      %swap3A_605 = arith.index_cast %scan3A_589 : i32 to index
      %swap3A_606 = arith.constant 48 : index
      %swap3A_607 = tpu.vector_load %arg6[%swap3A_605, %swap3A_606] {strides = array<i32>} : memref<128x128xf32, #tpu.memory_space<vmem>>, vector<1x16xf32>,
      %swap3A_608 = vector.shape_cast %swap3A_607 : vector<1x16xf32> to vector<16xf32>
      %swap3A_609 = vector.shape_cast %broadcast_in_dim3A_1 : vector<16xf32> to vector<1x16xf32>
      tpu.vector_store %arg6[%swap3A_605, %swap3A_606], %swap3A_609 {strides = array<i32>} : memref<128x128xf32, #tpu.memory_space<vmem>>, vector<1x16xf32>,
      %swap3A_610 = arith.index_cast %scan3A_589 : i32 to index
      %swap3A_611 = arith.constant 64 : index
      %swap3A_612 = tpu.vector_load %arg6[%swap3A_610, %swap3A_611] {strides = array<i32>} : memref<128x128xf32, #tpu.memory_space<vmem>>, vector<1x16xf32>,
      %swap3A_613 = vector.shape_cast %swap3A_612 : vector<1x16xf32> to vector<16xf32>
      %swap3A_614 = vector.shape_cast %broadcast_in_dim3A_1 : vector<16xf32> to vector<1x16xf32>
      tpu.vector_store %arg6[%swap3A_610, %swap3A_611], %swap3A_614 {strides = array<i32>} : memref<128x128xf32, #tpu.memory_space<vmem>>, vector<1x16xf32>,
      %swap3A_615 = arith.index_cast %scan3A_589 : i32 to index
      %swap3A_616 = arith.constant 80 : index
      %swap3A_617 = tpu.vector_load %arg6[%swap3A_615, %swap3A_616] {strides = array<i32>} : memref<128x128xf32, #tpu.memory_space<vmem>>, vector<1x16xf32>,
      %swap3A_618 = vector.shape_cast %swap3A_617 : vector<1x16xf32> to vector<16xf32>
      %swap3A_619 = vector.shape_cast %broadcast_in_dim3A_1 : vector<16xf32> to vector<1x16xf32>
      tpu.vector_store %arg6[%swap3A_615, %swap3A_616], %swap3A_619 {strides = array<i32>} : memref<128x128xf32, #tpu.memory_space<vmem>>, vector<1x16xf32>,
      %swap3A_620 = arith.index_cast %scan3A_589 : i32 to index
      %swap3A_621 = arith.constant 96 : index
      %swap3A_622 = tpu.vector_load %arg6[%swap3A_620, %swap3A_621] {strides = array<i32>} : memref<128x128xf32, #tpu.memory_space<vmem>>, vector<1x16xf32>,
      %swap3A_623 = vector.shape_cast %swap3A_622 : vector<1x16xf32> to vector<16xf32>
      %swap3A_624 = vector.shape_cast %broadcast_in_dim3A_1 : vector<16xf32> to vector<1x16xf32>
      tpu.vector_store %arg6[%swap3A_620, %swap3A_621], %swap3A_624 {strides = array<i32>} : memref<128x128xf32, #tpu.memory_space<vmem>>, vector<1x16xf32>,
      %swap3A_625 = arith.index_cast %scan3A_589 : i32 to index
      %swap3A_626 = arith.constant 112 : index
      %swap3A_627 = tpu.vector_load %arg6[%swap3A_625, %swap3A_626] {strides = array<i32>} : memref<128x128xf32, #tpu.memory_space<vmem>>, vector<1x16xf32>,
      %swap3A_628 = vector.shape_cast %swap3A_627 : vector<1x16xf32> to vector<16xf32>
      %swap3A_629 = vector.shape_cast %broadcast_in_dim3A_1 : vector<16xf32> to vector<1x16xf32>
      tpu.vector_store %arg6[%swap3A_625, %swap3A_626], %swap3A_629 {strides = array<i32>} : memref<128x128xf32, #tpu.memory_space<vmem>>, vector<1x16xf32>,
    }
    %scan3A_8 = arith.constant 128 : i32
    %swap3A = arith.constant 0 : index
    %swap3A_9 = tpu.vector_load %arg9[%swap3A] {strides = array<i32>} : memref<128xf32, #tpu.memory_space<vmem>>, vector<16xf32>,
    %swap3A_10 = vector.shape_cast %swap3A_9 : vector<16xf32> to vector<16xf32>
    %swap3A_11 = vector.shape_cast %broadcast_in_dim3A_3 : vector<16xf32> to vector<16xf32>
    tpu.vector_store %arg9[%swap3A], %swap3A_11 {strides = array<i32>} : memref<128xf32, #tpu.memory_space<vmem>>, vector<16xf32>,
    %swap3A_12 = arith.constant 16 : index
    %swap3A_13 = tpu.vector_load %arg9[%swap3A_12] {strides = array<i32>} : memref<128xf32, #tpu.memory_space<vmem>>, vector<16xf32>,
    %swap3A_14 = vector.shape_cast %swap3A_13 : vector<16xf32> to vector<16xf32>
    %swap3A_15 = vector.shape_cast %broadcast_in_dim3A_3 : vector<16xf32> to vector<16xf32>
    tpu.vector_store %arg9[%swap3A_12], %swap3A_15 {strides = array<i32>} : memref<128xf32, #tpu.memory_space<vmem>>, vector<16xf32>,
    %swap3A_16 = arith.constant 32 : index
    %swap3A_17 = tpu.vector_load %arg9[%swap3A_16] {strides = array<i32>} : memref<128xf32, #tpu.memory_space<vmem>>, vector<16xf32>,
    %swap3A_18 = vector.shape_cast %swap3A_17 : vector<16xf32> to vector<16xf32>
    %swap3A_19 = vector.shape_cast %broadcast_in_dim3A_3 : vector<16xf32> to vector<16xf32>
    tpu.vector_store %arg9[%swap3A_16], %swap3A_19 {strides = array<i32>} : memref<128xf32, #tpu.memory_space<vmem>>, vector<16xf32>,
    %swap3A_20 = arith.constant 48 : index
    %swap3A_21 = tpu.vector_load %arg9[%swap3A_20] {strides = array<i32>} : memref<128xf32, #tpu.memory_space<vmem>>, vector<16xf32>,
    %swap3A_22 = vector.shape_cast %swap3A_21 : vector<16xf32> to vector<16xf32>
    %swap3A_23 = vector.shape_cast %broadcast_in_dim3A_3 : vector<16xf32> to vector<16xf32>
    tpu.vector_store %arg9[%swap3A_20], %swap3A_23 {strides = array<i32>} : memref<128xf32, #tpu.memory_space<vmem>>, vector<16xf32>,
    %swap3A_24 = arith.constant 64 : index
    %swap3A_25 = tpu.vector_load %arg9[%swap3A_24] {strides = array<i32>} : memref<128xf32, #tpu.memory_space<vmem>>, vector<16xf32>,
    %swap3A_26 = vector.shape_cast %swap3A_25 : vector<16xf32> to vector<16xf32>
    %swap3A_27 = vector.shape_cast %broadcast_in_dim3A_3 : vector<16xf32> to vector<16xf32>
    tpu.vector_store %arg9[%swap3A_24], %swap3A_27 {strides = array<i32>} : memref<128xf32, #tpu.memory_space<vmem>>, vector<16xf32>,
    %swap3A_28 = arith.constant 80 : index
    %swap3A_29 = tpu.vector_load %arg9[%swap3A_28] {strides = array<i32>} : memref<128xf32, #tpu.memory_space<vmem>>, vector<16xf32>,
    %swap3A_30 = vector.shape_cast %swap3A_29 : vector<16xf32> to vector<16xf32>
    %swap3A_31 = vector.shape_cast %broadcast_in_dim3A_3 : vector<16xf32> to vector<16xf32>
    tpu.vector_store %arg9[%swap3A_28], %swap3A_31 {strides = array<i32>} : memref<128xf32, #tpu.memory_space<vmem>>, vector<16xf32>,
    %swap3A_32 = arith.constant 96 : index
    %swap3A_33 = tpu.vector_load %arg9[%swap3A_32] {strides = array<i32>} : memref<128xf32, #tpu.memory_space<vmem>>, vector<16xf32>,
    %swap3A_34 = vector.shape_cast %swap3A_33 : vector<16xf32> to vector<16xf32>
    %swap3A_35 = vector.shape_cast %broadcast_in_dim3A_3 : vector<16xf32> to vector<16xf32>
    tpu.vector_store %arg9[%swap3A_32], %swap3A_35 {strides = array<i32>} : memref<128xf32, #tpu.memory_space<vmem>>, vector<16xf32>,
    %swap3A_36 = arith.constant 112 : index
    %swap3A_37 = tpu.vector_load %arg9[%swap3A_36] {strides = array<i32>} : memref<128xf32, #tpu.memory_space<vmem>>, vector<16xf32>,
    %swap3A_38 = vector.shape_cast %swap3A_37 : vector<16xf32> to vector<16xf32>
    %swap3A_39 = vector.shape_cast %broadcast_in_dim3A_3 : vector<16xf32> to vector<16xf32>
    tpu.vector_store %arg9[%swap3A_36], %swap3A_39 {strides = array<i32>} : memref<128xf32, #tpu.memory_space<vmem>>, vector<16xf32>,
    %swap3A_40 = arith.constant 0 : index
    %swap3A_41 = tpu.vector_load %arg10[%swap3A_40] {strides = array<i32>} : memref<640xf32, #tpu.memory_space<vmem>>, vector<16xf32>,
    %swap3A_42 = vector.shape_cast %swap3A_41 : vector<16xf32> to vector<16xf32>
    %swap3A_43 = vector.shape_cast %broadcast_in_dim3A_1 : vector<16xf32> to vector<16xf32>
    tpu.vector_store %arg10[%swap3A_40], %swap3A_43 {strides = array<i32>} : memref<640xf32, #tpu.memory_space<vmem>>, vector<16xf32>,
    %swap3A_44 = arith.constant 16 : index
    %swap3A_45 = tpu.vector_load %arg10[%swap3A_44] {strides = array<i32>} : memref<640xf32, #tpu.memory_space<vmem>>, vector<16xf32>,
    %swap3A_46 = vector.shape_cast %swap3A_45 : vector<16xf32> to vector<16xf32>
    %swap3A_47 = vector.shape_cast %broadcast_in_dim3A_1 : vector<16xf32> to vector<16xf32>
    tpu.vector_store %arg10[%swap3A_44], %swap3A_47 {strides = array<i32>} : memref<640xf32, #tpu.memory_space<vmem>>, vector<16xf32>,
    %swap3A_48 = arith.constant 32 : index
    %swap3A_49 = tpu.vector_load %arg10[%swap3A_48] {strides = array<i32>} : memref<640xf32, #tpu.memory_space<vmem>>, vector<16xf32>,
    %swap3A_50 = vector.shape_cast %swap3A_49 : vector<16xf32> to vector<16xf32>
    %swap3A_51 = vector.shape_cast %broadcast_in_dim3A_1 : vector<16xf32> to vector<16xf32>
    tpu.vector_store %arg10[%swap3A_48], %swap3A_51 {strides = array<i32>} : memref<640xf32, #tpu.memory_space<vmem>>, vector<16xf32>,
    %swap3A_52 = arith.constant 48 : index
    %swap3A_53 = tpu.vector_load %arg10[%swap3A_52] {strides = array<i32>} : memref<640xf32, #tpu.memory_space<vmem>>, vector<16xf32>,
    %swap3A_54 = vector.shape_cast %swap3A_53 : vector<16xf32> to vector<16xf32>
    %swap3A_55 = vector.shape_cast %broadcast_in_dim3A_1 : vector<16xf32> to vector<16xf32>
    tpu.vector_store %arg10[%swap3A_52], %swap3A_55 {strides = array<i32>} : memref<640xf32, #tpu.memory_space<vmem>>, vector<16xf32>,
    %swap3A_56 = arith.constant 64 : index
    %swap3A_57 = tpu.vector_load %arg10[%swap3A_56] {strides = array<i32>} : memref<640xf32, #tpu.memory_space<vmem>>, vector<16xf32>,
    %swap3A_58 = vector.shape_cast %swap3A_57 : vector<16xf32> to vector<16xf32>
    %swap3A_59 = vector.shape_cast %broadcast_in_dim3A_1 : vector<16xf32> to vector<16xf32>
    tpu.vector_store %arg10[%swap3A_56], %swap3A_59 {strides = array<i32>} : memref<640xf32, #tpu.memory_space<vmem>>, vector<16xf32>,
    %swap3A_60 = arith.constant 80 : index
    %swap3A_61 = tpu.vector_load %arg10[%swap3A_60] {strides = array<i32>} : memref<640xf32, #tpu.memory_space<vmem>>, vector<16xf32>,
    %swap3A_62 = vector.shape_cast %swap3A_61 : vector<16xf32> to vector<16xf32>
    %swap3A_63 = vector.shape_cast %broadcast_in_dim3A_1 : vector<16xf32> to vector<16xf32>
    tpu.vector_store %arg10[%swap3A_60], %swap3A_63 {strides = array<i32>} : memref<640xf32, #tpu.memory_space<vmem>>, vector<16xf32>,
    %swap3A_64 = arith.constant 96 : index
    %swap3A_65 = tpu.vector_load %arg10[%swap3A_64] {strides = array<i32>} : memref<640xf32, #tpu.memory_space<vmem>>, vector<16xf32>,
    %swap3A_66 = vector.shape_cast %swap3A_65 : vector<16xf32> to vector<16xf32>
    %swap3A_67 = vector.shape_cast %broadcast_in_dim3A_1 : vector<16xf32> to vector<16xf32>
    tpu.vector_store %arg10[%swap3A_64], %swap3A_67 {strides = array<i32>} : memref<640xf32, #tpu.memory_space<vmem>>, vector<16xf32>,
    %swap3A_68 = arith.constant 112 : index
    %swap3A_69 = tpu.vector_load %arg10[%swap3A_68] {strides = array<i32>} : memref<640xf32, #tpu.memory_space<vmem>>, vector<16xf32>,
    %swap3A_70 = vector.shape_cast %swap3A_69 : vector<16xf32> to vector<16xf32>
    %swap3A_71 = vector.shape_cast %broadcast_in_dim3A_1 : vector<16xf32> to vector<16xf32>
    tpu.vector_store %arg10[%swap3A_68], %swap3A_71 {strides = array<i32>} : memref<640xf32, #tpu.memory_space<vmem>>, vector<16xf32>,
    %swap3A_72 = arith.constant 128 : index
    %swap3A_73 = tpu.vector_load %arg10[%swap3A_72] {strides = array<i32>} : memref<640xf32, #tpu.memory_space<vmem>>, vector<16xf32>,
    %swap3A_74 = vector.shape_cast %swap3A_73 : vector<16xf32> to vector<16xf32>
    %swap3A_75 = vector.shape_cast %broadcast_in_dim3A_1 : vector<16xf32> to vector<16xf32>
    tpu.vector_store %arg10[%swap3A_72], %swap3A_75 {strides = array<i32>} : memref<640xf32, #tpu.memory_space<vmem>>, vector<16xf32>,
    %swap3A_76 = arith.constant 144 : index
    %swap3A_77 = tpu.vector_load %arg10[%swap3A_76] {strides = array<i32>} : memref<640xf32, #tpu.memory_space<vmem>>, vector<16xf32>,
    %swap3A_78 = vector.shape_cast %swap3A_77 : vector<16xf32> to vector<16xf32>
    %swap3A_79 = vector.shape_cast %broadcast_in_dim3A_1 : vector<16xf32> to vector<16xf32>
    tpu.vector_store %arg10[%swap3A_76], %swap3A_79 {strides = array<i32>} : memref<640xf32, #tpu.memory_space<vmem>>, vector<16xf32>,
    %swap3A_80 = arith.constant 160 : index
    %swap3A_81 = tpu.vector_load %arg10[%swap3A_80] {strides = array<i32>} : memref<640xf32, #tpu.memory_space<vmem>>, vector<16xf32>,
    %swap3A_82 = vector.shape_cast %swap3A_81 : vector<16xf32> to vector<16xf32>
    %swap3A_83 = vector.shape_cast %broadcast_in_dim3A_1 : vector<16xf32> to vector<16xf32>
    tpu.vector_store %arg10[%swap3A_80], %swap3A_83 {strides = array<i32>} : memref<640xf32, #tpu.memory_space<vmem>>, vector<16xf32>,
    %swap3A_84 = arith.constant 176 : index
    %swap3A_85 = tpu.vector_load %arg10[%swap3A_84] {strides = array<i32>} : memref<640xf32, #tpu.memory_space<vmem>>, vector<16xf32>,
    %swap3A_86 = vector.shape_cast %swap3A_85 : vector<16xf32> to vector<16xf32>
    %swap3A_87 = vector.shape_cast %broadcast_in_dim3A_1 : vector<16xf32> to vector<16xf32>
    tpu.vector_store %arg10[%swap3A_84], %swap3A_87 {strides = array<i32>} : memref<640xf32, #tpu.memory_space<vmem>>, vector<16xf32>,
    %swap3A_88 = arith.constant 192 : index
    %swap3A_89 = tpu.vector_load %arg10[%swap3A_88] {strides = array<i32>} : memref<640xf32, #tpu.memory_space<vmem>>, vector<16xf32>,
    %swap3A_90 = vector.shape_cast %swap3A_89 : vector<16xf32> to vector<16xf32>
    %swap3A_91 = vector.shape_cast %broadcast_in_dim3A_1 : vector<16xf32> to vector<16xf32>
    tpu.vector_store %arg10[%swap3A_88], %swap3A_91 {strides = array<i32>} : memref<640xf32, #tpu.memory_space<vmem>>, vector<16xf32>,
    %swap3A_92 = arith.constant 208 : index
    %swap3A_93 = tpu.vector_load %arg10[%swap3A_92] {strides = array<i32>} : memref<640xf32, #tpu.memory_space<vmem>>, vector<16xf32>,
    %swap3A_94 = vector.shape_cast %swap3A_93 : vector<16xf32> to vector<16xf32>
    %swap3A_95 = vector.shape_cast %broadcast_in_dim3A_1 : vector<16xf32> to vector<16xf32>
    tpu.vector_store %arg10[%swap3A_92], %swap3A_95 {strides = array<i32>} : memref<640xf32, #tpu.memory_space<vmem>>, vector<16xf32>,
    %swap3A_96 = arith.constant 224 : index
    %swap3A_97 = tpu.vector_load %arg10[%swap3A_96] {strides = array<i32>} : memref<640xf32, #tpu.memory_space<vmem>>, vector<16xf32>,
    %swap3A_98 = vector.shape_cast %swap3A_97 : vector<16xf32> to vector<16xf32>
    %swap3A_99 = vector.shape_cast %broadcast_in_dim3A_1 : vector<16xf32> to vector<16xf32>
    tpu.vector_store %arg10[%swap3A_96], %swap3A_99 {strides = array<i32>} : memref<640xf32, #tpu.memory_space<vmem>>, vector<16xf32>,
    %swap3A_100 = arith.constant 240 : index
    %swap3A_101 = tpu.vector_load %arg10[%swap3A_100] {strides = array<i32>} : memref<640xf32, #tpu.memory_space<vmem>>, vector<16xf32>,
    %swap3A_102 = vector.shape_cast %swap3A_101 : vector<16xf32> to vector<16xf32>
    %swap3A_103 = vector.shape_cast %broadcast_in_dim3A_1 : vector<16xf32> to vector<16xf32>
    tpu.vector_store %arg10[%swap3A_100], %swap3A_103 {strides = array<i32>} : memref<640xf32, #tpu.memory_space<vmem>>, vector<16xf32>,
    %swap3A_104 = arith.constant 256 : index
    %swap3A_105 = tpu.vector_load %arg10[%swap3A_104] {strides = array<i32>} : memref<640xf32, #tpu.memory_space<vmem>>, vector<16xf32>,
    %swap3A_106 = vector.shape_cast %swap3A_105 : vector<16xf32> to vector<16xf32>
    %swap3A_107 = vector.shape_cast %broadcast_in_dim3A_1 : vector<16xf32> to vector<16xf32>
    tpu.vector_store %arg10[%swap3A_104], %swap3A_107 {strides = array<i32>} : memref<640xf32, #tpu.memory_space<vmem>>, vector<16xf32>,
    %swap3A_108 = arith.constant 272 : index
    %swap3A_109 = tpu.vector_load %arg10[%swap3A_108] {strides = array<i32>} : memref<640xf32, #tpu.memory_space<vmem>>, vector<16xf32>,
    %swap3A_110 = vector.shape_cast %swap3A_109 : vector<16xf32> to vector<16xf32>
    %swap3A_111 = vector.shape_cast %broadcast_in_dim3A_1 : vector<16xf32> to vector<16xf32>
    tpu.vector_store %arg10[%swap3A_108], %swap3A_111 {strides = array<i32>} : memref<640xf32, #tpu.memory_space<vmem>>, vector<16xf32>,
    %swap3A_112 = arith.constant 288 : index
    %swap3A_113 = tpu.vector_load %arg10[%swap3A_112] {strides = array<i32>} : memref<640xf32, #tpu.memory_space<vmem>>, vector<16xf32>,
    %swap3A_114 = vector.shape_cast %swap3A_113 : vector<16xf32> to vector<16xf32>
    %swap3A_115 = vector.shape_cast %broadcast_in_dim3A_1 : vector<16xf32> to vector<16xf32>
    tpu.vector_store %arg10[%swap3A_112], %swap3A_115 {strides = array<i32>} : memref<640xf32, #tpu.memory_space<vmem>>, vector<16xf32>,
    %swap3A_116 = arith.constant 304 : index
    %swap3A_117 = tpu.vector_load %arg10[%swap3A_116] {strides = array<i32>} : memref<640xf32, #tpu.memory_space<vmem>>, vector<16xf32>,
    %swap3A_118 = vector.shape_cast %swap3A_117 : vector<16xf32> to vector<16xf32>
    %swap3A_119 = vector.shape_cast %broadcast_in_dim3A_1 : vector<16xf32> to vector<16xf32>
    tpu.vector_store %arg10[%swap3A_116], %swap3A_119 {strides = array<i32>} : memref<640xf32, #tpu.memory_space<vmem>>, vector<16xf32>,
    %swap3A_120 = arith.constant 320 : index
    %swap3A_121 = tpu.vector_load %arg10[%swap3A_120] {strides = array<i32>} : memref<640xf32, #tpu.memory_space<vmem>>, vector<16xf32>,
    %swap3A_122 = vector.shape_cast %swap3A_121 : vector<16xf32> to vector<16xf32>
    %swap3A_123 = vector.shape_cast %broadcast_in_dim3A_1 : vector<16xf32> to vector<16xf32>
    tpu.vector_store %arg10[%swap3A_120], %swap3A_123 {strides = array<i32>} : memref<640xf32, #tpu.memory_space<vmem>>, vector<16xf32>,
    %swap3A_124 = arith.constant 336 : index
    %swap3A_125 = tpu.vector_load %arg10[%swap3A_124] {strides = array<i32>} : memref<640xf32, #tpu.memory_space<vmem>>, vector<16xf32>,
    %swap3A_126 = vector.shape_cast %swap3A_125 : vector<16xf32> to vector<16xf32>
    %swap3A_127 = vector.shape_cast %broadcast_in_dim3A_1 : vector<16xf32> to vector<16xf32>
    tpu.vector_store %arg10[%swap3A_124], %swap3A_127 {strides = array<i32>} : memref<640xf32, #tpu.memory_space<vmem>>, vector<16xf32>,
    %swap3A_128 = arith.constant 352 : index
    %swap3A_129 = tpu.vector_load %arg10[%swap3A_128] {strides = array<i32>} : memref<640xf32, #tpu.memory_space<vmem>>, vector<16xf32>,
    %swap3A_130 = vector.shape_cast %swap3A_129 : vector<16xf32> to vector<16xf32>
    %swap3A_131 = vector.shape_cast %broadcast_in_dim3A_1 : vector<16xf32> to vector<16xf32>
    tpu.vector_store %arg10[%swap3A_128], %swap3A_131 {strides = array<i32>} : memref<640xf32, #tpu.memory_space<vmem>>, vector<16xf32>,
    %swap3A_132 = arith.constant 368 : index
    %swap3A_133 = tpu.vector_load %arg10[%swap3A_132] {strides = array<i32>} : memref<640xf32, #tpu.memory_space<vmem>>, vector<16xf32>,
    %swap3A_134 = vector.shape_cast %swap3A_133 : vector<16xf32> to vector<16xf32>
    %swap3A_135 = vector.shape_cast %broadcast_in_dim3A_1 : vector<16xf32> to vector<16xf32>
    tpu.vector_store %arg10[%swap3A_132], %swap3A_135 {strides = array<i32>} : memref<640xf32, #tpu.memory_space<vmem>>, vector<16xf32>,
    %swap3A_136 = arith.constant 384 : index
    %swap3A_137 = tpu.vector_load %arg10[%swap3A_136] {strides = array<i32>} : memref<640xf32, #tpu.memory_space<vmem>>, vector<16xf32>,
    %swap3A_138 = vector.shape_cast %swap3A_137 : vector<16xf32> to vector<16xf32>
    %swap3A_139 = vector.shape_cast %broadcast_in_dim3A_1 : vector<16xf32> to vector<16xf32>
    tpu.vector_store %arg10[%swap3A_136], %swap3A_139 {strides = array<i32>} : memref<640xf32, #tpu.memory_space<vmem>>, vector<16xf32>,
    %swap3A_140 = arith.constant 400 : index
    %swap3A_141 = tpu.vector_load %arg10[%swap3A_140] {strides = array<i32>} : memref<640xf32, #tpu.memory_space<vmem>>, vector<16xf32>,
    %swap3A_142 = vector.shape_cast %swap3A_141 : vector<16xf32> to vector<16xf32>
    %swap3A_143 = vector.shape_cast %broadcast_in_dim3A_1 : vector<16xf32> to vector<16xf32>
    tpu.vector_store %arg10[%swap3A_140], %swap3A_143 {strides = array<i32>} : memref<640xf32, #tpu.memory_space<vmem>>, vector<16xf32>,
    %swap3A_144 = arith.constant 416 : index
    %swap3A_145 = tpu.vector_load %arg10[%swap3A_144] {strides = array<i32>} : memref<640xf32, #tpu.memory_space<vmem>>, vector<16xf32>,
    %swap3A_146 = vector.shape_cast %swap3A_145 : vector<16xf32> to vector<16xf32>
    %swap3A_147 = vector.shape_cast %broadcast_in_dim3A_1 : vector<16xf32> to vector<16xf32>
    tpu.vector_store %arg10[%swap3A_144], %swap3A_147 {strides = array<i32>} : memref<640xf32, #tpu.memory_space<vmem>>, vector<16xf32>,
    %swap3A_148 = arith.constant 432 : index
    %swap3A_149 = tpu.vector_load %arg10[%swap3A_148] {strides = array<i32>} : memref<640xf32, #tpu.memory_space<vmem>>, vector<16xf32>,
    %swap3A_150 = vector.shape_cast %swap3A_149 : vector<16xf32> to vector<16xf32>
    %swap3A_151 = vector.shape_cast %broadcast_in_dim3A_1 : vector<16xf32> to vector<16xf32>
    tpu.vector_store %arg10[%swap3A_148], %swap3A_151 {strides = array<i32>} : memref<640xf32, #tpu.memory_space<vmem>>, vector<16xf32>,
    %swap3A_152 = arith.constant 448 : index
    %swap3A_153 = tpu.vector_load %arg10[%swap3A_152] {strides = array<i32>} : memref<640xf32, #tpu.memory_space<vmem>>, vector<16xf32>,
    %swap3A_154 = vector.shape_cast %swap3A_153 : vector<16xf32> to vector<16xf32>
    %swap3A_155 = vector.shape_cast %broadcast_in_dim3A_1 : vector<16xf32> to vector<16xf32>
    tpu.vector_store %arg10[%swap3A_152], %swap3A_155 {strides = array<i32>} : memref<640xf32, #tpu.memory_space<vmem>>, vector<16xf32>,
    %swap3A_156 = arith.constant 464 : index
    %swap3A_157 = tpu.vector_load %arg10[%swap3A_156] {strides = array<i32>} : memref<640xf32, #tpu.memory_space<vmem>>, vector<16xf32>,
    %swap3A_158 = vector.shape_cast %swap3A_157 : vector<16xf32> to vector<16xf32>
    %swap3A_159 = vector.shape_cast %broadcast_in_dim3A_1 : vector<16xf32> to vector<16xf32>
    tpu.vector_store %arg10[%swap3A_156], %swap3A_159 {strides = array<i32>} : memref<640xf32, #tpu.memory_space<vmem>>, vector<16xf32>,
    %swap3A_160 = arith.constant 480 : index
    %swap3A_161 = tpu.vector_load %arg10[%swap3A_160] {strides = array<i32>} : memref<640xf32, #tpu.memory_space<vmem>>, vector<16xf32>,
    %swap3A_162 = vector.shape_cast %swap3A_161 : vector<16xf32> to vector<16xf32>
    %swap3A_163 = vector.shape_cast %broadcast_in_dim3A_1 : vector<16xf32> to vector<16xf32>
    tpu.vector_store %arg10[%swap3A_160], %swap3A_163 {strides = array<i32>} : memref<640xf32, #tpu.memory_space<vmem>>, vector<16xf32>,
    %swap3A_164 = arith.constant 496 : index
    %swap3A_165 = tpu.vector_load %arg10[%swap3A_164] {strides = array<i32>} : memref<640xf32, #tpu.memory_space<vmem>>, vector<16xf32>,
    %swap3A_166 = vector.shape_cast %swap3A_165 : vector<16xf32> to vector<16xf32>
    %swap3A_167 = vector.shape_cast %broadcast_in_dim3A_1 : vector<16xf32> to vector<16xf32>
    tpu.vector_store %arg10[%swap3A_164], %swap3A_167 {strides = array<i32>} : memref<640xf32, #tpu.memory_space<vmem>>, vector<16xf32>,
    %swap3A_168 = arith.constant 512 : index
    %swap3A_169 = tpu.vector_load %arg10[%swap3A_168] {strides = array<i32>} : memref<640xf32, #tpu.memory_space<vmem>>, vector<16xf32>,
    %swap3A_170 = vector.shape_cast %swap3A_169 : vector<16xf32> to vector<16xf32>
    %swap3A_171 = vector.shape_cast %broadcast_in_dim3A_1 : vector<16xf32> to vector<16xf32>
    tpu.vector_store %arg10[%swap3A_168], %swap3A_171 {strides = array<i32>} : memref<640xf32, #tpu.memory_space<vmem>>, vector<16xf32>,
    %swap3A_172 = arith.constant 528 : index
    %swap3A_173 = tpu.vector_load %arg10[%swap3A_172] {strides = array<i32>} : memref<640xf32, #tpu.memory_space<vmem>>, vector<16xf32>,
    %swap3A_174 = vector.shape_cast %swap3A_173 : vector<16xf32> to vector<16xf32>
    %swap3A_175 = vector.shape_cast %broadcast_in_dim3A_1 : vector<16xf32> to vector<16xf32>
    tpu.vector_store %arg10[%swap3A_172], %swap3A_175 {strides = array<i32>} : memref<640xf32, #tpu.memory_space<vmem>>, vector<16xf32>,
    %swap3A_176 = arith.constant 544 : index
    %swap3A_177 = tpu.vector_load %arg10[%swap3A_176] {strides = array<i32>} : memref<640xf32, #tpu.memory_space<vmem>>, vector<16xf32>,
    %swap3A_178 = vector.shape_cast %swap3A_177 : vector<16xf32> to vector<16xf32>
    %swap3A_179 = vector.shape_cast %broadcast_in_dim3A_1 : vector<16xf32> to vector<16xf32>
    tpu.vector_store %arg10[%swap3A_176], %swap3A_179 {strides = array<i32>} : memref<640xf32, #tpu.memory_space<vmem>>, vector<16xf32>,
    %swap3A_180 = arith.constant 560 : index
    %swap3A_181 = tpu.vector_load %arg10[%swap3A_180] {strides = array<i32>} : memref<640xf32, #tpu.memory_space<vmem>>, vector<16xf32>,
    %swap3A_182 = vector.shape_cast %swap3A_181 : vector<16xf32> to vector<16xf32>
    %swap3A_183 = vector.shape_cast %broadcast_in_dim3A_1 : vector<16xf32> to vector<16xf32>
    tpu.vector_store %arg10[%swap3A_180], %swap3A_183 {strides = array<i32>} : memref<640xf32, #tpu.memory_space<vmem>>, vector<16xf32>,
    %swap3A_184 = arith.constant 576 : index
    %swap3A_185 = tpu.vector_load %arg10[%swap3A_184] {strides = array<i32>} : memref<640xf32, #tpu.memory_space<vmem>>, vector<16xf32>,
    %swap3A_186 = vector.shape_cast %swap3A_185 : vector<16xf32> to vector<16xf32>
    %swap3A_187 = vector.shape_cast %broadcast_in_dim3A_1 : vector<16xf32> to vector<16xf32>
    tpu.vector_store %arg10[%swap3A_184], %swap3A_187 {strides = array<i32>} : memref<640xf32, #tpu.memory_space<vmem>>, vector<16xf32>,
    %swap3A_188 = arith.constant 592 : index
    %swap3A_189 = tpu.vector_load %arg10[%swap3A_188] {strides = array<i32>} : memref<640xf32, #tpu.memory_space<vmem>>, vector<16xf32>,
    %swap3A_190 = vector.shape_cast %swap3A_189 : vector<16xf32> to vector<16xf32>
    %swap3A_191 = vector.shape_cast %broadcast_in_dim3A_1 : vector<16xf32> to vector<16xf32>
    tpu.vector_store %arg10[%swap3A_188], %swap3A_191 {strides = array<i32>} : memref<640xf32, #tpu.memory_space<vmem>>, vector<16xf32>,
    %swap3A_192 = arith.constant 608 : index
    %swap3A_193 = tpu.vector_load %arg10[%swap3A_192] {strides = array<i32>} : memref<640xf32, #tpu.memory_space<vmem>>, vector<16xf32>,
    %swap3A_194 = vector.shape_cast %swap3A_193 : vector<16xf32> to vector<16xf32>
    %swap3A_195 = vector.shape_cast %broadcast_in_dim3A_1 : vector<16xf32> to vector<16xf32>
    tpu.vector_store %arg10[%swap3A_192], %swap3A_195 {strides = array<i32>} : memref<640xf32, #tpu.memory_space<vmem>>, vector<16xf32>,
    %swap3A_196 = arith.constant 624 : index
    %swap3A_197 = tpu.vector_load %arg10[%swap3A_196] {strides = array<i32>} : memref<640xf32, #tpu.memory_space<vmem>>, vector<16xf32>,
    %swap3A_198 = vector.shape_cast %swap3A_197 : vector<16xf32> to vector<16xf32>
    %swap3A_199 = vector.shape_cast %broadcast_in_dim3A_1 : vector<16xf32> to vector<16xf32>
    tpu.vector_store %arg10[%swap3A_196], %swap3A_199 {strides = array<i32>} : memref<640xf32, #tpu.memory_space<vmem>>, vector<16xf32>,
    %mul3A_200 = arith.constant 640 : i32
    %mul3A_201 = arith.muli %arg1, %mul3A_200 : i32
    %add3A_202 = arith.constant 0 : i32
    %add3A_203 = arith.addi %mul3A_201, %add3A_202 : i32
    "tpu.region"() ({
      %run_scoped3A = tpu.sem_alloc : memref<!tpu.dma_semaphore, #tpu.memory_space<semaphore_mem>>
      %dma_start3A_589 = arith.constant 0 : i32
      %dma_start3A_590 = tpu.memref_slice %arg14[%add3A_203, %dma_start3A_589] : memref<10240x128xf32, #tpu.memory_space<vmem_shared>> -> memref<128x128xf32, #tpu.memory_space<vmem_shared>>
      %dma_start3A_591 = arith.constant 0 : i32
      %dma_start3A_592 = tpu.memref_slice %arg14[%add3A_203, %dma_start3A_591] : memref<10240x128xf32, #tpu.memory_space<vmem_shared>> -> memref<128x128xf32, #tpu.memory_space<vmem_shared>>
      tpu.enqueue_dma source(%arg6 : memref<128x128xf32, #tpu.memory_space<vmem>>) target(%dma_start3A_592 : memref<128x128xf32, #tpu.memory_space<vmem_shared>>) target_semaphore(%run_scoped3A : memref<!tpu.dma_semaphore, #tpu.memory_space<semaphore_mem>>)
      %dma_wait3A_593 = arith.constant 0 : i32
      %dma_wait3A_594 = tpu.memref_slice %arg14[%add3A_203, %dma_wait3A_593] : memref<10240x128xf32, #tpu.memory_space<vmem_shared>> -> memref<128x128xf32, #tpu.memory_space<vmem_shared>>
      %dma_wait3A_595 = arith.constant 0 : i32
      %dma_wait3A_596 = tpu.memref_slice %arg14[%add3A_203, %dma_wait3A_595] : memref<10240x128xf32, #tpu.memory_space<vmem_shared>> -> memref<128x128xf32, #tpu.memory_space<vmem_shared>>
      tpu.wait_dma2 semaphore(%run_scoped3A : memref<!tpu.dma_semaphore, #tpu.memory_space<semaphore_mem>>) src(%arg6 : memref<128x128xf32, #tpu.memory_space<vmem>>) dst(%dma_wait3A_596 : memref<128x128xf32, #tpu.memory_space<vmem_shared>>)
      tpu.yield
    }) : () -> ()
    %add3A_204 = arith.constant 128 : i32
    %add3A_205 = arith.addi %mul3A_201, %add3A_204 : i32
    "tpu.region"() ({
      %run_scoped3A = tpu.sem_alloc : memref<!tpu.dma_semaphore, #tpu.memory_space<semaphore_mem>>
      %dma_start3A_589 = arith.constant 0 : i32
      %dma_start3A_590 = tpu.memref_slice %arg14[%add3A_205, %dma_start3A_589] : memref<10240x128xf32, #tpu.memory_space<vmem_shared>> -> memref<128x128xf32, #tpu.memory_space<vmem_shared>>
      %dma_start3A_591 = arith.constant 0 : i32
      %dma_start3A_592 = tpu.memref_slice %arg14[%add3A_205, %dma_start3A_591] : memref<10240x128xf32, #tpu.memory_space<vmem_shared>> -> memref<128x128xf32, #tpu.memory_space<vmem_shared>>
      tpu.enqueue_dma source(%arg6 : memref<128x128xf32, #tpu.memory_space<vmem>>) target(%dma_start3A_592 : memref<128x128xf32, #tpu.memory_space<vmem_shared>>) target_semaphore(%run_scoped3A : memref<!tpu.dma_semaphore, #tpu.memory_space<semaphore_mem>>)
      %dma_wait3A_593 = arith.constant 0 : i32
      %dma_wait3A_594 = tpu.memref_slice %arg14[%add3A_205, %dma_wait3A_593] : memref<10240x128xf32, #tpu.memory_space<vmem_shared>> -> memref<128x128xf32, #tpu.memory_space<vmem_shared>>
      %dma_wait3A_595 = arith.constant 0 : i32
      %dma_wait3A_596 = tpu.memref_slice %arg14[%add3A_205, %dma_wait3A_595] : memref<10240x128xf32, #tpu.memory_space<vmem_shared>> -> memref<128x128xf32, #tpu.memory_space<vmem_shared>>
      tpu.wait_dma2 semaphore(%run_scoped3A : memref<!tpu.dma_semaphore, #tpu.memory_space<semaphore_mem>>) src(%arg6 : memref<128x128xf32, #tpu.memory_space<vmem>>) dst(%dma_wait3A_596 : memref<128x128xf32, #tpu.memory_space<vmem_shared>>)
      tpu.yield
    }) : () -> ()
    %add3A_206 = arith.constant 256 : i32
    %add3A_207 = arith.addi %mul3A_201, %add3A_206 : i32
    "tpu.region"() ({
      %run_scoped3A = tpu.sem_alloc : memref<!tpu.dma_semaphore, #tpu.memory_space<semaphore_mem>>
      %dma_start3A_589 = arith.constant 0 : i32
      %dma_start3A_590 = tpu.memref_slice %arg14[%add3A_207, %dma_start3A_589] : memref<10240x128xf32, #tpu.memory_space<vmem_shared>> -> memref<128x128xf32, #tpu.memory_space<vmem_shared>>
      %dma_start3A_591 = arith.constant 0 : i32
      %dma_start3A_592 = tpu.memref_slice %arg14[%add3A_207, %dma_start3A_591] : memref<10240x128xf32, #tpu.memory_space<vmem_shared>> -> memref<128x128xf32, #tpu.memory_space<vmem_shared>>
      tpu.enqueue_dma source(%arg6 : memref<128x128xf32, #tpu.memory_space<vmem>>) target(%dma_start3A_592 : memref<128x128xf32, #tpu.memory_space<vmem_shared>>) target_semaphore(%run_scoped3A : memref<!tpu.dma_semaphore, #tpu.memory_space<semaphore_mem>>)
      %dma_wait3A_593 = arith.constant 0 : i32
      %dma_wait3A_594 = tpu.memref_slice %arg14[%add3A_207, %dma_wait3A_593] : memref<10240x128xf32, #tpu.memory_space<vmem_shared>> -> memref<128x128xf32, #tpu.memory_space<vmem_shared>>
      %dma_wait3A_595 = arith.constant 0 : i32
      %dma_wait3A_596 = tpu.memref_slice %arg14[%add3A_207, %dma_wait3A_595] : memref<10240x128xf32, #tpu.memory_space<vmem_shared>> -> memref<128x128xf32, #tpu.memory_space<vmem_shared>>
      tpu.wait_dma2 semaphore(%run_scoped3A : memref<!tpu.dma_semaphore, #tpu.memory_space<semaphore_mem>>) src(%arg6 : memref<128x128xf32, #tpu.memory_space<vmem>>) dst(%dma_wait3A_596 : memref<128x128xf32, #tpu.memory_space<vmem_shared>>)
      tpu.yield
    }) : () -> ()
    %add3A_208 = arith.constant 384 : i32
    %add3A_209 = arith.addi %mul3A_201, %add3A_208 : i32
    "tpu.region"() ({
      %run_scoped3A = tpu.sem_alloc : memref<!tpu.dma_semaphore, #tpu.memory_space<semaphore_mem>>
      %dma_start3A_589 = arith.constant 0 : i32
      %dma_start3A_590 = tpu.memref_slice %arg14[%add3A_209, %dma_start3A_589] : memref<10240x128xf32, #tpu.memory_space<vmem_shared>> -> memref<128x128xf32, #tpu.memory_space<vmem_shared>>
      %dma_start3A_591 = arith.constant 0 : i32
      %dma_start3A_592 = tpu.memref_slice %arg14[%add3A_209, %dma_start3A_591] : memref<10240x128xf32, #tpu.memory_space<vmem_shared>> -> memref<128x128xf32, #tpu.memory_space<vmem_shared>>
      tpu.enqueue_dma source(%arg6 : memref<128x128xf32, #tpu.memory_space<vmem>>) target(%dma_start3A_592 : memref<128x128xf32, #tpu.memory_space<vmem_shared>>) target_semaphore(%run_scoped3A : memref<!tpu.dma_semaphore, #tpu.memory_space<semaphore_mem>>)
      %dma_wait3A_593 = arith.constant 0 : i32
      %dma_wait3A_594 = tpu.memref_slice %arg14[%add3A_209, %dma_wait3A_593] : memref<10240x128xf32, #tpu.memory_space<vmem_shared>> -> memref<128x128xf32, #tpu.memory_space<vmem_shared>>
      %dma_wait3A_595 = arith.constant 0 : i32
      %dma_wait3A_596 = tpu.memref_slice %arg14[%add3A_209, %dma_wait3A_595] : memref<10240x128xf32, #tpu.memory_space<vmem_shared>> -> memref<128x128xf32, #tpu.memory_space<vmem_shared>>
      tpu.wait_dma2 semaphore(%run_scoped3A : memref<!tpu.dma_semaphore, #tpu.memory_space<semaphore_mem>>) src(%arg6 : memref<128x128xf32, #tpu.memory_space<vmem>>) dst(%dma_wait3A_596 : memref<128x128xf32, #tpu.memory_space<vmem_shared>>)
      tpu.yield
    }) : () -> ()
    %add3A_210 = arith.constant 512 : i32
    %add3A_211 = arith.addi %mul3A_201, %add3A_210 : i32
    "tpu.region"() ({
      %run_scoped3A = tpu.sem_alloc : memref<!tpu.dma_semaphore, #tpu.memory_space<semaphore_mem>>
      %dma_start3A_589 = arith.constant 0 : i32
      %dma_start3A_590 = tpu.memref_slice %arg14[%add3A_211, %dma_start3A_589] : memref<10240x128xf32, #tpu.memory_space<vmem_shared>> -> memref<128x128xf32, #tpu.memory_space<vmem_shared>>
      %dma_start3A_591 = arith.constant 0 : i32
      %dma_start3A_592 = tpu.memref_slice %arg14[%add3A_211, %dma_start3A_591] : memref<10240x128xf32, #tpu.memory_space<vmem_shared>> -> memref<128x128xf32, #tpu.memory_space<vmem_shared>>
      tpu.enqueue_dma source(%arg6 : memref<128x128xf32, #tpu.memory_space<vmem>>) target(%dma_start3A_592 : memref<128x128xf32, #tpu.memory_space<vmem_shared>>) target_semaphore(%run_scoped3A : memref<!tpu.dma_semaphore, #tpu.memory_space<semaphore_mem>>)
      %dma_wait3A_593 = arith.constant 0 : i32
      %dma_wait3A_594 = tpu.memref_slice %arg14[%add3A_211, %dma_wait3A_593] : memref<10240x128xf32, #tpu.memory_space<vmem_shared>> -> memref<128x128xf32, #tpu.memory_space<vmem_shared>>
      %dma_wait3A_595 = arith.constant 0 : i32
      %dma_wait3A_596 = tpu.memref_slice %arg14[%add3A_211, %dma_wait3A_595] : memref<10240x128xf32, #tpu.memory_space<vmem_shared>> -> memref<128x128xf32, #tpu.memory_space<vmem_shared>>
      tpu.wait_dma2 semaphore(%run_scoped3A : memref<!tpu.dma_semaphore, #tpu.memory_space<semaphore_mem>>) src(%arg6 : memref<128x128xf32, #tpu.memory_space<vmem>>) dst(%dma_wait3A_596 : memref<128x128xf32, #tpu.memory_space<vmem_shared>>)
      tpu.yield
    }) : () -> ()
    "tpu.region"() ({
      %run_scoped3A = tpu.sem_alloc : memref<!tpu.dma_semaphore, #tpu.memory_space<semaphore_mem>>
      %dma_start3A_589 = tpu.memref_slice %arg15[%mul3A_201] : memref<10240xf32, #tpu.memory_space<vmem_shared>> -> memref<640xf32, #tpu.memory_space<vmem_shared>>
      %dma_start3A_590 = tpu.memref_slice %arg15[%mul3A_201] : memref<10240xf32, #tpu.memory_space<vmem_shared>> -> memref<640xf32, #tpu.memory_space<vmem_shared>>
      tpu.enqueue_dma source(%arg10 : memref<640xf32, #tpu.memory_space<vmem>>) target(%dma_start3A_590 : memref<640xf32, #tpu.memory_space<vmem_shared>>) target_semaphore(%run_scoped3A : memref<!tpu.dma_semaphore, #tpu.memory_space<semaphore_mem>>)
      %dma_wait3A_591 = tpu.memref_slice %arg15[%mul3A_201] : memref<10240xf32, #tpu.memory_space<vmem_shared>> -> memref<640xf32, #tpu.memory_space<vmem_shared>>
      %dma_wait3A_592 = tpu.memref_slice %arg15[%mul3A_201] : memref<10240xf32, #tpu.memory_space<vmem_shared>> -> memref<640xf32, #tpu.memory_space<vmem_shared>>
      tpu.wait_dma2 semaphore(%run_scoped3A : memref<!tpu.dma_semaphore, #tpu.memory_space<semaphore_mem>>) src(%arg10 : memref<640xf32, #tpu.memory_space<vmem>>) dst(%dma_wait3A_592 : memref<640xf32, #tpu.memory_space<vmem_shared>>)
      tpu.yield
    }) : () -> ()
    %barrier3A = arith.constant 0 : index
    tpu.barrier barrier_id(%barrier3A)
    %mul3A_212 = arith.constant 32 : i32
    %mul3A_213 = arith.muli %add3A, %mul3A_212 : i32
    %add3A_214 = arith.constant 0 : i32
    %add3A_215 = arith.addi %mul3A_213, %add3A_214 : i32
    %mul3A_216 = arith.constant 128 : i32
    %mul3A_217 = arith.muli %add3A_215, %mul3A_216 : i32
    %dma_start3A = arith.constant 0 : i32
    %dma_start3A_218 = tpu.memref_slice %arg2[%mul3A_217, %dma_start3A] : memref<131072x128xf32, #tpu.memory_space<hbm>> -> memref<128x128xf32, #tpu.memory_space<hbm>>
    %dma_start3A_219 = arith.constant 0 : i32
    %dma_start3A_220 = tpu.memref_slice %arg2[%mul3A_217, %dma_start3A_219] : memref<131072x128xf32, #tpu.memory_space<hbm>> -> memref<128x128xf32, #tpu.memory_space<hbm>>
    tpu.enqueue_dma source(%dma_start3A_220 : memref<128x128xf32, #tpu.memory_space<hbm>>) target(%arg6 : memref<128x128xf32, #tpu.memory_space<vmem>>) target_semaphore(%arg11 : memref<!tpu.dma_semaphore, #tpu.memory_space<semaphore_mem>>)
    %add3A_221 = arith.constant 1 : i32
    %add3A_222 = arith.addi %mul3A_213, %add3A_221 : i32
    %mul3A_223 = arith.constant 128 : i32
    %mul3A_224 = arith.muli %add3A_222, %mul3A_223 : i32
    %dma_start3A_225 = arith.constant 0 : i32
    %dma_start3A_226 = tpu.memref_slice %arg2[%mul3A_224, %dma_start3A_225] : memref<131072x128xf32, #tpu.memory_space<hbm>> -> memref<128x128xf32, #tpu.memory_space<hbm>>
    %dma_start3A_227 = arith.constant 0 : i32
    %dma_start3A_228 = tpu.memref_slice %arg2[%mul3A_224, %dma_start3A_227] : memref<131072x128xf32, #tpu.memory_space<hbm>> -> memref<128x128xf32, #tpu.memory_space<hbm>>
    tpu.enqueue_dma source(%dma_start3A_228 : memref<128x128xf32, #tpu.memory_space<hbm>>) target(%arg7 : memref<128x128xf32, #tpu.memory_space<vmem>>) target_semaphore(%arg12 : memref<!tpu.dma_semaphore, #tpu.memory_space<semaphore_mem>>)
    %scan3A_229 = arith.constant 0 : i32
    %scan3A_230 = arith.constant 0 : i32
    %scan3A_231 = arith.constant 4 : i32
    %scan3A_232 = arith.addi %scan3A_230, %scan3A_231 : i32
    %scan3A_233 = arith.constant 1 : i32
    scf.for %scan3A_589 = %scan3A_230 to %scan3A_232 step %scan3A_233  : i32 {
      %mul3A_590 = arith.constant 8 : i32
      %mul3A_591 = arith.muli %scan3A_589, %mul3A_590 : i32
      %add3A_592 = arith.addi %mul3A_213, %mul3A_591 : i32
      "tpu.region"() ({
        %run_scoped3A_807 = tpu.sem_alloc : memref<!tpu.dma_semaphore, #tpu.memory_space<semaphore_mem>>
        %dma_start3A_808 = arith.constant 0 : i32
        %dma_start3A_809 = arith.constant 0 : i32
        %dma_start3A_810 = tpu.memref_slice %arg8[%scan3A_589, %dma_start3A_808, %dma_start3A_809] : memref<4x8x128xi32, #tpu.memory_space<vmem>> -> memref<1x8x128xi32, #tpu.memory_space<vmem>>
        %dma_start3A_811 = tpu.memref_squeeze %dma_start3A_810 : memref<1x8x128xi32, #tpu.memory_space<vmem>> -> memref<8x128xi32, #tpu.memory_space<vmem>>
        %dma_start3A_812 = arith.constant 0 : i32
        %dma_start3A_813 = tpu.memref_slice %arg3[%add3A_592, %dma_start3A_812] : memref<1024x128xi32, #tpu.memory_space<hbm>> -> memref<8x128xi32, #tpu.memory_space<hbm>>
        %dma_start3A_814 = arith.constant 0 : i32
        %dma_start3A_815 = arith.constant 0 : i32
        %dma_start3A_816 = tpu.memref_slice %arg8[%scan3A_589, %dma_start3A_814, %dma_start3A_815] : memref<4x8x128xi32, #tpu.memory_space<vmem>> -> memref<1x8x128xi32, #tpu.memory_space<vmem>>
        %dma_start3A_817 = tpu.memref_squeeze %dma_start3A_816 : memref<1x8x128xi32, #tpu.memory_space<vmem>> -> memref<8x128xi32, #tpu.memory_space<vmem>>
        %dma_start3A_818 = arith.constant 0 : i32
        %dma_start3A_819 = tpu.memref_slice %arg3[%add3A_592, %dma_start3A_818] : memref<1024x128xi32, #tpu.memory_space<hbm>> -> memref<8x128xi32, #tpu.memory_space<hbm>>
        tpu.enqueue_dma source(%dma_start3A_819 : memref<8x128xi32, #tpu.memory_space<hbm>>) target(%dma_start3A_817 : memref<8x128xi32, #tpu.memory_space<vmem>>) target_semaphore(%run_scoped3A_807 : memref<!tpu.dma_semaphore, #tpu.memory_space<semaphore_mem>>)
        %dma_wait3A_820 = arith.constant 0 : i32
        %dma_wait3A_821 = arith.constant 0 : i32
        %dma_wait3A_822 = tpu.memref_slice %arg8[%scan3A_589, %dma_wait3A_820, %dma_wait3A_821] : memref<4x8x128xi32, #tpu.memory_space<vmem>> -> memref<1x8x128xi32, #tpu.memory_space<vmem>>
        %dma_wait3A_823 = tpu.memref_squeeze %dma_wait3A_822 : memref<1x8x128xi32, #tpu.memory_space<vmem>> -> memref<8x128xi32, #tpu.memory_space<vmem>>
        %dma_wait3A_824 = arith.constant 0 : i32
        %dma_wait3A_825 = tpu.memref_slice %arg3[%add3A_592, %dma_wait3A_824] : memref<1024x128xi32, #tpu.memory_space<hbm>> -> memref<8x128xi32, #tpu.memory_space<hbm>>
        %dma_wait3A_826 = arith.constant 0 : i32
        %dma_wait3A_827 = arith.constant 0 : i32
        %dma_wait3A_828 = tpu.memref_slice %arg8[%scan3A_589, %dma_wait3A_826, %dma_wait3A_827] : memref<4x8x128xi32, #tpu.memory_space<vmem>> -> memref<1x8x128xi32, #tpu.memory_space<vmem>>
        %dma_wait3A_829 = tpu.memref_squeeze %dma_wait3A_828 : memref<1x8x128xi32, #tpu.memory_space<vmem>> -> memref<8x128xi32, #tpu.memory_space<vmem>>
        %dma_wait3A_830 = arith.constant 0 : i32
        %dma_wait3A_831 = tpu.memref_slice %arg3[%add3A_592, %dma_wait3A_830] : memref<1024x128xi32, #tpu.memory_space<hbm>> -> memref<8x128xi32, #tpu.memory_space<hbm>>
        tpu.wait_dma2 semaphore(%run_scoped3A_807 : memref<!tpu.dma_semaphore, #tpu.memory_space<semaphore_mem>>) src(%dma_wait3A_831 : memref<8x128xi32, #tpu.memory_space<hbm>>) dst(%dma_wait3A_829 : memref<8x128xi32, #tpu.memory_space<vmem>>)
        tpu.yield
      }) : () -> ()
      %add3A_593 = arith.constant 0 : i32
      %add3A_594 = arith.addi %mul3A_591, %add3A_593 : i32
      %add3A_595 = arith.addi %mul3A_213, %add3A_594 : i32
      %mul3A_596 = arith.constant 128 : i32
      %mul3A_597 = arith.muli %add3A_595, %mul3A_596 : i32
      %dma_wait3A_598 = arith.constant 0 : i32
      %dma_wait3A_599 = tpu.memref_slice %arg2[%mul3A_597, %dma_wait3A_598] : memref<131072x128xf32, #tpu.memory_space<hbm>> -> memref<128x128xf32, #tpu.memory_space<hbm>>
      %dma_wait3A_600 = arith.constant 0 : i32
      %dma_wait3A_601 = tpu.memref_slice %arg2[%mul3A_597, %dma_wait3A_600] : memref<131072x128xf32, #tpu.memory_space<hbm>> -> memref<128x128xf32, #tpu.memory_space<hbm>>
      tpu.wait_dma2 semaphore(%arg11 : memref<!tpu.dma_semaphore, #tpu.memory_space<semaphore_mem>>) src(%dma_wait3A_601 : memref<128x128xf32, #tpu.memory_space<hbm>>) dst(%arg6 : memref<128x128xf32, #tpu.memory_space<vmem>>)
      %run_scoped3A = arith.constant 0 : i32
      "tpu.region"() ({
        %run_scoped3A_807 = tpu.sem_alloc : memref<!tpu.dma_semaphore, #tpu.memory_space<semaphore_mem>>
        %dma_start3A_808 = arith.constant 0 : i32
        %dma_start3A_809 = arith.constant 0 : i32
        %dma_start3A_810 = tpu.memref_slice %arg8[%scan3A_589, %dma_start3A_808, %dma_start3A_809] : memref<4x8x128xi32, #tpu.memory_space<vmem>> -> memref<1x8x128xi32, #tpu.memory_space<vmem>>
        %dma_start3A_811 = tpu.memref_squeeze %dma_start3A_810 : memref<1x8x128xi32, #tpu.memory_space<vmem>> -> memref<8x128xi32, #tpu.memory_space<vmem>>
        %dma_start3A_812 = arith.constant 0 : i32
        %dma_start3A_813 = tpu.memref_slice %dma_start3A_811[%run_scoped3A, %dma_start3A_812] : memref<8x128xi32, #tpu.memory_space<vmem>> -> memref<1x128xi32, #tpu.memory_space<vmem>>
        %dma_start3A_814 = tpu.memref_squeeze %dma_start3A_813 : memref<1x128xi32, #tpu.memory_space<vmem>> -> memref<128xi32, #tpu.memory_space<vmem>>
        %dma_start3A_815 = arith.constant 0 : i32
        %dma_start3A_816 = arith.constant 0 : i32
        %dma_start3A_817 = tpu.memref_slice %arg14[%dma_start3A_815, %dma_start3A_816] : memref<10240x128xf32, #tpu.memory_space<vmem_shared>> -> memref<10240x128xf32, #tpu.memory_space<vmem_shared>>
        tpu.enqueue_indirect_dma source(%arg6 : memref<128x128xf32, #tpu.memory_space<vmem>>) target(%dma_start3A_817 : memref<10240x128xf32, #tpu.memory_space<vmem_shared>>) offsets(%dma_start3A_814 : memref<128xi32, #tpu.memory_space<vmem>>) semaphore(%run_scoped3A_807 : memref<!tpu.dma_semaphore, #tpu.memory_space<semaphore_mem>>) {add = true}
        %dma_wait3A_818 = arith.constant 0 : i32
        %dma_wait3A_819 = arith.constant 0 : i32
        %dma_wait3A_820 = tpu.memref_slice %arg8[%scan3A_589, %dma_wait3A_818, %dma_wait3A_819] : memref<4x8x128xi32, #tpu.memory_space<vmem>> -> memref<1x8x128xi32, #tpu.memory_space<vmem>>
        %dma_wait3A_821 = tpu.memref_squeeze %dma_wait3A_820 : memref<1x8x128xi32, #tpu.memory_space<vmem>> -> memref<8x128xi32, #tpu.memory_space<vmem>>
        %dma_wait3A_822 = arith.constant 0 : i32
        %dma_wait3A_823 = tpu.memref_slice %dma_wait3A_821[%run_scoped3A, %dma_wait3A_822] : memref<8x128xi32, #tpu.memory_space<vmem>> -> memref<1x128xi32, #tpu.memory_space<vmem>>
        %dma_wait3A_824 = tpu.memref_squeeze %dma_wait3A_823 : memref<1x128xi32, #tpu.memory_space<vmem>> -> memref<128xi32, #tpu.memory_space<vmem>>
        %dma_wait3A_825 = arith.constant 0 : i32
        %dma_wait3A_826 = arith.constant 0 : i32
        %dma_wait3A_827 = tpu.memref_slice %arg14[%dma_wait3A_825, %dma_wait3A_826] : memref<10240x128xf32, #tpu.memory_space<vmem_shared>> -> memref<10240x128xf32, #tpu.memory_space<vmem_shared>>
        tpu.wait_indirect_dma semaphore(%run_scoped3A_807 : memref<!tpu.dma_semaphore, #tpu.memory_space<semaphore_mem>>) src(%arg6 : memref<128x128xf32, #tpu.memory_space<vmem>>) dst(%dma_wait3A_827 : memref<10240x128xf32, #tpu.memory_space<vmem_shared>>)
        tpu.yield
      }) : () -> ()
      %dma_start3A_602 = arith.constant 0 : i32
      %dma_start3A_603 = arith.constant 0 : i32
      %dma_start3A_604 = arith.constant 0 : i32
      %dma_start3A_605 = tpu.memref_slice %arg8[%scan3A_589, %dma_start3A_603, %dma_start3A_604] : memref<4x8x128xi32, #tpu.memory_space<vmem>> -> memref<1x8x128xi32, #tpu.memory_space<vmem>>
      %dma_start3A_606 = tpu.memref_squeeze %dma_start3A_605 : memref<1x8x128xi32, #tpu.memory_space<vmem>> -> memref<8x128xi32, #tpu.memory_space<vmem>>
      %dma_start3A_607 = arith.constant 0 : i32
      %dma_start3A_608 = tpu.memref_slice %dma_start3A_606[%dma_start3A_602, %dma_start3A_607] : memref<8x128xi32, #tpu.memory_space<vmem>> -> memref<1x128xi32, #tpu.memory_space<vmem>>
      %dma_start3A_609 = tpu.memref_squeeze %dma_start3A_608 : memref<1x128xi32, #tpu.memory_space<vmem>> -> memref<128xi32, #tpu.memory_space<vmem>>
      %dma_start3A_610 = arith.constant 0 : i32
      %dma_start3A_611 = tpu.memref_slice %arg15[%dma_start3A_610] : memref<10240xf32, #tpu.memory_space<vmem_shared>> -> memref<10240xf32, #tpu.memory_space<vmem_shared>>
      tpu.enqueue_indirect_dma source(%arg9 : memref<128xf32, #tpu.memory_space<vmem>>) target(%dma_start3A_611 : memref<10240xf32, #tpu.memory_space<vmem_shared>>) offsets(%dma_start3A_609 : memref<128xi32, #tpu.memory_space<vmem>>) semaphore(%arg13 : memref<!tpu.dma_semaphore, #tpu.memory_space<semaphore_mem>>) {add = true}
      %add3A_612 = arith.constant 2 : i32
      %add3A_613 = arith.addi %add3A_594, %add3A_612 : i32
      %lt3A = arith.constant 32 : i32
      %lt3A_614 = arith.cmpi slt, %add3A_613, %lt3A : i32
      %convert_element_type3A_615 = arith.extui %lt3A_614 : i1 to i32
      %cond3A_616 = arith.constant 0 : i32
      %cond3A_617 = arith.cmpi ne, %convert_element_type3A_615, %cond3A_616 : i32
      scf.if %cond3A_617 {
        %add3A_807 = arith.constant 2 : i32
        %add3A_808 = arith.addi %add3A_594, %add3A_807 : i32
        %add3A_809 = arith.addi %mul3A_213, %add3A_808 : i32
        %mul3A_810 = arith.constant 128 : i32
        %mul3A_811 = arith.muli %add3A_809, %mul3A_810 : i32
        %dma_start3A_812 = arith.constant 0 : i32
        %dma_start3A_813 = tpu.memref_slice %arg2[%mul3A_811, %dma_start3A_812] : memref<131072x128xf32, #tpu.memory_space<hbm>> -> memref<128x128xf32, #tpu.memory_space<hbm>>
        %dma_start3A_814 = arith.constant 0 : i32
        %dma_start3A_815 = tpu.memref_slice %arg2[%mul3A_811, %dma_start3A_814] : memref<131072x128xf32, #tpu.memory_space<hbm>> -> memref<128x128xf32, #tpu.memory_space<hbm>>
        tpu.enqueue_dma source(%dma_start3A_815 : memref<128x128xf32, #tpu.memory_space<hbm>>) target(%arg6 : memref<128x128xf32, #tpu.memory_space<vmem>>) target_semaphore(%arg11 : memref<!tpu.dma_semaphore, #tpu.memory_space<semaphore_mem>>)
      } else {
      }
      %add3A_618 = arith.constant 1 : i32
      %add3A_619 = arith.addi %mul3A_591, %add3A_618 : i32
      %add3A_620 = arith.addi %mul3A_213, %add3A_619 : i32
      %mul3A_621 = arith.constant 128 : i32
      %mul3A_622 = arith.muli %add3A_620, %mul3A_621 : i32
      %dma_wait3A_623 = arith.constant 0 : i32
      %dma_wait3A_624 = tpu.memref_slice %arg2[%mul3A_622, %dma_wait3A_623] : memref<131072x128xf32, #tpu.memory_space<hbm>> -> memref<128x128xf32, #tpu.memory_space<hbm>>
      %dma_wait3A_625 = arith.constant 0 : i32
      %dma_wait3A_626 = tpu.memref_slice %arg2[%mul3A_622, %dma_wait3A_625] : memref<131072x128xf32, #tpu.memory_space<hbm>> -> memref<128x128xf32, #tpu.memory_space<hbm>>
      tpu.wait_dma2 semaphore(%arg12 : memref<!tpu.dma_semaphore, #tpu.memory_space<semaphore_mem>>) src(%dma_wait3A_626 : memref<128x128xf32, #tpu.memory_space<hbm>>) dst(%arg7 : memref<128x128xf32, #tpu.memory_space<vmem>>)
      %run_scoped3A_627 = arith.constant 1 : i32
      "tpu.region"() ({
        %run_scoped3A_807 = tpu.sem_alloc : memref<!tpu.dma_semaphore, #tpu.memory_space<semaphore_mem>>
        %dma_start3A_808 = arith.constant 0 : i32
        %dma_start3A_809 = arith.constant 0 : i32
        %dma_start3A_810 = tpu.memref_slice %arg8[%scan3A_589, %dma_start3A_808, %dma_start3A_809] : memref<4x8x128xi32, #tpu.memory_space<vmem>> -> memref<1x8x128xi32, #tpu.memory_space<vmem>>
        %dma_start3A_811 = tpu.memref_squeeze %dma_start3A_810 : memref<1x8x128xi32, #tpu.memory_space<vmem>> -> memref<8x128xi32, #tpu.memory_space<vmem>>
        %dma_start3A_812 = arith.constant 0 : i32
        %dma_start3A_813 = tpu.memref_slice %dma_start3A_811[%run_scoped3A_627, %dma_start3A_812] : memref<8x128xi32, #tpu.memory_space<vmem>> -> memref<1x128xi32, #tpu.memory_space<vmem>>
        %dma_start3A_814 = tpu.memref_squeeze %dma_start3A_813 : memref<1x128xi32, #tpu.memory_space<vmem>> -> memref<128xi32, #tpu.memory_space<vmem>>
        %dma_start3A_815 = arith.constant 0 : i32
        %dma_start3A_816 = arith.constant 0 : i32
        %dma_start3A_817 = tpu.memref_slice %arg14[%dma_start3A_815, %dma_start3A_816] : memref<10240x128xf32, #tpu.memory_space<vmem_shared>> -> memref<10240x128xf32, #tpu.memory_space<vmem_shared>>
        tpu.enqueue_indirect_dma source(%arg7 : memref<128x128xf32, #tpu.memory_space<vmem>>) target(%dma_start3A_817 : memref<10240x128xf32, #tpu.memory_space<vmem_shared>>) offsets(%dma_start3A_814 : memref<128xi32, #tpu.memory_space<vmem>>) semaphore(%run_scoped3A_807 : memref<!tpu.dma_semaphore, #tpu.memory_space<semaphore_mem>>) {add = true}
        %dma_wait3A_818 = arith.constant 0 : i32
        %dma_wait3A_819 = arith.constant 0 : i32
        %dma_wait3A_820 = tpu.memref_slice %arg8[%scan3A_589, %dma_wait3A_818, %dma_wait3A_819] : memref<4x8x128xi32, #tpu.memory_space<vmem>> -> memref<1x8x128xi32, #tpu.memory_space<vmem>>
        %dma_wait3A_821 = tpu.memref_squeeze %dma_wait3A_820 : memref<1x8x128xi32, #tpu.memory_space<vmem>> -> memref<8x128xi32, #tpu.memory_space<vmem>>
        %dma_wait3A_822 = arith.constant 0 : i32
        %dma_wait3A_823 = tpu.memref_slice %dma_wait3A_821[%run_scoped3A_627, %dma_wait3A_822] : memref<8x128xi32, #tpu.memory_space<vmem>> -> memref<1x128xi32, #tpu.memory_space<vmem>>
        %dma_wait3A_824 = tpu.memref_squeeze %dma_wait3A_823 : memref<1x128xi32, #tpu.memory_space<vmem>> -> memref<128xi32, #tpu.memory_space<vmem>>
        %dma_wait3A_825 = arith.constant 0 : i32
        %dma_wait3A_826 = arith.constant 0 : i32
        %dma_wait3A_827 = tpu.memref_slice %arg14[%dma_wait3A_825, %dma_wait3A_826] : memref<10240x128xf32, #tpu.memory_space<vmem_shared>> -> memref<10240x128xf32, #tpu.memory_space<vmem_shared>>
        tpu.wait_indirect_dma semaphore(%run_scoped3A_807 : memref<!tpu.dma_semaphore, #tpu.memory_space<semaphore_mem>>) src(%arg7 : memref<128x128xf32, #tpu.memory_space<vmem>>) dst(%dma_wait3A_827 : memref<10240x128xf32, #tpu.memory_space<vmem_shared>>)
        tpu.yield
      }) : () -> ()
      %dma_start3A_628 = arith.constant 1 : i32
      %dma_start3A_629 = arith.constant 0 : i32
      %dma_start3A_630 = arith.constant 0 : i32
      %dma_start3A_631 = tpu.memref_slice %arg8[%scan3A_589, %dma_start3A_629, %dma_start3A_630] : memref<4x8x128xi32, #tpu.memory_space<vmem>> -> memref<1x8x128xi32, #tpu.memory_space<vmem>>
      %dma_start3A_632 = tpu.memref_squeeze %dma_start3A_631 : memref<1x8x128xi32, #tpu.memory_space<vmem>> -> memref<8x128xi32, #tpu.memory_space<vmem>>
      %dma_start3A_633 = arith.constant 0 : i32
      %dma_start3A_634 = tpu.memref_slice %dma_start3A_632[%dma_start3A_628, %dma_start3A_633] : memref<8x128xi32, #tpu.memory_space<vmem>> -> memref<1x128xi32, #tpu.memory_space<vmem>>
      %dma_start3A_635 = tpu.memref_squeeze %dma_start3A_634 : memref<1x128xi32, #tpu.memory_space<vmem>> -> memref<128xi32, #tpu.memory_space<vmem>>
      %dma_start3A_636 = arith.constant 0 : i32
      %dma_start3A_637 = tpu.memref_slice %arg15[%dma_start3A_636] : memref<10240xf32, #tpu.memory_space<vmem_shared>> -> memref<10240xf32, #tpu.memory_space<vmem_shared>>
      tpu.enqueue_indirect_dma source(%arg9 : memref<128xf32, #tpu.memory_space<vmem>>) target(%dma_start3A_637 : memref<10240xf32, #tpu.memory_space<vmem_shared>>) offsets(%dma_start3A_635 : memref<128xi32, #tpu.memory_space<vmem>>) semaphore(%arg13 : memref<!tpu.dma_semaphore, #tpu.memory_space<semaphore_mem>>) {add = true}
      %add3A_638 = arith.constant 2 : i32
      %add3A_639 = arith.addi %add3A_619, %add3A_638 : i32
      %lt3A_640 = arith.constant 32 : i32
      %lt3A_641 = arith.cmpi slt, %add3A_639, %lt3A_640 : i32
      %convert_element_type3A_642 = arith.extui %lt3A_641 : i1 to i32
      %cond3A_643 = arith.constant 0 : i32
      %cond3A_644 = arith.cmpi ne, %convert_element_type3A_642, %cond3A_643 : i32
      scf.if %cond3A_644 {
        %add3A_807 = arith.constant 2 : i32
        %add3A_808 = arith.addi %add3A_619, %add3A_807 : i32
        %add3A_809 = arith.addi %mul3A_213, %add3A_808 : i32
        %mul3A_810 = arith.constant 128 : i32
        %mul3A_811 = arith.muli %add3A_809, %mul3A_810 : i32
        %dma_start3A_812 = arith.constant 0 : i32
        %dma_start3A_813 = tpu.memref_slice %arg2[%mul3A_811, %dma_start3A_812] : memref<131072x128xf32, #tpu.memory_space<hbm>> -> memref<128x128xf32, #tpu.memory_space<hbm>>
        %dma_start3A_814 = arith.constant 0 : i32
        %dma_start3A_815 = tpu.memref_slice %arg2[%mul3A_811, %dma_start3A_814] : memref<131072x128xf32, #tpu.memory_space<hbm>> -> memref<128x128xf32, #tpu.memory_space<hbm>>
        tpu.enqueue_dma source(%dma_start3A_815 : memref<128x128xf32, #tpu.memory_space<hbm>>) target(%arg7 : memref<128x128xf32, #tpu.memory_space<vmem>>) target_semaphore(%arg12 : memref<!tpu.dma_semaphore, #tpu.memory_space<semaphore_mem>>)
      } else {
      }
      %add3A_645 = arith.constant 2 : i32
      %add3A_646 = arith.addi %mul3A_591, %add3A_645 : i32
      %add3A_647 = arith.addi %mul3A_213, %add3A_646 : i32
      %mul3A_648 = arith.constant 128 : i32
      %mul3A_649 = arith.muli %add3A_647, %mul3A_648 : i32
      %dma_wait3A_650 = arith.constant 0 : i32
      %dma_wait3A_651 = tpu.memref_slice %arg2[%mul3A_649, %dma_wait3A_650] : memref<131072x128xf32, #tpu.memory_space<hbm>> -> memref<128x128xf32, #tpu.memory_space<hbm>>
      %dma_wait3A_652 = arith.constant 0 : i32
      %dma_wait3A_653 = tpu.memref_slice %arg2[%mul3A_649, %dma_wait3A_652] : memref<131072x128xf32, #tpu.memory_space<hbm>> -> memref<128x128xf32, #tpu.memory_space<hbm>>
      tpu.wait_dma2 semaphore(%arg11 : memref<!tpu.dma_semaphore, #tpu.memory_space<semaphore_mem>>) src(%dma_wait3A_653 : memref<128x128xf32, #tpu.memory_space<hbm>>) dst(%arg6 : memref<128x128xf32, #tpu.memory_space<vmem>>)
      %run_scoped3A_654 = arith.constant 2 : i32
      "tpu.region"() ({
        %run_scoped3A_807 = tpu.sem_alloc : memref<!tpu.dma_semaphore, #tpu.memory_space<semaphore_mem>>
        %dma_start3A_808 = arith.constant 0 : i32
        %dma_start3A_809 = arith.constant 0 : i32
        %dma_start3A_810 = tpu.memref_slice %arg8[%scan3A_589, %dma_start3A_808, %dma_start3A_809] : memref<4x8x128xi32, #tpu.memory_space<vmem>> -> memref<1x8x128xi32, #tpu.memory_space<vmem>>
        %dma_start3A_811 = tpu.memref_squeeze %dma_start3A_810 : memref<1x8x128xi32, #tpu.memory_space<vmem>> -> memref<8x128xi32, #tpu.memory_space<vmem>>
        %dma_start3A_812 = arith.constant 0 : i32
        %dma_start3A_813 = tpu.memref_slice %dma_start3A_811[%run_scoped3A_654, %dma_start3A_812] : memref<8x128xi32, #tpu.memory_space<vmem>> -> memref<1x128xi32, #tpu.memory_space<vmem>>
        %dma_start3A_814 = tpu.memref_squeeze %dma_start3A_813 : memref<1x128xi32, #tpu.memory_space<vmem>> -> memref<128xi32, #tpu.memory_space<vmem>>
        %dma_start3A_815 = arith.constant 0 : i32
        %dma_start3A_816 = arith.constant 0 : i32
        %dma_start3A_817 = tpu.memref_slice %arg14[%dma_start3A_815, %dma_start3A_816] : memref<10240x128xf32, #tpu.memory_space<vmem_shared>> -> memref<10240x128xf32, #tpu.memory_space<vmem_shared>>
        tpu.enqueue_indirect_dma source(%arg6 : memref<128x128xf32, #tpu.memory_space<vmem>>) target(%dma_start3A_817 : memref<10240x128xf32, #tpu.memory_space<vmem_shared>>) offsets(%dma_start3A_814 : memref<128xi32, #tpu.memory_space<vmem>>) semaphore(%run_scoped3A_807 : memref<!tpu.dma_semaphore, #tpu.memory_space<semaphore_mem>>) {add = true}
        %dma_wait3A_818 = arith.constant 0 : i32
        %dma_wait3A_819 = arith.constant 0 : i32
        %dma_wait3A_820 = tpu.memref_slice %arg8[%scan3A_589, %dma_wait3A_818, %dma_wait3A_819] : memref<4x8x128xi32, #tpu.memory_space<vmem>> -> memref<1x8x128xi32, #tpu.memory_space<vmem>>
        %dma_wait3A_821 = tpu.memref_squeeze %dma_wait3A_820 : memref<1x8x128xi32, #tpu.memory_space<vmem>> -> memref<8x128xi32, #tpu.memory_space<vmem>>
        %dma_wait3A_822 = arith.constant 0 : i32
        %dma_wait3A_823 = tpu.memref_slice %dma_wait3A_821[%run_scoped3A_654, %dma_wait3A_822] : memref<8x128xi32, #tpu.memory_space<vmem>> -> memref<1x128xi32, #tpu.memory_space<vmem>>
        %dma_wait3A_824 = tpu.memref_squeeze %dma_wait3A_823 : memref<1x128xi32, #tpu.memory_space<vmem>> -> memref<128xi32, #tpu.memory_space<vmem>>
        %dma_wait3A_825 = arith.constant 0 : i32
        %dma_wait3A_826 = arith.constant 0 : i32
        %dma_wait3A_827 = tpu.memref_slice %arg14[%dma_wait3A_825, %dma_wait3A_826] : memref<10240x128xf32, #tpu.memory_space<vmem_shared>> -> memref<10240x128xf32, #tpu.memory_space<vmem_shared>>
        tpu.wait_indirect_dma semaphore(%run_scoped3A_807 : memref<!tpu.dma_semaphore, #tpu.memory_space<semaphore_mem>>) src(%arg6 : memref<128x128xf32, #tpu.memory_space<vmem>>) dst(%dma_wait3A_827 : memref<10240x128xf32, #tpu.memory_space<vmem_shared>>)
        tpu.yield
      }) : () -> ()
      %dma_start3A_655 = arith.constant 2 : i32
      %dma_start3A_656 = arith.constant 0 : i32
      %dma_start3A_657 = arith.constant 0 : i32
      %dma_start3A_658 = tpu.memref_slice %arg8[%scan3A_589, %dma_start3A_656, %dma_start3A_657] : memref<4x8x128xi32, #tpu.memory_space<vmem>> -> memref<1x8x128xi32, #tpu.memory_space<vmem>>
      %dma_start3A_659 = tpu.memref_squeeze %dma_start3A_658 : memref<1x8x128xi32, #tpu.memory_space<vmem>> -> memref<8x128xi32, #tpu.memory_space<vmem>>
      %dma_start3A_660 = arith.constant 0 : i32
      %dma_start3A_661 = tpu.memref_slice %dma_start3A_659[%dma_start3A_655, %dma_start3A_660] : memref<8x128xi32, #tpu.memory_space<vmem>> -> memref<1x128xi32, #tpu.memory_space<vmem>>
      %dma_start3A_662 = tpu.memref_squeeze %dma_start3A_661 : memref<1x128xi32, #tpu.memory_space<vmem>> -> memref<128xi32, #tpu.memory_space<vmem>>
      %dma_start3A_663 = arith.constant 0 : i32
      %dma_start3A_664 = tpu.memref_slice %arg15[%dma_start3A_663] : memref<10240xf32, #tpu.memory_space<vmem_shared>> -> memref<10240xf32, #tpu.memory_space<vmem_shared>>
      tpu.enqueue_indirect_dma source(%arg9 : memref<128xf32, #tpu.memory_space<vmem>>) target(%dma_start3A_664 : memref<10240xf32, #tpu.memory_space<vmem_shared>>) offsets(%dma_start3A_662 : memref<128xi32, #tpu.memory_space<vmem>>) semaphore(%arg13 : memref<!tpu.dma_semaphore, #tpu.memory_space<semaphore_mem>>) {add = true}
      %add3A_665 = arith.constant 2 : i32
      %add3A_666 = arith.addi %add3A_646, %add3A_665 : i32
      %lt3A_667 = arith.constant 32 : i32
      %lt3A_668 = arith.cmpi slt, %add3A_666, %lt3A_667 : i32
      %convert_element_type3A_669 = arith.extui %lt3A_668 : i1 to i32
      %cond3A_670 = arith.constant 0 : i32
      %cond3A_671 = arith.cmpi ne, %convert_element_type3A_669, %cond3A_670 : i32
      scf.if %cond3A_671 {
        %add3A_807 = arith.constant 2 : i32
        %add3A_808 = arith.addi %add3A_646, %add3A_807 : i32
        %add3A_809 = arith.addi %mul3A_213, %add3A_808 : i32
        %mul3A_810 = arith.constant 128 : i32
        %mul3A_811 = arith.muli %add3A_809, %mul3A_810 : i32
        %dma_start3A_812 = arith.constant 0 : i32
        %dma_start3A_813 = tpu.memref_slice %arg2[%mul3A_811, %dma_start3A_812] : memref<131072x128xf32, #tpu.memory_space<hbm>> -> memref<128x128xf32, #tpu.memory_space<hbm>>
        %dma_start3A_814 = arith.constant 0 : i32
        %dma_start3A_815 = tpu.memref_slice %arg2[%mul3A_811, %dma_start3A_814] : memref<131072x128xf32, #tpu.memory_space<hbm>> -> memref<128x128xf32, #tpu.memory_space<hbm>>
        tpu.enqueue_dma source(%dma_start3A_815 : memref<128x128xf32, #tpu.memory_space<hbm>>) target(%arg6 : memref<128x128xf32, #tpu.memory_space<vmem>>) target_semaphore(%arg11 : memref<!tpu.dma_semaphore, #tpu.memory_space<semaphore_mem>>)
      } else {
      }
      %add3A_672 = arith.constant 3 : i32
      %add3A_673 = arith.addi %mul3A_591, %add3A_672 : i32
      %add3A_674 = arith.addi %mul3A_213, %add3A_673 : i32
      %mul3A_675 = arith.constant 128 : i32
      %mul3A_676 = arith.muli %add3A_674, %mul3A_675 : i32
      %dma_wait3A_677 = arith.constant 0 : i32
      %dma_wait3A_678 = tpu.memref_slice %arg2[%mul3A_676, %dma_wait3A_677] : memref<131072x128xf32, #tpu.memory_space<hbm>> -> memref<128x128xf32, #tpu.memory_space<hbm>>
      %dma_wait3A_679 = arith.constant 0 : i32
      %dma_wait3A_680 = tpu.memref_slice %arg2[%mul3A_676, %dma_wait3A_679] : memref<131072x128xf32, #tpu.memory_space<hbm>> -> memref<128x128xf32, #tpu.memory_space<hbm>>
      tpu.wait_dma2 semaphore(%arg12 : memref<!tpu.dma_semaphore, #tpu.memory_space<semaphore_mem>>) src(%dma_wait3A_680 : memref<128x128xf32, #tpu.memory_space<hbm>>) dst(%arg7 : memref<128x128xf32, #tpu.memory_space<vmem>>)
      %run_scoped3A_681 = arith.constant 3 : i32
      "tpu.region"() ({
        %run_scoped3A_807 = tpu.sem_alloc : memref<!tpu.dma_semaphore, #tpu.memory_space<semaphore_mem>>
        %dma_start3A_808 = arith.constant 0 : i32
        %dma_start3A_809 = arith.constant 0 : i32
        %dma_start3A_810 = tpu.memref_slice %arg8[%scan3A_589, %dma_start3A_808, %dma_start3A_809] : memref<4x8x128xi32, #tpu.memory_space<vmem>> -> memref<1x8x128xi32, #tpu.memory_space<vmem>>
        %dma_start3A_811 = tpu.memref_squeeze %dma_start3A_810 : memref<1x8x128xi32, #tpu.memory_space<vmem>> -> memref<8x128xi32, #tpu.memory_space<vmem>>
        %dma_start3A_812 = arith.constant 0 : i32
        %dma_start3A_813 = tpu.memref_slice %dma_start3A_811[%run_scoped3A_681, %dma_start3A_812] : memref<8x128xi32, #tpu.memory_space<vmem>> -> memref<1x128xi32, #tpu.memory_space<vmem>>
        %dma_start3A_814 = tpu.memref_squeeze %dma_start3A_813 : memref<1x128xi32, #tpu.memory_space<vmem>> -> memref<128xi32, #tpu.memory_space<vmem>>
        %dma_start3A_815 = arith.constant 0 : i32
        %dma_start3A_816 = arith.constant 0 : i32
        %dma_start3A_817 = tpu.memref_slice %arg14[%dma_start3A_815, %dma_start3A_816] : memref<10240x128xf32, #tpu.memory_space<vmem_shared>> -> memref<10240x128xf32, #tpu.memory_space<vmem_shared>>
        tpu.enqueue_indirect_dma source(%arg7 : memref<128x128xf32, #tpu.memory_space<vmem>>) target(%dma_start3A_817 : memref<10240x128xf32, #tpu.memory_space<vmem_shared>>) offsets(%dma_start3A_814 : memref<128xi32, #tpu.memory_space<vmem>>) semaphore(%run_scoped3A_807 : memref<!tpu.dma_semaphore, #tpu.memory_space<semaphore_mem>>) {add = true}
        %dma_wait3A_818 = arith.constant 0 : i32
        %dma_wait3A_819 = arith.constant 0 : i32
        %dma_wait3A_820 = tpu.memref_slice %arg8[%scan3A_589, %dma_wait3A_818, %dma_wait3A_819] : memref<4x8x128xi32, #tpu.memory_space<vmem>> -> memref<1x8x128xi32, #tpu.memory_space<vmem>>
        %dma_wait3A_821 = tpu.memref_squeeze %dma_wait3A_820 : memref<1x8x128xi32, #tpu.memory_space<vmem>> -> memref<8x128xi32, #tpu.memory_space<vmem>>
        %dma_wait3A_822 = arith.constant 0 : i32
        %dma_wait3A_823 = tpu.memref_slice %dma_wait3A_821[%run_scoped3A_681, %dma_wait3A_822] : memref<8x128xi32, #tpu.memory_space<vmem>> -> memref<1x128xi32, #tpu.memory_space<vmem>>
        %dma_wait3A_824 = tpu.memref_squeeze %dma_wait3A_823 : memref<1x128xi32, #tpu.memory_space<vmem>> -> memref<128xi32, #tpu.memory_space<vmem>>
        %dma_wait3A_825 = arith.constant 0 : i32
        %dma_wait3A_826 = arith.constant 0 : i32
        %dma_wait3A_827 = tpu.memref_slice %arg14[%dma_wait3A_825, %dma_wait3A_826] : memref<10240x128xf32, #tpu.memory_space<vmem_shared>> -> memref<10240x128xf32, #tpu.memory_space<vmem_shared>>
        tpu.wait_indirect_dma semaphore(%run_scoped3A_807 : memref<!tpu.dma_semaphore, #tpu.memory_space<semaphore_mem>>) src(%arg7 : memref<128x128xf32, #tpu.memory_space<vmem>>) dst(%dma_wait3A_827 : memref<10240x128xf32, #tpu.memory_space<vmem_shared>>)
        tpu.yield
      }) : () -> ()
      %dma_start3A_682 = arith.constant 3 : i32
      %dma_start3A_683 = arith.constant 0 : i32
      %dma_start3A_684 = arith.constant 0 : i32
      %dma_start3A_685 = tpu.memref_slice %arg8[%scan3A_589, %dma_start3A_683, %dma_start3A_684] : memref<4x8x128xi32, #tpu.memory_space<vmem>> -> memref<1x8x128xi32, #tpu.memory_space<vmem>>
      %dma_start3A_686 = tpu.memref_squeeze %dma_start3A_685 : memref<1x8x128xi32, #tpu.memory_space<vmem>> -> memref<8x128xi32, #tpu.memory_space<vmem>>
      %dma_start3A_687 = arith.constant 0 : i32
      %dma_start3A_688 = tpu.memref_slice %dma_start3A_686[%dma_start3A_682, %dma_start3A_687] : memref<8x128xi32, #tpu.memory_space<vmem>> -> memref<1x128xi32, #tpu.memory_space<vmem>>
      %dma_start3A_689 = tpu.memref_squeeze %dma_start3A_688 : memref<1x128xi32, #tpu.memory_space<vmem>> -> memref<128xi32, #tpu.memory_space<vmem>>
      %dma_start3A_690 = arith.constant 0 : i32
      %dma_start3A_691 = tpu.memref_slice %arg15[%dma_start3A_690] : memref<10240xf32, #tpu.memory_space<vmem_shared>> -> memref<10240xf32, #tpu.memory_space<vmem_shared>>
      tpu.enqueue_indirect_dma source(%arg9 : memref<128xf32, #tpu.memory_space<vmem>>) target(%dma_start3A_691 : memref<10240xf32, #tpu.memory_space<vmem_shared>>) offsets(%dma_start3A_689 : memref<128xi32, #tpu.memory_space<vmem>>) semaphore(%arg13 : memref<!tpu.dma_semaphore, #tpu.memory_space<semaphore_mem>>) {add = true}
      %add3A_692 = arith.constant 2 : i32
      %add3A_693 = arith.addi %add3A_673, %add3A_692 : i32
      %lt3A_694 = arith.constant 32 : i32
      %lt3A_695 = arith.cmpi slt, %add3A_693, %lt3A_694 : i32
      %convert_element_type3A_696 = arith.extui %lt3A_695 : i1 to i32
      %cond3A_697 = arith.constant 0 : i32
      %cond3A_698 = arith.cmpi ne, %convert_element_type3A_696, %cond3A_697 : i32
      scf.if %cond3A_698 {
        %add3A_807 = arith.constant 2 : i32
        %add3A_808 = arith.addi %add3A_673, %add3A_807 : i32
        %add3A_809 = arith.addi %mul3A_213, %add3A_808 : i32
        %mul3A_810 = arith.constant 128 : i32
        %mul3A_811 = arith.muli %add3A_809, %mul3A_810 : i32
        %dma_start3A_812 = arith.constant 0 : i32
        %dma_start3A_813 = tpu.memref_slice %arg2[%mul3A_811, %dma_start3A_812] : memref<131072x128xf32, #tpu.memory_space<hbm>> -> memref<128x128xf32, #tpu.memory_space<hbm>>
        %dma_start3A_814 = arith.constant 0 : i32
        %dma_start3A_815 = tpu.memref_slice %arg2[%mul3A_811, %dma_start3A_814] : memref<131072x128xf32, #tpu.memory_space<hbm>> -> memref<128x128xf32, #tpu.memory_space<hbm>>
        tpu.enqueue_dma source(%dma_start3A_815 : memref<128x128xf32, #tpu.memory_space<hbm>>) target(%arg7 : memref<128x128xf32, #tpu.memory_space<vmem>>) target_semaphore(%arg12 : memref<!tpu.dma_semaphore, #tpu.memory_space<semaphore_mem>>)
      } else {
      }
      %add3A_699 = arith.constant 4 : i32
      %add3A_700 = arith.addi %mul3A_591, %add3A_699 : i32
      %add3A_701 = arith.addi %mul3A_213, %add3A_700 : i32
      %mul3A_702 = arith.constant 128 : i32
      %mul3A_703 = arith.muli %add3A_701, %mul3A_702 : i32
      %dma_wait3A_704 = arith.constant 0 : i32
      %dma_wait3A_705 = tpu.memref_slice %arg2[%mul3A_703, %dma_wait3A_704] : memref<131072x128xf32, #tpu.memory_space<hbm>> -> memref<128x128xf32, #tpu.memory_space<hbm>>
      %dma_wait3A_706 = arith.constant 0 : i32
      %dma_wait3A_707 = tpu.memref_slice %arg2[%mul3A_703, %dma_wait3A_706] : memref<131072x128xf32, #tpu.memory_space<hbm>> -> memref<128x128xf32, #tpu.memory_space<hbm>>
      tpu.wait_dma2 semaphore(%arg11 : memref<!tpu.dma_semaphore, #tpu.memory_space<semaphore_mem>>) src(%dma_wait3A_707 : memref<128x128xf32, #tpu.memory_space<hbm>>) dst(%arg6 : memref<128x128xf32, #tpu.memory_space<vmem>>)
      %run_scoped3A_708 = arith.constant 4 : i32
      "tpu.region"() ({
        %run_scoped3A_807 = tpu.sem_alloc : memref<!tpu.dma_semaphore, #tpu.memory_space<semaphore_mem>>
        %dma_start3A_808 = arith.constant 0 : i32
        %dma_start3A_809 = arith.constant 0 : i32
        %dma_start3A_810 = tpu.memref_slice %arg8[%scan3A_589, %dma_start3A_808, %dma_start3A_809] : memref<4x8x128xi32, #tpu.memory_space<vmem>> -> memref<1x8x128xi32, #tpu.memory_space<vmem>>
        %dma_start3A_811 = tpu.memref_squeeze %dma_start3A_810 : memref<1x8x128xi32, #tpu.memory_space<vmem>> -> memref<8x128xi32, #tpu.memory_space<vmem>>
        %dma_start3A_812 = arith.constant 0 : i32
        %dma_start3A_813 = tpu.memref_slice %dma_start3A_811[%run_scoped3A_708, %dma_start3A_812] : memref<8x128xi32, #tpu.memory_space<vmem>> -> memref<1x128xi32, #tpu.memory_space<vmem>>
        %dma_start3A_814 = tpu.memref_squeeze %dma_start3A_813 : memref<1x128xi32, #tpu.memory_space<vmem>> -> memref<128xi32, #tpu.memory_space<vmem>>
        %dma_start3A_815 = arith.constant 0 : i32
        %dma_start3A_816 = arith.constant 0 : i32
        %dma_start3A_817 = tpu.memref_slice %arg14[%dma_start3A_815, %dma_start3A_816] : memref<10240x128xf32, #tpu.memory_space<vmem_shared>> -> memref<10240x128xf32, #tpu.memory_space<vmem_shared>>
        tpu.enqueue_indirect_dma source(%arg6 : memref<128x128xf32, #tpu.memory_space<vmem>>) target(%dma_start3A_817 : memref<10240x128xf32, #tpu.memory_space<vmem_shared>>) offsets(%dma_start3A_814 : memref<128xi32, #tpu.memory_space<vmem>>) semaphore(%run_scoped3A_807 : memref<!tpu.dma_semaphore, #tpu.memory_space<semaphore_mem>>) {add = true}
        %dma_wait3A_818 = arith.constant 0 : i32
        %dma_wait3A_819 = arith.constant 0 : i32
        %dma_wait3A_820 = tpu.memref_slice %arg8[%scan3A_589, %dma_wait3A_818, %dma_wait3A_819] : memref<4x8x128xi32, #tpu.memory_space<vmem>> -> memref<1x8x128xi32, #tpu.memory_space<vmem>>
        %dma_wait3A_821 = tpu.memref_squeeze %dma_wait3A_820 : memref<1x8x128xi32, #tpu.memory_space<vmem>> -> memref<8x128xi32, #tpu.memory_space<vmem>>
        %dma_wait3A_822 = arith.constant 0 : i32
        %dma_wait3A_823 = tpu.memref_slice %dma_wait3A_821[%run_scoped3A_708, %dma_wait3A_822] : memref<8x128xi32, #tpu.memory_space<vmem>> -> memref<1x128xi32, #tpu.memory_space<vmem>>
        %dma_wait3A_824 = tpu.memref_squeeze %dma_wait3A_823 : memref<1x128xi32, #tpu.memory_space<vmem>> -> memref<128xi32, #tpu.memory_space<vmem>>
        %dma_wait3A_825 = arith.constant 0 : i32
        %dma_wait3A_826 = arith.constant 0 : i32
        %dma_wait3A_827 = tpu.memref_slice %arg14[%dma_wait3A_825, %dma_wait3A_826] : memref<10240x128xf32, #tpu.memory_space<vmem_shared>> -> memref<10240x128xf32, #tpu.memory_space<vmem_shared>>
        tpu.wait_indirect_dma semaphore(%run_scoped3A_807 : memref<!tpu.dma_semaphore, #tpu.memory_space<semaphore_mem>>) src(%arg6 : memref<128x128xf32, #tpu.memory_space<vmem>>) dst(%dma_wait3A_827 : memref<10240x128xf32, #tpu.memory_space<vmem_shared>>)
        tpu.yield
      }) : () -> ()
      %dma_start3A_709 = arith.constant 4 : i32
      %dma_start3A_710 = arith.constant 0 : i32
      %dma_start3A_711 = arith.constant 0 : i32
      %dma_start3A_712 = tpu.memref_slice %arg8[%scan3A_589, %dma_start3A_710, %dma_start3A_711] : memref<4x8x128xi32, #tpu.memory_space<vmem>> -> memref<1x8x128xi32, #tpu.memory_space<vmem>>
      %dma_start3A_713 = tpu.memref_squeeze %dma_start3A_712 : memref<1x8x128xi32, #tpu.memory_space<vmem>> -> memref<8x128xi32, #tpu.memory_space<vmem>>
      %dma_start3A_714 = arith.constant 0 : i32
      %dma_start3A_715 = tpu.memref_slice %dma_start3A_713[%dma_start3A_709, %dma_start3A_714] : memref<8x128xi32, #tpu.memory_space<vmem>> -> memref<1x128xi32, #tpu.memory_space<vmem>>
      %dma_start3A_716 = tpu.memref_squeeze %dma_start3A_715 : memref<1x128xi32, #tpu.memory_space<vmem>> -> memref<128xi32, #tpu.memory_space<vmem>>
      %dma_start3A_717 = arith.constant 0 : i32
      %dma_start3A_718 = tpu.memref_slice %arg15[%dma_start3A_717] : memref<10240xf32, #tpu.memory_space<vmem_shared>> -> memref<10240xf32, #tpu.memory_space<vmem_shared>>
      tpu.enqueue_indirect_dma source(%arg9 : memref<128xf32, #tpu.memory_space<vmem>>) target(%dma_start3A_718 : memref<10240xf32, #tpu.memory_space<vmem_shared>>) offsets(%dma_start3A_716 : memref<128xi32, #tpu.memory_space<vmem>>) semaphore(%arg13 : memref<!tpu.dma_semaphore, #tpu.memory_space<semaphore_mem>>) {add = true}
      %add3A_719 = arith.constant 2 : i32
      %add3A_720 = arith.addi %add3A_700, %add3A_719 : i32
      %lt3A_721 = arith.constant 32 : i32
      %lt3A_722 = arith.cmpi slt, %add3A_720, %lt3A_721 : i32
      %convert_element_type3A_723 = arith.extui %lt3A_722 : i1 to i32
      %cond3A_724 = arith.constant 0 : i32
      %cond3A_725 = arith.cmpi ne, %convert_element_type3A_723, %cond3A_724 : i32
      scf.if %cond3A_725 {
        %add3A_807 = arith.constant 2 : i32
        %add3A_808 = arith.addi %add3A_700, %add3A_807 : i32
        %add3A_809 = arith.addi %mul3A_213, %add3A_808 : i32
        %mul3A_810 = arith.constant 128 : i32
        %mul3A_811 = arith.muli %add3A_809, %mul3A_810 : i32
        %dma_start3A_812 = arith.constant 0 : i32
        %dma_start3A_813 = tpu.memref_slice %arg2[%mul3A_811, %dma_start3A_812] : memref<131072x128xf32, #tpu.memory_space<hbm>> -> memref<128x128xf32, #tpu.memory_space<hbm>>
        %dma_start3A_814 = arith.constant 0 : i32
        %dma_start3A_815 = tpu.memref_slice %arg2[%mul3A_811, %dma_start3A_814] : memref<131072x128xf32, #tpu.memory_space<hbm>> -> memref<128x128xf32, #tpu.memory_space<hbm>>
        tpu.enqueue_dma source(%dma_start3A_815 : memref<128x128xf32, #tpu.memory_space<hbm>>) target(%arg6 : memref<128x128xf32, #tpu.memory_space<vmem>>) target_semaphore(%arg11 : memref<!tpu.dma_semaphore, #tpu.memory_space<semaphore_mem>>)
      } else {
      }
      %add3A_726 = arith.constant 5 : i32
      %add3A_727 = arith.addi %mul3A_591, %add3A_726 : i32
      %add3A_728 = arith.addi %mul3A_213, %add3A_727 : i32
      %mul3A_729 = arith.constant 128 : i32
      %mul3A_730 = arith.muli %add3A_728, %mul3A_729 : i32
      %dma_wait3A_731 = arith.constant 0 : i32
      %dma_wait3A_732 = tpu.memref_slice %arg2[%mul3A_730, %dma_wait3A_731] : memref<131072x128xf32, #tpu.memory_space<hbm>> -> memref<128x128xf32, #tpu.memory_space<hbm>>
      %dma_wait3A_733 = arith.constant 0 : i32
      %dma_wait3A_734 = tpu.memref_slice %arg2[%mul3A_730, %dma_wait3A_733] : memref<131072x128xf32, #tpu.memory_space<hbm>> -> memref<128x128xf32, #tpu.memory_space<hbm>>
      tpu.wait_dma2 semaphore(%arg12 : memref<!tpu.dma_semaphore, #tpu.memory_space<semaphore_mem>>) src(%dma_wait3A_734 : memref<128x128xf32, #tpu.memory_space<hbm>>) dst(%arg7 : memref<128x128xf32, #tpu.memory_space<vmem>>)
      %run_scoped3A_735 = arith.constant 5 : i32
      "tpu.region"() ({
        %run_scoped3A_807 = tpu.sem_alloc : memref<!tpu.dma_semaphore, #tpu.memory_space<semaphore_mem>>
        %dma_start3A_808 = arith.constant 0 : i32
        %dma_start3A_809 = arith.constant 0 : i32
        %dma_start3A_810 = tpu.memref_slice %arg8[%scan3A_589, %dma_start3A_808, %dma_start3A_809] : memref<4x8x128xi32, #tpu.memory_space<vmem>> -> memref<1x8x128xi32, #tpu.memory_space<vmem>>
        %dma_start3A_811 = tpu.memref_squeeze %dma_start3A_810 : memref<1x8x128xi32, #tpu.memory_space<vmem>> -> memref<8x128xi32, #tpu.memory_space<vmem>>
        %dma_start3A_812 = arith.constant 0 : i32
        %dma_start3A_813 = tpu.memref_slice %dma_start3A_811[%run_scoped3A_735, %dma_start3A_812] : memref<8x128xi32, #tpu.memory_space<vmem>> -> memref<1x128xi32, #tpu.memory_space<vmem>>
        %dma_start3A_814 = tpu.memref_squeeze %dma_start3A_813 : memref<1x128xi32, #tpu.memory_space<vmem>> -> memref<128xi32, #tpu.memory_space<vmem>>
        %dma_start3A_815 = arith.constant 0 : i32
        %dma_start3A_816 = arith.constant 0 : i32
        %dma_start3A_817 = tpu.memref_slice %arg14[%dma_start3A_815, %dma_start3A_816] : memref<10240x128xf32, #tpu.memory_space<vmem_shared>> -> memref<10240x128xf32, #tpu.memory_space<vmem_shared>>
        tpu.enqueue_indirect_dma source(%arg7 : memref<128x128xf32, #tpu.memory_space<vmem>>) target(%dma_start3A_817 : memref<10240x128xf32, #tpu.memory_space<vmem_shared>>) offsets(%dma_start3A_814 : memref<128xi32, #tpu.memory_space<vmem>>) semaphore(%run_scoped3A_807 : memref<!tpu.dma_semaphore, #tpu.memory_space<semaphore_mem>>) {add = true}
        %dma_wait3A_818 = arith.constant 0 : i32
        %dma_wait3A_819 = arith.constant 0 : i32
        %dma_wait3A_820 = tpu.memref_slice %arg8[%scan3A_589, %dma_wait3A_818, %dma_wait3A_819] : memref<4x8x128xi32, #tpu.memory_space<vmem>> -> memref<1x8x128xi32, #tpu.memory_space<vmem>>
        %dma_wait3A_821 = tpu.memref_squeeze %dma_wait3A_820 : memref<1x8x128xi32, #tpu.memory_space<vmem>> -> memref<8x128xi32, #tpu.memory_space<vmem>>
        %dma_wait3A_822 = arith.constant 0 : i32
        %dma_wait3A_823 = tpu.memref_slice %dma_wait3A_821[%run_scoped3A_735, %dma_wait3A_822] : memref<8x128xi32, #tpu.memory_space<vmem>> -> memref<1x128xi32, #tpu.memory_space<vmem>>
        %dma_wait3A_824 = tpu.memref_squeeze %dma_wait3A_823 : memref<1x128xi32, #tpu.memory_space<vmem>> -> memref<128xi32, #tpu.memory_space<vmem>>
        %dma_wait3A_825 = arith.constant 0 : i32
        %dma_wait3A_826 = arith.constant 0 : i32
        %dma_wait3A_827 = tpu.memref_slice %arg14[%dma_wait3A_825, %dma_wait3A_826] : memref<10240x128xf32, #tpu.memory_space<vmem_shared>> -> memref<10240x128xf32, #tpu.memory_space<vmem_shared>>
        tpu.wait_indirect_dma semaphore(%run_scoped3A_807 : memref<!tpu.dma_semaphore, #tpu.memory_space<semaphore_mem>>) src(%arg7 : memref<128x128xf32, #tpu.memory_space<vmem>>) dst(%dma_wait3A_827 : memref<10240x128xf32, #tpu.memory_space<vmem_shared>>)
        tpu.yield
      }) : () -> ()
      %dma_start3A_736 = arith.constant 5 : i32
      %dma_start3A_737 = arith.constant 0 : i32
      %dma_start3A_738 = arith.constant 0 : i32
      %dma_start3A_739 = tpu.memref_slice %arg8[%scan3A_589, %dma_start3A_737, %dma_start3A_738] : memref<4x8x128xi32, #tpu.memory_space<vmem>> -> memref<1x8x128xi32, #tpu.memory_space<vmem>>
      %dma_start3A_740 = tpu.memref_squeeze %dma_start3A_739 : memref<1x8x128xi32, #tpu.memory_space<vmem>> -> memref<8x128xi32, #tpu.memory_space<vmem>>
      %dma_start3A_741 = arith.constant 0 : i32
      %dma_start3A_742 = tpu.memref_slice %dma_start3A_740[%dma_start3A_736, %dma_start3A_741] : memref<8x128xi32, #tpu.memory_space<vmem>> -> memref<1x128xi32, #tpu.memory_space<vmem>>
      %dma_start3A_743 = tpu.memref_squeeze %dma_start3A_742 : memref<1x128xi32, #tpu.memory_space<vmem>> -> memref<128xi32, #tpu.memory_space<vmem>>
      %dma_start3A_744 = arith.constant 0 : i32
      %dma_start3A_745 = tpu.memref_slice %arg15[%dma_start3A_744] : memref<10240xf32, #tpu.memory_space<vmem_shared>> -> memref<10240xf32, #tpu.memory_space<vmem_shared>>
      tpu.enqueue_indirect_dma source(%arg9 : memref<128xf32, #tpu.memory_space<vmem>>) target(%dma_start3A_745 : memref<10240xf32, #tpu.memory_space<vmem_shared>>) offsets(%dma_start3A_743 : memref<128xi32, #tpu.memory_space<vmem>>) semaphore(%arg13 : memref<!tpu.dma_semaphore, #tpu.memory_space<semaphore_mem>>) {add = true}
      %add3A_746 = arith.constant 2 : i32
      %add3A_747 = arith.addi %add3A_727, %add3A_746 : i32
      %lt3A_748 = arith.constant 32 : i32
      %lt3A_749 = arith.cmpi slt, %add3A_747, %lt3A_748 : i32
      %convert_element_type3A_750 = arith.extui %lt3A_749 : i1 to i32
      %cond3A_751 = arith.constant 0 : i32
      %cond3A_752 = arith.cmpi ne, %convert_element_type3A_750, %cond3A_751 : i32
      scf.if %cond3A_752 {
        %add3A_807 = arith.constant 2 : i32
        %add3A_808 = arith.addi %add3A_727, %add3A_807 : i32
        %add3A_809 = arith.addi %mul3A_213, %add3A_808 : i32
        %mul3A_810 = arith.constant 128 : i32
        %mul3A_811 = arith.muli %add3A_809, %mul3A_810 : i32
        %dma_start3A_812 = arith.constant 0 : i32
        %dma_start3A_813 = tpu.memref_slice %arg2[%mul3A_811, %dma_start3A_812] : memref<131072x128xf32, #tpu.memory_space<hbm>> -> memref<128x128xf32, #tpu.memory_space<hbm>>
        %dma_start3A_814 = arith.constant 0 : i32
        %dma_start3A_815 = tpu.memref_slice %arg2[%mul3A_811, %dma_start3A_814] : memref<131072x128xf32, #tpu.memory_space<hbm>> -> memref<128x128xf32, #tpu.memory_space<hbm>>
        tpu.enqueue_dma source(%dma_start3A_815 : memref<128x128xf32, #tpu.memory_space<hbm>>) target(%arg7 : memref<128x128xf32, #tpu.memory_space<vmem>>) target_semaphore(%arg12 : memref<!tpu.dma_semaphore, #tpu.memory_space<semaphore_mem>>)
      } else {
      }
      %add3A_753 = arith.constant 6 : i32
      %add3A_754 = arith.addi %mul3A_591, %add3A_753 : i32
      %add3A_755 = arith.addi %mul3A_213, %add3A_754 : i32
      %mul3A_756 = arith.constant 128 : i32
      %mul3A_757 = arith.muli %add3A_755, %mul3A_756 : i32
      %dma_wait3A_758 = arith.constant 0 : i32
      %dma_wait3A_759 = tpu.memref_slice %arg2[%mul3A_757, %dma_wait3A_758] : memref<131072x128xf32, #tpu.memory_space<hbm>> -> memref<128x128xf32, #tpu.memory_space<hbm>>
      %dma_wait3A_760 = arith.constant 0 : i32
      %dma_wait3A_761 = tpu.memref_slice %arg2[%mul3A_757, %dma_wait3A_760] : memref<131072x128xf32, #tpu.memory_space<hbm>> -> memref<128x128xf32, #tpu.memory_space<hbm>>
      tpu.wait_dma2 semaphore(%arg11 : memref<!tpu.dma_semaphore, #tpu.memory_space<semaphore_mem>>) src(%dma_wait3A_761 : memref<128x128xf32, #tpu.memory_space<hbm>>) dst(%arg6 : memref<128x128xf32, #tpu.memory_space<vmem>>)
      %run_scoped3A_762 = arith.constant 6 : i32
      "tpu.region"() ({
        %run_scoped3A_807 = tpu.sem_alloc : memref<!tpu.dma_semaphore, #tpu.memory_space<semaphore_mem>>
        %dma_start3A_808 = arith.constant 0 : i32
        %dma_start3A_809 = arith.constant 0 : i32
        %dma_start3A_810 = tpu.memref_slice %arg8[%scan3A_589, %dma_start3A_808, %dma_start3A_809] : memref<4x8x128xi32, #tpu.memory_space<vmem>> -> memref<1x8x128xi32, #tpu.memory_space<vmem>>
        %dma_start3A_811 = tpu.memref_squeeze %dma_start3A_810 : memref<1x8x128xi32, #tpu.memory_space<vmem>> -> memref<8x128xi32, #tpu.memory_space<vmem>>
        %dma_start3A_812 = arith.constant 0 : i32
        %dma_start3A_813 = tpu.memref_slice %dma_start3A_811[%run_scoped3A_762, %dma_start3A_812] : memref<8x128xi32, #tpu.memory_space<vmem>> -> memref<1x128xi32, #tpu.memory_space<vmem>>
        %dma_start3A_814 = tpu.memref_squeeze %dma_start3A_813 : memref<1x128xi32, #tpu.memory_space<vmem>> -> memref<128xi32, #tpu.memory_space<vmem>>
        %dma_start3A_815 = arith.constant 0 : i32
        %dma_start3A_816 = arith.constant 0 : i32
        %dma_start3A_817 = tpu.memref_slice %arg14[%dma_start3A_815, %dma_start3A_816] : memref<10240x128xf32, #tpu.memory_space<vmem_shared>> -> memref<10240x128xf32, #tpu.memory_space<vmem_shared>>
        tpu.enqueue_indirect_dma source(%arg6 : memref<128x128xf32, #tpu.memory_space<vmem>>) target(%dma_start3A_817 : memref<10240x128xf32, #tpu.memory_space<vmem_shared>>) offsets(%dma_start3A_814 : memref<128xi32, #tpu.memory_space<vmem>>) semaphore(%run_scoped3A_807 : memref<!tpu.dma_semaphore, #tpu.memory_space<semaphore_mem>>) {add = true}
        %dma_wait3A_818 = arith.constant 0 : i32
        %dma_wait3A_819 = arith.constant 0 : i32
        %dma_wait3A_820 = tpu.memref_slice %arg8[%scan3A_589, %dma_wait3A_818, %dma_wait3A_819] : memref<4x8x128xi32, #tpu.memory_space<vmem>> -> memref<1x8x128xi32, #tpu.memory_space<vmem>>
        %dma_wait3A_821 = tpu.memref_squeeze %dma_wait3A_820 : memref<1x8x128xi32, #tpu.memory_space<vmem>> -> memref<8x128xi32, #tpu.memory_space<vmem>>
        %dma_wait3A_822 = arith.constant 0 : i32
        %dma_wait3A_823 = tpu.memref_slice %dma_wait3A_821[%run_scoped3A_762, %dma_wait3A_822] : memref<8x128xi32, #tpu.memory_space<vmem>> -> memref<1x128xi32, #tpu.memory_space<vmem>>
        %dma_wait3A_824 = tpu.memref_squeeze %dma_wait3A_823 : memref<1x128xi32, #tpu.memory_space<vmem>> -> memref<128xi32, #tpu.memory_space<vmem>>
        %dma_wait3A_825 = arith.constant 0 : i32
        %dma_wait3A_826 = arith.constant 0 : i32
        %dma_wait3A_827 = tpu.memref_slice %arg14[%dma_wait3A_825, %dma_wait3A_826] : memref<10240x128xf32, #tpu.memory_space<vmem_shared>> -> memref<10240x128xf32, #tpu.memory_space<vmem_shared>>
        tpu.wait_indirect_dma semaphore(%run_scoped3A_807 : memref<!tpu.dma_semaphore, #tpu.memory_space<semaphore_mem>>) src(%arg6 : memref<128x128xf32, #tpu.memory_space<vmem>>) dst(%dma_wait3A_827 : memref<10240x128xf32, #tpu.memory_space<vmem_shared>>)
        tpu.yield
      }) : () -> ()
      %dma_start3A_763 = arith.constant 6 : i32
      %dma_start3A_764 = arith.constant 0 : i32
      %dma_start3A_765 = arith.constant 0 : i32
      %dma_start3A_766 = tpu.memref_slice %arg8[%scan3A_589, %dma_start3A_764, %dma_start3A_765] : memref<4x8x128xi32, #tpu.memory_space<vmem>> -> memref<1x8x128xi32, #tpu.memory_space<vmem>>
      %dma_start3A_767 = tpu.memref_squeeze %dma_start3A_766 : memref<1x8x128xi32, #tpu.memory_space<vmem>> -> memref<8x128xi32, #tpu.memory_space<vmem>>
      %dma_start3A_768 = arith.constant 0 : i32
      %dma_start3A_769 = tpu.memref_slice %dma_start3A_767[%dma_start3A_763, %dma_start3A_768] : memref<8x128xi32, #tpu.memory_space<vmem>> -> memref<1x128xi32, #tpu.memory_space<vmem>>
      %dma_start3A_770 = tpu.memref_squeeze %dma_start3A_769 : memref<1x128xi32, #tpu.memory_space<vmem>> -> memref<128xi32, #tpu.memory_space<vmem>>
      %dma_start3A_771 = arith.constant 0 : i32
      %dma_start3A_772 = tpu.memref_slice %arg15[%dma_start3A_771] : memref<10240xf32, #tpu.memory_space<vmem_shared>> -> memref<10240xf32, #tpu.memory_space<vmem_shared>>
      tpu.enqueue_indirect_dma source(%arg9 : memref<128xf32, #tpu.memory_space<vmem>>) target(%dma_start3A_772 : memref<10240xf32, #tpu.memory_space<vmem_shared>>) offsets(%dma_start3A_770 : memref<128xi32, #tpu.memory_space<vmem>>) semaphore(%arg13 : memref<!tpu.dma_semaphore, #tpu.memory_space<semaphore_mem>>) {add = true}
      %add3A_773 = arith.constant 2 : i32
      %add3A_774 = arith.addi %add3A_754, %add3A_773 : i32
      %lt3A_775 = arith.constant 32 : i32
      %lt3A_776 = arith.cmpi slt, %add3A_774, %lt3A_775 : i32
      %convert_element_type3A_777 = arith.extui %lt3A_776 : i1 to i32
      %cond3A_778 = arith.constant 0 : i32
      %cond3A_779 = arith.cmpi ne, %convert_element_type3A_777, %cond3A_778 : i32
      scf.if %cond3A_779 {
        %add3A_807 = arith.constant 2 : i32
        %add3A_808 = arith.addi %add3A_754, %add3A_807 : i32
        %add3A_809 = arith.addi %mul3A_213, %add3A_808 : i32
        %mul3A_810 = arith.constant 128 : i32
        %mul3A_811 = arith.muli %add3A_809, %mul3A_810 : i32
        %dma_start3A_812 = arith.constant 0 : i32
        %dma_start3A_813 = tpu.memref_slice %arg2[%mul3A_811, %dma_start3A_812] : memref<131072x128xf32, #tpu.memory_space<hbm>> -> memref<128x128xf32, #tpu.memory_space<hbm>>
        %dma_start3A_814 = arith.constant 0 : i32
        %dma_start3A_815 = tpu.memref_slice %arg2[%mul3A_811, %dma_start3A_814] : memref<131072x128xf32, #tpu.memory_space<hbm>> -> memref<128x128xf32, #tpu.memory_space<hbm>>
        tpu.enqueue_dma source(%dma_start3A_815 : memref<128x128xf32, #tpu.memory_space<hbm>>) target(%arg6 : memref<128x128xf32, #tpu.memory_space<vmem>>) target_semaphore(%arg11 : memref<!tpu.dma_semaphore, #tpu.memory_space<semaphore_mem>>)
      } else {
      }
      %add3A_780 = arith.constant 7 : i32
      %add3A_781 = arith.addi %mul3A_591, %add3A_780 : i32
      %add3A_782 = arith.addi %mul3A_213, %add3A_781 : i32
      %mul3A_783 = arith.constant 128 : i32
      %mul3A_784 = arith.muli %add3A_782, %mul3A_783 : i32
      %dma_wait3A_785 = arith.constant 0 : i32
      %dma_wait3A_786 = tpu.memref_slice %arg2[%mul3A_784, %dma_wait3A_785] : memref<131072x128xf32, #tpu.memory_space<hbm>> -> memref<128x128xf32, #tpu.memory_space<hbm>>
      %dma_wait3A_787 = arith.constant 0 : i32
      %dma_wait3A_788 = tpu.memref_slice %arg2[%mul3A_784, %dma_wait3A_787] : memref<131072x128xf32, #tpu.memory_space<hbm>> -> memref<128x128xf32, #tpu.memory_space<hbm>>
      tpu.wait_dma2 semaphore(%arg12 : memref<!tpu.dma_semaphore, #tpu.memory_space<semaphore_mem>>) src(%dma_wait3A_788 : memref<128x128xf32, #tpu.memory_space<hbm>>) dst(%arg7 : memref<128x128xf32, #tpu.memory_space<vmem>>)
      %run_scoped3A_789 = arith.constant 7 : i32
      "tpu.region"() ({
        %run_scoped3A_807 = tpu.sem_alloc : memref<!tpu.dma_semaphore, #tpu.memory_space<semaphore_mem>>
        %dma_start3A_808 = arith.constant 0 : i32
        %dma_start3A_809 = arith.constant 0 : i32
        %dma_start3A_810 = tpu.memref_slice %arg8[%scan3A_589, %dma_start3A_808, %dma_start3A_809] : memref<4x8x128xi32, #tpu.memory_space<vmem>> -> memref<1x8x128xi32, #tpu.memory_space<vmem>>
        %dma_start3A_811 = tpu.memref_squeeze %dma_start3A_810 : memref<1x8x128xi32, #tpu.memory_space<vmem>> -> memref<8x128xi32, #tpu.memory_space<vmem>>
        %dma_start3A_812 = arith.constant 0 : i32
        %dma_start3A_813 = tpu.memref_slice %dma_start3A_811[%run_scoped3A_789, %dma_start3A_812] : memref<8x128xi32, #tpu.memory_space<vmem>> -> memref<1x128xi32, #tpu.memory_space<vmem>>
        %dma_start3A_814 = tpu.memref_squeeze %dma_start3A_813 : memref<1x128xi32, #tpu.memory_space<vmem>> -> memref<128xi32, #tpu.memory_space<vmem>>
        %dma_start3A_815 = arith.constant 0 : i32
        %dma_start3A_816 = arith.constant 0 : i32
        %dma_start3A_817 = tpu.memref_slice %arg14[%dma_start3A_815, %dma_start3A_816] : memref<10240x128xf32, #tpu.memory_space<vmem_shared>> -> memref<10240x128xf32, #tpu.memory_space<vmem_shared>>
        tpu.enqueue_indirect_dma source(%arg7 : memref<128x128xf32, #tpu.memory_space<vmem>>) target(%dma_start3A_817 : memref<10240x128xf32, #tpu.memory_space<vmem_shared>>) offsets(%dma_start3A_814 : memref<128xi32, #tpu.memory_space<vmem>>) semaphore(%run_scoped3A_807 : memref<!tpu.dma_semaphore, #tpu.memory_space<semaphore_mem>>) {add = true}
        %dma_wait3A_818 = arith.constant 0 : i32
        %dma_wait3A_819 = arith.constant 0 : i32
        %dma_wait3A_820 = tpu.memref_slice %arg8[%scan3A_589, %dma_wait3A_818, %dma_wait3A_819] : memref<4x8x128xi32, #tpu.memory_space<vmem>> -> memref<1x8x128xi32, #tpu.memory_space<vmem>>
        %dma_wait3A_821 = tpu.memref_squeeze %dma_wait3A_820 : memref<1x8x128xi32, #tpu.memory_space<vmem>> -> memref<8x128xi32, #tpu.memory_space<vmem>>
        %dma_wait3A_822 = arith.constant 0 : i32
        %dma_wait3A_823 = tpu.memref_slice %dma_wait3A_821[%run_scoped3A_789, %dma_wait3A_822] : memref<8x128xi32, #tpu.memory_space<vmem>> -> memref<1x128xi32, #tpu.memory_space<vmem>>
        %dma_wait3A_824 = tpu.memref_squeeze %dma_wait3A_823 : memref<1x128xi32, #tpu.memory_space<vmem>> -> memref<128xi32, #tpu.memory_space<vmem>>
        %dma_wait3A_825 = arith.constant 0 : i32
        %dma_wait3A_826 = arith.constant 0 : i32
        %dma_wait3A_827 = tpu.memref_slice %arg14[%dma_wait3A_825, %dma_wait3A_826] : memref<10240x128xf32, #tpu.memory_space<vmem_shared>> -> memref<10240x128xf32, #tpu.memory_space<vmem_shared>>
        tpu.wait_indirect_dma semaphore(%run_scoped3A_807 : memref<!tpu.dma_semaphore, #tpu.memory_space<semaphore_mem>>) src(%arg7 : memref<128x128xf32, #tpu.memory_space<vmem>>) dst(%dma_wait3A_827 : memref<10240x128xf32, #tpu.memory_space<vmem_shared>>)
        tpu.yield
      }) : () -> ()
      %dma_start3A_790 = arith.constant 7 : i32
      %dma_start3A_791 = arith.constant 0 : i32
      %dma_start3A_792 = arith.constant 0 : i32
      %dma_start3A_793 = tpu.memref_slice %arg8[%scan3A_589, %dma_start3A_791, %dma_start3A_792] : memref<4x8x128xi32, #tpu.memory_space<vmem>> -> memref<1x8x128xi32, #tpu.memory_space<vmem>>
      %dma_start3A_794 = tpu.memref_squeeze %dma_start3A_793 : memref<1x8x128xi32, #tpu.memory_space<vmem>> -> memref<8x128xi32, #tpu.memory_space<vmem>>
      %dma_start3A_795 = arith.constant 0 : i32
      %dma_start3A_796 = tpu.memref_slice %dma_start3A_794[%dma_start3A_790, %dma_start3A_795] : memref<8x128xi32, #tpu.memory_space<vmem>> -> memref<1x128xi32, #tpu.memory_space<vmem>>
      %dma_start3A_797 = tpu.memref_squeeze %dma_start3A_796 : memref<1x128xi32, #tpu.memory_space<vmem>> -> memref<128xi32, #tpu.memory_space<vmem>>
      %dma_start3A_798 = arith.constant 0 : i32
      %dma_start3A_799 = tpu.memref_slice %arg15[%dma_start3A_798] : memref<10240xf32, #tpu.memory_space<vmem_shared>> -> memref<10240xf32, #tpu.memory_space<vmem_shared>>
      tpu.enqueue_indirect_dma source(%arg9 : memref<128xf32, #tpu.memory_space<vmem>>) target(%dma_start3A_799 : memref<10240xf32, #tpu.memory_space<vmem_shared>>) offsets(%dma_start3A_797 : memref<128xi32, #tpu.memory_space<vmem>>) semaphore(%arg13 : memref<!tpu.dma_semaphore, #tpu.memory_space<semaphore_mem>>) {add = true}
      %add3A_800 = arith.constant 2 : i32
      %add3A_801 = arith.addi %add3A_781, %add3A_800 : i32
      %lt3A_802 = arith.constant 32 : i32
      %lt3A_803 = arith.cmpi slt, %add3A_801, %lt3A_802 : i32
      %convert_element_type3A_804 = arith.extui %lt3A_803 : i1 to i32
      %cond3A_805 = arith.constant 0 : i32
      %cond3A_806 = arith.cmpi ne, %convert_element_type3A_804, %cond3A_805 : i32
      scf.if %cond3A_806 {
        %add3A_807 = arith.constant 2 : i32
        %add3A_808 = arith.addi %add3A_781, %add3A_807 : i32
        %add3A_809 = arith.addi %mul3A_213, %add3A_808 : i32
        %mul3A_810 = arith.constant 128 : i32
        %mul3A_811 = arith.muli %add3A_809, %mul3A_810 : i32
        %dma_start3A_812 = arith.constant 0 : i32
        %dma_start3A_813 = tpu.memref_slice %arg2[%mul3A_811, %dma_start3A_812] : memref<131072x128xf32, #tpu.memory_space<hbm>> -> memref<128x128xf32, #tpu.memory_space<hbm>>
        %dma_start3A_814 = arith.constant 0 : i32
        %dma_start3A_815 = tpu.memref_slice %arg2[%mul3A_811, %dma_start3A_814] : memref<131072x128xf32, #tpu.memory_space<hbm>> -> memref<128x128xf32, #tpu.memory_space<hbm>>
        tpu.enqueue_dma source(%dma_start3A_815 : memref<128x128xf32, #tpu.memory_space<hbm>>) target(%arg7 : memref<128x128xf32, #tpu.memory_space<vmem>>) target_semaphore(%arg12 : memref<!tpu.dma_semaphore, #tpu.memory_space<semaphore_mem>>)
      } else {
      }
    }
    %scan3A_234 = arith.constant 4 : i32
    %dma_wait3A = arith.constant 0 : i32
    %dma_wait3A_235 = arith.constant 0 : i32
    %dma_wait3A_236 = arith.constant 0 : i32
    %dma_wait3A_237 = arith.constant 0 : i32
    %dma_wait3A_238 = tpu.memref_slice %arg8[%dma_wait3A, %dma_wait3A_236, %dma_wait3A_237] : memref<4x8x128xi32, #tpu.memory_space<vmem>> -> memref<1x8x128xi32, #tpu.memory_space<vmem>>
    %dma_wait3A_239 = tpu.memref_squeeze %dma_wait3A_238 : memref<1x8x128xi32, #tpu.memory_space<vmem>> -> memref<8x128xi32, #tpu.memory_space<vmem>>
    %dma_wait3A_240 = arith.constant 0 : i32
    %dma_wait3A_241 = tpu.memref_slice %dma_wait3A_239[%dma_wait3A_235, %dma_wait3A_240] : memref<8x128xi32, #tpu.memory_space<vmem>> -> memref<1x128xi32, #tpu.memory_space<vmem>>
    %dma_wait3A_242 = tpu.memref_squeeze %dma_wait3A_241 : memref<1x128xi32, #tpu.memory_space<vmem>> -> memref<128xi32, #tpu.memory_space<vmem>>
    %dma_wait3A_243 = arith.constant 0 : i32
    %dma_wait3A_244 = tpu.memref_slice %arg15[%dma_wait3A_243] : memref<10240xf32, #tpu.memory_space<vmem_shared>> -> memref<10240xf32, #tpu.memory_space<vmem_shared>>
    tpu.wait_indirect_dma semaphore(%arg13 : memref<!tpu.dma_semaphore, #tpu.memory_space<semaphore_mem>>) src(%arg9 : memref<128xf32, #tpu.memory_space<vmem>>) dst(%dma_wait3A_244 : memref<10240xf32, #tpu.memory_space<vmem_shared>>)
    %dma_wait3A_245 = arith.constant 0 : i32
    %dma_wait3A_246 = arith.constant 1 : i32
    %dma_wait3A_247 = arith.constant 0 : i32
    %dma_wait3A_248 = arith.constant 0 : i32
    %dma_wait3A_249 = tpu.memref_slice %arg8[%dma_wait3A_245, %dma_wait3A_247, %dma_wait3A_248] : memref<4x8x128xi32, #tpu.memory_space<vmem>> -> memref<1x8x128xi32, #tpu.memory_space<vmem>>
    %dma_wait3A_250 = tpu.memref_squeeze %dma_wait3A_249 : memref<1x8x128xi32, #tpu.memory_space<vmem>> -> memref<8x128xi32, #tpu.memory_space<vmem>>
    %dma_wait3A_251 = arith.constant 0 : i32
    %dma_wait3A_252 = tpu.memref_slice %dma_wait3A_250[%dma_wait3A_246, %dma_wait3A_251] : memref<8x128xi32, #tpu.memory_space<vmem>> -> memref<1x128xi32, #tpu.memory_space<vmem>>
    %dma_wait3A_253 = tpu.memref_squeeze %dma_wait3A_252 : memref<1x128xi32, #tpu.memory_space<vmem>> -> memref<128xi32, #tpu.memory_space<vmem>>
    %dma_wait3A_254 = arith.constant 0 : i32
    %dma_wait3A_255 = tpu.memref_slice %arg15[%dma_wait3A_254] : memref<10240xf32, #tpu.memory_space<vmem_shared>> -> memref<10240xf32, #tpu.memory_space<vmem_shared>>
    tpu.wait_indirect_dma semaphore(%arg13 : memref<!tpu.dma_semaphore, #tpu.memory_space<semaphore_mem>>) src(%arg9 : memref<128xf32, #tpu.memory_space<vmem>>) dst(%dma_wait3A_255 : memref<10240xf32, #tpu.memory_space<vmem_shared>>)
    %dma_wait3A_256 = arith.constant 0 : i32
    %dma_wait3A_257 = arith.constant 2 : i32
    %dma_wait3A_258 = arith.constant 0 : i32
    %dma_wait3A_259 = arith.constant 0 : i32
    %dma_wait3A_260 = tpu.memref_slice %arg8[%dma_wait3A_256, %dma_wait3A_258, %dma_wait3A_259] : memref<4x8x128xi32, #tpu.memory_space<vmem>> -> memref<1x8x128xi32, #tpu.memory_space<vmem>>
    %dma_wait3A_261 = tpu.memref_squeeze %dma_wait3A_260 : memref<1x8x128xi32, #tpu.memory_space<vmem>> -> memref<8x128xi32, #tpu.memory_space<vmem>>
    %dma_wait3A_262 = arith.constant 0 : i32
    %dma_wait3A_263 = tpu.memref_slice %dma_wait3A_261[%dma_wait3A_257, %dma_wait3A_262] : memref<8x128xi32, #tpu.memory_space<vmem>> -> memref<1x128xi32, #tpu.memory_space<vmem>>
    %dma_wait3A_264 = tpu.memref_squeeze %dma_wait3A_263 : memref<1x128xi32, #tpu.memory_space<vmem>> -> memref<128xi32, #tpu.memory_space<vmem>>
    %dma_wait3A_265 = arith.constant 0 : i32
    %dma_wait3A_266 = tpu.memref_slice %arg15[%dma_wait3A_265] : memref<10240xf32, #tpu.memory_space<vmem_shared>> -> memref<10240xf32, #tpu.memory_space<vmem_shared>>
    tpu.wait_indirect_dma semaphore(%arg13 : memref<!tpu.dma_semaphore, #tpu.memory_space<semaphore_mem>>) src(%arg9 : memref<128xf32, #tpu.memory_space<vmem>>) dst(%dma_wait3A_266 : memref<10240xf32, #tpu.memory_space<vmem_shared>>)
    %dma_wait3A_267 = arith.constant 0 : i32
    %dma_wait3A_268 = arith.constant 3 : i32
    %dma_wait3A_269 = arith.constant 0 : i32
    %dma_wait3A_270 = arith.constant 0 : i32
    %dma_wait3A_271 = tpu.memref_slice %arg8[%dma_wait3A_267, %dma_wait3A_269, %dma_wait3A_270] : memref<4x8x128xi32, #tpu.memory_space<vmem>> -> memref<1x8x128xi32, #tpu.memory_space<vmem>>
    %dma_wait3A_272 = tpu.memref_squeeze %dma_wait3A_271 : memref<1x8x128xi32, #tpu.memory_space<vmem>> -> memref<8x128xi32, #tpu.memory_space<vmem>>
    %dma_wait3A_273 = arith.constant 0 : i32
    %dma_wait3A_274 = tpu.memref_slice %dma_wait3A_272[%dma_wait3A_268, %dma_wait3A_273] : memref<8x128xi32, #tpu.memory_space<vmem>> -> memref<1x128xi32, #tpu.memory_space<vmem>>
    %dma_wait3A_275 = tpu.memref_squeeze %dma_wait3A_274 : memref<1x128xi32, #tpu.memory_space<vmem>> -> memref<128xi32, #tpu.memory_space<vmem>>
    %dma_wait3A_276 = arith.constant 0 : i32
    %dma_wait3A_277 = tpu.memref_slice %arg15[%dma_wait3A_276] : memref<10240xf32, #tpu.memory_space<vmem_shared>> -> memref<10240xf32, #tpu.memory_space<vmem_shared>>
    tpu.wait_indirect_dma semaphore(%arg13 : memref<!tpu.dma_semaphore, #tpu.memory_space<semaphore_mem>>) src(%arg9 : memref<128xf32, #tpu.memory_space<vmem>>) dst(%dma_wait3A_277 : memref<10240xf32, #tpu.memory_space<vmem_shared>>)
    %dma_wait3A_278 = arith.constant 0 : i32
    %dma_wait3A_279 = arith.constant 4 : i32
    %dma_wait3A_280 = arith.constant 0 : i32
    %dma_wait3A_281 = arith.constant 0 : i32
    %dma_wait3A_282 = tpu.memref_slice %arg8[%dma_wait3A_278, %dma_wait3A_280, %dma_wait3A_281] : memref<4x8x128xi32, #tpu.memory_space<vmem>> -> memref<1x8x128xi32, #tpu.memory_space<vmem>>
    %dma_wait3A_283 = tpu.memref_squeeze %dma_wait3A_282 : memref<1x8x128xi32, #tpu.memory_space<vmem>> -> memref<8x128xi32, #tpu.memory_space<vmem>>
    %dma_wait3A_284 = arith.constant 0 : i32
    %dma_wait3A_285 = tpu.memref_slice %dma_wait3A_283[%dma_wait3A_279, %dma_wait3A_284] : memref<8x128xi32, #tpu.memory_space<vmem>> -> memref<1x128xi32, #tpu.memory_space<vmem>>
    %dma_wait3A_286 = tpu.memref_squeeze %dma_wait3A_285 : memref<1x128xi32, #tpu.memory_space<vmem>> -> memref<128xi32, #tpu.memory_space<vmem>>
    %dma_wait3A_287 = arith.constant 0 : i32
    %dma_wait3A_288 = tpu.memref_slice %arg15[%dma_wait3A_287] : memref<10240xf32, #tpu.memory_space<vmem_shared>> -> memref<10240xf32, #tpu.memory_space<vmem_shared>>
    tpu.wait_indirect_dma semaphore(%arg13 : memref<!tpu.dma_semaphore, #tpu.memory_space<semaphore_mem>>) src(%arg9 : memref<128xf32, #tpu.memory_space<vmem>>) dst(%dma_wait3A_288 : memref<10240xf32, #tpu.memory_space<vmem_shared>>)
    %dma_wait3A_289 = arith.constant 0 : i32
    %dma_wait3A_290 = arith.constant 5 : i32
    %dma_wait3A_291 = arith.constant 0 : i32
    %dma_wait3A_292 = arith.constant 0 : i32
    %dma_wait3A_293 = tpu.memref_slice %arg8[%dma_wait3A_289, %dma_wait3A_291, %dma_wait3A_292] : memref<4x8x128xi32, #tpu.memory_space<vmem>> -> memref<1x8x128xi32, #tpu.memory_space<vmem>>
    %dma_wait3A_294 = tpu.memref_squeeze %dma_wait3A_293 : memref<1x8x128xi32, #tpu.memory_space<vmem>> -> memref<8x128xi32, #tpu.memory_space<vmem>>
    %dma_wait3A_295 = arith.constant 0 : i32
    %dma_wait3A_296 = tpu.memref_slice %dma_wait3A_294[%dma_wait3A_290, %dma_wait3A_295] : memref<8x128xi32, #tpu.memory_space<vmem>> -> memref<1x128xi32, #tpu.memory_space<vmem>>
    %dma_wait3A_297 = tpu.memref_squeeze %dma_wait3A_296 : memref<1x128xi32, #tpu.memory_space<vmem>> -> memref<128xi32, #tpu.memory_space<vmem>>
    %dma_wait3A_298 = arith.constant 0 : i32
    %dma_wait3A_299 = tpu.memref_slice %arg15[%dma_wait3A_298] : memref<10240xf32, #tpu.memory_space<vmem_shared>> -> memref<10240xf32, #tpu.memory_space<vmem_shared>>
    tpu.wait_indirect_dma semaphore(%arg13 : memref<!tpu.dma_semaphore, #tpu.memory_space<semaphore_mem>>) src(%arg9 : memref<128xf32, #tpu.memory_space<vmem>>) dst(%dma_wait3A_299 : memref<10240xf32, #tpu.memory_space<vmem_shared>>)
    %dma_wait3A_300 = arith.constant 0 : i32
    %dma_wait3A_301 = arith.constant 6 : i32
    %dma_wait3A_302 = arith.constant 0 : i32
    %dma_wait3A_303 = arith.constant 0 : i32
    %dma_wait3A_304 = tpu.memref_slice %arg8[%dma_wait3A_300, %dma_wait3A_302, %dma_wait3A_303] : memref<4x8x128xi32, #tpu.memory_space<vmem>> -> memref<1x8x128xi32, #tpu.memory_space<vmem>>
    %dma_wait3A_305 = tpu.memref_squeeze %dma_wait3A_304 : memref<1x8x128xi32, #tpu.memory_space<vmem>> -> memref<8x128xi32, #tpu.memory_space<vmem>>
    %dma_wait3A_306 = arith.constant 0 : i32
    %dma_wait3A_307 = tpu.memref_slice %dma_wait3A_305[%dma_wait3A_301, %dma_wait3A_306] : memref<8x128xi32, #tpu.memory_space<vmem>> -> memref<1x128xi32, #tpu.memory_space<vmem>>
    %dma_wait3A_308 = tpu.memref_squeeze %dma_wait3A_307 : memref<1x128xi32, #tpu.memory_space<vmem>> -> memref<128xi32, #tpu.memory_space<vmem>>
    %dma_wait3A_309 = arith.constant 0 : i32
    %dma_wait3A_310 = tpu.memref_slice %arg15[%dma_wait3A_309] : memref<10240xf32, #tpu.memory_space<vmem_shared>> -> memref<10240xf32, #tpu.memory_space<vmem_shared>>
    tpu.wait_indirect_dma semaphore(%arg13 : memref<!tpu.dma_semaphore, #tpu.memory_space<semaphore_mem>>) src(%arg9 : memref<128xf32, #tpu.memory_space<vmem>>) dst(%dma_wait3A_310 : memref<10240xf32, #tpu.memory_space<vmem_shared>>)
    %dma_wait3A_311 = arith.constant 0 : i32
    %dma_wait3A_312 = arith.constant 7 : i32
    %dma_wait3A_313 = arith.constant 0 : i32
    %dma_wait3A_314 = arith.constant 0 : i32
    %dma_wait3A_315 = tpu.memref_slice %arg8[%dma_wait3A_311, %dma_wait3A_313, %dma_wait3A_314] : memref<4x8x128xi32, #tpu.memory_space<vmem>> -> memref<1x8x128xi32, #tpu.memory_space<vmem>>
    %dma_wait3A_316 = tpu.memref_squeeze %dma_wait3A_315 : memref<1x8x128xi32, #tpu.memory_space<vmem>> -> memref<8x128xi32, #tpu.memory_space<vmem>>
    %dma_wait3A_317 = arith.constant 0 : i32
    %dma_wait3A_318 = tpu.memref_slice %dma_wait3A_316[%dma_wait3A_312, %dma_wait3A_317] : memref<8x128xi32, #tpu.memory_space<vmem>> -> memref<1x128xi32, #tpu.memory_space<vmem>>
    %dma_wait3A_319 = tpu.memref_squeeze %dma_wait3A_318 : memref<1x128xi32, #tpu.memory_space<vmem>> -> memref<128xi32, #tpu.memory_space<vmem>>
    %dma_wait3A_320 = arith.constant 0 : i32
    %dma_wait3A_321 = tpu.memref_slice %arg15[%dma_wait3A_320] : memref<10240xf32, #tpu.memory_space<vmem_shared>> -> memref<10240xf32, #tpu.memory_space<vmem_shared>>
    tpu.wait_indirect_dma semaphore(%arg13 : memref<!tpu.dma_semaphore, #tpu.memory_space<semaphore_mem>>) src(%arg9 : memref<128xf32, #tpu.memory_space<vmem>>) dst(%dma_wait3A_321 : memref<10240xf32, #tpu.memory_space<vmem_shared>>)
    %dma_wait3A_322 = arith.constant 1 : i32
    %dma_wait3A_323 = arith.constant 0 : i32
    %dma_wait3A_324 = arith.constant 0 : i32
    %dma_wait3A_325 = arith.constant 0 : i32
    %dma_wait3A_326 = tpu.memref_slice %arg8[%dma_wait3A_322, %dma_wait3A_324, %dma_wait3A_325] : memref<4x8x128xi32, #tpu.memory_space<vmem>> -> memref<1x8x128xi32, #tpu.memory_space<vmem>>
    %dma_wait3A_327 = tpu.memref_squeeze %dma_wait3A_326 : memref<1x8x128xi32, #tpu.memory_space<vmem>> -> memref<8x128xi32, #tpu.memory_space<vmem>>
    %dma_wait3A_328 = arith.constant 0 : i32
    %dma_wait3A_329 = tpu.memref_slice %dma_wait3A_327[%dma_wait3A_323, %dma_wait3A_328] : memref<8x128xi32, #tpu.memory_space<vmem>> -> memref<1x128xi32, #tpu.memory_space<vmem>>
    %dma_wait3A_330 = tpu.memref_squeeze %dma_wait3A_329 : memref<1x128xi32, #tpu.memory_space<vmem>> -> memref<128xi32, #tpu.memory_space<vmem>>
    %dma_wait3A_331 = arith.constant 0 : i32
    %dma_wait3A_332 = tpu.memref_slice %arg15[%dma_wait3A_331] : memref<10240xf32, #tpu.memory_space<vmem_shared>> -> memref<10240xf32, #tpu.memory_space<vmem_shared>>
    tpu.wait_indirect_dma semaphore(%arg13 : memref<!tpu.dma_semaphore, #tpu.memory_space<semaphore_mem>>) src(%arg9 : memref<128xf32, #tpu.memory_space<vmem>>) dst(%dma_wait3A_332 : memref<10240xf32, #tpu.memory_space<vmem_shared>>)
    %dma_wait3A_333 = arith.constant 1 : i32
    %dma_wait3A_334 = arith.constant 1 : i32
    %dma_wait3A_335 = arith.constant 0 : i32
    %dma_wait3A_336 = arith.constant 0 : i32
    %dma_wait3A_337 = tpu.memref_slice %arg8[%dma_wait3A_333, %dma_wait3A_335, %dma_wait3A_336] : memref<4x8x128xi32, #tpu.memory_space<vmem>> -> memref<1x8x128xi32, #tpu.memory_space<vmem>>
    %dma_wait3A_338 = tpu.memref_squeeze %dma_wait3A_337 : memref<1x8x128xi32, #tpu.memory_space<vmem>> -> memref<8x128xi32, #tpu.memory_space<vmem>>
    %dma_wait3A_339 = arith.constant 0 : i32
    %dma_wait3A_340 = tpu.memref_slice %dma_wait3A_338[%dma_wait3A_334, %dma_wait3A_339] : memref<8x128xi32, #tpu.memory_space<vmem>> -> memref<1x128xi32, #tpu.memory_space<vmem>>
    %dma_wait3A_341 = tpu.memref_squeeze %dma_wait3A_340 : memref<1x128xi32, #tpu.memory_space<vmem>> -> memref<128xi32, #tpu.memory_space<vmem>>
    %dma_wait3A_342 = arith.constant 0 : i32
    %dma_wait3A_343 = tpu.memref_slice %arg15[%dma_wait3A_342] : memref<10240xf32, #tpu.memory_space<vmem_shared>> -> memref<10240xf32, #tpu.memory_space<vmem_shared>>
    tpu.wait_indirect_dma semaphore(%arg13 : memref<!tpu.dma_semaphore, #tpu.memory_space<semaphore_mem>>) src(%arg9 : memref<128xf32, #tpu.memory_space<vmem>>) dst(%dma_wait3A_343 : memref<10240xf32, #tpu.memory_space<vmem_shared>>)
    %dma_wait3A_344 = arith.constant 1 : i32
    %dma_wait3A_345 = arith.constant 2 : i32
    %dma_wait3A_346 = arith.constant 0 : i32
    %dma_wait3A_347 = arith.constant 0 : i32
    %dma_wait3A_348 = tpu.memref_slice %arg8[%dma_wait3A_344, %dma_wait3A_346, %dma_wait3A_347] : memref<4x8x128xi32, #tpu.memory_space<vmem>> -> memref<1x8x128xi32, #tpu.memory_space<vmem>>
    %dma_wait3A_349 = tpu.memref_squeeze %dma_wait3A_348 : memref<1x8x128xi32, #tpu.memory_space<vmem>> -> memref<8x128xi32, #tpu.memory_space<vmem>>
    %dma_wait3A_350 = arith.constant 0 : i32
    %dma_wait3A_351 = tpu.memref_slice %dma_wait3A_349[%dma_wait3A_345, %dma_wait3A_350] : memref<8x128xi32, #tpu.memory_space<vmem>> -> memref<1x128xi32, #tpu.memory_space<vmem>>
    %dma_wait3A_352 = tpu.memref_squeeze %dma_wait3A_351 : memref<1x128xi32, #tpu.memory_space<vmem>> -> memref<128xi32, #tpu.memory_space<vmem>>
    %dma_wait3A_353 = arith.constant 0 : i32
    %dma_wait3A_354 = tpu.memref_slice %arg15[%dma_wait3A_353] : memref<10240xf32, #tpu.memory_space<vmem_shared>> -> memref<10240xf32, #tpu.memory_space<vmem_shared>>
    tpu.wait_indirect_dma semaphore(%arg13 : memref<!tpu.dma_semaphore, #tpu.memory_space<semaphore_mem>>) src(%arg9 : memref<128xf32, #tpu.memory_space<vmem>>) dst(%dma_wait3A_354 : memref<10240xf32, #tpu.memory_space<vmem_shared>>)
    %dma_wait3A_355 = arith.constant 1 : i32
    %dma_wait3A_356 = arith.constant 3 : i32
    %dma_wait3A_357 = arith.constant 0 : i32
    %dma_wait3A_358 = arith.constant 0 : i32
    %dma_wait3A_359 = tpu.memref_slice %arg8[%dma_wait3A_355, %dma_wait3A_357, %dma_wait3A_358] : memref<4x8x128xi32, #tpu.memory_space<vmem>> -> memref<1x8x128xi32, #tpu.memory_space<vmem>>
    %dma_wait3A_360 = tpu.memref_squeeze %dma_wait3A_359 : memref<1x8x128xi32, #tpu.memory_space<vmem>> -> memref<8x128xi32, #tpu.memory_space<vmem>>
    %dma_wait3A_361 = arith.constant 0 : i32
    %dma_wait3A_362 = tpu.memref_slice %dma_wait3A_360[%dma_wait3A_356, %dma_wait3A_361] : memref<8x128xi32, #tpu.memory_space<vmem>> -> memref<1x128xi32, #tpu.memory_space<vmem>>
    %dma_wait3A_363 = tpu.memref_squeeze %dma_wait3A_362 : memref<1x128xi32, #tpu.memory_space<vmem>> -> memref<128xi32, #tpu.memory_space<vmem>>
    %dma_wait3A_364 = arith.constant 0 : i32
    %dma_wait3A_365 = tpu.memref_slice %arg15[%dma_wait3A_364] : memref<10240xf32, #tpu.memory_space<vmem_shared>> -> memref<10240xf32, #tpu.memory_space<vmem_shared>>
    tpu.wait_indirect_dma semaphore(%arg13 : memref<!tpu.dma_semaphore, #tpu.memory_space<semaphore_mem>>) src(%arg9 : memref<128xf32, #tpu.memory_space<vmem>>) dst(%dma_wait3A_365 : memref<10240xf32, #tpu.memory_space<vmem_shared>>)
    %dma_wait3A_366 = arith.constant 1 : i32
    %dma_wait3A_367 = arith.constant 4 : i32
    %dma_wait3A_368 = arith.constant 0 : i32
    %dma_wait3A_369 = arith.constant 0 : i32
    %dma_wait3A_370 = tpu.memref_slice %arg8[%dma_wait3A_366, %dma_wait3A_368, %dma_wait3A_369] : memref<4x8x128xi32, #tpu.memory_space<vmem>> -> memref<1x8x128xi32, #tpu.memory_space<vmem>>
    %dma_wait3A_371 = tpu.memref_squeeze %dma_wait3A_370 : memref<1x8x128xi32, #tpu.memory_space<vmem>> -> memref<8x128xi32, #tpu.memory_space<vmem>>
    %dma_wait3A_372 = arith.constant 0 : i32
    %dma_wait3A_373 = tpu.memref_slice %dma_wait3A_371[%dma_wait3A_367, %dma_wait3A_372] : memref<8x128xi32, #tpu.memory_space<vmem>> -> memref<1x128xi32, #tpu.memory_space<vmem>>
    %dma_wait3A_374 = tpu.memref_squeeze %dma_wait3A_373 : memref<1x128xi32, #tpu.memory_space<vmem>> -> memref<128xi32, #tpu.memory_space<vmem>>
    %dma_wait3A_375 = arith.constant 0 : i32
    %dma_wait3A_376 = tpu.memref_slice %arg15[%dma_wait3A_375] : memref<10240xf32, #tpu.memory_space<vmem_shared>> -> memref<10240xf32, #tpu.memory_space<vmem_shared>>
    tpu.wait_indirect_dma semaphore(%arg13 : memref<!tpu.dma_semaphore, #tpu.memory_space<semaphore_mem>>) src(%arg9 : memref<128xf32, #tpu.memory_space<vmem>>) dst(%dma_wait3A_376 : memref<10240xf32, #tpu.memory_space<vmem_shared>>)
    %dma_wait3A_377 = arith.constant 1 : i32
    %dma_wait3A_378 = arith.constant 5 : i32
    %dma_wait3A_379 = arith.constant 0 : i32
    %dma_wait3A_380 = arith.constant 0 : i32
    %dma_wait3A_381 = tpu.memref_slice %arg8[%dma_wait3A_377, %dma_wait3A_379, %dma_wait3A_380] : memref<4x8x128xi32, #tpu.memory_space<vmem>> -> memref<1x8x128xi32, #tpu.memory_space<vmem>>
    %dma_wait3A_382 = tpu.memref_squeeze %dma_wait3A_381 : memref<1x8x128xi32, #tpu.memory_space<vmem>> -> memref<8x128xi32, #tpu.memory_space<vmem>>
    %dma_wait3A_383 = arith.constant 0 : i32
    %dma_wait3A_384 = tpu.memref_slice %dma_wait3A_382[%dma_wait3A_378, %dma_wait3A_383] : memref<8x128xi32, #tpu.memory_space<vmem>> -> memref<1x128xi32, #tpu.memory_space<vmem>>
    %dma_wait3A_385 = tpu.memref_squeeze %dma_wait3A_384 : memref<1x128xi32, #tpu.memory_space<vmem>> -> memref<128xi32, #tpu.memory_space<vmem>>
    %dma_wait3A_386 = arith.constant 0 : i32
    %dma_wait3A_387 = tpu.memref_slice %arg15[%dma_wait3A_386] : memref<10240xf32, #tpu.memory_space<vmem_shared>> -> memref<10240xf32, #tpu.memory_space<vmem_shared>>
    tpu.wait_indirect_dma semaphore(%arg13 : memref<!tpu.dma_semaphore, #tpu.memory_space<semaphore_mem>>) src(%arg9 : memref<128xf32, #tpu.memory_space<vmem>>) dst(%dma_wait3A_387 : memref<10240xf32, #tpu.memory_space<vmem_shared>>)
    %dma_wait3A_388 = arith.constant 1 : i32
    %dma_wait3A_389 = arith.constant 6 : i32
    %dma_wait3A_390 = arith.constant 0 : i32
    %dma_wait3A_391 = arith.constant 0 : i32
    %dma_wait3A_392 = tpu.memref_slice %arg8[%dma_wait3A_388, %dma_wait3A_390, %dma_wait3A_391] : memref<4x8x128xi32, #tpu.memory_space<vmem>> -> memref<1x8x128xi32, #tpu.memory_space<vmem>>
    %dma_wait3A_393 = tpu.memref_squeeze %dma_wait3A_392 : memref<1x8x128xi32, #tpu.memory_space<vmem>> -> memref<8x128xi32, #tpu.memory_space<vmem>>
    %dma_wait3A_394 = arith.constant 0 : i32
    %dma_wait3A_395 = tpu.memref_slice %dma_wait3A_393[%dma_wait3A_389, %dma_wait3A_394] : memref<8x128xi32, #tpu.memory_space<vmem>> -> memref<1x128xi32, #tpu.memory_space<vmem>>
    %dma_wait3A_396 = tpu.memref_squeeze %dma_wait3A_395 : memref<1x128xi32, #tpu.memory_space<vmem>> -> memref<128xi32, #tpu.memory_space<vmem>>
    %dma_wait3A_397 = arith.constant 0 : i32
    %dma_wait3A_398 = tpu.memref_slice %arg15[%dma_wait3A_397] : memref<10240xf32, #tpu.memory_space<vmem_shared>> -> memref<10240xf32, #tpu.memory_space<vmem_shared>>
    tpu.wait_indirect_dma semaphore(%arg13 : memref<!tpu.dma_semaphore, #tpu.memory_space<semaphore_mem>>) src(%arg9 : memref<128xf32, #tpu.memory_space<vmem>>) dst(%dma_wait3A_398 : memref<10240xf32, #tpu.memory_space<vmem_shared>>)
    %dma_wait3A_399 = arith.constant 1 : i32
    %dma_wait3A_400 = arith.constant 7 : i32
    %dma_wait3A_401 = arith.constant 0 : i32
    %dma_wait3A_402 = arith.constant 0 : i32
    %dma_wait3A_403 = tpu.memref_slice %arg8[%dma_wait3A_399, %dma_wait3A_401, %dma_wait3A_402] : memref<4x8x128xi32, #tpu.memory_space<vmem>> -> memref<1x8x128xi32, #tpu.memory_space<vmem>>
    %dma_wait3A_404 = tpu.memref_squeeze %dma_wait3A_403 : memref<1x8x128xi32, #tpu.memory_space<vmem>> -> memref<8x128xi32, #tpu.memory_space<vmem>>
    %dma_wait3A_405 = arith.constant 0 : i32
    %dma_wait3A_406 = tpu.memref_slice %dma_wait3A_404[%dma_wait3A_400, %dma_wait3A_405] : memref<8x128xi32, #tpu.memory_space<vmem>> -> memref<1x128xi32, #tpu.memory_space<vmem>>
    %dma_wait3A_407 = tpu.memref_squeeze %dma_wait3A_406 : memref<1x128xi32, #tpu.memory_space<vmem>> -> memref<128xi32, #tpu.memory_space<vmem>>
    %dma_wait3A_408 = arith.constant 0 : i32
    %dma_wait3A_409 = tpu.memref_slice %arg15[%dma_wait3A_408] : memref<10240xf32, #tpu.memory_space<vmem_shared>> -> memref<10240xf32, #tpu.memory_space<vmem_shared>>
    tpu.wait_indirect_dma semaphore(%arg13 : memref<!tpu.dma_semaphore, #tpu.memory_space<semaphore_mem>>) src(%arg9 : memref<128xf32, #tpu.memory_space<vmem>>) dst(%dma_wait3A_409 : memref<10240xf32, #tpu.memory_space<vmem_shared>>)
    %dma_wait3A_410 = arith.constant 2 : i32
    %dma_wait3A_411 = arith.constant 0 : i32
    %dma_wait3A_412 = arith.constant 0 : i32
    %dma_wait3A_413 = arith.constant 0 : i32
    %dma_wait3A_414 = tpu.memref_slice %arg8[%dma_wait3A_410, %dma_wait3A_412, %dma_wait3A_413] : memref<4x8x128xi32, #tpu.memory_space<vmem>> -> memref<1x8x128xi32, #tpu.memory_space<vmem>>
    %dma_wait3A_415 = tpu.memref_squeeze %dma_wait3A_414 : memref<1x8x128xi32, #tpu.memory_space<vmem>> -> memref<8x128xi32, #tpu.memory_space<vmem>>
    %dma_wait3A_416 = arith.constant 0 : i32
    %dma_wait3A_417 = tpu.memref_slice %dma_wait3A_415[%dma_wait3A_411, %dma_wait3A_416] : memref<8x128xi32, #tpu.memory_space<vmem>> -> memref<1x128xi32, #tpu.memory_space<vmem>>
    %dma_wait3A_418 = tpu.memref_squeeze %dma_wait3A_417 : memref<1x128xi32, #tpu.memory_space<vmem>> -> memref<128xi32, #tpu.memory_space<vmem>>
    %dma_wait3A_419 = arith.constant 0 : i32
    %dma_wait3A_420 = tpu.memref_slice %arg15[%dma_wait3A_419] : memref<10240xf32, #tpu.memory_space<vmem_shared>> -> memref<10240xf32, #tpu.memory_space<vmem_shared>>
    tpu.wait_indirect_dma semaphore(%arg13 : memref<!tpu.dma_semaphore, #tpu.memory_space<semaphore_mem>>) src(%arg9 : memref<128xf32, #tpu.memory_space<vmem>>) dst(%dma_wait3A_420 : memref<10240xf32, #tpu.memory_space<vmem_shared>>)
    %dma_wait3A_421 = arith.constant 2 : i32
    %dma_wait3A_422 = arith.constant 1 : i32
    %dma_wait3A_423 = arith.constant 0 : i32
    %dma_wait3A_424 = arith.constant 0 : i32
    %dma_wait3A_425 = tpu.memref_slice %arg8[%dma_wait3A_421, %dma_wait3A_423, %dma_wait3A_424] : memref<4x8x128xi32, #tpu.memory_space<vmem>> -> memref<1x8x128xi32, #tpu.memory_space<vmem>>
    %dma_wait3A_426 = tpu.memref_squeeze %dma_wait3A_425 : memref<1x8x128xi32, #tpu.memory_space<vmem>> -> memref<8x128xi32, #tpu.memory_space<vmem>>
    %dma_wait3A_427 = arith.constant 0 : i32
    %dma_wait3A_428 = tpu.memref_slice %dma_wait3A_426[%dma_wait3A_422, %dma_wait3A_427] : memref<8x128xi32, #tpu.memory_space<vmem>> -> memref<1x128xi32, #tpu.memory_space<vmem>>
    %dma_wait3A_429 = tpu.memref_squeeze %dma_wait3A_428 : memref<1x128xi32, #tpu.memory_space<vmem>> -> memref<128xi32, #tpu.memory_space<vmem>>
    %dma_wait3A_430 = arith.constant 0 : i32
    %dma_wait3A_431 = tpu.memref_slice %arg15[%dma_wait3A_430] : memref<10240xf32, #tpu.memory_space<vmem_shared>> -> memref<10240xf32, #tpu.memory_space<vmem_shared>>
    tpu.wait_indirect_dma semaphore(%arg13 : memref<!tpu.dma_semaphore, #tpu.memory_space<semaphore_mem>>) src(%arg9 : memref<128xf32, #tpu.memory_space<vmem>>) dst(%dma_wait3A_431 : memref<10240xf32, #tpu.memory_space<vmem_shared>>)
    %dma_wait3A_432 = arith.constant 2 : i32
    %dma_wait3A_433 = arith.constant 2 : i32
    %dma_wait3A_434 = arith.constant 0 : i32
    %dma_wait3A_435 = arith.constant 0 : i32
    %dma_wait3A_436 = tpu.memref_slice %arg8[%dma_wait3A_432, %dma_wait3A_434, %dma_wait3A_435] : memref<4x8x128xi32, #tpu.memory_space<vmem>> -> memref<1x8x128xi32, #tpu.memory_space<vmem>>
    %dma_wait3A_437 = tpu.memref_squeeze %dma_wait3A_436 : memref<1x8x128xi32, #tpu.memory_space<vmem>> -> memref<8x128xi32, #tpu.memory_space<vmem>>
    %dma_wait3A_438 = arith.constant 0 : i32
    %dma_wait3A_439 = tpu.memref_slice %dma_wait3A_437[%dma_wait3A_433, %dma_wait3A_438] : memref<8x128xi32, #tpu.memory_space<vmem>> -> memref<1x128xi32, #tpu.memory_space<vmem>>
    %dma_wait3A_440 = tpu.memref_squeeze %dma_wait3A_439 : memref<1x128xi32, #tpu.memory_space<vmem>> -> memref<128xi32, #tpu.memory_space<vmem>>
    %dma_wait3A_441 = arith.constant 0 : i32
    %dma_wait3A_442 = tpu.memref_slice %arg15[%dma_wait3A_441] : memref<10240xf32, #tpu.memory_space<vmem_shared>> -> memref<10240xf32, #tpu.memory_space<vmem_shared>>
    tpu.wait_indirect_dma semaphore(%arg13 : memref<!tpu.dma_semaphore, #tpu.memory_space<semaphore_mem>>) src(%arg9 : memref<128xf32, #tpu.memory_space<vmem>>) dst(%dma_wait3A_442 : memref<10240xf32, #tpu.memory_space<vmem_shared>>)
    %dma_wait3A_443 = arith.constant 2 : i32
    %dma_wait3A_444 = arith.constant 3 : i32
    %dma_wait3A_445 = arith.constant 0 : i32
    %dma_wait3A_446 = arith.constant 0 : i32
    %dma_wait3A_447 = tpu.memref_slice %arg8[%dma_wait3A_443, %dma_wait3A_445, %dma_wait3A_446] : memref<4x8x128xi32, #tpu.memory_space<vmem>> -> memref<1x8x128xi32, #tpu.memory_space<vmem>>
    %dma_wait3A_448 = tpu.memref_squeeze %dma_wait3A_447 : memref<1x8x128xi32, #tpu.memory_space<vmem>> -> memref<8x128xi32, #tpu.memory_space<vmem>>
    %dma_wait3A_449 = arith.constant 0 : i32
    %dma_wait3A_450 = tpu.memref_slice %dma_wait3A_448[%dma_wait3A_444, %dma_wait3A_449] : memref<8x128xi32, #tpu.memory_space<vmem>> -> memref<1x128xi32, #tpu.memory_space<vmem>>
    %dma_wait3A_451 = tpu.memref_squeeze %dma_wait3A_450 : memref<1x128xi32, #tpu.memory_space<vmem>> -> memref<128xi32, #tpu.memory_space<vmem>>
    %dma_wait3A_452 = arith.constant 0 : i32
    %dma_wait3A_453 = tpu.memref_slice %arg15[%dma_wait3A_452] : memref<10240xf32, #tpu.memory_space<vmem_shared>> -> memref<10240xf32, #tpu.memory_space<vmem_shared>>
    tpu.wait_indirect_dma semaphore(%arg13 : memref<!tpu.dma_semaphore, #tpu.memory_space<semaphore_mem>>) src(%arg9 : memref<128xf32, #tpu.memory_space<vmem>>) dst(%dma_wait3A_453 : memref<10240xf32, #tpu.memory_space<vmem_shared>>)
    %dma_wait3A_454 = arith.constant 2 : i32
    %dma_wait3A_455 = arith.constant 4 : i32
    %dma_wait3A_456 = arith.constant 0 : i32
    %dma_wait3A_457 = arith.constant 0 : i32
    %dma_wait3A_458 = tpu.memref_slice %arg8[%dma_wait3A_454, %dma_wait3A_456, %dma_wait3A_457] : memref<4x8x128xi32, #tpu.memory_space<vmem>> -> memref<1x8x128xi32, #tpu.memory_space<vmem>>
    %dma_wait3A_459 = tpu.memref_squeeze %dma_wait3A_458 : memref<1x8x128xi32, #tpu.memory_space<vmem>> -> memref<8x128xi32, #tpu.memory_space<vmem>>
    %dma_wait3A_460 = arith.constant 0 : i32
    %dma_wait3A_461 = tpu.memref_slice %dma_wait3A_459[%dma_wait3A_455, %dma_wait3A_460] : memref<8x128xi32, #tpu.memory_space<vmem>> -> memref<1x128xi32, #tpu.memory_space<vmem>>
    %dma_wait3A_462 = tpu.memref_squeeze %dma_wait3A_461 : memref<1x128xi32, #tpu.memory_space<vmem>> -> memref<128xi32, #tpu.memory_space<vmem>>
    %dma_wait3A_463 = arith.constant 0 : i32
    %dma_wait3A_464 = tpu.memref_slice %arg15[%dma_wait3A_463] : memref<10240xf32, #tpu.memory_space<vmem_shared>> -> memref<10240xf32, #tpu.memory_space<vmem_shared>>
    tpu.wait_indirect_dma semaphore(%arg13 : memref<!tpu.dma_semaphore, #tpu.memory_space<semaphore_mem>>) src(%arg9 : memref<128xf32, #tpu.memory_space<vmem>>) dst(%dma_wait3A_464 : memref<10240xf32, #tpu.memory_space<vmem_shared>>)
    %dma_wait3A_465 = arith.constant 2 : i32
    %dma_wait3A_466 = arith.constant 5 : i32
    %dma_wait3A_467 = arith.constant 0 : i32
    %dma_wait3A_468 = arith.constant 0 : i32
    %dma_wait3A_469 = tpu.memref_slice %arg8[%dma_wait3A_465, %dma_wait3A_467, %dma_wait3A_468] : memref<4x8x128xi32, #tpu.memory_space<vmem>> -> memref<1x8x128xi32, #tpu.memory_space<vmem>>
    %dma_wait3A_470 = tpu.memref_squeeze %dma_wait3A_469 : memref<1x8x128xi32, #tpu.memory_space<vmem>> -> memref<8x128xi32, #tpu.memory_space<vmem>>
    %dma_wait3A_471 = arith.constant 0 : i32
    %dma_wait3A_472 = tpu.memref_slice %dma_wait3A_470[%dma_wait3A_466, %dma_wait3A_471] : memref<8x128xi32, #tpu.memory_space<vmem>> -> memref<1x128xi32, #tpu.memory_space<vmem>>
    %dma_wait3A_473 = tpu.memref_squeeze %dma_wait3A_472 : memref<1x128xi32, #tpu.memory_space<vmem>> -> memref<128xi32, #tpu.memory_space<vmem>>
    %dma_wait3A_474 = arith.constant 0 : i32
    %dma_wait3A_475 = tpu.memref_slice %arg15[%dma_wait3A_474] : memref<10240xf32, #tpu.memory_space<vmem_shared>> -> memref<10240xf32, #tpu.memory_space<vmem_shared>>
    tpu.wait_indirect_dma semaphore(%arg13 : memref<!tpu.dma_semaphore, #tpu.memory_space<semaphore_mem>>) src(%arg9 : memref<128xf32, #tpu.memory_space<vmem>>) dst(%dma_wait3A_475 : memref<10240xf32, #tpu.memory_space<vmem_shared>>)
    %dma_wait3A_476 = arith.constant 2 : i32
    %dma_wait3A_477 = arith.constant 6 : i32
    %dma_wait3A_478 = arith.constant 0 : i32
    %dma_wait3A_479 = arith.constant 0 : i32
    %dma_wait3A_480 = tpu.memref_slice %arg8[%dma_wait3A_476, %dma_wait3A_478, %dma_wait3A_479] : memref<4x8x128xi32, #tpu.memory_space<vmem>> -> memref<1x8x128xi32, #tpu.memory_space<vmem>>
    %dma_wait3A_481 = tpu.memref_squeeze %dma_wait3A_480 : memref<1x8x128xi32, #tpu.memory_space<vmem>> -> memref<8x128xi32, #tpu.memory_space<vmem>>
    %dma_wait3A_482 = arith.constant 0 : i32
    %dma_wait3A_483 = tpu.memref_slice %dma_wait3A_481[%dma_wait3A_477, %dma_wait3A_482] : memref<8x128xi32, #tpu.memory_space<vmem>> -> memref<1x128xi32, #tpu.memory_space<vmem>>
    %dma_wait3A_484 = tpu.memref_squeeze %dma_wait3A_483 : memref<1x128xi32, #tpu.memory_space<vmem>> -> memref<128xi32, #tpu.memory_space<vmem>>
    %dma_wait3A_485 = arith.constant 0 : i32
    %dma_wait3A_486 = tpu.memref_slice %arg15[%dma_wait3A_485] : memref<10240xf32, #tpu.memory_space<vmem_shared>> -> memref<10240xf32, #tpu.memory_space<vmem_shared>>
    tpu.wait_indirect_dma semaphore(%arg13 : memref<!tpu.dma_semaphore, #tpu.memory_space<semaphore_mem>>) src(%arg9 : memref<128xf32, #tpu.memory_space<vmem>>) dst(%dma_wait3A_486 : memref<10240xf32, #tpu.memory_space<vmem_shared>>)
    %dma_wait3A_487 = arith.constant 2 : i32
    %dma_wait3A_488 = arith.constant 7 : i32
    %dma_wait3A_489 = arith.constant 0 : i32
    %dma_wait3A_490 = arith.constant 0 : i32
    %dma_wait3A_491 = tpu.memref_slice %arg8[%dma_wait3A_487, %dma_wait3A_489, %dma_wait3A_490] : memref<4x8x128xi32, #tpu.memory_space<vmem>> -> memref<1x8x128xi32, #tpu.memory_space<vmem>>
    %dma_wait3A_492 = tpu.memref_squeeze %dma_wait3A_491 : memref<1x8x128xi32, #tpu.memory_space<vmem>> -> memref<8x128xi32, #tpu.memory_space<vmem>>
    %dma_wait3A_493 = arith.constant 0 : i32
    %dma_wait3A_494 = tpu.memref_slice %dma_wait3A_492[%dma_wait3A_488, %dma_wait3A_493] : memref<8x128xi32, #tpu.memory_space<vmem>> -> memref<1x128xi32, #tpu.memory_space<vmem>>
    %dma_wait3A_495 = tpu.memref_squeeze %dma_wait3A_494 : memref<1x128xi32, #tpu.memory_space<vmem>> -> memref<128xi32, #tpu.memory_space<vmem>>
    %dma_wait3A_496 = arith.constant 0 : i32
    %dma_wait3A_497 = tpu.memref_slice %arg15[%dma_wait3A_496] : memref<10240xf32, #tpu.memory_space<vmem_shared>> -> memref<10240xf32, #tpu.memory_space<vmem_shared>>
    tpu.wait_indirect_dma semaphore(%arg13 : memref<!tpu.dma_semaphore, #tpu.memory_space<semaphore_mem>>) src(%arg9 : memref<128xf32, #tpu.memory_space<vmem>>) dst(%dma_wait3A_497 : memref<10240xf32, #tpu.memory_space<vmem_shared>>)
    %dma_wait3A_498 = arith.constant 3 : i32
    %dma_wait3A_499 = arith.constant 0 : i32
    %dma_wait3A_500 = arith.constant 0 : i32
    %dma_wait3A_501 = arith.constant 0 : i32
    %dma_wait3A_502 = tpu.memref_slice %arg8[%dma_wait3A_498, %dma_wait3A_500, %dma_wait3A_501] : memref<4x8x128xi32, #tpu.memory_space<vmem>> -> memref<1x8x128xi32, #tpu.memory_space<vmem>>
    %dma_wait3A_503 = tpu.memref_squeeze %dma_wait3A_502 : memref<1x8x128xi32, #tpu.memory_space<vmem>> -> memref<8x128xi32, #tpu.memory_space<vmem>>
    %dma_wait3A_504 = arith.constant 0 : i32
    %dma_wait3A_505 = tpu.memref_slice %dma_wait3A_503[%dma_wait3A_499, %dma_wait3A_504] : memref<8x128xi32, #tpu.memory_space<vmem>> -> memref<1x128xi32, #tpu.memory_space<vmem>>
    %dma_wait3A_506 = tpu.memref_squeeze %dma_wait3A_505 : memref<1x128xi32, #tpu.memory_space<vmem>> -> memref<128xi32, #tpu.memory_space<vmem>>
    %dma_wait3A_507 = arith.constant 0 : i32
    %dma_wait3A_508 = tpu.memref_slice %arg15[%dma_wait3A_507] : memref<10240xf32, #tpu.memory_space<vmem_shared>> -> memref<10240xf32, #tpu.memory_space<vmem_shared>>
    tpu.wait_indirect_dma semaphore(%arg13 : memref<!tpu.dma_semaphore, #tpu.memory_space<semaphore_mem>>) src(%arg9 : memref<128xf32, #tpu.memory_space<vmem>>) dst(%dma_wait3A_508 : memref<10240xf32, #tpu.memory_space<vmem_shared>>)
    %dma_wait3A_509 = arith.constant 3 : i32
    %dma_wait3A_510 = arith.constant 1 : i32
    %dma_wait3A_511 = arith.constant 0 : i32
    %dma_wait3A_512 = arith.constant 0 : i32
    %dma_wait3A_513 = tpu.memref_slice %arg8[%dma_wait3A_509, %dma_wait3A_511, %dma_wait3A_512] : memref<4x8x128xi32, #tpu.memory_space<vmem>> -> memref<1x8x128xi32, #tpu.memory_space<vmem>>
    %dma_wait3A_514 = tpu.memref_squeeze %dma_wait3A_513 : memref<1x8x128xi32, #tpu.memory_space<vmem>> -> memref<8x128xi32, #tpu.memory_space<vmem>>
    %dma_wait3A_515 = arith.constant 0 : i32
    %dma_wait3A_516 = tpu.memref_slice %dma_wait3A_514[%dma_wait3A_510, %dma_wait3A_515] : memref<8x128xi32, #tpu.memory_space<vmem>> -> memref<1x128xi32, #tpu.memory_space<vmem>>
    %dma_wait3A_517 = tpu.memref_squeeze %dma_wait3A_516 : memref<1x128xi32, #tpu.memory_space<vmem>> -> memref<128xi32, #tpu.memory_space<vmem>>
    %dma_wait3A_518 = arith.constant 0 : i32
    %dma_wait3A_519 = tpu.memref_slice %arg15[%dma_wait3A_518] : memref<10240xf32, #tpu.memory_space<vmem_shared>> -> memref<10240xf32, #tpu.memory_space<vmem_shared>>
    tpu.wait_indirect_dma semaphore(%arg13 : memref<!tpu.dma_semaphore, #tpu.memory_space<semaphore_mem>>) src(%arg9 : memref<128xf32, #tpu.memory_space<vmem>>) dst(%dma_wait3A_519 : memref<10240xf32, #tpu.memory_space<vmem_shared>>)
    %dma_wait3A_520 = arith.constant 3 : i32
    %dma_wait3A_521 = arith.constant 2 : i32
    %dma_wait3A_522 = arith.constant 0 : i32
    %dma_wait3A_523 = arith.constant 0 : i32
    %dma_wait3A_524 = tpu.memref_slice %arg8[%dma_wait3A_520, %dma_wait3A_522, %dma_wait3A_523] : memref<4x8x128xi32, #tpu.memory_space<vmem>> -> memref<1x8x128xi32, #tpu.memory_space<vmem>>
    %dma_wait3A_525 = tpu.memref_squeeze %dma_wait3A_524 : memref<1x8x128xi32, #tpu.memory_space<vmem>> -> memref<8x128xi32, #tpu.memory_space<vmem>>
    %dma_wait3A_526 = arith.constant 0 : i32
    %dma_wait3A_527 = tpu.memref_slice %dma_wait3A_525[%dma_wait3A_521, %dma_wait3A_526] : memref<8x128xi32, #tpu.memory_space<vmem>> -> memref<1x128xi32, #tpu.memory_space<vmem>>
    %dma_wait3A_528 = tpu.memref_squeeze %dma_wait3A_527 : memref<1x128xi32, #tpu.memory_space<vmem>> -> memref<128xi32, #tpu.memory_space<vmem>>
    %dma_wait3A_529 = arith.constant 0 : i32
    %dma_wait3A_530 = tpu.memref_slice %arg15[%dma_wait3A_529] : memref<10240xf32, #tpu.memory_space<vmem_shared>> -> memref<10240xf32, #tpu.memory_space<vmem_shared>>
    tpu.wait_indirect_dma semaphore(%arg13 : memref<!tpu.dma_semaphore, #tpu.memory_space<semaphore_mem>>) src(%arg9 : memref<128xf32, #tpu.memory_space<vmem>>) dst(%dma_wait3A_530 : memref<10240xf32, #tpu.memory_space<vmem_shared>>)
    %dma_wait3A_531 = arith.constant 3 : i32
    %dma_wait3A_532 = arith.constant 3 : i32
    %dma_wait3A_533 = arith.constant 0 : i32
    %dma_wait3A_534 = arith.constant 0 : i32
    %dma_wait3A_535 = tpu.memref_slice %arg8[%dma_wait3A_531, %dma_wait3A_533, %dma_wait3A_534] : memref<4x8x128xi32, #tpu.memory_space<vmem>> -> memref<1x8x128xi32, #tpu.memory_space<vmem>>
    %dma_wait3A_536 = tpu.memref_squeeze %dma_wait3A_535 : memref<1x8x128xi32, #tpu.memory_space<vmem>> -> memref<8x128xi32, #tpu.memory_space<vmem>>
    %dma_wait3A_537 = arith.constant 0 : i32
    %dma_wait3A_538 = tpu.memref_slice %dma_wait3A_536[%dma_wait3A_532, %dma_wait3A_537] : memref<8x128xi32, #tpu.memory_space<vmem>> -> memref<1x128xi32, #tpu.memory_space<vmem>>
    %dma_wait3A_539 = tpu.memref_squeeze %dma_wait3A_538 : memref<1x128xi32, #tpu.memory_space<vmem>> -> memref<128xi32, #tpu.memory_space<vmem>>
    %dma_wait3A_540 = arith.constant 0 : i32
    %dma_wait3A_541 = tpu.memref_slice %arg15[%dma_wait3A_540] : memref<10240xf32, #tpu.memory_space<vmem_shared>> -> memref<10240xf32, #tpu.memory_space<vmem_shared>>
    tpu.wait_indirect_dma semaphore(%arg13 : memref<!tpu.dma_semaphore, #tpu.memory_space<semaphore_mem>>) src(%arg9 : memref<128xf32, #tpu.memory_space<vmem>>) dst(%dma_wait3A_541 : memref<10240xf32, #tpu.memory_space<vmem_shared>>)
    %dma_wait3A_542 = arith.constant 3 : i32
    %dma_wait3A_543 = arith.constant 4 : i32
    %dma_wait3A_544 = arith.constant 0 : i32
    %dma_wait3A_545 = arith.constant 0 : i32
    %dma_wait3A_546 = tpu.memref_slice %arg8[%dma_wait3A_542, %dma_wait3A_544, %dma_wait3A_545] : memref<4x8x128xi32, #tpu.memory_space<vmem>> -> memref<1x8x128xi32, #tpu.memory_space<vmem>>
    %dma_wait3A_547 = tpu.memref_squeeze %dma_wait3A_546 : memref<1x8x128xi32, #tpu.memory_space<vmem>> -> memref<8x128xi32, #tpu.memory_space<vmem>>
    %dma_wait3A_548 = arith.constant 0 : i32
    %dma_wait3A_549 = tpu.memref_slice %dma_wait3A_547[%dma_wait3A_543, %dma_wait3A_548] : memref<8x128xi32, #tpu.memory_space<vmem>> -> memref<1x128xi32, #tpu.memory_space<vmem>>
    %dma_wait3A_550 = tpu.memref_squeeze %dma_wait3A_549 : memref<1x128xi32, #tpu.memory_space<vmem>> -> memref<128xi32, #tpu.memory_space<vmem>>
    %dma_wait3A_551 = arith.constant 0 : i32
    %dma_wait3A_552 = tpu.memref_slice %arg15[%dma_wait3A_551] : memref<10240xf32, #tpu.memory_space<vmem_shared>> -> memref<10240xf32, #tpu.memory_space<vmem_shared>>
    tpu.wait_indirect_dma semaphore(%arg13 : memref<!tpu.dma_semaphore, #tpu.memory_space<semaphore_mem>>) src(%arg9 : memref<128xf32, #tpu.memory_space<vmem>>) dst(%dma_wait3A_552 : memref<10240xf32, #tpu.memory_space<vmem_shared>>)
    %dma_wait3A_553 = arith.constant 3 : i32
    %dma_wait3A_554 = arith.constant 5 : i32
    %dma_wait3A_555 = arith.constant 0 : i32
    %dma_wait3A_556 = arith.constant 0 : i32
    %dma_wait3A_557 = tpu.memref_slice %arg8[%dma_wait3A_553, %dma_wait3A_555, %dma_wait3A_556] : memref<4x8x128xi32, #tpu.memory_space<vmem>> -> memref<1x8x128xi32, #tpu.memory_space<vmem>>
    %dma_wait3A_558 = tpu.memref_squeeze %dma_wait3A_557 : memref<1x8x128xi32, #tpu.memory_space<vmem>> -> memref<8x128xi32, #tpu.memory_space<vmem>>
    %dma_wait3A_559 = arith.constant 0 : i32
    %dma_wait3A_560 = tpu.memref_slice %dma_wait3A_558[%dma_wait3A_554, %dma_wait3A_559] : memref<8x128xi32, #tpu.memory_space<vmem>> -> memref<1x128xi32, #tpu.memory_space<vmem>>
    %dma_wait3A_561 = tpu.memref_squeeze %dma_wait3A_560 : memref<1x128xi32, #tpu.memory_space<vmem>> -> memref<128xi32, #tpu.memory_space<vmem>>
    %dma_wait3A_562 = arith.constant 0 : i32
    %dma_wait3A_563 = tpu.memref_slice %arg15[%dma_wait3A_562] : memref<10240xf32, #tpu.memory_space<vmem_shared>> -> memref<10240xf32, #tpu.memory_space<vmem_shared>>
    tpu.wait_indirect_dma semaphore(%arg13 : memref<!tpu.dma_semaphore, #tpu.memory_space<semaphore_mem>>) src(%arg9 : memref<128xf32, #tpu.memory_space<vmem>>) dst(%dma_wait3A_563 : memref<10240xf32, #tpu.memory_space<vmem_shared>>)
    %dma_wait3A_564 = arith.constant 3 : i32
    %dma_wait3A_565 = arith.constant 6 : i32
    %dma_wait3A_566 = arith.constant 0 : i32
    %dma_wait3A_567 = arith.constant 0 : i32
    %dma_wait3A_568 = tpu.memref_slice %arg8[%dma_wait3A_564, %dma_wait3A_566, %dma_wait3A_567] : memref<4x8x128xi32, #tpu.memory_space<vmem>> -> memref<1x8x128xi32, #tpu.memory_space<vmem>>
    %dma_wait3A_569 = tpu.memref_squeeze %dma_wait3A_568 : memref<1x8x128xi32, #tpu.memory_space<vmem>> -> memref<8x128xi32, #tpu.memory_space<vmem>>
    %dma_wait3A_570 = arith.constant 0 : i32
    %dma_wait3A_571 = tpu.memref_slice %dma_wait3A_569[%dma_wait3A_565, %dma_wait3A_570] : memref<8x128xi32, #tpu.memory_space<vmem>> -> memref<1x128xi32, #tpu.memory_space<vmem>>
    %dma_wait3A_572 = tpu.memref_squeeze %dma_wait3A_571 : memref<1x128xi32, #tpu.memory_space<vmem>> -> memref<128xi32, #tpu.memory_space<vmem>>
    %dma_wait3A_573 = arith.constant 0 : i32
    %dma_wait3A_574 = tpu.memref_slice %arg15[%dma_wait3A_573] : memref<10240xf32, #tpu.memory_space<vmem_shared>> -> memref<10240xf32, #tpu.memory_space<vmem_shared>>
    tpu.wait_indirect_dma semaphore(%arg13 : memref<!tpu.dma_semaphore, #tpu.memory_space<semaphore_mem>>) src(%arg9 : memref<128xf32, #tpu.memory_space<vmem>>) dst(%dma_wait3A_574 : memref<10240xf32, #tpu.memory_space<vmem_shared>>)
    %dma_wait3A_575 = arith.constant 3 : i32
    %dma_wait3A_576 = arith.constant 7 : i32
    %dma_wait3A_577 = arith.constant 0 : i32
    %dma_wait3A_578 = arith.constant 0 : i32
    %dma_wait3A_579 = tpu.memref_slice %arg8[%dma_wait3A_575, %dma_wait3A_577, %dma_wait3A_578] : memref<4x8x128xi32, #tpu.memory_space<vmem>> -> memref<1x8x128xi32, #tpu.memory_space<vmem>>
    %dma_wait3A_580 = tpu.memref_squeeze %dma_wait3A_579 : memref<1x8x128xi32, #tpu.memory_space<vmem>> -> memref<8x128xi32, #tpu.memory_space<vmem>>
    %dma_wait3A_581 = arith.constant 0 : i32
    %dma_wait3A_582 = tpu.memref_slice %dma_wait3A_580[%dma_wait3A_576, %dma_wait3A_581] : memref<8x128xi32, #tpu.memory_space<vmem>> -> memref<1x128xi32, #tpu.memory_space<vmem>>
    %dma_wait3A_583 = tpu.memref_squeeze %dma_wait3A_582 : memref<1x128xi32, #tpu.memory_space<vmem>> -> memref<128xi32, #tpu.memory_space<vmem>>
    %dma_wait3A_584 = arith.constant 0 : i32
    %dma_wait3A_585 = tpu.memref_slice %arg15[%dma_wait3A_584] : memref<10240xf32, #tpu.memory_space<vmem_shared>> -> memref<10240xf32, #tpu.memory_space<vmem_shared>>
    tpu.wait_indirect_dma semaphore(%arg13 : memref<!tpu.dma_semaphore, #tpu.memory_space<semaphore_mem>>) src(%arg9 : memref<128xf32, #tpu.memory_space<vmem>>) dst(%dma_wait3A_585 : memref<10240xf32, #tpu.memory_space<vmem_shared>>)
    %barrier3A_586 = arith.constant 0 : index
    tpu.barrier barrier_id(%barrier3A_586)
    "tpu.region"() ({
      %run_scoped3A = tpu.sem_alloc : memref<!tpu.dma_semaphore, #tpu.memory_space<semaphore_mem>>
      %dma_start3A_589 = arith.constant 0 : i32
      %dma_start3A_590 = arith.constant 0 : i32
      %dma_start3A_591 = tpu.memref_slice %arg4[%arg0, %dma_start3A_589, %dma_start3A_590] : memref<2x10240x128xf32, #tpu.memory_space<hbm>> -> memref<1x10240x128xf32, #tpu.memory_space<hbm>>
      %dma_start3A_592 = tpu.memref_squeeze %dma_start3A_591 : memref<1x10240x128xf32, #tpu.memory_space<hbm>> -> memref<10240x128xf32, #tpu.memory_space<hbm>>
      %dma_start3A_593 = arith.constant 0 : i32
      %dma_start3A_594 = tpu.memref_slice %dma_start3A_592[%mul3A_201, %dma_start3A_593] : memref<10240x128xf32, #tpu.memory_space<hbm>> -> memref<640x128xf32, #tpu.memory_space<hbm>>
      %dma_start3A_595 = arith.constant 0 : i32
      %dma_start3A_596 = tpu.memref_slice %arg14[%mul3A_201, %dma_start3A_595] : memref<10240x128xf32, #tpu.memory_space<vmem_shared>> -> memref<640x128xf32, #tpu.memory_space<vmem_shared>>
      tpu.enqueue_dma source(%dma_start3A_596 : memref<640x128xf32, #tpu.memory_space<vmem_shared>>) target(%dma_start3A_594 : memref<640x128xf32, #tpu.memory_space<hbm>>) target_semaphore(%run_scoped3A : memref<!tpu.dma_semaphore, #tpu.memory_space<semaphore_mem>>)
      %dma_wait3A_597 = arith.constant 0 : i32
      %dma_wait3A_598 = arith.constant 0 : i32
      %dma_wait3A_599 = tpu.memref_slice %arg4[%arg0, %dma_wait3A_597, %dma_wait3A_598] : memref<2x10240x128xf32, #tpu.memory_space<hbm>> -> memref<1x10240x128xf32, #tpu.memory_space<hbm>>
      %dma_wait3A_600 = tpu.memref_squeeze %dma_wait3A_599 : memref<1x10240x128xf32, #tpu.memory_space<hbm>> -> memref<10240x128xf32, #tpu.memory_space<hbm>>
      %dma_wait3A_601 = arith.constant 0 : i32
      %dma_wait3A_602 = tpu.memref_slice %dma_wait3A_600[%mul3A_201, %dma_wait3A_601] : memref<10240x128xf32, #tpu.memory_space<hbm>> -> memref<640x128xf32, #tpu.memory_space<hbm>>
      %dma_wait3A_603 = arith.constant 0 : i32
      %dma_wait3A_604 = tpu.memref_slice %arg14[%mul3A_201, %dma_wait3A_603] : memref<10240x128xf32, #tpu.memory_space<vmem_shared>> -> memref<640x128xf32, #tpu.memory_space<vmem_shared>>
      tpu.wait_dma2 semaphore(%run_scoped3A : memref<!tpu.dma_semaphore, #tpu.memory_space<semaphore_mem>>) src(%dma_wait3A_604 : memref<640x128xf32, #tpu.memory_space<vmem_shared>>) dst(%dma_wait3A_602 : memref<640x128xf32, #tpu.memory_space<hbm>>)
      tpu.yield
    }) : () -> ()
    %eq3A = arith.constant 0 : i32
    %eq3A_587 = arith.cmpi eq, %arg1, %eq3A : i32
    %convert_element_type3A = arith.extui %eq3A_587 : i1 to i32
    %cond3A = arith.constant 0 : i32
    %cond3A_588 = arith.cmpi ne, %convert_element_type3A, %cond3A : i32
    scf.if %cond3A_588 {
      %run_scoped3A = arith.constant 0 : i32
      "tpu.region"() ({
        %run_scoped3A_589 = tpu.sem_alloc : memref<!tpu.dma_semaphore, #tpu.memory_space<semaphore_mem>>
        %dma_start3A_590 = arith.constant 0 : i32
        %dma_start3A_591 = arith.constant 0 : i32
        %dma_start3A_592 = tpu.memref_slice %arg5[%arg0, %dma_start3A_590, %dma_start3A_591] : memref<2x1x10240xf32, #tpu.memory_space<hbm>> -> memref<1x1x10240xf32, #tpu.memory_space<hbm>>
        %dma_start3A_593 = tpu.memref_squeeze %dma_start3A_592 : memref<1x1x10240xf32, #tpu.memory_space<hbm>> -> memref<1x10240xf32, #tpu.memory_space<hbm>>
        %dma_start3A_594 = arith.constant 0 : i32
        %dma_start3A_595 = tpu.memref_slice %dma_start3A_593[%run_scoped3A, %dma_start3A_594] : memref<1x10240xf32, #tpu.memory_space<hbm>> -> memref<1x10240xf32, #tpu.memory_space<hbm>>
        %dma_start3A_596 = tpu.memref_squeeze %dma_start3A_595 : memref<1x10240xf32, #tpu.memory_space<hbm>> -> memref<10240xf32, #tpu.memory_space<hbm>>
        tpu.enqueue_dma source(%arg15 : memref<10240xf32, #tpu.memory_space<vmem_shared>>) target(%dma_start3A_596 : memref<10240xf32, #tpu.memory_space<hbm>>) target_semaphore(%run_scoped3A_589 : memref<!tpu.dma_semaphore, #tpu.memory_space<semaphore_mem>>)
        %dma_wait3A_597 = arith.constant 0 : i32
        %dma_wait3A_598 = arith.constant 0 : i32
        %dma_wait3A_599 = tpu.memref_slice %arg5[%arg0, %dma_wait3A_597, %dma_wait3A_598] : memref<2x1x10240xf32, #tpu.memory_space<hbm>> -> memref<1x1x10240xf32, #tpu.memory_space<hbm>>
        %dma_wait3A_600 = tpu.memref_squeeze %dma_wait3A_599 : memref<1x1x10240xf32, #tpu.memory_space<hbm>> -> memref<1x10240xf32, #tpu.memory_space<hbm>>
        %dma_wait3A_601 = arith.constant 0 : i32
        %dma_wait3A_602 = tpu.memref_slice %dma_wait3A_600[%run_scoped3A, %dma_wait3A_601] : memref<1x10240xf32, #tpu.memory_space<hbm>> -> memref<1x10240xf32, #tpu.memory_space<hbm>>
        %dma_wait3A_603 = tpu.memref_squeeze %dma_wait3A_602 : memref<1x10240xf32, #tpu.memory_space<hbm>> -> memref<10240xf32, #tpu.memory_space<hbm>>
        tpu.wait_dma2 semaphore(%run_scoped3A_589 : memref<!tpu.dma_semaphore, #tpu.memory_space<semaphore_mem>>) src(%arg15 : memref<10240xf32, #tpu.memory_space<vmem_shared>>) dst(%dma_wait3A_603 : memref<10240xf32, #tpu.memory_space<hbm>>)
        tpu.yield
      }) : () -> ()
    } else {
    }
    return
  }
}

#map = affine_map<(d0, d1) -> (0, 0)>
#map1 = affine_map<(d0, d1) -> (0, 0, 0)>
module attributes {stable_mosaic.version = 14 : i64} {
  func.func @seg_part(%arg0: i32, %arg1: i32, %arg2: memref<196608x128xf32, #tpu.memory_space<hbm>>, %arg3: memref<1536x128xi32, #tpu.memory_space<hbm>>, %arg4: memref<2x10240x128xf32, #tpu.memory_space<hbm>>, %arg5: memref<2x1x10240xf32, #tpu.memory_space<hbm>>, %arg6: memref<128x128xf32, #tpu.memory_space<vmem>>, %arg7: memref<128x128xf32, #tpu.memory_space<vmem>>, %arg8: memref<6x8x128xi32, #tpu.memory_space<vmem>>, %arg9: memref<128xf32, #tpu.memory_space<vmem>>, %arg10: memref<640xf32, #tpu.memory_space<vmem>>, %arg11: memref<!tpu.dma_semaphore, #tpu.memory_space<semaphore_mem>>, %arg12: memref<!tpu.dma_semaphore, #tpu.memory_space<semaphore_mem>>, %arg13: memref<!tpu.dma_semaphore, #tpu.memory_space<semaphore_mem>>, %arg14: memref<10240x128xf32, #tpu.memory_space<vmem_shared>>, %arg15: memref<10240xf32, #tpu.memory_space<vmem_shared>>) attributes {dimension_semantics = [#tpu.dimension_semantics<core_parallel>, #tpu.dimension_semantics<subcore_parallel>], iteration_bounds = array<i64: 2, 16>, scalar_prefetch = 0 : i64, scratch_operands = 10 : i64, tpu.core_type = #tpu.core_type<sc_vector_subcore>, window_params = [{transform_indices = #map}, {transform_indices = #map}, {transform_indices = #map1}, {transform_indices = #map1}]} {
    %mul3A = arith.constant 16 : i32
    %mul3A_0 = arith.muli %arg0, %mul3A : i32
    %add3A = arith.addi %mul3A_0, %arg1 : i32
    %broadcast_in_dim3A = arith.constant 0.000000e+00 : f32
    %broadcast_in_dim3A_1 = vector.broadcast %broadcast_in_dim3A : f32 to vector<16xf32>
    %broadcast_in_dim3A_2 = arith.constant 1.000000e+00 : f32
    %broadcast_in_dim3A_3 = vector.broadcast %broadcast_in_dim3A_2 : f32 to vector<16xf32>
    %scan3A = arith.constant 0 : i32
    %scan3A_4 = arith.constant 0 : i32
    %scan3A_5 = arith.constant 128 : i32
    %scan3A_6 = arith.addi %scan3A_4, %scan3A_5 : i32
    %scan3A_7 = arith.constant 1 : i32
    scf.for %scan3A_765 = %scan3A_4 to %scan3A_6 step %scan3A_7  : i32 {
      %swap3A_766 = arith.index_cast %scan3A_765 : i32 to index
      %swap3A_767 = arith.constant 0 : index
      %swap3A_768 = tpu.vector_load %arg6[%swap3A_766, %swap3A_767] {strides = array<i32>} : memref<128x128xf32, #tpu.memory_space<vmem>>, vector<1x16xf32>,
      %swap3A_769 = vector.shape_cast %swap3A_768 : vector<1x16xf32> to vector<16xf32>
      %swap3A_770 = vector.shape_cast %broadcast_in_dim3A_1 : vector<16xf32> to vector<1x16xf32>
      tpu.vector_store %arg6[%swap3A_766, %swap3A_767], %swap3A_770 {strides = array<i32>} : memref<128x128xf32, #tpu.memory_space<vmem>>, vector<1x16xf32>,
      %swap3A_771 = arith.index_cast %scan3A_765 : i32 to index
      %swap3A_772 = arith.constant 16 : index
      %swap3A_773 = tpu.vector_load %arg6[%swap3A_771, %swap3A_772] {strides = array<i32>} : memref<128x128xf32, #tpu.memory_space<vmem>>, vector<1x16xf32>,
      %swap3A_774 = vector.shape_cast %swap3A_773 : vector<1x16xf32> to vector<16xf32>
      %swap3A_775 = vector.shape_cast %broadcast_in_dim3A_1 : vector<16xf32> to vector<1x16xf32>
      tpu.vector_store %arg6[%swap3A_771, %swap3A_772], %swap3A_775 {strides = array<i32>} : memref<128x128xf32, #tpu.memory_space<vmem>>, vector<1x16xf32>,
      %swap3A_776 = arith.index_cast %scan3A_765 : i32 to index
      %swap3A_777 = arith.constant 32 : index
      %swap3A_778 = tpu.vector_load %arg6[%swap3A_776, %swap3A_777] {strides = array<i32>} : memref<128x128xf32, #tpu.memory_space<vmem>>, vector<1x16xf32>,
      %swap3A_779 = vector.shape_cast %swap3A_778 : vector<1x16xf32> to vector<16xf32>
      %swap3A_780 = vector.shape_cast %broadcast_in_dim3A_1 : vector<16xf32> to vector<1x16xf32>
      tpu.vector_store %arg6[%swap3A_776, %swap3A_777], %swap3A_780 {strides = array<i32>} : memref<128x128xf32, #tpu.memory_space<vmem>>, vector<1x16xf32>,
      %swap3A_781 = arith.index_cast %scan3A_765 : i32 to index
      %swap3A_782 = arith.constant 48 : index
      %swap3A_783 = tpu.vector_load %arg6[%swap3A_781, %swap3A_782] {strides = array<i32>} : memref<128x128xf32, #tpu.memory_space<vmem>>, vector<1x16xf32>,
      %swap3A_784 = vector.shape_cast %swap3A_783 : vector<1x16xf32> to vector<16xf32>
      %swap3A_785 = vector.shape_cast %broadcast_in_dim3A_1 : vector<16xf32> to vector<1x16xf32>
      tpu.vector_store %arg6[%swap3A_781, %swap3A_782], %swap3A_785 {strides = array<i32>} : memref<128x128xf32, #tpu.memory_space<vmem>>, vector<1x16xf32>,
      %swap3A_786 = arith.index_cast %scan3A_765 : i32 to index
      %swap3A_787 = arith.constant 64 : index
      %swap3A_788 = tpu.vector_load %arg6[%swap3A_786, %swap3A_787] {strides = array<i32>} : memref<128x128xf32, #tpu.memory_space<vmem>>, vector<1x16xf32>,
      %swap3A_789 = vector.shape_cast %swap3A_788 : vector<1x16xf32> to vector<16xf32>
      %swap3A_790 = vector.shape_cast %broadcast_in_dim3A_1 : vector<16xf32> to vector<1x16xf32>
      tpu.vector_store %arg6[%swap3A_786, %swap3A_787], %swap3A_790 {strides = array<i32>} : memref<128x128xf32, #tpu.memory_space<vmem>>, vector<1x16xf32>,
      %swap3A_791 = arith.index_cast %scan3A_765 : i32 to index
      %swap3A_792 = arith.constant 80 : index
      %swap3A_793 = tpu.vector_load %arg6[%swap3A_791, %swap3A_792] {strides = array<i32>} : memref<128x128xf32, #tpu.memory_space<vmem>>, vector<1x16xf32>,
      %swap3A_794 = vector.shape_cast %swap3A_793 : vector<1x16xf32> to vector<16xf32>
      %swap3A_795 = vector.shape_cast %broadcast_in_dim3A_1 : vector<16xf32> to vector<1x16xf32>
      tpu.vector_store %arg6[%swap3A_791, %swap3A_792], %swap3A_795 {strides = array<i32>} : memref<128x128xf32, #tpu.memory_space<vmem>>, vector<1x16xf32>,
      %swap3A_796 = arith.index_cast %scan3A_765 : i32 to index
      %swap3A_797 = arith.constant 96 : index
      %swap3A_798 = tpu.vector_load %arg6[%swap3A_796, %swap3A_797] {strides = array<i32>} : memref<128x128xf32, #tpu.memory_space<vmem>>, vector<1x16xf32>,
      %swap3A_799 = vector.shape_cast %swap3A_798 : vector<1x16xf32> to vector<16xf32>
      %swap3A_800 = vector.shape_cast %broadcast_in_dim3A_1 : vector<16xf32> to vector<1x16xf32>
      tpu.vector_store %arg6[%swap3A_796, %swap3A_797], %swap3A_800 {strides = array<i32>} : memref<128x128xf32, #tpu.memory_space<vmem>>, vector<1x16xf32>,
      %swap3A_801 = arith.index_cast %scan3A_765 : i32 to index
      %swap3A_802 = arith.constant 112 : index
      %swap3A_803 = tpu.vector_load %arg6[%swap3A_801, %swap3A_802] {strides = array<i32>} : memref<128x128xf32, #tpu.memory_space<vmem>>, vector<1x16xf32>,
      %swap3A_804 = vector.shape_cast %swap3A_803 : vector<1x16xf32> to vector<16xf32>
      %swap3A_805 = vector.shape_cast %broadcast_in_dim3A_1 : vector<16xf32> to vector<1x16xf32>
      tpu.vector_store %arg6[%swap3A_801, %swap3A_802], %swap3A_805 {strides = array<i32>} : memref<128x128xf32, #tpu.memory_space<vmem>>, vector<1x16xf32>,
    }
    %scan3A_8 = arith.constant 128 : i32
    %swap3A = arith.constant 0 : index
    %swap3A_9 = tpu.vector_load %arg9[%swap3A] {strides = array<i32>} : memref<128xf32, #tpu.memory_space<vmem>>, vector<16xf32>,
    %swap3A_10 = vector.shape_cast %swap3A_9 : vector<16xf32> to vector<16xf32>
    %swap3A_11 = vector.shape_cast %broadcast_in_dim3A_3 : vector<16xf32> to vector<16xf32>
    tpu.vector_store %arg9[%swap3A], %swap3A_11 {strides = array<i32>} : memref<128xf32, #tpu.memory_space<vmem>>, vector<16xf32>,
    %swap3A_12 = arith.constant 16 : index
    %swap3A_13 = tpu.vector_load %arg9[%swap3A_12] {strides = array<i32>} : memref<128xf32, #tpu.memory_space<vmem>>, vector<16xf32>,
    %swap3A_14 = vector.shape_cast %swap3A_13 : vector<16xf32> to vector<16xf32>
    %swap3A_15 = vector.shape_cast %broadcast_in_dim3A_3 : vector<16xf32> to vector<16xf32>
    tpu.vector_store %arg9[%swap3A_12], %swap3A_15 {strides = array<i32>} : memref<128xf32, #tpu.memory_space<vmem>>, vector<16xf32>,
    %swap3A_16 = arith.constant 32 : index
    %swap3A_17 = tpu.vector_load %arg9[%swap3A_16] {strides = array<i32>} : memref<128xf32, #tpu.memory_space<vmem>>, vector<16xf32>,
    %swap3A_18 = vector.shape_cast %swap3A_17 : vector<16xf32> to vector<16xf32>
    %swap3A_19 = vector.shape_cast %broadcast_in_dim3A_3 : vector<16xf32> to vector<16xf32>
    tpu.vector_store %arg9[%swap3A_16], %swap3A_19 {strides = array<i32>} : memref<128xf32, #tpu.memory_space<vmem>>, vector<16xf32>,
    %swap3A_20 = arith.constant 48 : index
    %swap3A_21 = tpu.vector_load %arg9[%swap3A_20] {strides = array<i32>} : memref<128xf32, #tpu.memory_space<vmem>>, vector<16xf32>,
    %swap3A_22 = vector.shape_cast %swap3A_21 : vector<16xf32> to vector<16xf32>
    %swap3A_23 = vector.shape_cast %broadcast_in_dim3A_3 : vector<16xf32> to vector<16xf32>
    tpu.vector_store %arg9[%swap3A_20], %swap3A_23 {strides = array<i32>} : memref<128xf32, #tpu.memory_space<vmem>>, vector<16xf32>,
    %swap3A_24 = arith.constant 64 : index
    %swap3A_25 = tpu.vector_load %arg9[%swap3A_24] {strides = array<i32>} : memref<128xf32, #tpu.memory_space<vmem>>, vector<16xf32>,
    %swap3A_26 = vector.shape_cast %swap3A_25 : vector<16xf32> to vector<16xf32>
    %swap3A_27 = vector.shape_cast %broadcast_in_dim3A_3 : vector<16xf32> to vector<16xf32>
    tpu.vector_store %arg9[%swap3A_24], %swap3A_27 {strides = array<i32>} : memref<128xf32, #tpu.memory_space<vmem>>, vector<16xf32>,
    %swap3A_28 = arith.constant 80 : index
    %swap3A_29 = tpu.vector_load %arg9[%swap3A_28] {strides = array<i32>} : memref<128xf32, #tpu.memory_space<vmem>>, vector<16xf32>,
    %swap3A_30 = vector.shape_cast %swap3A_29 : vector<16xf32> to vector<16xf32>
    %swap3A_31 = vector.shape_cast %broadcast_in_dim3A_3 : vector<16xf32> to vector<16xf32>
    tpu.vector_store %arg9[%swap3A_28], %swap3A_31 {strides = array<i32>} : memref<128xf32, #tpu.memory_space<vmem>>, vector<16xf32>,
    %swap3A_32 = arith.constant 96 : index
    %swap3A_33 = tpu.vector_load %arg9[%swap3A_32] {strides = array<i32>} : memref<128xf32, #tpu.memory_space<vmem>>, vector<16xf32>,
    %swap3A_34 = vector.shape_cast %swap3A_33 : vector<16xf32> to vector<16xf32>
    %swap3A_35 = vector.shape_cast %broadcast_in_dim3A_3 : vector<16xf32> to vector<16xf32>
    tpu.vector_store %arg9[%swap3A_32], %swap3A_35 {strides = array<i32>} : memref<128xf32, #tpu.memory_space<vmem>>, vector<16xf32>,
    %swap3A_36 = arith.constant 112 : index
    %swap3A_37 = tpu.vector_load %arg9[%swap3A_36] {strides = array<i32>} : memref<128xf32, #tpu.memory_space<vmem>>, vector<16xf32>,
    %swap3A_38 = vector.shape_cast %swap3A_37 : vector<16xf32> to vector<16xf32>
    %swap3A_39 = vector.shape_cast %broadcast_in_dim3A_3 : vector<16xf32> to vector<16xf32>
    tpu.vector_store %arg9[%swap3A_36], %swap3A_39 {strides = array<i32>} : memref<128xf32, #tpu.memory_space<vmem>>, vector<16xf32>,
    %swap3A_40 = arith.constant 0 : index
    %swap3A_41 = tpu.vector_load %arg10[%swap3A_40] {strides = array<i32>} : memref<640xf32, #tpu.memory_space<vmem>>, vector<16xf32>,
    %swap3A_42 = vector.shape_cast %swap3A_41 : vector<16xf32> to vector<16xf32>
    %swap3A_43 = vector.shape_cast %broadcast_in_dim3A_1 : vector<16xf32> to vector<16xf32>
    tpu.vector_store %arg10[%swap3A_40], %swap3A_43 {strides = array<i32>} : memref<640xf32, #tpu.memory_space<vmem>>, vector<16xf32>,
    %swap3A_44 = arith.constant 16 : index
    %swap3A_45 = tpu.vector_load %arg10[%swap3A_44] {strides = array<i32>} : memref<640xf32, #tpu.memory_space<vmem>>, vector<16xf32>,
    %swap3A_46 = vector.shape_cast %swap3A_45 : vector<16xf32> to vector<16xf32>
    %swap3A_47 = vector.shape_cast %broadcast_in_dim3A_1 : vector<16xf32> to vector<16xf32>
    tpu.vector_store %arg10[%swap3A_44], %swap3A_47 {strides = array<i32>} : memref<640xf32, #tpu.memory_space<vmem>>, vector<16xf32>,
    %swap3A_48 = arith.constant 32 : index
    %swap3A_49 = tpu.vector_load %arg10[%swap3A_48] {strides = array<i32>} : memref<640xf32, #tpu.memory_space<vmem>>, vector<16xf32>,
    %swap3A_50 = vector.shape_cast %swap3A_49 : vector<16xf32> to vector<16xf32>
    %swap3A_51 = vector.shape_cast %broadcast_in_dim3A_1 : vector<16xf32> to vector<16xf32>
    tpu.vector_store %arg10[%swap3A_48], %swap3A_51 {strides = array<i32>} : memref<640xf32, #tpu.memory_space<vmem>>, vector<16xf32>,
    %swap3A_52 = arith.constant 48 : index
    %swap3A_53 = tpu.vector_load %arg10[%swap3A_52] {strides = array<i32>} : memref<640xf32, #tpu.memory_space<vmem>>, vector<16xf32>,
    %swap3A_54 = vector.shape_cast %swap3A_53 : vector<16xf32> to vector<16xf32>
    %swap3A_55 = vector.shape_cast %broadcast_in_dim3A_1 : vector<16xf32> to vector<16xf32>
    tpu.vector_store %arg10[%swap3A_52], %swap3A_55 {strides = array<i32>} : memref<640xf32, #tpu.memory_space<vmem>>, vector<16xf32>,
    %swap3A_56 = arith.constant 64 : index
    %swap3A_57 = tpu.vector_load %arg10[%swap3A_56] {strides = array<i32>} : memref<640xf32, #tpu.memory_space<vmem>>, vector<16xf32>,
    %swap3A_58 = vector.shape_cast %swap3A_57 : vector<16xf32> to vector<16xf32>
    %swap3A_59 = vector.shape_cast %broadcast_in_dim3A_1 : vector<16xf32> to vector<16xf32>
    tpu.vector_store %arg10[%swap3A_56], %swap3A_59 {strides = array<i32>} : memref<640xf32, #tpu.memory_space<vmem>>, vector<16xf32>,
    %swap3A_60 = arith.constant 80 : index
    %swap3A_61 = tpu.vector_load %arg10[%swap3A_60] {strides = array<i32>} : memref<640xf32, #tpu.memory_space<vmem>>, vector<16xf32>,
    %swap3A_62 = vector.shape_cast %swap3A_61 : vector<16xf32> to vector<16xf32>
    %swap3A_63 = vector.shape_cast %broadcast_in_dim3A_1 : vector<16xf32> to vector<16xf32>
    tpu.vector_store %arg10[%swap3A_60], %swap3A_63 {strides = array<i32>} : memref<640xf32, #tpu.memory_space<vmem>>, vector<16xf32>,
    %swap3A_64 = arith.constant 96 : index
    %swap3A_65 = tpu.vector_load %arg10[%swap3A_64] {strides = array<i32>} : memref<640xf32, #tpu.memory_space<vmem>>, vector<16xf32>,
    %swap3A_66 = vector.shape_cast %swap3A_65 : vector<16xf32> to vector<16xf32>
    %swap3A_67 = vector.shape_cast %broadcast_in_dim3A_1 : vector<16xf32> to vector<16xf32>
    tpu.vector_store %arg10[%swap3A_64], %swap3A_67 {strides = array<i32>} : memref<640xf32, #tpu.memory_space<vmem>>, vector<16xf32>,
    %swap3A_68 = arith.constant 112 : index
    %swap3A_69 = tpu.vector_load %arg10[%swap3A_68] {strides = array<i32>} : memref<640xf32, #tpu.memory_space<vmem>>, vector<16xf32>,
    %swap3A_70 = vector.shape_cast %swap3A_69 : vector<16xf32> to vector<16xf32>
    %swap3A_71 = vector.shape_cast %broadcast_in_dim3A_1 : vector<16xf32> to vector<16xf32>
    tpu.vector_store %arg10[%swap3A_68], %swap3A_71 {strides = array<i32>} : memref<640xf32, #tpu.memory_space<vmem>>, vector<16xf32>,
    %swap3A_72 = arith.constant 128 : index
    %swap3A_73 = tpu.vector_load %arg10[%swap3A_72] {strides = array<i32>} : memref<640xf32, #tpu.memory_space<vmem>>, vector<16xf32>,
    %swap3A_74 = vector.shape_cast %swap3A_73 : vector<16xf32> to vector<16xf32>
    %swap3A_75 = vector.shape_cast %broadcast_in_dim3A_1 : vector<16xf32> to vector<16xf32>
    tpu.vector_store %arg10[%swap3A_72], %swap3A_75 {strides = array<i32>} : memref<640xf32, #tpu.memory_space<vmem>>, vector<16xf32>,
    %swap3A_76 = arith.constant 144 : index
    %swap3A_77 = tpu.vector_load %arg10[%swap3A_76] {strides = array<i32>} : memref<640xf32, #tpu.memory_space<vmem>>, vector<16xf32>,
    %swap3A_78 = vector.shape_cast %swap3A_77 : vector<16xf32> to vector<16xf32>
    %swap3A_79 = vector.shape_cast %broadcast_in_dim3A_1 : vector<16xf32> to vector<16xf32>
    tpu.vector_store %arg10[%swap3A_76], %swap3A_79 {strides = array<i32>} : memref<640xf32, #tpu.memory_space<vmem>>, vector<16xf32>,
    %swap3A_80 = arith.constant 160 : index
    %swap3A_81 = tpu.vector_load %arg10[%swap3A_80] {strides = array<i32>} : memref<640xf32, #tpu.memory_space<vmem>>, vector<16xf32>,
    %swap3A_82 = vector.shape_cast %swap3A_81 : vector<16xf32> to vector<16xf32>
    %swap3A_83 = vector.shape_cast %broadcast_in_dim3A_1 : vector<16xf32> to vector<16xf32>
    tpu.vector_store %arg10[%swap3A_80], %swap3A_83 {strides = array<i32>} : memref<640xf32, #tpu.memory_space<vmem>>, vector<16xf32>,
    %swap3A_84 = arith.constant 176 : index
    %swap3A_85 = tpu.vector_load %arg10[%swap3A_84] {strides = array<i32>} : memref<640xf32, #tpu.memory_space<vmem>>, vector<16xf32>,
    %swap3A_86 = vector.shape_cast %swap3A_85 : vector<16xf32> to vector<16xf32>
    %swap3A_87 = vector.shape_cast %broadcast_in_dim3A_1 : vector<16xf32> to vector<16xf32>
    tpu.vector_store %arg10[%swap3A_84], %swap3A_87 {strides = array<i32>} : memref<640xf32, #tpu.memory_space<vmem>>, vector<16xf32>,
    %swap3A_88 = arith.constant 192 : index
    %swap3A_89 = tpu.vector_load %arg10[%swap3A_88] {strides = array<i32>} : memref<640xf32, #tpu.memory_space<vmem>>, vector<16xf32>,
    %swap3A_90 = vector.shape_cast %swap3A_89 : vector<16xf32> to vector<16xf32>
    %swap3A_91 = vector.shape_cast %broadcast_in_dim3A_1 : vector<16xf32> to vector<16xf32>
    tpu.vector_store %arg10[%swap3A_88], %swap3A_91 {strides = array<i32>} : memref<640xf32, #tpu.memory_space<vmem>>, vector<16xf32>,
    %swap3A_92 = arith.constant 208 : index
    %swap3A_93 = tpu.vector_load %arg10[%swap3A_92] {strides = array<i32>} : memref<640xf32, #tpu.memory_space<vmem>>, vector<16xf32>,
    %swap3A_94 = vector.shape_cast %swap3A_93 : vector<16xf32> to vector<16xf32>
    %swap3A_95 = vector.shape_cast %broadcast_in_dim3A_1 : vector<16xf32> to vector<16xf32>
    tpu.vector_store %arg10[%swap3A_92], %swap3A_95 {strides = array<i32>} : memref<640xf32, #tpu.memory_space<vmem>>, vector<16xf32>,
    %swap3A_96 = arith.constant 224 : index
    %swap3A_97 = tpu.vector_load %arg10[%swap3A_96] {strides = array<i32>} : memref<640xf32, #tpu.memory_space<vmem>>, vector<16xf32>,
    %swap3A_98 = vector.shape_cast %swap3A_97 : vector<16xf32> to vector<16xf32>
    %swap3A_99 = vector.shape_cast %broadcast_in_dim3A_1 : vector<16xf32> to vector<16xf32>
    tpu.vector_store %arg10[%swap3A_96], %swap3A_99 {strides = array<i32>} : memref<640xf32, #tpu.memory_space<vmem>>, vector<16xf32>,
    %swap3A_100 = arith.constant 240 : index
    %swap3A_101 = tpu.vector_load %arg10[%swap3A_100] {strides = array<i32>} : memref<640xf32, #tpu.memory_space<vmem>>, vector<16xf32>,
    %swap3A_102 = vector.shape_cast %swap3A_101 : vector<16xf32> to vector<16xf32>
    %swap3A_103 = vector.shape_cast %broadcast_in_dim3A_1 : vector<16xf32> to vector<16xf32>
    tpu.vector_store %arg10[%swap3A_100], %swap3A_103 {strides = array<i32>} : memref<640xf32, #tpu.memory_space<vmem>>, vector<16xf32>,
    %swap3A_104 = arith.constant 256 : index
    %swap3A_105 = tpu.vector_load %arg10[%swap3A_104] {strides = array<i32>} : memref<640xf32, #tpu.memory_space<vmem>>, vector<16xf32>,
    %swap3A_106 = vector.shape_cast %swap3A_105 : vector<16xf32> to vector<16xf32>
    %swap3A_107 = vector.shape_cast %broadcast_in_dim3A_1 : vector<16xf32> to vector<16xf32>
    tpu.vector_store %arg10[%swap3A_104], %swap3A_107 {strides = array<i32>} : memref<640xf32, #tpu.memory_space<vmem>>, vector<16xf32>,
    %swap3A_108 = arith.constant 272 : index
    %swap3A_109 = tpu.vector_load %arg10[%swap3A_108] {strides = array<i32>} : memref<640xf32, #tpu.memory_space<vmem>>, vector<16xf32>,
    %swap3A_110 = vector.shape_cast %swap3A_109 : vector<16xf32> to vector<16xf32>
    %swap3A_111 = vector.shape_cast %broadcast_in_dim3A_1 : vector<16xf32> to vector<16xf32>
    tpu.vector_store %arg10[%swap3A_108], %swap3A_111 {strides = array<i32>} : memref<640xf32, #tpu.memory_space<vmem>>, vector<16xf32>,
    %swap3A_112 = arith.constant 288 : index
    %swap3A_113 = tpu.vector_load %arg10[%swap3A_112] {strides = array<i32>} : memref<640xf32, #tpu.memory_space<vmem>>, vector<16xf32>,
    %swap3A_114 = vector.shape_cast %swap3A_113 : vector<16xf32> to vector<16xf32>
    %swap3A_115 = vector.shape_cast %broadcast_in_dim3A_1 : vector<16xf32> to vector<16xf32>
    tpu.vector_store %arg10[%swap3A_112], %swap3A_115 {strides = array<i32>} : memref<640xf32, #tpu.memory_space<vmem>>, vector<16xf32>,
    %swap3A_116 = arith.constant 304 : index
    %swap3A_117 = tpu.vector_load %arg10[%swap3A_116] {strides = array<i32>} : memref<640xf32, #tpu.memory_space<vmem>>, vector<16xf32>,
    %swap3A_118 = vector.shape_cast %swap3A_117 : vector<16xf32> to vector<16xf32>
    %swap3A_119 = vector.shape_cast %broadcast_in_dim3A_1 : vector<16xf32> to vector<16xf32>
    tpu.vector_store %arg10[%swap3A_116], %swap3A_119 {strides = array<i32>} : memref<640xf32, #tpu.memory_space<vmem>>, vector<16xf32>,
    %swap3A_120 = arith.constant 320 : index
    %swap3A_121 = tpu.vector_load %arg10[%swap3A_120] {strides = array<i32>} : memref<640xf32, #tpu.memory_space<vmem>>, vector<16xf32>,
    %swap3A_122 = vector.shape_cast %swap3A_121 : vector<16xf32> to vector<16xf32>
    %swap3A_123 = vector.shape_cast %broadcast_in_dim3A_1 : vector<16xf32> to vector<16xf32>
    tpu.vector_store %arg10[%swap3A_120], %swap3A_123 {strides = array<i32>} : memref<640xf32, #tpu.memory_space<vmem>>, vector<16xf32>,
    %swap3A_124 = arith.constant 336 : index
    %swap3A_125 = tpu.vector_load %arg10[%swap3A_124] {strides = array<i32>} : memref<640xf32, #tpu.memory_space<vmem>>, vector<16xf32>,
    %swap3A_126 = vector.shape_cast %swap3A_125 : vector<16xf32> to vector<16xf32>
    %swap3A_127 = vector.shape_cast %broadcast_in_dim3A_1 : vector<16xf32> to vector<16xf32>
    tpu.vector_store %arg10[%swap3A_124], %swap3A_127 {strides = array<i32>} : memref<640xf32, #tpu.memory_space<vmem>>, vector<16xf32>,
    %swap3A_128 = arith.constant 352 : index
    %swap3A_129 = tpu.vector_load %arg10[%swap3A_128] {strides = array<i32>} : memref<640xf32, #tpu.memory_space<vmem>>, vector<16xf32>,
    %swap3A_130 = vector.shape_cast %swap3A_129 : vector<16xf32> to vector<16xf32>
    %swap3A_131 = vector.shape_cast %broadcast_in_dim3A_1 : vector<16xf32> to vector<16xf32>
    tpu.vector_store %arg10[%swap3A_128], %swap3A_131 {strides = array<i32>} : memref<640xf32, #tpu.memory_space<vmem>>, vector<16xf32>,
    %swap3A_132 = arith.constant 368 : index
    %swap3A_133 = tpu.vector_load %arg10[%swap3A_132] {strides = array<i32>} : memref<640xf32, #tpu.memory_space<vmem>>, vector<16xf32>,
    %swap3A_134 = vector.shape_cast %swap3A_133 : vector<16xf32> to vector<16xf32>
    %swap3A_135 = vector.shape_cast %broadcast_in_dim3A_1 : vector<16xf32> to vector<16xf32>
    tpu.vector_store %arg10[%swap3A_132], %swap3A_135 {strides = array<i32>} : memref<640xf32, #tpu.memory_space<vmem>>, vector<16xf32>,
    %swap3A_136 = arith.constant 384 : index
    %swap3A_137 = tpu.vector_load %arg10[%swap3A_136] {strides = array<i32>} : memref<640xf32, #tpu.memory_space<vmem>>, vector<16xf32>,
    %swap3A_138 = vector.shape_cast %swap3A_137 : vector<16xf32> to vector<16xf32>
    %swap3A_139 = vector.shape_cast %broadcast_in_dim3A_1 : vector<16xf32> to vector<16xf32>
    tpu.vector_store %arg10[%swap3A_136], %swap3A_139 {strides = array<i32>} : memref<640xf32, #tpu.memory_space<vmem>>, vector<16xf32>,
    %swap3A_140 = arith.constant 400 : index
    %swap3A_141 = tpu.vector_load %arg10[%swap3A_140] {strides = array<i32>} : memref<640xf32, #tpu.memory_space<vmem>>, vector<16xf32>,
    %swap3A_142 = vector.shape_cast %swap3A_141 : vector<16xf32> to vector<16xf32>
    %swap3A_143 = vector.shape_cast %broadcast_in_dim3A_1 : vector<16xf32> to vector<16xf32>
    tpu.vector_store %arg10[%swap3A_140], %swap3A_143 {strides = array<i32>} : memref<640xf32, #tpu.memory_space<vmem>>, vector<16xf32>,
    %swap3A_144 = arith.constant 416 : index
    %swap3A_145 = tpu.vector_load %arg10[%swap3A_144] {strides = array<i32>} : memref<640xf32, #tpu.memory_space<vmem>>, vector<16xf32>,
    %swap3A_146 = vector.shape_cast %swap3A_145 : vector<16xf32> to vector<16xf32>
    %swap3A_147 = vector.shape_cast %broadcast_in_dim3A_1 : vector<16xf32> to vector<16xf32>
    tpu.vector_store %arg10[%swap3A_144], %swap3A_147 {strides = array<i32>} : memref<640xf32, #tpu.memory_space<vmem>>, vector<16xf32>,
    %swap3A_148 = arith.constant 432 : index
    %swap3A_149 = tpu.vector_load %arg10[%swap3A_148] {strides = array<i32>} : memref<640xf32, #tpu.memory_space<vmem>>, vector<16xf32>,
    %swap3A_150 = vector.shape_cast %swap3A_149 : vector<16xf32> to vector<16xf32>
    %swap3A_151 = vector.shape_cast %broadcast_in_dim3A_1 : vector<16xf32> to vector<16xf32>
    tpu.vector_store %arg10[%swap3A_148], %swap3A_151 {strides = array<i32>} : memref<640xf32, #tpu.memory_space<vmem>>, vector<16xf32>,
    %swap3A_152 = arith.constant 448 : index
    %swap3A_153 = tpu.vector_load %arg10[%swap3A_152] {strides = array<i32>} : memref<640xf32, #tpu.memory_space<vmem>>, vector<16xf32>,
    %swap3A_154 = vector.shape_cast %swap3A_153 : vector<16xf32> to vector<16xf32>
    %swap3A_155 = vector.shape_cast %broadcast_in_dim3A_1 : vector<16xf32> to vector<16xf32>
    tpu.vector_store %arg10[%swap3A_152], %swap3A_155 {strides = array<i32>} : memref<640xf32, #tpu.memory_space<vmem>>, vector<16xf32>,
    %swap3A_156 = arith.constant 464 : index
    %swap3A_157 = tpu.vector_load %arg10[%swap3A_156] {strides = array<i32>} : memref<640xf32, #tpu.memory_space<vmem>>, vector<16xf32>,
    %swap3A_158 = vector.shape_cast %swap3A_157 : vector<16xf32> to vector<16xf32>
    %swap3A_159 = vector.shape_cast %broadcast_in_dim3A_1 : vector<16xf32> to vector<16xf32>
    tpu.vector_store %arg10[%swap3A_156], %swap3A_159 {strides = array<i32>} : memref<640xf32, #tpu.memory_space<vmem>>, vector<16xf32>,
    %swap3A_160 = arith.constant 480 : index
    %swap3A_161 = tpu.vector_load %arg10[%swap3A_160] {strides = array<i32>} : memref<640xf32, #tpu.memory_space<vmem>>, vector<16xf32>,
    %swap3A_162 = vector.shape_cast %swap3A_161 : vector<16xf32> to vector<16xf32>
    %swap3A_163 = vector.shape_cast %broadcast_in_dim3A_1 : vector<16xf32> to vector<16xf32>
    tpu.vector_store %arg10[%swap3A_160], %swap3A_163 {strides = array<i32>} : memref<640xf32, #tpu.memory_space<vmem>>, vector<16xf32>,
    %swap3A_164 = arith.constant 496 : index
    %swap3A_165 = tpu.vector_load %arg10[%swap3A_164] {strides = array<i32>} : memref<640xf32, #tpu.memory_space<vmem>>, vector<16xf32>,
    %swap3A_166 = vector.shape_cast %swap3A_165 : vector<16xf32> to vector<16xf32>
    %swap3A_167 = vector.shape_cast %broadcast_in_dim3A_1 : vector<16xf32> to vector<16xf32>
    tpu.vector_store %arg10[%swap3A_164], %swap3A_167 {strides = array<i32>} : memref<640xf32, #tpu.memory_space<vmem>>, vector<16xf32>,
    %swap3A_168 = arith.constant 512 : index
    %swap3A_169 = tpu.vector_load %arg10[%swap3A_168] {strides = array<i32>} : memref<640xf32, #tpu.memory_space<vmem>>, vector<16xf32>,
    %swap3A_170 = vector.shape_cast %swap3A_169 : vector<16xf32> to vector<16xf32>
    %swap3A_171 = vector.shape_cast %broadcast_in_dim3A_1 : vector<16xf32> to vector<16xf32>
    tpu.vector_store %arg10[%swap3A_168], %swap3A_171 {strides = array<i32>} : memref<640xf32, #tpu.memory_space<vmem>>, vector<16xf32>,
    %swap3A_172 = arith.constant 528 : index
    %swap3A_173 = tpu.vector_load %arg10[%swap3A_172] {strides = array<i32>} : memref<640xf32, #tpu.memory_space<vmem>>, vector<16xf32>,
    %swap3A_174 = vector.shape_cast %swap3A_173 : vector<16xf32> to vector<16xf32>
    %swap3A_175 = vector.shape_cast %broadcast_in_dim3A_1 : vector<16xf32> to vector<16xf32>
    tpu.vector_store %arg10[%swap3A_172], %swap3A_175 {strides = array<i32>} : memref<640xf32, #tpu.memory_space<vmem>>, vector<16xf32>,
    %swap3A_176 = arith.constant 544 : index
    %swap3A_177 = tpu.vector_load %arg10[%swap3A_176] {strides = array<i32>} : memref<640xf32, #tpu.memory_space<vmem>>, vector<16xf32>,
    %swap3A_178 = vector.shape_cast %swap3A_177 : vector<16xf32> to vector<16xf32>
    %swap3A_179 = vector.shape_cast %broadcast_in_dim3A_1 : vector<16xf32> to vector<16xf32>
    tpu.vector_store %arg10[%swap3A_176], %swap3A_179 {strides = array<i32>} : memref<640xf32, #tpu.memory_space<vmem>>, vector<16xf32>,
    %swap3A_180 = arith.constant 560 : index
    %swap3A_181 = tpu.vector_load %arg10[%swap3A_180] {strides = array<i32>} : memref<640xf32, #tpu.memory_space<vmem>>, vector<16xf32>,
    %swap3A_182 = vector.shape_cast %swap3A_181 : vector<16xf32> to vector<16xf32>
    %swap3A_183 = vector.shape_cast %broadcast_in_dim3A_1 : vector<16xf32> to vector<16xf32>
    tpu.vector_store %arg10[%swap3A_180], %swap3A_183 {strides = array<i32>} : memref<640xf32, #tpu.memory_space<vmem>>, vector<16xf32>,
    %swap3A_184 = arith.constant 576 : index
    %swap3A_185 = tpu.vector_load %arg10[%swap3A_184] {strides = array<i32>} : memref<640xf32, #tpu.memory_space<vmem>>, vector<16xf32>,
    %swap3A_186 = vector.shape_cast %swap3A_185 : vector<16xf32> to vector<16xf32>
    %swap3A_187 = vector.shape_cast %broadcast_in_dim3A_1 : vector<16xf32> to vector<16xf32>
    tpu.vector_store %arg10[%swap3A_184], %swap3A_187 {strides = array<i32>} : memref<640xf32, #tpu.memory_space<vmem>>, vector<16xf32>,
    %swap3A_188 = arith.constant 592 : index
    %swap3A_189 = tpu.vector_load %arg10[%swap3A_188] {strides = array<i32>} : memref<640xf32, #tpu.memory_space<vmem>>, vector<16xf32>,
    %swap3A_190 = vector.shape_cast %swap3A_189 : vector<16xf32> to vector<16xf32>
    %swap3A_191 = vector.shape_cast %broadcast_in_dim3A_1 : vector<16xf32> to vector<16xf32>
    tpu.vector_store %arg10[%swap3A_188], %swap3A_191 {strides = array<i32>} : memref<640xf32, #tpu.memory_space<vmem>>, vector<16xf32>,
    %swap3A_192 = arith.constant 608 : index
    %swap3A_193 = tpu.vector_load %arg10[%swap3A_192] {strides = array<i32>} : memref<640xf32, #tpu.memory_space<vmem>>, vector<16xf32>,
    %swap3A_194 = vector.shape_cast %swap3A_193 : vector<16xf32> to vector<16xf32>
    %swap3A_195 = vector.shape_cast %broadcast_in_dim3A_1 : vector<16xf32> to vector<16xf32>
    tpu.vector_store %arg10[%swap3A_192], %swap3A_195 {strides = array<i32>} : memref<640xf32, #tpu.memory_space<vmem>>, vector<16xf32>,
    %swap3A_196 = arith.constant 624 : index
    %swap3A_197 = tpu.vector_load %arg10[%swap3A_196] {strides = array<i32>} : memref<640xf32, #tpu.memory_space<vmem>>, vector<16xf32>,
    %swap3A_198 = vector.shape_cast %swap3A_197 : vector<16xf32> to vector<16xf32>
    %swap3A_199 = vector.shape_cast %broadcast_in_dim3A_1 : vector<16xf32> to vector<16xf32>
    tpu.vector_store %arg10[%swap3A_196], %swap3A_199 {strides = array<i32>} : memref<640xf32, #tpu.memory_space<vmem>>, vector<16xf32>,
    %mul3A_200 = arith.constant 640 : i32
    %mul3A_201 = arith.muli %arg1, %mul3A_200 : i32
    %add3A_202 = arith.constant 0 : i32
    %add3A_203 = arith.addi %mul3A_201, %add3A_202 : i32
    "tpu.region"() ({
      %run_scoped3A = tpu.sem_alloc : memref<!tpu.dma_semaphore, #tpu.memory_space<semaphore_mem>>
      %dma_start3A_765 = arith.constant 0 : i32
      %dma_start3A_766 = tpu.memref_slice %arg14[%add3A_203, %dma_start3A_765] : memref<10240x128xf32, #tpu.memory_space<vmem_shared>> -> memref<128x128xf32, #tpu.memory_space<vmem_shared>>
      %dma_start3A_767 = arith.constant 0 : i32
      %dma_start3A_768 = tpu.memref_slice %arg14[%add3A_203, %dma_start3A_767] : memref<10240x128xf32, #tpu.memory_space<vmem_shared>> -> memref<128x128xf32, #tpu.memory_space<vmem_shared>>
      tpu.enqueue_dma source(%arg6 : memref<128x128xf32, #tpu.memory_space<vmem>>) target(%dma_start3A_768 : memref<128x128xf32, #tpu.memory_space<vmem_shared>>) target_semaphore(%run_scoped3A : memref<!tpu.dma_semaphore, #tpu.memory_space<semaphore_mem>>)
      %dma_wait3A_769 = arith.constant 0 : i32
      %dma_wait3A_770 = tpu.memref_slice %arg14[%add3A_203, %dma_wait3A_769] : memref<10240x128xf32, #tpu.memory_space<vmem_shared>> -> memref<128x128xf32, #tpu.memory_space<vmem_shared>>
      %dma_wait3A_771 = arith.constant 0 : i32
      %dma_wait3A_772 = tpu.memref_slice %arg14[%add3A_203, %dma_wait3A_771] : memref<10240x128xf32, #tpu.memory_space<vmem_shared>> -> memref<128x128xf32, #tpu.memory_space<vmem_shared>>
      tpu.wait_dma2 semaphore(%run_scoped3A : memref<!tpu.dma_semaphore, #tpu.memory_space<semaphore_mem>>) src(%arg6 : memref<128x128xf32, #tpu.memory_space<vmem>>) dst(%dma_wait3A_772 : memref<128x128xf32, #tpu.memory_space<vmem_shared>>)
      tpu.yield
    }) : () -> ()
    %add3A_204 = arith.constant 128 : i32
    %add3A_205 = arith.addi %mul3A_201, %add3A_204 : i32
    "tpu.region"() ({
      %run_scoped3A = tpu.sem_alloc : memref<!tpu.dma_semaphore, #tpu.memory_space<semaphore_mem>>
      %dma_start3A_765 = arith.constant 0 : i32
      %dma_start3A_766 = tpu.memref_slice %arg14[%add3A_205, %dma_start3A_765] : memref<10240x128xf32, #tpu.memory_space<vmem_shared>> -> memref<128x128xf32, #tpu.memory_space<vmem_shared>>
      %dma_start3A_767 = arith.constant 0 : i32
      %dma_start3A_768 = tpu.memref_slice %arg14[%add3A_205, %dma_start3A_767] : memref<10240x128xf32, #tpu.memory_space<vmem_shared>> -> memref<128x128xf32, #tpu.memory_space<vmem_shared>>
      tpu.enqueue_dma source(%arg6 : memref<128x128xf32, #tpu.memory_space<vmem>>) target(%dma_start3A_768 : memref<128x128xf32, #tpu.memory_space<vmem_shared>>) target_semaphore(%run_scoped3A : memref<!tpu.dma_semaphore, #tpu.memory_space<semaphore_mem>>)
      %dma_wait3A_769 = arith.constant 0 : i32
      %dma_wait3A_770 = tpu.memref_slice %arg14[%add3A_205, %dma_wait3A_769] : memref<10240x128xf32, #tpu.memory_space<vmem_shared>> -> memref<128x128xf32, #tpu.memory_space<vmem_shared>>
      %dma_wait3A_771 = arith.constant 0 : i32
      %dma_wait3A_772 = tpu.memref_slice %arg14[%add3A_205, %dma_wait3A_771] : memref<10240x128xf32, #tpu.memory_space<vmem_shared>> -> memref<128x128xf32, #tpu.memory_space<vmem_shared>>
      tpu.wait_dma2 semaphore(%run_scoped3A : memref<!tpu.dma_semaphore, #tpu.memory_space<semaphore_mem>>) src(%arg6 : memref<128x128xf32, #tpu.memory_space<vmem>>) dst(%dma_wait3A_772 : memref<128x128xf32, #tpu.memory_space<vmem_shared>>)
      tpu.yield
    }) : () -> ()
    %add3A_206 = arith.constant 256 : i32
    %add3A_207 = arith.addi %mul3A_201, %add3A_206 : i32
    "tpu.region"() ({
      %run_scoped3A = tpu.sem_alloc : memref<!tpu.dma_semaphore, #tpu.memory_space<semaphore_mem>>
      %dma_start3A_765 = arith.constant 0 : i32
      %dma_start3A_766 = tpu.memref_slice %arg14[%add3A_207, %dma_start3A_765] : memref<10240x128xf32, #tpu.memory_space<vmem_shared>> -> memref<128x128xf32, #tpu.memory_space<vmem_shared>>
      %dma_start3A_767 = arith.constant 0 : i32
      %dma_start3A_768 = tpu.memref_slice %arg14[%add3A_207, %dma_start3A_767] : memref<10240x128xf32, #tpu.memory_space<vmem_shared>> -> memref<128x128xf32, #tpu.memory_space<vmem_shared>>
      tpu.enqueue_dma source(%arg6 : memref<128x128xf32, #tpu.memory_space<vmem>>) target(%dma_start3A_768 : memref<128x128xf32, #tpu.memory_space<vmem_shared>>) target_semaphore(%run_scoped3A : memref<!tpu.dma_semaphore, #tpu.memory_space<semaphore_mem>>)
      %dma_wait3A_769 = arith.constant 0 : i32
      %dma_wait3A_770 = tpu.memref_slice %arg14[%add3A_207, %dma_wait3A_769] : memref<10240x128xf32, #tpu.memory_space<vmem_shared>> -> memref<128x128xf32, #tpu.memory_space<vmem_shared>>
      %dma_wait3A_771 = arith.constant 0 : i32
      %dma_wait3A_772 = tpu.memref_slice %arg14[%add3A_207, %dma_wait3A_771] : memref<10240x128xf32, #tpu.memory_space<vmem_shared>> -> memref<128x128xf32, #tpu.memory_space<vmem_shared>>
      tpu.wait_dma2 semaphore(%run_scoped3A : memref<!tpu.dma_semaphore, #tpu.memory_space<semaphore_mem>>) src(%arg6 : memref<128x128xf32, #tpu.memory_space<vmem>>) dst(%dma_wait3A_772 : memref<128x128xf32, #tpu.memory_space<vmem_shared>>)
      tpu.yield
    }) : () -> ()
    %add3A_208 = arith.constant 384 : i32
    %add3A_209 = arith.addi %mul3A_201, %add3A_208 : i32
    "tpu.region"() ({
      %run_scoped3A = tpu.sem_alloc : memref<!tpu.dma_semaphore, #tpu.memory_space<semaphore_mem>>
      %dma_start3A_765 = arith.constant 0 : i32
      %dma_start3A_766 = tpu.memref_slice %arg14[%add3A_209, %dma_start3A_765] : memref<10240x128xf32, #tpu.memory_space<vmem_shared>> -> memref<128x128xf32, #tpu.memory_space<vmem_shared>>
      %dma_start3A_767 = arith.constant 0 : i32
      %dma_start3A_768 = tpu.memref_slice %arg14[%add3A_209, %dma_start3A_767] : memref<10240x128xf32, #tpu.memory_space<vmem_shared>> -> memref<128x128xf32, #tpu.memory_space<vmem_shared>>
      tpu.enqueue_dma source(%arg6 : memref<128x128xf32, #tpu.memory_space<vmem>>) target(%dma_start3A_768 : memref<128x128xf32, #tpu.memory_space<vmem_shared>>) target_semaphore(%run_scoped3A : memref<!tpu.dma_semaphore, #tpu.memory_space<semaphore_mem>>)
      %dma_wait3A_769 = arith.constant 0 : i32
      %dma_wait3A_770 = tpu.memref_slice %arg14[%add3A_209, %dma_wait3A_769] : memref<10240x128xf32, #tpu.memory_space<vmem_shared>> -> memref<128x128xf32, #tpu.memory_space<vmem_shared>>
      %dma_wait3A_771 = arith.constant 0 : i32
      %dma_wait3A_772 = tpu.memref_slice %arg14[%add3A_209, %dma_wait3A_771] : memref<10240x128xf32, #tpu.memory_space<vmem_shared>> -> memref<128x128xf32, #tpu.memory_space<vmem_shared>>
      tpu.wait_dma2 semaphore(%run_scoped3A : memref<!tpu.dma_semaphore, #tpu.memory_space<semaphore_mem>>) src(%arg6 : memref<128x128xf32, #tpu.memory_space<vmem>>) dst(%dma_wait3A_772 : memref<128x128xf32, #tpu.memory_space<vmem_shared>>)
      tpu.yield
    }) : () -> ()
    %add3A_210 = arith.constant 512 : i32
    %add3A_211 = arith.addi %mul3A_201, %add3A_210 : i32
    "tpu.region"() ({
      %run_scoped3A = tpu.sem_alloc : memref<!tpu.dma_semaphore, #tpu.memory_space<semaphore_mem>>
      %dma_start3A_765 = arith.constant 0 : i32
      %dma_start3A_766 = tpu.memref_slice %arg14[%add3A_211, %dma_start3A_765] : memref<10240x128xf32, #tpu.memory_space<vmem_shared>> -> memref<128x128xf32, #tpu.memory_space<vmem_shared>>
      %dma_start3A_767 = arith.constant 0 : i32
      %dma_start3A_768 = tpu.memref_slice %arg14[%add3A_211, %dma_start3A_767] : memref<10240x128xf32, #tpu.memory_space<vmem_shared>> -> memref<128x128xf32, #tpu.memory_space<vmem_shared>>
      tpu.enqueue_dma source(%arg6 : memref<128x128xf32, #tpu.memory_space<vmem>>) target(%dma_start3A_768 : memref<128x128xf32, #tpu.memory_space<vmem_shared>>) target_semaphore(%run_scoped3A : memref<!tpu.dma_semaphore, #tpu.memory_space<semaphore_mem>>)
      %dma_wait3A_769 = arith.constant 0 : i32
      %dma_wait3A_770 = tpu.memref_slice %arg14[%add3A_211, %dma_wait3A_769] : memref<10240x128xf32, #tpu.memory_space<vmem_shared>> -> memref<128x128xf32, #tpu.memory_space<vmem_shared>>
      %dma_wait3A_771 = arith.constant 0 : i32
      %dma_wait3A_772 = tpu.memref_slice %arg14[%add3A_211, %dma_wait3A_771] : memref<10240x128xf32, #tpu.memory_space<vmem_shared>> -> memref<128x128xf32, #tpu.memory_space<vmem_shared>>
      tpu.wait_dma2 semaphore(%run_scoped3A : memref<!tpu.dma_semaphore, #tpu.memory_space<semaphore_mem>>) src(%arg6 : memref<128x128xf32, #tpu.memory_space<vmem>>) dst(%dma_wait3A_772 : memref<128x128xf32, #tpu.memory_space<vmem_shared>>)
      tpu.yield
    }) : () -> ()
    "tpu.region"() ({
      %run_scoped3A = tpu.sem_alloc : memref<!tpu.dma_semaphore, #tpu.memory_space<semaphore_mem>>
      %dma_start3A_765 = tpu.memref_slice %arg15[%mul3A_201] : memref<10240xf32, #tpu.memory_space<vmem_shared>> -> memref<640xf32, #tpu.memory_space<vmem_shared>>
      %dma_start3A_766 = tpu.memref_slice %arg15[%mul3A_201] : memref<10240xf32, #tpu.memory_space<vmem_shared>> -> memref<640xf32, #tpu.memory_space<vmem_shared>>
      tpu.enqueue_dma source(%arg10 : memref<640xf32, #tpu.memory_space<vmem>>) target(%dma_start3A_766 : memref<640xf32, #tpu.memory_space<vmem_shared>>) target_semaphore(%run_scoped3A : memref<!tpu.dma_semaphore, #tpu.memory_space<semaphore_mem>>)
      %dma_wait3A_767 = tpu.memref_slice %arg15[%mul3A_201] : memref<10240xf32, #tpu.memory_space<vmem_shared>> -> memref<640xf32, #tpu.memory_space<vmem_shared>>
      %dma_wait3A_768 = tpu.memref_slice %arg15[%mul3A_201] : memref<10240xf32, #tpu.memory_space<vmem_shared>> -> memref<640xf32, #tpu.memory_space<vmem_shared>>
      tpu.wait_dma2 semaphore(%run_scoped3A : memref<!tpu.dma_semaphore, #tpu.memory_space<semaphore_mem>>) src(%arg10 : memref<640xf32, #tpu.memory_space<vmem>>) dst(%dma_wait3A_768 : memref<640xf32, #tpu.memory_space<vmem_shared>>)
      tpu.yield
    }) : () -> ()
    %barrier3A = arith.constant 0 : index
    tpu.barrier barrier_id(%barrier3A)
    %mul3A_212 = arith.constant 48 : i32
    %mul3A_213 = arith.muli %add3A, %mul3A_212 : i32
    %add3A_214 = arith.constant 0 : i32
    %add3A_215 = arith.addi %mul3A_213, %add3A_214 : i32
    %mul3A_216 = arith.constant 128 : i32
    %mul3A_217 = arith.muli %add3A_215, %mul3A_216 : i32
    %dma_start3A = arith.constant 0 : i32
    %dma_start3A_218 = tpu.memref_slice %arg2[%mul3A_217, %dma_start3A] : memref<196608x128xf32, #tpu.memory_space<hbm>> -> memref<128x128xf32, #tpu.memory_space<hbm>>
    %dma_start3A_219 = arith.constant 0 : i32
    %dma_start3A_220 = tpu.memref_slice %arg2[%mul3A_217, %dma_start3A_219] : memref<196608x128xf32, #tpu.memory_space<hbm>> -> memref<128x128xf32, #tpu.memory_space<hbm>>
    tpu.enqueue_dma source(%dma_start3A_220 : memref<128x128xf32, #tpu.memory_space<hbm>>) target(%arg6 : memref<128x128xf32, #tpu.memory_space<vmem>>) target_semaphore(%arg11 : memref<!tpu.dma_semaphore, #tpu.memory_space<semaphore_mem>>)
    %add3A_221 = arith.constant 1 : i32
    %add3A_222 = arith.addi %mul3A_213, %add3A_221 : i32
    %mul3A_223 = arith.constant 128 : i32
    %mul3A_224 = arith.muli %add3A_222, %mul3A_223 : i32
    %dma_start3A_225 = arith.constant 0 : i32
    %dma_start3A_226 = tpu.memref_slice %arg2[%mul3A_224, %dma_start3A_225] : memref<196608x128xf32, #tpu.memory_space<hbm>> -> memref<128x128xf32, #tpu.memory_space<hbm>>
    %dma_start3A_227 = arith.constant 0 : i32
    %dma_start3A_228 = tpu.memref_slice %arg2[%mul3A_224, %dma_start3A_227] : memref<196608x128xf32, #tpu.memory_space<hbm>> -> memref<128x128xf32, #tpu.memory_space<hbm>>
    tpu.enqueue_dma source(%dma_start3A_228 : memref<128x128xf32, #tpu.memory_space<hbm>>) target(%arg7 : memref<128x128xf32, #tpu.memory_space<vmem>>) target_semaphore(%arg12 : memref<!tpu.dma_semaphore, #tpu.memory_space<semaphore_mem>>)
    %scan3A_229 = arith.constant 0 : i32
    %scan3A_230 = arith.constant 0 : i32
    %scan3A_231 = arith.constant 6 : i32
    %scan3A_232 = arith.addi %scan3A_230, %scan3A_231 : i32
    %scan3A_233 = arith.constant 1 : i32
    scf.for %scan3A_765 = %scan3A_230 to %scan3A_232 step %scan3A_233  : i32 {
      %mul3A_766 = arith.constant 8 : i32
      %mul3A_767 = arith.muli %scan3A_765, %mul3A_766 : i32
      %add3A_768 = arith.addi %mul3A_213, %mul3A_767 : i32
      "tpu.region"() ({
        %run_scoped3A_983 = tpu.sem_alloc : memref<!tpu.dma_semaphore, #tpu.memory_space<semaphore_mem>>
        %dma_start3A_984 = arith.constant 0 : i32
        %dma_start3A_985 = arith.constant 0 : i32
        %dma_start3A_986 = tpu.memref_slice %arg8[%scan3A_765, %dma_start3A_984, %dma_start3A_985] : memref<6x8x128xi32, #tpu.memory_space<vmem>> -> memref<1x8x128xi32, #tpu.memory_space<vmem>>
        %dma_start3A_987 = tpu.memref_squeeze %dma_start3A_986 : memref<1x8x128xi32, #tpu.memory_space<vmem>> -> memref<8x128xi32, #tpu.memory_space<vmem>>
        %dma_start3A_988 = arith.constant 0 : i32
        %dma_start3A_989 = tpu.memref_slice %arg3[%add3A_768, %dma_start3A_988] : memref<1536x128xi32, #tpu.memory_space<hbm>> -> memref<8x128xi32, #tpu.memory_space<hbm>>
        %dma_start3A_990 = arith.constant 0 : i32
        %dma_start3A_991 = arith.constant 0 : i32
        %dma_start3A_992 = tpu.memref_slice %arg8[%scan3A_765, %dma_start3A_990, %dma_start3A_991] : memref<6x8x128xi32, #tpu.memory_space<vmem>> -> memref<1x8x128xi32, #tpu.memory_space<vmem>>
        %dma_start3A_993 = tpu.memref_squeeze %dma_start3A_992 : memref<1x8x128xi32, #tpu.memory_space<vmem>> -> memref<8x128xi32, #tpu.memory_space<vmem>>
        %dma_start3A_994 = arith.constant 0 : i32
        %dma_start3A_995 = tpu.memref_slice %arg3[%add3A_768, %dma_start3A_994] : memref<1536x128xi32, #tpu.memory_space<hbm>> -> memref<8x128xi32, #tpu.memory_space<hbm>>
        tpu.enqueue_dma source(%dma_start3A_995 : memref<8x128xi32, #tpu.memory_space<hbm>>) target(%dma_start3A_993 : memref<8x128xi32, #tpu.memory_space<vmem>>) target_semaphore(%run_scoped3A_983 : memref<!tpu.dma_semaphore, #tpu.memory_space<semaphore_mem>>)
        %dma_wait3A_996 = arith.constant 0 : i32
        %dma_wait3A_997 = arith.constant 0 : i32
        %dma_wait3A_998 = tpu.memref_slice %arg8[%scan3A_765, %dma_wait3A_996, %dma_wait3A_997] : memref<6x8x128xi32, #tpu.memory_space<vmem>> -> memref<1x8x128xi32, #tpu.memory_space<vmem>>
        %dma_wait3A_999 = tpu.memref_squeeze %dma_wait3A_998 : memref<1x8x128xi32, #tpu.memory_space<vmem>> -> memref<8x128xi32, #tpu.memory_space<vmem>>
        %dma_wait3A_1000 = arith.constant 0 : i32
        %dma_wait3A_1001 = tpu.memref_slice %arg3[%add3A_768, %dma_wait3A_1000] : memref<1536x128xi32, #tpu.memory_space<hbm>> -> memref<8x128xi32, #tpu.memory_space<hbm>>
        %dma_wait3A_1002 = arith.constant 0 : i32
        %dma_wait3A_1003 = arith.constant 0 : i32
        %dma_wait3A_1004 = tpu.memref_slice %arg8[%scan3A_765, %dma_wait3A_1002, %dma_wait3A_1003] : memref<6x8x128xi32, #tpu.memory_space<vmem>> -> memref<1x8x128xi32, #tpu.memory_space<vmem>>
        %dma_wait3A_1005 = tpu.memref_squeeze %dma_wait3A_1004 : memref<1x8x128xi32, #tpu.memory_space<vmem>> -> memref<8x128xi32, #tpu.memory_space<vmem>>
        %dma_wait3A_1006 = arith.constant 0 : i32
        %dma_wait3A_1007 = tpu.memref_slice %arg3[%add3A_768, %dma_wait3A_1006] : memref<1536x128xi32, #tpu.memory_space<hbm>> -> memref<8x128xi32, #tpu.memory_space<hbm>>
        tpu.wait_dma2 semaphore(%run_scoped3A_983 : memref<!tpu.dma_semaphore, #tpu.memory_space<semaphore_mem>>) src(%dma_wait3A_1007 : memref<8x128xi32, #tpu.memory_space<hbm>>) dst(%dma_wait3A_1005 : memref<8x128xi32, #tpu.memory_space<vmem>>)
        tpu.yield
      }) : () -> ()
      %add3A_769 = arith.constant 0 : i32
      %add3A_770 = arith.addi %mul3A_767, %add3A_769 : i32
      %add3A_771 = arith.addi %mul3A_213, %add3A_770 : i32
      %mul3A_772 = arith.constant 128 : i32
      %mul3A_773 = arith.muli %add3A_771, %mul3A_772 : i32
      %dma_wait3A_774 = arith.constant 0 : i32
      %dma_wait3A_775 = tpu.memref_slice %arg2[%mul3A_773, %dma_wait3A_774] : memref<196608x128xf32, #tpu.memory_space<hbm>> -> memref<128x128xf32, #tpu.memory_space<hbm>>
      %dma_wait3A_776 = arith.constant 0 : i32
      %dma_wait3A_777 = tpu.memref_slice %arg2[%mul3A_773, %dma_wait3A_776] : memref<196608x128xf32, #tpu.memory_space<hbm>> -> memref<128x128xf32, #tpu.memory_space<hbm>>
      tpu.wait_dma2 semaphore(%arg11 : memref<!tpu.dma_semaphore, #tpu.memory_space<semaphore_mem>>) src(%dma_wait3A_777 : memref<128x128xf32, #tpu.memory_space<hbm>>) dst(%arg6 : memref<128x128xf32, #tpu.memory_space<vmem>>)
      %run_scoped3A = arith.constant 0 : i32
      "tpu.region"() ({
        %run_scoped3A_983 = tpu.sem_alloc : memref<!tpu.dma_semaphore, #tpu.memory_space<semaphore_mem>>
        %dma_start3A_984 = arith.constant 0 : i32
        %dma_start3A_985 = arith.constant 0 : i32
        %dma_start3A_986 = tpu.memref_slice %arg8[%scan3A_765, %dma_start3A_984, %dma_start3A_985] : memref<6x8x128xi32, #tpu.memory_space<vmem>> -> memref<1x8x128xi32, #tpu.memory_space<vmem>>
        %dma_start3A_987 = tpu.memref_squeeze %dma_start3A_986 : memref<1x8x128xi32, #tpu.memory_space<vmem>> -> memref<8x128xi32, #tpu.memory_space<vmem>>
        %dma_start3A_988 = arith.constant 0 : i32
        %dma_start3A_989 = tpu.memref_slice %dma_start3A_987[%run_scoped3A, %dma_start3A_988] : memref<8x128xi32, #tpu.memory_space<vmem>> -> memref<1x128xi32, #tpu.memory_space<vmem>>
        %dma_start3A_990 = tpu.memref_squeeze %dma_start3A_989 : memref<1x128xi32, #tpu.memory_space<vmem>> -> memref<128xi32, #tpu.memory_space<vmem>>
        %dma_start3A_991 = arith.constant 0 : i32
        %dma_start3A_992 = arith.constant 0 : i32
        %dma_start3A_993 = tpu.memref_slice %arg14[%dma_start3A_991, %dma_start3A_992] : memref<10240x128xf32, #tpu.memory_space<vmem_shared>> -> memref<10240x128xf32, #tpu.memory_space<vmem_shared>>
        tpu.enqueue_indirect_dma source(%arg6 : memref<128x128xf32, #tpu.memory_space<vmem>>) target(%dma_start3A_993 : memref<10240x128xf32, #tpu.memory_space<vmem_shared>>) offsets(%dma_start3A_990 : memref<128xi32, #tpu.memory_space<vmem>>) semaphore(%run_scoped3A_983 : memref<!tpu.dma_semaphore, #tpu.memory_space<semaphore_mem>>) {add = true}
        %dma_wait3A_994 = arith.constant 0 : i32
        %dma_wait3A_995 = arith.constant 0 : i32
        %dma_wait3A_996 = tpu.memref_slice %arg8[%scan3A_765, %dma_wait3A_994, %dma_wait3A_995] : memref<6x8x128xi32, #tpu.memory_space<vmem>> -> memref<1x8x128xi32, #tpu.memory_space<vmem>>
        %dma_wait3A_997 = tpu.memref_squeeze %dma_wait3A_996 : memref<1x8x128xi32, #tpu.memory_space<vmem>> -> memref<8x128xi32, #tpu.memory_space<vmem>>
        %dma_wait3A_998 = arith.constant 0 : i32
        %dma_wait3A_999 = tpu.memref_slice %dma_wait3A_997[%run_scoped3A, %dma_wait3A_998] : memref<8x128xi32, #tpu.memory_space<vmem>> -> memref<1x128xi32, #tpu.memory_space<vmem>>
        %dma_wait3A_1000 = tpu.memref_squeeze %dma_wait3A_999 : memref<1x128xi32, #tpu.memory_space<vmem>> -> memref<128xi32, #tpu.memory_space<vmem>>
        %dma_wait3A_1001 = arith.constant 0 : i32
        %dma_wait3A_1002 = arith.constant 0 : i32
        %dma_wait3A_1003 = tpu.memref_slice %arg14[%dma_wait3A_1001, %dma_wait3A_1002] : memref<10240x128xf32, #tpu.memory_space<vmem_shared>> -> memref<10240x128xf32, #tpu.memory_space<vmem_shared>>
        tpu.wait_indirect_dma semaphore(%run_scoped3A_983 : memref<!tpu.dma_semaphore, #tpu.memory_space<semaphore_mem>>) src(%arg6 : memref<128x128xf32, #tpu.memory_space<vmem>>) dst(%dma_wait3A_1003 : memref<10240x128xf32, #tpu.memory_space<vmem_shared>>)
        tpu.yield
      }) : () -> ()
      %dma_start3A_778 = arith.constant 0 : i32
      %dma_start3A_779 = arith.constant 0 : i32
      %dma_start3A_780 = arith.constant 0 : i32
      %dma_start3A_781 = tpu.memref_slice %arg8[%scan3A_765, %dma_start3A_779, %dma_start3A_780] : memref<6x8x128xi32, #tpu.memory_space<vmem>> -> memref<1x8x128xi32, #tpu.memory_space<vmem>>
      %dma_start3A_782 = tpu.memref_squeeze %dma_start3A_781 : memref<1x8x128xi32, #tpu.memory_space<vmem>> -> memref<8x128xi32, #tpu.memory_space<vmem>>
      %dma_start3A_783 = arith.constant 0 : i32
      %dma_start3A_784 = tpu.memref_slice %dma_start3A_782[%dma_start3A_778, %dma_start3A_783] : memref<8x128xi32, #tpu.memory_space<vmem>> -> memref<1x128xi32, #tpu.memory_space<vmem>>
      %dma_start3A_785 = tpu.memref_squeeze %dma_start3A_784 : memref<1x128xi32, #tpu.memory_space<vmem>> -> memref<128xi32, #tpu.memory_space<vmem>>
      %dma_start3A_786 = arith.constant 0 : i32
      %dma_start3A_787 = tpu.memref_slice %arg15[%dma_start3A_786] : memref<10240xf32, #tpu.memory_space<vmem_shared>> -> memref<10240xf32, #tpu.memory_space<vmem_shared>>
      tpu.enqueue_indirect_dma source(%arg9 : memref<128xf32, #tpu.memory_space<vmem>>) target(%dma_start3A_787 : memref<10240xf32, #tpu.memory_space<vmem_shared>>) offsets(%dma_start3A_785 : memref<128xi32, #tpu.memory_space<vmem>>) semaphore(%arg13 : memref<!tpu.dma_semaphore, #tpu.memory_space<semaphore_mem>>) {add = true}
      %add3A_788 = arith.constant 2 : i32
      %add3A_789 = arith.addi %add3A_770, %add3A_788 : i32
      %lt3A = arith.constant 48 : i32
      %lt3A_790 = arith.cmpi slt, %add3A_789, %lt3A : i32
      %convert_element_type3A_791 = arith.extui %lt3A_790 : i1 to i32
      %cond3A_792 = arith.constant 0 : i32
      %cond3A_793 = arith.cmpi ne, %convert_element_type3A_791, %cond3A_792 : i32
      scf.if %cond3A_793 {
        %add3A_983 = arith.constant 2 : i32
        %add3A_984 = arith.addi %add3A_770, %add3A_983 : i32
        %add3A_985 = arith.addi %mul3A_213, %add3A_984 : i32
        %mul3A_986 = arith.constant 128 : i32
        %mul3A_987 = arith.muli %add3A_985, %mul3A_986 : i32
        %dma_start3A_988 = arith.constant 0 : i32
        %dma_start3A_989 = tpu.memref_slice %arg2[%mul3A_987, %dma_start3A_988] : memref<196608x128xf32, #tpu.memory_space<hbm>> -> memref<128x128xf32, #tpu.memory_space<hbm>>
        %dma_start3A_990 = arith.constant 0 : i32
        %dma_start3A_991 = tpu.memref_slice %arg2[%mul3A_987, %dma_start3A_990] : memref<196608x128xf32, #tpu.memory_space<hbm>> -> memref<128x128xf32, #tpu.memory_space<hbm>>
        tpu.enqueue_dma source(%dma_start3A_991 : memref<128x128xf32, #tpu.memory_space<hbm>>) target(%arg6 : memref<128x128xf32, #tpu.memory_space<vmem>>) target_semaphore(%arg11 : memref<!tpu.dma_semaphore, #tpu.memory_space<semaphore_mem>>)
      } else {
      }
      %add3A_794 = arith.constant 1 : i32
      %add3A_795 = arith.addi %mul3A_767, %add3A_794 : i32
      %add3A_796 = arith.addi %mul3A_213, %add3A_795 : i32
      %mul3A_797 = arith.constant 128 : i32
      %mul3A_798 = arith.muli %add3A_796, %mul3A_797 : i32
      %dma_wait3A_799 = arith.constant 0 : i32
      %dma_wait3A_800 = tpu.memref_slice %arg2[%mul3A_798, %dma_wait3A_799] : memref<196608x128xf32, #tpu.memory_space<hbm>> -> memref<128x128xf32, #tpu.memory_space<hbm>>
      %dma_wait3A_801 = arith.constant 0 : i32
      %dma_wait3A_802 = tpu.memref_slice %arg2[%mul3A_798, %dma_wait3A_801] : memref<196608x128xf32, #tpu.memory_space<hbm>> -> memref<128x128xf32, #tpu.memory_space<hbm>>
      tpu.wait_dma2 semaphore(%arg12 : memref<!tpu.dma_semaphore, #tpu.memory_space<semaphore_mem>>) src(%dma_wait3A_802 : memref<128x128xf32, #tpu.memory_space<hbm>>) dst(%arg7 : memref<128x128xf32, #tpu.memory_space<vmem>>)
      %run_scoped3A_803 = arith.constant 1 : i32
      "tpu.region"() ({
        %run_scoped3A_983 = tpu.sem_alloc : memref<!tpu.dma_semaphore, #tpu.memory_space<semaphore_mem>>
        %dma_start3A_984 = arith.constant 0 : i32
        %dma_start3A_985 = arith.constant 0 : i32
        %dma_start3A_986 = tpu.memref_slice %arg8[%scan3A_765, %dma_start3A_984, %dma_start3A_985] : memref<6x8x128xi32, #tpu.memory_space<vmem>> -> memref<1x8x128xi32, #tpu.memory_space<vmem>>
        %dma_start3A_987 = tpu.memref_squeeze %dma_start3A_986 : memref<1x8x128xi32, #tpu.memory_space<vmem>> -> memref<8x128xi32, #tpu.memory_space<vmem>>
        %dma_start3A_988 = arith.constant 0 : i32
        %dma_start3A_989 = tpu.memref_slice %dma_start3A_987[%run_scoped3A_803, %dma_start3A_988] : memref<8x128xi32, #tpu.memory_space<vmem>> -> memref<1x128xi32, #tpu.memory_space<vmem>>
        %dma_start3A_990 = tpu.memref_squeeze %dma_start3A_989 : memref<1x128xi32, #tpu.memory_space<vmem>> -> memref<128xi32, #tpu.memory_space<vmem>>
        %dma_start3A_991 = arith.constant 0 : i32
        %dma_start3A_992 = arith.constant 0 : i32
        %dma_start3A_993 = tpu.memref_slice %arg14[%dma_start3A_991, %dma_start3A_992] : memref<10240x128xf32, #tpu.memory_space<vmem_shared>> -> memref<10240x128xf32, #tpu.memory_space<vmem_shared>>
        tpu.enqueue_indirect_dma source(%arg7 : memref<128x128xf32, #tpu.memory_space<vmem>>) target(%dma_start3A_993 : memref<10240x128xf32, #tpu.memory_space<vmem_shared>>) offsets(%dma_start3A_990 : memref<128xi32, #tpu.memory_space<vmem>>) semaphore(%run_scoped3A_983 : memref<!tpu.dma_semaphore, #tpu.memory_space<semaphore_mem>>) {add = true}
        %dma_wait3A_994 = arith.constant 0 : i32
        %dma_wait3A_995 = arith.constant 0 : i32
        %dma_wait3A_996 = tpu.memref_slice %arg8[%scan3A_765, %dma_wait3A_994, %dma_wait3A_995] : memref<6x8x128xi32, #tpu.memory_space<vmem>> -> memref<1x8x128xi32, #tpu.memory_space<vmem>>
        %dma_wait3A_997 = tpu.memref_squeeze %dma_wait3A_996 : memref<1x8x128xi32, #tpu.memory_space<vmem>> -> memref<8x128xi32, #tpu.memory_space<vmem>>
        %dma_wait3A_998 = arith.constant 0 : i32
        %dma_wait3A_999 = tpu.memref_slice %dma_wait3A_997[%run_scoped3A_803, %dma_wait3A_998] : memref<8x128xi32, #tpu.memory_space<vmem>> -> memref<1x128xi32, #tpu.memory_space<vmem>>
        %dma_wait3A_1000 = tpu.memref_squeeze %dma_wait3A_999 : memref<1x128xi32, #tpu.memory_space<vmem>> -> memref<128xi32, #tpu.memory_space<vmem>>
        %dma_wait3A_1001 = arith.constant 0 : i32
        %dma_wait3A_1002 = arith.constant 0 : i32
        %dma_wait3A_1003 = tpu.memref_slice %arg14[%dma_wait3A_1001, %dma_wait3A_1002] : memref<10240x128xf32, #tpu.memory_space<vmem_shared>> -> memref<10240x128xf32, #tpu.memory_space<vmem_shared>>
        tpu.wait_indirect_dma semaphore(%run_scoped3A_983 : memref<!tpu.dma_semaphore, #tpu.memory_space<semaphore_mem>>) src(%arg7 : memref<128x128xf32, #tpu.memory_space<vmem>>) dst(%dma_wait3A_1003 : memref<10240x128xf32, #tpu.memory_space<vmem_shared>>)
        tpu.yield
      }) : () -> ()
      %dma_start3A_804 = arith.constant 1 : i32
      %dma_start3A_805 = arith.constant 0 : i32
      %dma_start3A_806 = arith.constant 0 : i32
      %dma_start3A_807 = tpu.memref_slice %arg8[%scan3A_765, %dma_start3A_805, %dma_start3A_806] : memref<6x8x128xi32, #tpu.memory_space<vmem>> -> memref<1x8x128xi32, #tpu.memory_space<vmem>>
      %dma_start3A_808 = tpu.memref_squeeze %dma_start3A_807 : memref<1x8x128xi32, #tpu.memory_space<vmem>> -> memref<8x128xi32, #tpu.memory_space<vmem>>
      %dma_start3A_809 = arith.constant 0 : i32
      %dma_start3A_810 = tpu.memref_slice %dma_start3A_808[%dma_start3A_804, %dma_start3A_809] : memref<8x128xi32, #tpu.memory_space<vmem>> -> memref<1x128xi32, #tpu.memory_space<vmem>>
      %dma_start3A_811 = tpu.memref_squeeze %dma_start3A_810 : memref<1x128xi32, #tpu.memory_space<vmem>> -> memref<128xi32, #tpu.memory_space<vmem>>
      %dma_start3A_812 = arith.constant 0 : i32
      %dma_start3A_813 = tpu.memref_slice %arg15[%dma_start3A_812] : memref<10240xf32, #tpu.memory_space<vmem_shared>> -> memref<10240xf32, #tpu.memory_space<vmem_shared>>
      tpu.enqueue_indirect_dma source(%arg9 : memref<128xf32, #tpu.memory_space<vmem>>) target(%dma_start3A_813 : memref<10240xf32, #tpu.memory_space<vmem_shared>>) offsets(%dma_start3A_811 : memref<128xi32, #tpu.memory_space<vmem>>) semaphore(%arg13 : memref<!tpu.dma_semaphore, #tpu.memory_space<semaphore_mem>>) {add = true}
      %add3A_814 = arith.constant 2 : i32
      %add3A_815 = arith.addi %add3A_795, %add3A_814 : i32
      %lt3A_816 = arith.constant 48 : i32
      %lt3A_817 = arith.cmpi slt, %add3A_815, %lt3A_816 : i32
      %convert_element_type3A_818 = arith.extui %lt3A_817 : i1 to i32
      %cond3A_819 = arith.constant 0 : i32
      %cond3A_820 = arith.cmpi ne, %convert_element_type3A_818, %cond3A_819 : i32
      scf.if %cond3A_820 {
        %add3A_983 = arith.constant 2 : i32
        %add3A_984 = arith.addi %add3A_795, %add3A_983 : i32
        %add3A_985 = arith.addi %mul3A_213, %add3A_984 : i32
        %mul3A_986 = arith.constant 128 : i32
        %mul3A_987 = arith.muli %add3A_985, %mul3A_986 : i32
        %dma_start3A_988 = arith.constant 0 : i32
        %dma_start3A_989 = tpu.memref_slice %arg2[%mul3A_987, %dma_start3A_988] : memref<196608x128xf32, #tpu.memory_space<hbm>> -> memref<128x128xf32, #tpu.memory_space<hbm>>
        %dma_start3A_990 = arith.constant 0 : i32
        %dma_start3A_991 = tpu.memref_slice %arg2[%mul3A_987, %dma_start3A_990] : memref<196608x128xf32, #tpu.memory_space<hbm>> -> memref<128x128xf32, #tpu.memory_space<hbm>>
        tpu.enqueue_dma source(%dma_start3A_991 : memref<128x128xf32, #tpu.memory_space<hbm>>) target(%arg7 : memref<128x128xf32, #tpu.memory_space<vmem>>) target_semaphore(%arg12 : memref<!tpu.dma_semaphore, #tpu.memory_space<semaphore_mem>>)
      } else {
      }
      %add3A_821 = arith.constant 2 : i32
      %add3A_822 = arith.addi %mul3A_767, %add3A_821 : i32
      %add3A_823 = arith.addi %mul3A_213, %add3A_822 : i32
      %mul3A_824 = arith.constant 128 : i32
      %mul3A_825 = arith.muli %add3A_823, %mul3A_824 : i32
      %dma_wait3A_826 = arith.constant 0 : i32
      %dma_wait3A_827 = tpu.memref_slice %arg2[%mul3A_825, %dma_wait3A_826] : memref<196608x128xf32, #tpu.memory_space<hbm>> -> memref<128x128xf32, #tpu.memory_space<hbm>>
      %dma_wait3A_828 = arith.constant 0 : i32
      %dma_wait3A_829 = tpu.memref_slice %arg2[%mul3A_825, %dma_wait3A_828] : memref<196608x128xf32, #tpu.memory_space<hbm>> -> memref<128x128xf32, #tpu.memory_space<hbm>>
      tpu.wait_dma2 semaphore(%arg11 : memref<!tpu.dma_semaphore, #tpu.memory_space<semaphore_mem>>) src(%dma_wait3A_829 : memref<128x128xf32, #tpu.memory_space<hbm>>) dst(%arg6 : memref<128x128xf32, #tpu.memory_space<vmem>>)
      %run_scoped3A_830 = arith.constant 2 : i32
      "tpu.region"() ({
        %run_scoped3A_983 = tpu.sem_alloc : memref<!tpu.dma_semaphore, #tpu.memory_space<semaphore_mem>>
        %dma_start3A_984 = arith.constant 0 : i32
        %dma_start3A_985 = arith.constant 0 : i32
        %dma_start3A_986 = tpu.memref_slice %arg8[%scan3A_765, %dma_start3A_984, %dma_start3A_985] : memref<6x8x128xi32, #tpu.memory_space<vmem>> -> memref<1x8x128xi32, #tpu.memory_space<vmem>>
        %dma_start3A_987 = tpu.memref_squeeze %dma_start3A_986 : memref<1x8x128xi32, #tpu.memory_space<vmem>> -> memref<8x128xi32, #tpu.memory_space<vmem>>
        %dma_start3A_988 = arith.constant 0 : i32
        %dma_start3A_989 = tpu.memref_slice %dma_start3A_987[%run_scoped3A_830, %dma_start3A_988] : memref<8x128xi32, #tpu.memory_space<vmem>> -> memref<1x128xi32, #tpu.memory_space<vmem>>
        %dma_start3A_990 = tpu.memref_squeeze %dma_start3A_989 : memref<1x128xi32, #tpu.memory_space<vmem>> -> memref<128xi32, #tpu.memory_space<vmem>>
        %dma_start3A_991 = arith.constant 0 : i32
        %dma_start3A_992 = arith.constant 0 : i32
        %dma_start3A_993 = tpu.memref_slice %arg14[%dma_start3A_991, %dma_start3A_992] : memref<10240x128xf32, #tpu.memory_space<vmem_shared>> -> memref<10240x128xf32, #tpu.memory_space<vmem_shared>>
        tpu.enqueue_indirect_dma source(%arg6 : memref<128x128xf32, #tpu.memory_space<vmem>>) target(%dma_start3A_993 : memref<10240x128xf32, #tpu.memory_space<vmem_shared>>) offsets(%dma_start3A_990 : memref<128xi32, #tpu.memory_space<vmem>>) semaphore(%run_scoped3A_983 : memref<!tpu.dma_semaphore, #tpu.memory_space<semaphore_mem>>) {add = true}
        %dma_wait3A_994 = arith.constant 0 : i32
        %dma_wait3A_995 = arith.constant 0 : i32
        %dma_wait3A_996 = tpu.memref_slice %arg8[%scan3A_765, %dma_wait3A_994, %dma_wait3A_995] : memref<6x8x128xi32, #tpu.memory_space<vmem>> -> memref<1x8x128xi32, #tpu.memory_space<vmem>>
        %dma_wait3A_997 = tpu.memref_squeeze %dma_wait3A_996 : memref<1x8x128xi32, #tpu.memory_space<vmem>> -> memref<8x128xi32, #tpu.memory_space<vmem>>
        %dma_wait3A_998 = arith.constant 0 : i32
        %dma_wait3A_999 = tpu.memref_slice %dma_wait3A_997[%run_scoped3A_830, %dma_wait3A_998] : memref<8x128xi32, #tpu.memory_space<vmem>> -> memref<1x128xi32, #tpu.memory_space<vmem>>
        %dma_wait3A_1000 = tpu.memref_squeeze %dma_wait3A_999 : memref<1x128xi32, #tpu.memory_space<vmem>> -> memref<128xi32, #tpu.memory_space<vmem>>
        %dma_wait3A_1001 = arith.constant 0 : i32
        %dma_wait3A_1002 = arith.constant 0 : i32
        %dma_wait3A_1003 = tpu.memref_slice %arg14[%dma_wait3A_1001, %dma_wait3A_1002] : memref<10240x128xf32, #tpu.memory_space<vmem_shared>> -> memref<10240x128xf32, #tpu.memory_space<vmem_shared>>
        tpu.wait_indirect_dma semaphore(%run_scoped3A_983 : memref<!tpu.dma_semaphore, #tpu.memory_space<semaphore_mem>>) src(%arg6 : memref<128x128xf32, #tpu.memory_space<vmem>>) dst(%dma_wait3A_1003 : memref<10240x128xf32, #tpu.memory_space<vmem_shared>>)
        tpu.yield
      }) : () -> ()
      %dma_start3A_831 = arith.constant 2 : i32
      %dma_start3A_832 = arith.constant 0 : i32
      %dma_start3A_833 = arith.constant 0 : i32
      %dma_start3A_834 = tpu.memref_slice %arg8[%scan3A_765, %dma_start3A_832, %dma_start3A_833] : memref<6x8x128xi32, #tpu.memory_space<vmem>> -> memref<1x8x128xi32, #tpu.memory_space<vmem>>
      %dma_start3A_835 = tpu.memref_squeeze %dma_start3A_834 : memref<1x8x128xi32, #tpu.memory_space<vmem>> -> memref<8x128xi32, #tpu.memory_space<vmem>>
      %dma_start3A_836 = arith.constant 0 : i32
      %dma_start3A_837 = tpu.memref_slice %dma_start3A_835[%dma_start3A_831, %dma_start3A_836] : memref<8x128xi32, #tpu.memory_space<vmem>> -> memref<1x128xi32, #tpu.memory_space<vmem>>
      %dma_start3A_838 = tpu.memref_squeeze %dma_start3A_837 : memref<1x128xi32, #tpu.memory_space<vmem>> -> memref<128xi32, #tpu.memory_space<vmem>>
      %dma_start3A_839 = arith.constant 0 : i32
      %dma_start3A_840 = tpu.memref_slice %arg15[%dma_start3A_839] : memref<10240xf32, #tpu.memory_space<vmem_shared>> -> memref<10240xf32, #tpu.memory_space<vmem_shared>>
      tpu.enqueue_indirect_dma source(%arg9 : memref<128xf32, #tpu.memory_space<vmem>>) target(%dma_start3A_840 : memref<10240xf32, #tpu.memory_space<vmem_shared>>) offsets(%dma_start3A_838 : memref<128xi32, #tpu.memory_space<vmem>>) semaphore(%arg13 : memref<!tpu.dma_semaphore, #tpu.memory_space<semaphore_mem>>) {add = true}
      %add3A_841 = arith.constant 2 : i32
      %add3A_842 = arith.addi %add3A_822, %add3A_841 : i32
      %lt3A_843 = arith.constant 48 : i32
      %lt3A_844 = arith.cmpi slt, %add3A_842, %lt3A_843 : i32
      %convert_element_type3A_845 = arith.extui %lt3A_844 : i1 to i32
      %cond3A_846 = arith.constant 0 : i32
      %cond3A_847 = arith.cmpi ne, %convert_element_type3A_845, %cond3A_846 : i32
      scf.if %cond3A_847 {
        %add3A_983 = arith.constant 2 : i32
        %add3A_984 = arith.addi %add3A_822, %add3A_983 : i32
        %add3A_985 = arith.addi %mul3A_213, %add3A_984 : i32
        %mul3A_986 = arith.constant 128 : i32
        %mul3A_987 = arith.muli %add3A_985, %mul3A_986 : i32
        %dma_start3A_988 = arith.constant 0 : i32
        %dma_start3A_989 = tpu.memref_slice %arg2[%mul3A_987, %dma_start3A_988] : memref<196608x128xf32, #tpu.memory_space<hbm>> -> memref<128x128xf32, #tpu.memory_space<hbm>>
        %dma_start3A_990 = arith.constant 0 : i32
        %dma_start3A_991 = tpu.memref_slice %arg2[%mul3A_987, %dma_start3A_990] : memref<196608x128xf32, #tpu.memory_space<hbm>> -> memref<128x128xf32, #tpu.memory_space<hbm>>
        tpu.enqueue_dma source(%dma_start3A_991 : memref<128x128xf32, #tpu.memory_space<hbm>>) target(%arg6 : memref<128x128xf32, #tpu.memory_space<vmem>>) target_semaphore(%arg11 : memref<!tpu.dma_semaphore, #tpu.memory_space<semaphore_mem>>)
      } else {
      }
      %add3A_848 = arith.constant 3 : i32
      %add3A_849 = arith.addi %mul3A_767, %add3A_848 : i32
      %add3A_850 = arith.addi %mul3A_213, %add3A_849 : i32
      %mul3A_851 = arith.constant 128 : i32
      %mul3A_852 = arith.muli %add3A_850, %mul3A_851 : i32
      %dma_wait3A_853 = arith.constant 0 : i32
      %dma_wait3A_854 = tpu.memref_slice %arg2[%mul3A_852, %dma_wait3A_853] : memref<196608x128xf32, #tpu.memory_space<hbm>> -> memref<128x128xf32, #tpu.memory_space<hbm>>
      %dma_wait3A_855 = arith.constant 0 : i32
      %dma_wait3A_856 = tpu.memref_slice %arg2[%mul3A_852, %dma_wait3A_855] : memref<196608x128xf32, #tpu.memory_space<hbm>> -> memref<128x128xf32, #tpu.memory_space<hbm>>
      tpu.wait_dma2 semaphore(%arg12 : memref<!tpu.dma_semaphore, #tpu.memory_space<semaphore_mem>>) src(%dma_wait3A_856 : memref<128x128xf32, #tpu.memory_space<hbm>>) dst(%arg7 : memref<128x128xf32, #tpu.memory_space<vmem>>)
      %run_scoped3A_857 = arith.constant 3 : i32
      "tpu.region"() ({
        %run_scoped3A_983 = tpu.sem_alloc : memref<!tpu.dma_semaphore, #tpu.memory_space<semaphore_mem>>
        %dma_start3A_984 = arith.constant 0 : i32
        %dma_start3A_985 = arith.constant 0 : i32
        %dma_start3A_986 = tpu.memref_slice %arg8[%scan3A_765, %dma_start3A_984, %dma_start3A_985] : memref<6x8x128xi32, #tpu.memory_space<vmem>> -> memref<1x8x128xi32, #tpu.memory_space<vmem>>
        %dma_start3A_987 = tpu.memref_squeeze %dma_start3A_986 : memref<1x8x128xi32, #tpu.memory_space<vmem>> -> memref<8x128xi32, #tpu.memory_space<vmem>>
        %dma_start3A_988 = arith.constant 0 : i32
        %dma_start3A_989 = tpu.memref_slice %dma_start3A_987[%run_scoped3A_857, %dma_start3A_988] : memref<8x128xi32, #tpu.memory_space<vmem>> -> memref<1x128xi32, #tpu.memory_space<vmem>>
        %dma_start3A_990 = tpu.memref_squeeze %dma_start3A_989 : memref<1x128xi32, #tpu.memory_space<vmem>> -> memref<128xi32, #tpu.memory_space<vmem>>
        %dma_start3A_991 = arith.constant 0 : i32
        %dma_start3A_992 = arith.constant 0 : i32
        %dma_start3A_993 = tpu.memref_slice %arg14[%dma_start3A_991, %dma_start3A_992] : memref<10240x128xf32, #tpu.memory_space<vmem_shared>> -> memref<10240x128xf32, #tpu.memory_space<vmem_shared>>
        tpu.enqueue_indirect_dma source(%arg7 : memref<128x128xf32, #tpu.memory_space<vmem>>) target(%dma_start3A_993 : memref<10240x128xf32, #tpu.memory_space<vmem_shared>>) offsets(%dma_start3A_990 : memref<128xi32, #tpu.memory_space<vmem>>) semaphore(%run_scoped3A_983 : memref<!tpu.dma_semaphore, #tpu.memory_space<semaphore_mem>>) {add = true}
        %dma_wait3A_994 = arith.constant 0 : i32
        %dma_wait3A_995 = arith.constant 0 : i32
        %dma_wait3A_996 = tpu.memref_slice %arg8[%scan3A_765, %dma_wait3A_994, %dma_wait3A_995] : memref<6x8x128xi32, #tpu.memory_space<vmem>> -> memref<1x8x128xi32, #tpu.memory_space<vmem>>
        %dma_wait3A_997 = tpu.memref_squeeze %dma_wait3A_996 : memref<1x8x128xi32, #tpu.memory_space<vmem>> -> memref<8x128xi32, #tpu.memory_space<vmem>>
        %dma_wait3A_998 = arith.constant 0 : i32
        %dma_wait3A_999 = tpu.memref_slice %dma_wait3A_997[%run_scoped3A_857, %dma_wait3A_998] : memref<8x128xi32, #tpu.memory_space<vmem>> -> memref<1x128xi32, #tpu.memory_space<vmem>>
        %dma_wait3A_1000 = tpu.memref_squeeze %dma_wait3A_999 : memref<1x128xi32, #tpu.memory_space<vmem>> -> memref<128xi32, #tpu.memory_space<vmem>>
        %dma_wait3A_1001 = arith.constant 0 : i32
        %dma_wait3A_1002 = arith.constant 0 : i32
        %dma_wait3A_1003 = tpu.memref_slice %arg14[%dma_wait3A_1001, %dma_wait3A_1002] : memref<10240x128xf32, #tpu.memory_space<vmem_shared>> -> memref<10240x128xf32, #tpu.memory_space<vmem_shared>>
        tpu.wait_indirect_dma semaphore(%run_scoped3A_983 : memref<!tpu.dma_semaphore, #tpu.memory_space<semaphore_mem>>) src(%arg7 : memref<128x128xf32, #tpu.memory_space<vmem>>) dst(%dma_wait3A_1003 : memref<10240x128xf32, #tpu.memory_space<vmem_shared>>)
        tpu.yield
      }) : () -> ()
      %dma_start3A_858 = arith.constant 3 : i32
      %dma_start3A_859 = arith.constant 0 : i32
      %dma_start3A_860 = arith.constant 0 : i32
      %dma_start3A_861 = tpu.memref_slice %arg8[%scan3A_765, %dma_start3A_859, %dma_start3A_860] : memref<6x8x128xi32, #tpu.memory_space<vmem>> -> memref<1x8x128xi32, #tpu.memory_space<vmem>>
      %dma_start3A_862 = tpu.memref_squeeze %dma_start3A_861 : memref<1x8x128xi32, #tpu.memory_space<vmem>> -> memref<8x128xi32, #tpu.memory_space<vmem>>
      %dma_start3A_863 = arith.constant 0 : i32
      %dma_start3A_864 = tpu.memref_slice %dma_start3A_862[%dma_start3A_858, %dma_start3A_863] : memref<8x128xi32, #tpu.memory_space<vmem>> -> memref<1x128xi32, #tpu.memory_space<vmem>>
      %dma_start3A_865 = tpu.memref_squeeze %dma_start3A_864 : memref<1x128xi32, #tpu.memory_space<vmem>> -> memref<128xi32, #tpu.memory_space<vmem>>
      %dma_start3A_866 = arith.constant 0 : i32
      %dma_start3A_867 = tpu.memref_slice %arg15[%dma_start3A_866] : memref<10240xf32, #tpu.memory_space<vmem_shared>> -> memref<10240xf32, #tpu.memory_space<vmem_shared>>
      tpu.enqueue_indirect_dma source(%arg9 : memref<128xf32, #tpu.memory_space<vmem>>) target(%dma_start3A_867 : memref<10240xf32, #tpu.memory_space<vmem_shared>>) offsets(%dma_start3A_865 : memref<128xi32, #tpu.memory_space<vmem>>) semaphore(%arg13 : memref<!tpu.dma_semaphore, #tpu.memory_space<semaphore_mem>>) {add = true}
      %add3A_868 = arith.constant 2 : i32
      %add3A_869 = arith.addi %add3A_849, %add3A_868 : i32
      %lt3A_870 = arith.constant 48 : i32
      %lt3A_871 = arith.cmpi slt, %add3A_869, %lt3A_870 : i32
      %convert_element_type3A_872 = arith.extui %lt3A_871 : i1 to i32
      %cond3A_873 = arith.constant 0 : i32
      %cond3A_874 = arith.cmpi ne, %convert_element_type3A_872, %cond3A_873 : i32
      scf.if %cond3A_874 {
        %add3A_983 = arith.constant 2 : i32
        %add3A_984 = arith.addi %add3A_849, %add3A_983 : i32
        %add3A_985 = arith.addi %mul3A_213, %add3A_984 : i32
        %mul3A_986 = arith.constant 128 : i32
        %mul3A_987 = arith.muli %add3A_985, %mul3A_986 : i32
        %dma_start3A_988 = arith.constant 0 : i32
        %dma_start3A_989 = tpu.memref_slice %arg2[%mul3A_987, %dma_start3A_988] : memref<196608x128xf32, #tpu.memory_space<hbm>> -> memref<128x128xf32, #tpu.memory_space<hbm>>
        %dma_start3A_990 = arith.constant 0 : i32
        %dma_start3A_991 = tpu.memref_slice %arg2[%mul3A_987, %dma_start3A_990] : memref<196608x128xf32, #tpu.memory_space<hbm>> -> memref<128x128xf32, #tpu.memory_space<hbm>>
        tpu.enqueue_dma source(%dma_start3A_991 : memref<128x128xf32, #tpu.memory_space<hbm>>) target(%arg7 : memref<128x128xf32, #tpu.memory_space<vmem>>) target_semaphore(%arg12 : memref<!tpu.dma_semaphore, #tpu.memory_space<semaphore_mem>>)
      } else {
      }
      %add3A_875 = arith.constant 4 : i32
      %add3A_876 = arith.addi %mul3A_767, %add3A_875 : i32
      %add3A_877 = arith.addi %mul3A_213, %add3A_876 : i32
      %mul3A_878 = arith.constant 128 : i32
      %mul3A_879 = arith.muli %add3A_877, %mul3A_878 : i32
      %dma_wait3A_880 = arith.constant 0 : i32
      %dma_wait3A_881 = tpu.memref_slice %arg2[%mul3A_879, %dma_wait3A_880] : memref<196608x128xf32, #tpu.memory_space<hbm>> -> memref<128x128xf32, #tpu.memory_space<hbm>>
      %dma_wait3A_882 = arith.constant 0 : i32
      %dma_wait3A_883 = tpu.memref_slice %arg2[%mul3A_879, %dma_wait3A_882] : memref<196608x128xf32, #tpu.memory_space<hbm>> -> memref<128x128xf32, #tpu.memory_space<hbm>>
      tpu.wait_dma2 semaphore(%arg11 : memref<!tpu.dma_semaphore, #tpu.memory_space<semaphore_mem>>) src(%dma_wait3A_883 : memref<128x128xf32, #tpu.memory_space<hbm>>) dst(%arg6 : memref<128x128xf32, #tpu.memory_space<vmem>>)
      %run_scoped3A_884 = arith.constant 4 : i32
      "tpu.region"() ({
        %run_scoped3A_983 = tpu.sem_alloc : memref<!tpu.dma_semaphore, #tpu.memory_space<semaphore_mem>>
        %dma_start3A_984 = arith.constant 0 : i32
        %dma_start3A_985 = arith.constant 0 : i32
        %dma_start3A_986 = tpu.memref_slice %arg8[%scan3A_765, %dma_start3A_984, %dma_start3A_985] : memref<6x8x128xi32, #tpu.memory_space<vmem>> -> memref<1x8x128xi32, #tpu.memory_space<vmem>>
        %dma_start3A_987 = tpu.memref_squeeze %dma_start3A_986 : memref<1x8x128xi32, #tpu.memory_space<vmem>> -> memref<8x128xi32, #tpu.memory_space<vmem>>
        %dma_start3A_988 = arith.constant 0 : i32
        %dma_start3A_989 = tpu.memref_slice %dma_start3A_987[%run_scoped3A_884, %dma_start3A_988] : memref<8x128xi32, #tpu.memory_space<vmem>> -> memref<1x128xi32, #tpu.memory_space<vmem>>
        %dma_start3A_990 = tpu.memref_squeeze %dma_start3A_989 : memref<1x128xi32, #tpu.memory_space<vmem>> -> memref<128xi32, #tpu.memory_space<vmem>>
        %dma_start3A_991 = arith.constant 0 : i32
        %dma_start3A_992 = arith.constant 0 : i32
        %dma_start3A_993 = tpu.memref_slice %arg14[%dma_start3A_991, %dma_start3A_992] : memref<10240x128xf32, #tpu.memory_space<vmem_shared>> -> memref<10240x128xf32, #tpu.memory_space<vmem_shared>>
        tpu.enqueue_indirect_dma source(%arg6 : memref<128x128xf32, #tpu.memory_space<vmem>>) target(%dma_start3A_993 : memref<10240x128xf32, #tpu.memory_space<vmem_shared>>) offsets(%dma_start3A_990 : memref<128xi32, #tpu.memory_space<vmem>>) semaphore(%run_scoped3A_983 : memref<!tpu.dma_semaphore, #tpu.memory_space<semaphore_mem>>) {add = true}
        %dma_wait3A_994 = arith.constant 0 : i32
        %dma_wait3A_995 = arith.constant 0 : i32
        %dma_wait3A_996 = tpu.memref_slice %arg8[%scan3A_765, %dma_wait3A_994, %dma_wait3A_995] : memref<6x8x128xi32, #tpu.memory_space<vmem>> -> memref<1x8x128xi32, #tpu.memory_space<vmem>>
        %dma_wait3A_997 = tpu.memref_squeeze %dma_wait3A_996 : memref<1x8x128xi32, #tpu.memory_space<vmem>> -> memref<8x128xi32, #tpu.memory_space<vmem>>
        %dma_wait3A_998 = arith.constant 0 : i32
        %dma_wait3A_999 = tpu.memref_slice %dma_wait3A_997[%run_scoped3A_884, %dma_wait3A_998] : memref<8x128xi32, #tpu.memory_space<vmem>> -> memref<1x128xi32, #tpu.memory_space<vmem>>
        %dma_wait3A_1000 = tpu.memref_squeeze %dma_wait3A_999 : memref<1x128xi32, #tpu.memory_space<vmem>> -> memref<128xi32, #tpu.memory_space<vmem>>
        %dma_wait3A_1001 = arith.constant 0 : i32
        %dma_wait3A_1002 = arith.constant 0 : i32
        %dma_wait3A_1003 = tpu.memref_slice %arg14[%dma_wait3A_1001, %dma_wait3A_1002] : memref<10240x128xf32, #tpu.memory_space<vmem_shared>> -> memref<10240x128xf32, #tpu.memory_space<vmem_shared>>
        tpu.wait_indirect_dma semaphore(%run_scoped3A_983 : memref<!tpu.dma_semaphore, #tpu.memory_space<semaphore_mem>>) src(%arg6 : memref<128x128xf32, #tpu.memory_space<vmem>>) dst(%dma_wait3A_1003 : memref<10240x128xf32, #tpu.memory_space<vmem_shared>>)
        tpu.yield
      }) : () -> ()
      %dma_start3A_885 = arith.constant 4 : i32
      %dma_start3A_886 = arith.constant 0 : i32
      %dma_start3A_887 = arith.constant 0 : i32
      %dma_start3A_888 = tpu.memref_slice %arg8[%scan3A_765, %dma_start3A_886, %dma_start3A_887] : memref<6x8x128xi32, #tpu.memory_space<vmem>> -> memref<1x8x128xi32, #tpu.memory_space<vmem>>
      %dma_start3A_889 = tpu.memref_squeeze %dma_start3A_888 : memref<1x8x128xi32, #tpu.memory_space<vmem>> -> memref<8x128xi32, #tpu.memory_space<vmem>>
      %dma_start3A_890 = arith.constant 0 : i32
      %dma_start3A_891 = tpu.memref_slice %dma_start3A_889[%dma_start3A_885, %dma_start3A_890] : memref<8x128xi32, #tpu.memory_space<vmem>> -> memref<1x128xi32, #tpu.memory_space<vmem>>
      %dma_start3A_892 = tpu.memref_squeeze %dma_start3A_891 : memref<1x128xi32, #tpu.memory_space<vmem>> -> memref<128xi32, #tpu.memory_space<vmem>>
      %dma_start3A_893 = arith.constant 0 : i32
      %dma_start3A_894 = tpu.memref_slice %arg15[%dma_start3A_893] : memref<10240xf32, #tpu.memory_space<vmem_shared>> -> memref<10240xf32, #tpu.memory_space<vmem_shared>>
      tpu.enqueue_indirect_dma source(%arg9 : memref<128xf32, #tpu.memory_space<vmem>>) target(%dma_start3A_894 : memref<10240xf32, #tpu.memory_space<vmem_shared>>) offsets(%dma_start3A_892 : memref<128xi32, #tpu.memory_space<vmem>>) semaphore(%arg13 : memref<!tpu.dma_semaphore, #tpu.memory_space<semaphore_mem>>) {add = true}
      %add3A_895 = arith.constant 2 : i32
      %add3A_896 = arith.addi %add3A_876, %add3A_895 : i32
      %lt3A_897 = arith.constant 48 : i32
      %lt3A_898 = arith.cmpi slt, %add3A_896, %lt3A_897 : i32
      %convert_element_type3A_899 = arith.extui %lt3A_898 : i1 to i32
      %cond3A_900 = arith.constant 0 : i32
      %cond3A_901 = arith.cmpi ne, %convert_element_type3A_899, %cond3A_900 : i32
      scf.if %cond3A_901 {
        %add3A_983 = arith.constant 2 : i32
        %add3A_984 = arith.addi %add3A_876, %add3A_983 : i32
        %add3A_985 = arith.addi %mul3A_213, %add3A_984 : i32
        %mul3A_986 = arith.constant 128 : i32
        %mul3A_987 = arith.muli %add3A_985, %mul3A_986 : i32
        %dma_start3A_988 = arith.constant 0 : i32
        %dma_start3A_989 = tpu.memref_slice %arg2[%mul3A_987, %dma_start3A_988] : memref<196608x128xf32, #tpu.memory_space<hbm>> -> memref<128x128xf32, #tpu.memory_space<hbm>>
        %dma_start3A_990 = arith.constant 0 : i32
        %dma_start3A_991 = tpu.memref_slice %arg2[%mul3A_987, %dma_start3A_990] : memref<196608x128xf32, #tpu.memory_space<hbm>> -> memref<128x128xf32, #tpu.memory_space<hbm>>
        tpu.enqueue_dma source(%dma_start3A_991 : memref<128x128xf32, #tpu.memory_space<hbm>>) target(%arg6 : memref<128x128xf32, #tpu.memory_space<vmem>>) target_semaphore(%arg11 : memref<!tpu.dma_semaphore, #tpu.memory_space<semaphore_mem>>)
      } else {
      }
      %add3A_902 = arith.constant 5 : i32
      %add3A_903 = arith.addi %mul3A_767, %add3A_902 : i32
      %add3A_904 = arith.addi %mul3A_213, %add3A_903 : i32
      %mul3A_905 = arith.constant 128 : i32
      %mul3A_906 = arith.muli %add3A_904, %mul3A_905 : i32
      %dma_wait3A_907 = arith.constant 0 : i32
      %dma_wait3A_908 = tpu.memref_slice %arg2[%mul3A_906, %dma_wait3A_907] : memref<196608x128xf32, #tpu.memory_space<hbm>> -> memref<128x128xf32, #tpu.memory_space<hbm>>
      %dma_wait3A_909 = arith.constant 0 : i32
      %dma_wait3A_910 = tpu.memref_slice %arg2[%mul3A_906, %dma_wait3A_909] : memref<196608x128xf32, #tpu.memory_space<hbm>> -> memref<128x128xf32, #tpu.memory_space<hbm>>
      tpu.wait_dma2 semaphore(%arg12 : memref<!tpu.dma_semaphore, #tpu.memory_space<semaphore_mem>>) src(%dma_wait3A_910 : memref<128x128xf32, #tpu.memory_space<hbm>>) dst(%arg7 : memref<128x128xf32, #tpu.memory_space<vmem>>)
      %run_scoped3A_911 = arith.constant 5 : i32
      "tpu.region"() ({
        %run_scoped3A_983 = tpu.sem_alloc : memref<!tpu.dma_semaphore, #tpu.memory_space<semaphore_mem>>
        %dma_start3A_984 = arith.constant 0 : i32
        %dma_start3A_985 = arith.constant 0 : i32
        %dma_start3A_986 = tpu.memref_slice %arg8[%scan3A_765, %dma_start3A_984, %dma_start3A_985] : memref<6x8x128xi32, #tpu.memory_space<vmem>> -> memref<1x8x128xi32, #tpu.memory_space<vmem>>
        %dma_start3A_987 = tpu.memref_squeeze %dma_start3A_986 : memref<1x8x128xi32, #tpu.memory_space<vmem>> -> memref<8x128xi32, #tpu.memory_space<vmem>>
        %dma_start3A_988 = arith.constant 0 : i32
        %dma_start3A_989 = tpu.memref_slice %dma_start3A_987[%run_scoped3A_911, %dma_start3A_988] : memref<8x128xi32, #tpu.memory_space<vmem>> -> memref<1x128xi32, #tpu.memory_space<vmem>>
        %dma_start3A_990 = tpu.memref_squeeze %dma_start3A_989 : memref<1x128xi32, #tpu.memory_space<vmem>> -> memref<128xi32, #tpu.memory_space<vmem>>
        %dma_start3A_991 = arith.constant 0 : i32
        %dma_start3A_992 = arith.constant 0 : i32
        %dma_start3A_993 = tpu.memref_slice %arg14[%dma_start3A_991, %dma_start3A_992] : memref<10240x128xf32, #tpu.memory_space<vmem_shared>> -> memref<10240x128xf32, #tpu.memory_space<vmem_shared>>
        tpu.enqueue_indirect_dma source(%arg7 : memref<128x128xf32, #tpu.memory_space<vmem>>) target(%dma_start3A_993 : memref<10240x128xf32, #tpu.memory_space<vmem_shared>>) offsets(%dma_start3A_990 : memref<128xi32, #tpu.memory_space<vmem>>) semaphore(%run_scoped3A_983 : memref<!tpu.dma_semaphore, #tpu.memory_space<semaphore_mem>>) {add = true}
        %dma_wait3A_994 = arith.constant 0 : i32
        %dma_wait3A_995 = arith.constant 0 : i32
        %dma_wait3A_996 = tpu.memref_slice %arg8[%scan3A_765, %dma_wait3A_994, %dma_wait3A_995] : memref<6x8x128xi32, #tpu.memory_space<vmem>> -> memref<1x8x128xi32, #tpu.memory_space<vmem>>
        %dma_wait3A_997 = tpu.memref_squeeze %dma_wait3A_996 : memref<1x8x128xi32, #tpu.memory_space<vmem>> -> memref<8x128xi32, #tpu.memory_space<vmem>>
        %dma_wait3A_998 = arith.constant 0 : i32
        %dma_wait3A_999 = tpu.memref_slice %dma_wait3A_997[%run_scoped3A_911, %dma_wait3A_998] : memref<8x128xi32, #tpu.memory_space<vmem>> -> memref<1x128xi32, #tpu.memory_space<vmem>>
        %dma_wait3A_1000 = tpu.memref_squeeze %dma_wait3A_999 : memref<1x128xi32, #tpu.memory_space<vmem>> -> memref<128xi32, #tpu.memory_space<vmem>>
        %dma_wait3A_1001 = arith.constant 0 : i32
        %dma_wait3A_1002 = arith.constant 0 : i32
        %dma_wait3A_1003 = tpu.memref_slice %arg14[%dma_wait3A_1001, %dma_wait3A_1002] : memref<10240x128xf32, #tpu.memory_space<vmem_shared>> -> memref<10240x128xf32, #tpu.memory_space<vmem_shared>>
        tpu.wait_indirect_dma semaphore(%run_scoped3A_983 : memref<!tpu.dma_semaphore, #tpu.memory_space<semaphore_mem>>) src(%arg7 : memref<128x128xf32, #tpu.memory_space<vmem>>) dst(%dma_wait3A_1003 : memref<10240x128xf32, #tpu.memory_space<vmem_shared>>)
        tpu.yield
      }) : () -> ()
      %dma_start3A_912 = arith.constant 5 : i32
      %dma_start3A_913 = arith.constant 0 : i32
      %dma_start3A_914 = arith.constant 0 : i32
      %dma_start3A_915 = tpu.memref_slice %arg8[%scan3A_765, %dma_start3A_913, %dma_start3A_914] : memref<6x8x128xi32, #tpu.memory_space<vmem>> -> memref<1x8x128xi32, #tpu.memory_space<vmem>>
      %dma_start3A_916 = tpu.memref_squeeze %dma_start3A_915 : memref<1x8x128xi32, #tpu.memory_space<vmem>> -> memref<8x128xi32, #tpu.memory_space<vmem>>
      %dma_start3A_917 = arith.constant 0 : i32
      %dma_start3A_918 = tpu.memref_slice %dma_start3A_916[%dma_start3A_912, %dma_start3A_917] : memref<8x128xi32, #tpu.memory_space<vmem>> -> memref<1x128xi32, #tpu.memory_space<vmem>>
      %dma_start3A_919 = tpu.memref_squeeze %dma_start3A_918 : memref<1x128xi32, #tpu.memory_space<vmem>> -> memref<128xi32, #tpu.memory_space<vmem>>
      %dma_start3A_920 = arith.constant 0 : i32
      %dma_start3A_921 = tpu.memref_slice %arg15[%dma_start3A_920] : memref<10240xf32, #tpu.memory_space<vmem_shared>> -> memref<10240xf32, #tpu.memory_space<vmem_shared>>
      tpu.enqueue_indirect_dma source(%arg9 : memref<128xf32, #tpu.memory_space<vmem>>) target(%dma_start3A_921 : memref<10240xf32, #tpu.memory_space<vmem_shared>>) offsets(%dma_start3A_919 : memref<128xi32, #tpu.memory_space<vmem>>) semaphore(%arg13 : memref<!tpu.dma_semaphore, #tpu.memory_space<semaphore_mem>>) {add = true}
      %add3A_922 = arith.constant 2 : i32
      %add3A_923 = arith.addi %add3A_903, %add3A_922 : i32
      %lt3A_924 = arith.constant 48 : i32
      %lt3A_925 = arith.cmpi slt, %add3A_923, %lt3A_924 : i32
      %convert_element_type3A_926 = arith.extui %lt3A_925 : i1 to i32
      %cond3A_927 = arith.constant 0 : i32
      %cond3A_928 = arith.cmpi ne, %convert_element_type3A_926, %cond3A_927 : i32
      scf.if %cond3A_928 {
        %add3A_983 = arith.constant 2 : i32
        %add3A_984 = arith.addi %add3A_903, %add3A_983 : i32
        %add3A_985 = arith.addi %mul3A_213, %add3A_984 : i32
        %mul3A_986 = arith.constant 128 : i32
        %mul3A_987 = arith.muli %add3A_985, %mul3A_986 : i32
        %dma_start3A_988 = arith.constant 0 : i32
        %dma_start3A_989 = tpu.memref_slice %arg2[%mul3A_987, %dma_start3A_988] : memref<196608x128xf32, #tpu.memory_space<hbm>> -> memref<128x128xf32, #tpu.memory_space<hbm>>
        %dma_start3A_990 = arith.constant 0 : i32
        %dma_start3A_991 = tpu.memref_slice %arg2[%mul3A_987, %dma_start3A_990] : memref<196608x128xf32, #tpu.memory_space<hbm>> -> memref<128x128xf32, #tpu.memory_space<hbm>>
        tpu.enqueue_dma source(%dma_start3A_991 : memref<128x128xf32, #tpu.memory_space<hbm>>) target(%arg7 : memref<128x128xf32, #tpu.memory_space<vmem>>) target_semaphore(%arg12 : memref<!tpu.dma_semaphore, #tpu.memory_space<semaphore_mem>>)
      } else {
      }
      %add3A_929 = arith.constant 6 : i32
      %add3A_930 = arith.addi %mul3A_767, %add3A_929 : i32
      %add3A_931 = arith.addi %mul3A_213, %add3A_930 : i32
      %mul3A_932 = arith.constant 128 : i32
      %mul3A_933 = arith.muli %add3A_931, %mul3A_932 : i32
      %dma_wait3A_934 = arith.constant 0 : i32
      %dma_wait3A_935 = tpu.memref_slice %arg2[%mul3A_933, %dma_wait3A_934] : memref<196608x128xf32, #tpu.memory_space<hbm>> -> memref<128x128xf32, #tpu.memory_space<hbm>>
      %dma_wait3A_936 = arith.constant 0 : i32
      %dma_wait3A_937 = tpu.memref_slice %arg2[%mul3A_933, %dma_wait3A_936] : memref<196608x128xf32, #tpu.memory_space<hbm>> -> memref<128x128xf32, #tpu.memory_space<hbm>>
      tpu.wait_dma2 semaphore(%arg11 : memref<!tpu.dma_semaphore, #tpu.memory_space<semaphore_mem>>) src(%dma_wait3A_937 : memref<128x128xf32, #tpu.memory_space<hbm>>) dst(%arg6 : memref<128x128xf32, #tpu.memory_space<vmem>>)
      %run_scoped3A_938 = arith.constant 6 : i32
      "tpu.region"() ({
        %run_scoped3A_983 = tpu.sem_alloc : memref<!tpu.dma_semaphore, #tpu.memory_space<semaphore_mem>>
        %dma_start3A_984 = arith.constant 0 : i32
        %dma_start3A_985 = arith.constant 0 : i32
        %dma_start3A_986 = tpu.memref_slice %arg8[%scan3A_765, %dma_start3A_984, %dma_start3A_985] : memref<6x8x128xi32, #tpu.memory_space<vmem>> -> memref<1x8x128xi32, #tpu.memory_space<vmem>>
        %dma_start3A_987 = tpu.memref_squeeze %dma_start3A_986 : memref<1x8x128xi32, #tpu.memory_space<vmem>> -> memref<8x128xi32, #tpu.memory_space<vmem>>
        %dma_start3A_988 = arith.constant 0 : i32
        %dma_start3A_989 = tpu.memref_slice %dma_start3A_987[%run_scoped3A_938, %dma_start3A_988] : memref<8x128xi32, #tpu.memory_space<vmem>> -> memref<1x128xi32, #tpu.memory_space<vmem>>
        %dma_start3A_990 = tpu.memref_squeeze %dma_start3A_989 : memref<1x128xi32, #tpu.memory_space<vmem>> -> memref<128xi32, #tpu.memory_space<vmem>>
        %dma_start3A_991 = arith.constant 0 : i32
        %dma_start3A_992 = arith.constant 0 : i32
        %dma_start3A_993 = tpu.memref_slice %arg14[%dma_start3A_991, %dma_start3A_992] : memref<10240x128xf32, #tpu.memory_space<vmem_shared>> -> memref<10240x128xf32, #tpu.memory_space<vmem_shared>>
        tpu.enqueue_indirect_dma source(%arg6 : memref<128x128xf32, #tpu.memory_space<vmem>>) target(%dma_start3A_993 : memref<10240x128xf32, #tpu.memory_space<vmem_shared>>) offsets(%dma_start3A_990 : memref<128xi32, #tpu.memory_space<vmem>>) semaphore(%run_scoped3A_983 : memref<!tpu.dma_semaphore, #tpu.memory_space<semaphore_mem>>) {add = true}
        %dma_wait3A_994 = arith.constant 0 : i32
        %dma_wait3A_995 = arith.constant 0 : i32
        %dma_wait3A_996 = tpu.memref_slice %arg8[%scan3A_765, %dma_wait3A_994, %dma_wait3A_995] : memref<6x8x128xi32, #tpu.memory_space<vmem>> -> memref<1x8x128xi32, #tpu.memory_space<vmem>>
        %dma_wait3A_997 = tpu.memref_squeeze %dma_wait3A_996 : memref<1x8x128xi32, #tpu.memory_space<vmem>> -> memref<8x128xi32, #tpu.memory_space<vmem>>
        %dma_wait3A_998 = arith.constant 0 : i32
        %dma_wait3A_999 = tpu.memref_slice %dma_wait3A_997[%run_scoped3A_938, %dma_wait3A_998] : memref<8x128xi32, #tpu.memory_space<vmem>> -> memref<1x128xi32, #tpu.memory_space<vmem>>
        %dma_wait3A_1000 = tpu.memref_squeeze %dma_wait3A_999 : memref<1x128xi32, #tpu.memory_space<vmem>> -> memref<128xi32, #tpu.memory_space<vmem>>
        %dma_wait3A_1001 = arith.constant 0 : i32
        %dma_wait3A_1002 = arith.constant 0 : i32
        %dma_wait3A_1003 = tpu.memref_slice %arg14[%dma_wait3A_1001, %dma_wait3A_1002] : memref<10240x128xf32, #tpu.memory_space<vmem_shared>> -> memref<10240x128xf32, #tpu.memory_space<vmem_shared>>
        tpu.wait_indirect_dma semaphore(%run_scoped3A_983 : memref<!tpu.dma_semaphore, #tpu.memory_space<semaphore_mem>>) src(%arg6 : memref<128x128xf32, #tpu.memory_space<vmem>>) dst(%dma_wait3A_1003 : memref<10240x128xf32, #tpu.memory_space<vmem_shared>>)
        tpu.yield
      }) : () -> ()
      %dma_start3A_939 = arith.constant 6 : i32
      %dma_start3A_940 = arith.constant 0 : i32
      %dma_start3A_941 = arith.constant 0 : i32
      %dma_start3A_942 = tpu.memref_slice %arg8[%scan3A_765, %dma_start3A_940, %dma_start3A_941] : memref<6x8x128xi32, #tpu.memory_space<vmem>> -> memref<1x8x128xi32, #tpu.memory_space<vmem>>
      %dma_start3A_943 = tpu.memref_squeeze %dma_start3A_942 : memref<1x8x128xi32, #tpu.memory_space<vmem>> -> memref<8x128xi32, #tpu.memory_space<vmem>>
      %dma_start3A_944 = arith.constant 0 : i32
      %dma_start3A_945 = tpu.memref_slice %dma_start3A_943[%dma_start3A_939, %dma_start3A_944] : memref<8x128xi32, #tpu.memory_space<vmem>> -> memref<1x128xi32, #tpu.memory_space<vmem>>
      %dma_start3A_946 = tpu.memref_squeeze %dma_start3A_945 : memref<1x128xi32, #tpu.memory_space<vmem>> -> memref<128xi32, #tpu.memory_space<vmem>>
      %dma_start3A_947 = arith.constant 0 : i32
      %dma_start3A_948 = tpu.memref_slice %arg15[%dma_start3A_947] : memref<10240xf32, #tpu.memory_space<vmem_shared>> -> memref<10240xf32, #tpu.memory_space<vmem_shared>>
      tpu.enqueue_indirect_dma source(%arg9 : memref<128xf32, #tpu.memory_space<vmem>>) target(%dma_start3A_948 : memref<10240xf32, #tpu.memory_space<vmem_shared>>) offsets(%dma_start3A_946 : memref<128xi32, #tpu.memory_space<vmem>>) semaphore(%arg13 : memref<!tpu.dma_semaphore, #tpu.memory_space<semaphore_mem>>) {add = true}
      %add3A_949 = arith.constant 2 : i32
      %add3A_950 = arith.addi %add3A_930, %add3A_949 : i32
      %lt3A_951 = arith.constant 48 : i32
      %lt3A_952 = arith.cmpi slt, %add3A_950, %lt3A_951 : i32
      %convert_element_type3A_953 = arith.extui %lt3A_952 : i1 to i32
      %cond3A_954 = arith.constant 0 : i32
      %cond3A_955 = arith.cmpi ne, %convert_element_type3A_953, %cond3A_954 : i32
      scf.if %cond3A_955 {
        %add3A_983 = arith.constant 2 : i32
        %add3A_984 = arith.addi %add3A_930, %add3A_983 : i32
        %add3A_985 = arith.addi %mul3A_213, %add3A_984 : i32
        %mul3A_986 = arith.constant 128 : i32
        %mul3A_987 = arith.muli %add3A_985, %mul3A_986 : i32
        %dma_start3A_988 = arith.constant 0 : i32
        %dma_start3A_989 = tpu.memref_slice %arg2[%mul3A_987, %dma_start3A_988] : memref<196608x128xf32, #tpu.memory_space<hbm>> -> memref<128x128xf32, #tpu.memory_space<hbm>>
        %dma_start3A_990 = arith.constant 0 : i32
        %dma_start3A_991 = tpu.memref_slice %arg2[%mul3A_987, %dma_start3A_990] : memref<196608x128xf32, #tpu.memory_space<hbm>> -> memref<128x128xf32, #tpu.memory_space<hbm>>
        tpu.enqueue_dma source(%dma_start3A_991 : memref<128x128xf32, #tpu.memory_space<hbm>>) target(%arg6 : memref<128x128xf32, #tpu.memory_space<vmem>>) target_semaphore(%arg11 : memref<!tpu.dma_semaphore, #tpu.memory_space<semaphore_mem>>)
      } else {
      }
      %add3A_956 = arith.constant 7 : i32
      %add3A_957 = arith.addi %mul3A_767, %add3A_956 : i32
      %add3A_958 = arith.addi %mul3A_213, %add3A_957 : i32
      %mul3A_959 = arith.constant 128 : i32
      %mul3A_960 = arith.muli %add3A_958, %mul3A_959 : i32
      %dma_wait3A_961 = arith.constant 0 : i32
      %dma_wait3A_962 = tpu.memref_slice %arg2[%mul3A_960, %dma_wait3A_961] : memref<196608x128xf32, #tpu.memory_space<hbm>> -> memref<128x128xf32, #tpu.memory_space<hbm>>
      %dma_wait3A_963 = arith.constant 0 : i32
      %dma_wait3A_964 = tpu.memref_slice %arg2[%mul3A_960, %dma_wait3A_963] : memref<196608x128xf32, #tpu.memory_space<hbm>> -> memref<128x128xf32, #tpu.memory_space<hbm>>
      tpu.wait_dma2 semaphore(%arg12 : memref<!tpu.dma_semaphore, #tpu.memory_space<semaphore_mem>>) src(%dma_wait3A_964 : memref<128x128xf32, #tpu.memory_space<hbm>>) dst(%arg7 : memref<128x128xf32, #tpu.memory_space<vmem>>)
      %run_scoped3A_965 = arith.constant 7 : i32
      "tpu.region"() ({
        %run_scoped3A_983 = tpu.sem_alloc : memref<!tpu.dma_semaphore, #tpu.memory_space<semaphore_mem>>
        %dma_start3A_984 = arith.constant 0 : i32
        %dma_start3A_985 = arith.constant 0 : i32
        %dma_start3A_986 = tpu.memref_slice %arg8[%scan3A_765, %dma_start3A_984, %dma_start3A_985] : memref<6x8x128xi32, #tpu.memory_space<vmem>> -> memref<1x8x128xi32, #tpu.memory_space<vmem>>
        %dma_start3A_987 = tpu.memref_squeeze %dma_start3A_986 : memref<1x8x128xi32, #tpu.memory_space<vmem>> -> memref<8x128xi32, #tpu.memory_space<vmem>>
        %dma_start3A_988 = arith.constant 0 : i32
        %dma_start3A_989 = tpu.memref_slice %dma_start3A_987[%run_scoped3A_965, %dma_start3A_988] : memref<8x128xi32, #tpu.memory_space<vmem>> -> memref<1x128xi32, #tpu.memory_space<vmem>>
        %dma_start3A_990 = tpu.memref_squeeze %dma_start3A_989 : memref<1x128xi32, #tpu.memory_space<vmem>> -> memref<128xi32, #tpu.memory_space<vmem>>
        %dma_start3A_991 = arith.constant 0 : i32
        %dma_start3A_992 = arith.constant 0 : i32
        %dma_start3A_993 = tpu.memref_slice %arg14[%dma_start3A_991, %dma_start3A_992] : memref<10240x128xf32, #tpu.memory_space<vmem_shared>> -> memref<10240x128xf32, #tpu.memory_space<vmem_shared>>
        tpu.enqueue_indirect_dma source(%arg7 : memref<128x128xf32, #tpu.memory_space<vmem>>) target(%dma_start3A_993 : memref<10240x128xf32, #tpu.memory_space<vmem_shared>>) offsets(%dma_start3A_990 : memref<128xi32, #tpu.memory_space<vmem>>) semaphore(%run_scoped3A_983 : memref<!tpu.dma_semaphore, #tpu.memory_space<semaphore_mem>>) {add = true}
        %dma_wait3A_994 = arith.constant 0 : i32
        %dma_wait3A_995 = arith.constant 0 : i32
        %dma_wait3A_996 = tpu.memref_slice %arg8[%scan3A_765, %dma_wait3A_994, %dma_wait3A_995] : memref<6x8x128xi32, #tpu.memory_space<vmem>> -> memref<1x8x128xi32, #tpu.memory_space<vmem>>
        %dma_wait3A_997 = tpu.memref_squeeze %dma_wait3A_996 : memref<1x8x128xi32, #tpu.memory_space<vmem>> -> memref<8x128xi32, #tpu.memory_space<vmem>>
        %dma_wait3A_998 = arith.constant 0 : i32
        %dma_wait3A_999 = tpu.memref_slice %dma_wait3A_997[%run_scoped3A_965, %dma_wait3A_998] : memref<8x128xi32, #tpu.memory_space<vmem>> -> memref<1x128xi32, #tpu.memory_space<vmem>>
        %dma_wait3A_1000 = tpu.memref_squeeze %dma_wait3A_999 : memref<1x128xi32, #tpu.memory_space<vmem>> -> memref<128xi32, #tpu.memory_space<vmem>>
        %dma_wait3A_1001 = arith.constant 0 : i32
        %dma_wait3A_1002 = arith.constant 0 : i32
        %dma_wait3A_1003 = tpu.memref_slice %arg14[%dma_wait3A_1001, %dma_wait3A_1002] : memref<10240x128xf32, #tpu.memory_space<vmem_shared>> -> memref<10240x128xf32, #tpu.memory_space<vmem_shared>>
        tpu.wait_indirect_dma semaphore(%run_scoped3A_983 : memref<!tpu.dma_semaphore, #tpu.memory_space<semaphore_mem>>) src(%arg7 : memref<128x128xf32, #tpu.memory_space<vmem>>) dst(%dma_wait3A_1003 : memref<10240x128xf32, #tpu.memory_space<vmem_shared>>)
        tpu.yield
      }) : () -> ()
      %dma_start3A_966 = arith.constant 7 : i32
      %dma_start3A_967 = arith.constant 0 : i32
      %dma_start3A_968 = arith.constant 0 : i32
      %dma_start3A_969 = tpu.memref_slice %arg8[%scan3A_765, %dma_start3A_967, %dma_start3A_968] : memref<6x8x128xi32, #tpu.memory_space<vmem>> -> memref<1x8x128xi32, #tpu.memory_space<vmem>>
      %dma_start3A_970 = tpu.memref_squeeze %dma_start3A_969 : memref<1x8x128xi32, #tpu.memory_space<vmem>> -> memref<8x128xi32, #tpu.memory_space<vmem>>
      %dma_start3A_971 = arith.constant 0 : i32
      %dma_start3A_972 = tpu.memref_slice %dma_start3A_970[%dma_start3A_966, %dma_start3A_971] : memref<8x128xi32, #tpu.memory_space<vmem>> -> memref<1x128xi32, #tpu.memory_space<vmem>>
      %dma_start3A_973 = tpu.memref_squeeze %dma_start3A_972 : memref<1x128xi32, #tpu.memory_space<vmem>> -> memref<128xi32, #tpu.memory_space<vmem>>
      %dma_start3A_974 = arith.constant 0 : i32
      %dma_start3A_975 = tpu.memref_slice %arg15[%dma_start3A_974] : memref<10240xf32, #tpu.memory_space<vmem_shared>> -> memref<10240xf32, #tpu.memory_space<vmem_shared>>
      tpu.enqueue_indirect_dma source(%arg9 : memref<128xf32, #tpu.memory_space<vmem>>) target(%dma_start3A_975 : memref<10240xf32, #tpu.memory_space<vmem_shared>>) offsets(%dma_start3A_973 : memref<128xi32, #tpu.memory_space<vmem>>) semaphore(%arg13 : memref<!tpu.dma_semaphore, #tpu.memory_space<semaphore_mem>>) {add = true}
      %add3A_976 = arith.constant 2 : i32
      %add3A_977 = arith.addi %add3A_957, %add3A_976 : i32
      %lt3A_978 = arith.constant 48 : i32
      %lt3A_979 = arith.cmpi slt, %add3A_977, %lt3A_978 : i32
      %convert_element_type3A_980 = arith.extui %lt3A_979 : i1 to i32
      %cond3A_981 = arith.constant 0 : i32
      %cond3A_982 = arith.cmpi ne, %convert_element_type3A_980, %cond3A_981 : i32
      scf.if %cond3A_982 {
        %add3A_983 = arith.constant 2 : i32
        %add3A_984 = arith.addi %add3A_957, %add3A_983 : i32
        %add3A_985 = arith.addi %mul3A_213, %add3A_984 : i32
        %mul3A_986 = arith.constant 128 : i32
        %mul3A_987 = arith.muli %add3A_985, %mul3A_986 : i32
        %dma_start3A_988 = arith.constant 0 : i32
        %dma_start3A_989 = tpu.memref_slice %arg2[%mul3A_987, %dma_start3A_988] : memref<196608x128xf32, #tpu.memory_space<hbm>> -> memref<128x128xf32, #tpu.memory_space<hbm>>
        %dma_start3A_990 = arith.constant 0 : i32
        %dma_start3A_991 = tpu.memref_slice %arg2[%mul3A_987, %dma_start3A_990] : memref<196608x128xf32, #tpu.memory_space<hbm>> -> memref<128x128xf32, #tpu.memory_space<hbm>>
        tpu.enqueue_dma source(%dma_start3A_991 : memref<128x128xf32, #tpu.memory_space<hbm>>) target(%arg7 : memref<128x128xf32, #tpu.memory_space<vmem>>) target_semaphore(%arg12 : memref<!tpu.dma_semaphore, #tpu.memory_space<semaphore_mem>>)
      } else {
      }
    }
    %scan3A_234 = arith.constant 6 : i32
    %dma_wait3A = arith.constant 0 : i32
    %dma_wait3A_235 = arith.constant 0 : i32
    %dma_wait3A_236 = arith.constant 0 : i32
    %dma_wait3A_237 = arith.constant 0 : i32
    %dma_wait3A_238 = tpu.memref_slice %arg8[%dma_wait3A, %dma_wait3A_236, %dma_wait3A_237] : memref<6x8x128xi32, #tpu.memory_space<vmem>> -> memref<1x8x128xi32, #tpu.memory_space<vmem>>
    %dma_wait3A_239 = tpu.memref_squeeze %dma_wait3A_238 : memref<1x8x128xi32, #tpu.memory_space<vmem>> -> memref<8x128xi32, #tpu.memory_space<vmem>>
    %dma_wait3A_240 = arith.constant 0 : i32
    %dma_wait3A_241 = tpu.memref_slice %dma_wait3A_239[%dma_wait3A_235, %dma_wait3A_240] : memref<8x128xi32, #tpu.memory_space<vmem>> -> memref<1x128xi32, #tpu.memory_space<vmem>>
    %dma_wait3A_242 = tpu.memref_squeeze %dma_wait3A_241 : memref<1x128xi32, #tpu.memory_space<vmem>> -> memref<128xi32, #tpu.memory_space<vmem>>
    %dma_wait3A_243 = arith.constant 0 : i32
    %dma_wait3A_244 = tpu.memref_slice %arg15[%dma_wait3A_243] : memref<10240xf32, #tpu.memory_space<vmem_shared>> -> memref<10240xf32, #tpu.memory_space<vmem_shared>>
    tpu.wait_indirect_dma semaphore(%arg13 : memref<!tpu.dma_semaphore, #tpu.memory_space<semaphore_mem>>) src(%arg9 : memref<128xf32, #tpu.memory_space<vmem>>) dst(%dma_wait3A_244 : memref<10240xf32, #tpu.memory_space<vmem_shared>>)
    %dma_wait3A_245 = arith.constant 0 : i32
    %dma_wait3A_246 = arith.constant 1 : i32
    %dma_wait3A_247 = arith.constant 0 : i32
    %dma_wait3A_248 = arith.constant 0 : i32
    %dma_wait3A_249 = tpu.memref_slice %arg8[%dma_wait3A_245, %dma_wait3A_247, %dma_wait3A_248] : memref<6x8x128xi32, #tpu.memory_space<vmem>> -> memref<1x8x128xi32, #tpu.memory_space<vmem>>
    %dma_wait3A_250 = tpu.memref_squeeze %dma_wait3A_249 : memref<1x8x128xi32, #tpu.memory_space<vmem>> -> memref<8x128xi32, #tpu.memory_space<vmem>>
    %dma_wait3A_251 = arith.constant 0 : i32
    %dma_wait3A_252 = tpu.memref_slice %dma_wait3A_250[%dma_wait3A_246, %dma_wait3A_251] : memref<8x128xi32, #tpu.memory_space<vmem>> -> memref<1x128xi32, #tpu.memory_space<vmem>>
    %dma_wait3A_253 = tpu.memref_squeeze %dma_wait3A_252 : memref<1x128xi32, #tpu.memory_space<vmem>> -> memref<128xi32, #tpu.memory_space<vmem>>
    %dma_wait3A_254 = arith.constant 0 : i32
    %dma_wait3A_255 = tpu.memref_slice %arg15[%dma_wait3A_254] : memref<10240xf32, #tpu.memory_space<vmem_shared>> -> memref<10240xf32, #tpu.memory_space<vmem_shared>>
    tpu.wait_indirect_dma semaphore(%arg13 : memref<!tpu.dma_semaphore, #tpu.memory_space<semaphore_mem>>) src(%arg9 : memref<128xf32, #tpu.memory_space<vmem>>) dst(%dma_wait3A_255 : memref<10240xf32, #tpu.memory_space<vmem_shared>>)
    %dma_wait3A_256 = arith.constant 0 : i32
    %dma_wait3A_257 = arith.constant 2 : i32
    %dma_wait3A_258 = arith.constant 0 : i32
    %dma_wait3A_259 = arith.constant 0 : i32
    %dma_wait3A_260 = tpu.memref_slice %arg8[%dma_wait3A_256, %dma_wait3A_258, %dma_wait3A_259] : memref<6x8x128xi32, #tpu.memory_space<vmem>> -> memref<1x8x128xi32, #tpu.memory_space<vmem>>
    %dma_wait3A_261 = tpu.memref_squeeze %dma_wait3A_260 : memref<1x8x128xi32, #tpu.memory_space<vmem>> -> memref<8x128xi32, #tpu.memory_space<vmem>>
    %dma_wait3A_262 = arith.constant 0 : i32
    %dma_wait3A_263 = tpu.memref_slice %dma_wait3A_261[%dma_wait3A_257, %dma_wait3A_262] : memref<8x128xi32, #tpu.memory_space<vmem>> -> memref<1x128xi32, #tpu.memory_space<vmem>>
    %dma_wait3A_264 = tpu.memref_squeeze %dma_wait3A_263 : memref<1x128xi32, #tpu.memory_space<vmem>> -> memref<128xi32, #tpu.memory_space<vmem>>
    %dma_wait3A_265 = arith.constant 0 : i32
    %dma_wait3A_266 = tpu.memref_slice %arg15[%dma_wait3A_265] : memref<10240xf32, #tpu.memory_space<vmem_shared>> -> memref<10240xf32, #tpu.memory_space<vmem_shared>>
    tpu.wait_indirect_dma semaphore(%arg13 : memref<!tpu.dma_semaphore, #tpu.memory_space<semaphore_mem>>) src(%arg9 : memref<128xf32, #tpu.memory_space<vmem>>) dst(%dma_wait3A_266 : memref<10240xf32, #tpu.memory_space<vmem_shared>>)
    %dma_wait3A_267 = arith.constant 0 : i32
    %dma_wait3A_268 = arith.constant 3 : i32
    %dma_wait3A_269 = arith.constant 0 : i32
    %dma_wait3A_270 = arith.constant 0 : i32
    %dma_wait3A_271 = tpu.memref_slice %arg8[%dma_wait3A_267, %dma_wait3A_269, %dma_wait3A_270] : memref<6x8x128xi32, #tpu.memory_space<vmem>> -> memref<1x8x128xi32, #tpu.memory_space<vmem>>
    %dma_wait3A_272 = tpu.memref_squeeze %dma_wait3A_271 : memref<1x8x128xi32, #tpu.memory_space<vmem>> -> memref<8x128xi32, #tpu.memory_space<vmem>>
    %dma_wait3A_273 = arith.constant 0 : i32
    %dma_wait3A_274 = tpu.memref_slice %dma_wait3A_272[%dma_wait3A_268, %dma_wait3A_273] : memref<8x128xi32, #tpu.memory_space<vmem>> -> memref<1x128xi32, #tpu.memory_space<vmem>>
    %dma_wait3A_275 = tpu.memref_squeeze %dma_wait3A_274 : memref<1x128xi32, #tpu.memory_space<vmem>> -> memref<128xi32, #tpu.memory_space<vmem>>
    %dma_wait3A_276 = arith.constant 0 : i32
    %dma_wait3A_277 = tpu.memref_slice %arg15[%dma_wait3A_276] : memref<10240xf32, #tpu.memory_space<vmem_shared>> -> memref<10240xf32, #tpu.memory_space<vmem_shared>>
    tpu.wait_indirect_dma semaphore(%arg13 : memref<!tpu.dma_semaphore, #tpu.memory_space<semaphore_mem>>) src(%arg9 : memref<128xf32, #tpu.memory_space<vmem>>) dst(%dma_wait3A_277 : memref<10240xf32, #tpu.memory_space<vmem_shared>>)
    %dma_wait3A_278 = arith.constant 0 : i32
    %dma_wait3A_279 = arith.constant 4 : i32
    %dma_wait3A_280 = arith.constant 0 : i32
    %dma_wait3A_281 = arith.constant 0 : i32
    %dma_wait3A_282 = tpu.memref_slice %arg8[%dma_wait3A_278, %dma_wait3A_280, %dma_wait3A_281] : memref<6x8x128xi32, #tpu.memory_space<vmem>> -> memref<1x8x128xi32, #tpu.memory_space<vmem>>
    %dma_wait3A_283 = tpu.memref_squeeze %dma_wait3A_282 : memref<1x8x128xi32, #tpu.memory_space<vmem>> -> memref<8x128xi32, #tpu.memory_space<vmem>>
    %dma_wait3A_284 = arith.constant 0 : i32
    %dma_wait3A_285 = tpu.memref_slice %dma_wait3A_283[%dma_wait3A_279, %dma_wait3A_284] : memref<8x128xi32, #tpu.memory_space<vmem>> -> memref<1x128xi32, #tpu.memory_space<vmem>>
    %dma_wait3A_286 = tpu.memref_squeeze %dma_wait3A_285 : memref<1x128xi32, #tpu.memory_space<vmem>> -> memref<128xi32, #tpu.memory_space<vmem>>
    %dma_wait3A_287 = arith.constant 0 : i32
    %dma_wait3A_288 = tpu.memref_slice %arg15[%dma_wait3A_287] : memref<10240xf32, #tpu.memory_space<vmem_shared>> -> memref<10240xf32, #tpu.memory_space<vmem_shared>>
    tpu.wait_indirect_dma semaphore(%arg13 : memref<!tpu.dma_semaphore, #tpu.memory_space<semaphore_mem>>) src(%arg9 : memref<128xf32, #tpu.memory_space<vmem>>) dst(%dma_wait3A_288 : memref<10240xf32, #tpu.memory_space<vmem_shared>>)
    %dma_wait3A_289 = arith.constant 0 : i32
    %dma_wait3A_290 = arith.constant 5 : i32
    %dma_wait3A_291 = arith.constant 0 : i32
    %dma_wait3A_292 = arith.constant 0 : i32
    %dma_wait3A_293 = tpu.memref_slice %arg8[%dma_wait3A_289, %dma_wait3A_291, %dma_wait3A_292] : memref<6x8x128xi32, #tpu.memory_space<vmem>> -> memref<1x8x128xi32, #tpu.memory_space<vmem>>
    %dma_wait3A_294 = tpu.memref_squeeze %dma_wait3A_293 : memref<1x8x128xi32, #tpu.memory_space<vmem>> -> memref<8x128xi32, #tpu.memory_space<vmem>>
    %dma_wait3A_295 = arith.constant 0 : i32
    %dma_wait3A_296 = tpu.memref_slice %dma_wait3A_294[%dma_wait3A_290, %dma_wait3A_295] : memref<8x128xi32, #tpu.memory_space<vmem>> -> memref<1x128xi32, #tpu.memory_space<vmem>>
    %dma_wait3A_297 = tpu.memref_squeeze %dma_wait3A_296 : memref<1x128xi32, #tpu.memory_space<vmem>> -> memref<128xi32, #tpu.memory_space<vmem>>
    %dma_wait3A_298 = arith.constant 0 : i32
    %dma_wait3A_299 = tpu.memref_slice %arg15[%dma_wait3A_298] : memref<10240xf32, #tpu.memory_space<vmem_shared>> -> memref<10240xf32, #tpu.memory_space<vmem_shared>>
    tpu.wait_indirect_dma semaphore(%arg13 : memref<!tpu.dma_semaphore, #tpu.memory_space<semaphore_mem>>) src(%arg9 : memref<128xf32, #tpu.memory_space<vmem>>) dst(%dma_wait3A_299 : memref<10240xf32, #tpu.memory_space<vmem_shared>>)
    %dma_wait3A_300 = arith.constant 0 : i32
    %dma_wait3A_301 = arith.constant 6 : i32
    %dma_wait3A_302 = arith.constant 0 : i32
    %dma_wait3A_303 = arith.constant 0 : i32
    %dma_wait3A_304 = tpu.memref_slice %arg8[%dma_wait3A_300, %dma_wait3A_302, %dma_wait3A_303] : memref<6x8x128xi32, #tpu.memory_space<vmem>> -> memref<1x8x128xi32, #tpu.memory_space<vmem>>
    %dma_wait3A_305 = tpu.memref_squeeze %dma_wait3A_304 : memref<1x8x128xi32, #tpu.memory_space<vmem>> -> memref<8x128xi32, #tpu.memory_space<vmem>>
    %dma_wait3A_306 = arith.constant 0 : i32
    %dma_wait3A_307 = tpu.memref_slice %dma_wait3A_305[%dma_wait3A_301, %dma_wait3A_306] : memref<8x128xi32, #tpu.memory_space<vmem>> -> memref<1x128xi32, #tpu.memory_space<vmem>>
    %dma_wait3A_308 = tpu.memref_squeeze %dma_wait3A_307 : memref<1x128xi32, #tpu.memory_space<vmem>> -> memref<128xi32, #tpu.memory_space<vmem>>
    %dma_wait3A_309 = arith.constant 0 : i32
    %dma_wait3A_310 = tpu.memref_slice %arg15[%dma_wait3A_309] : memref<10240xf32, #tpu.memory_space<vmem_shared>> -> memref<10240xf32, #tpu.memory_space<vmem_shared>>
    tpu.wait_indirect_dma semaphore(%arg13 : memref<!tpu.dma_semaphore, #tpu.memory_space<semaphore_mem>>) src(%arg9 : memref<128xf32, #tpu.memory_space<vmem>>) dst(%dma_wait3A_310 : memref<10240xf32, #tpu.memory_space<vmem_shared>>)
    %dma_wait3A_311 = arith.constant 0 : i32
    %dma_wait3A_312 = arith.constant 7 : i32
    %dma_wait3A_313 = arith.constant 0 : i32
    %dma_wait3A_314 = arith.constant 0 : i32
    %dma_wait3A_315 = tpu.memref_slice %arg8[%dma_wait3A_311, %dma_wait3A_313, %dma_wait3A_314] : memref<6x8x128xi32, #tpu.memory_space<vmem>> -> memref<1x8x128xi32, #tpu.memory_space<vmem>>
    %dma_wait3A_316 = tpu.memref_squeeze %dma_wait3A_315 : memref<1x8x128xi32, #tpu.memory_space<vmem>> -> memref<8x128xi32, #tpu.memory_space<vmem>>
    %dma_wait3A_317 = arith.constant 0 : i32
    %dma_wait3A_318 = tpu.memref_slice %dma_wait3A_316[%dma_wait3A_312, %dma_wait3A_317] : memref<8x128xi32, #tpu.memory_space<vmem>> -> memref<1x128xi32, #tpu.memory_space<vmem>>
    %dma_wait3A_319 = tpu.memref_squeeze %dma_wait3A_318 : memref<1x128xi32, #tpu.memory_space<vmem>> -> memref<128xi32, #tpu.memory_space<vmem>>
    %dma_wait3A_320 = arith.constant 0 : i32
    %dma_wait3A_321 = tpu.memref_slice %arg15[%dma_wait3A_320] : memref<10240xf32, #tpu.memory_space<vmem_shared>> -> memref<10240xf32, #tpu.memory_space<vmem_shared>>
    tpu.wait_indirect_dma semaphore(%arg13 : memref<!tpu.dma_semaphore, #tpu.memory_space<semaphore_mem>>) src(%arg9 : memref<128xf32, #tpu.memory_space<vmem>>) dst(%dma_wait3A_321 : memref<10240xf32, #tpu.memory_space<vmem_shared>>)
    %dma_wait3A_322 = arith.constant 1 : i32
    %dma_wait3A_323 = arith.constant 0 : i32
    %dma_wait3A_324 = arith.constant 0 : i32
    %dma_wait3A_325 = arith.constant 0 : i32
    %dma_wait3A_326 = tpu.memref_slice %arg8[%dma_wait3A_322, %dma_wait3A_324, %dma_wait3A_325] : memref<6x8x128xi32, #tpu.memory_space<vmem>> -> memref<1x8x128xi32, #tpu.memory_space<vmem>>
    %dma_wait3A_327 = tpu.memref_squeeze %dma_wait3A_326 : memref<1x8x128xi32, #tpu.memory_space<vmem>> -> memref<8x128xi32, #tpu.memory_space<vmem>>
    %dma_wait3A_328 = arith.constant 0 : i32
    %dma_wait3A_329 = tpu.memref_slice %dma_wait3A_327[%dma_wait3A_323, %dma_wait3A_328] : memref<8x128xi32, #tpu.memory_space<vmem>> -> memref<1x128xi32, #tpu.memory_space<vmem>>
    %dma_wait3A_330 = tpu.memref_squeeze %dma_wait3A_329 : memref<1x128xi32, #tpu.memory_space<vmem>> -> memref<128xi32, #tpu.memory_space<vmem>>
    %dma_wait3A_331 = arith.constant 0 : i32
    %dma_wait3A_332 = tpu.memref_slice %arg15[%dma_wait3A_331] : memref<10240xf32, #tpu.memory_space<vmem_shared>> -> memref<10240xf32, #tpu.memory_space<vmem_shared>>
    tpu.wait_indirect_dma semaphore(%arg13 : memref<!tpu.dma_semaphore, #tpu.memory_space<semaphore_mem>>) src(%arg9 : memref<128xf32, #tpu.memory_space<vmem>>) dst(%dma_wait3A_332 : memref<10240xf32, #tpu.memory_space<vmem_shared>>)
    %dma_wait3A_333 = arith.constant 1 : i32
    %dma_wait3A_334 = arith.constant 1 : i32
    %dma_wait3A_335 = arith.constant 0 : i32
    %dma_wait3A_336 = arith.constant 0 : i32
    %dma_wait3A_337 = tpu.memref_slice %arg8[%dma_wait3A_333, %dma_wait3A_335, %dma_wait3A_336] : memref<6x8x128xi32, #tpu.memory_space<vmem>> -> memref<1x8x128xi32, #tpu.memory_space<vmem>>
    %dma_wait3A_338 = tpu.memref_squeeze %dma_wait3A_337 : memref<1x8x128xi32, #tpu.memory_space<vmem>> -> memref<8x128xi32, #tpu.memory_space<vmem>>
    %dma_wait3A_339 = arith.constant 0 : i32
    %dma_wait3A_340 = tpu.memref_slice %dma_wait3A_338[%dma_wait3A_334, %dma_wait3A_339] : memref<8x128xi32, #tpu.memory_space<vmem>> -> memref<1x128xi32, #tpu.memory_space<vmem>>
    %dma_wait3A_341 = tpu.memref_squeeze %dma_wait3A_340 : memref<1x128xi32, #tpu.memory_space<vmem>> -> memref<128xi32, #tpu.memory_space<vmem>>
    %dma_wait3A_342 = arith.constant 0 : i32
    %dma_wait3A_343 = tpu.memref_slice %arg15[%dma_wait3A_342] : memref<10240xf32, #tpu.memory_space<vmem_shared>> -> memref<10240xf32, #tpu.memory_space<vmem_shared>>
    tpu.wait_indirect_dma semaphore(%arg13 : memref<!tpu.dma_semaphore, #tpu.memory_space<semaphore_mem>>) src(%arg9 : memref<128xf32, #tpu.memory_space<vmem>>) dst(%dma_wait3A_343 : memref<10240xf32, #tpu.memory_space<vmem_shared>>)
    %dma_wait3A_344 = arith.constant 1 : i32
    %dma_wait3A_345 = arith.constant 2 : i32
    %dma_wait3A_346 = arith.constant 0 : i32
    %dma_wait3A_347 = arith.constant 0 : i32
    %dma_wait3A_348 = tpu.memref_slice %arg8[%dma_wait3A_344, %dma_wait3A_346, %dma_wait3A_347] : memref<6x8x128xi32, #tpu.memory_space<vmem>> -> memref<1x8x128xi32, #tpu.memory_space<vmem>>
    %dma_wait3A_349 = tpu.memref_squeeze %dma_wait3A_348 : memref<1x8x128xi32, #tpu.memory_space<vmem>> -> memref<8x128xi32, #tpu.memory_space<vmem>>
    %dma_wait3A_350 = arith.constant 0 : i32
    %dma_wait3A_351 = tpu.memref_slice %dma_wait3A_349[%dma_wait3A_345, %dma_wait3A_350] : memref<8x128xi32, #tpu.memory_space<vmem>> -> memref<1x128xi32, #tpu.memory_space<vmem>>
    %dma_wait3A_352 = tpu.memref_squeeze %dma_wait3A_351 : memref<1x128xi32, #tpu.memory_space<vmem>> -> memref<128xi32, #tpu.memory_space<vmem>>
    %dma_wait3A_353 = arith.constant 0 : i32
    %dma_wait3A_354 = tpu.memref_slice %arg15[%dma_wait3A_353] : memref<10240xf32, #tpu.memory_space<vmem_shared>> -> memref<10240xf32, #tpu.memory_space<vmem_shared>>
    tpu.wait_indirect_dma semaphore(%arg13 : memref<!tpu.dma_semaphore, #tpu.memory_space<semaphore_mem>>) src(%arg9 : memref<128xf32, #tpu.memory_space<vmem>>) dst(%dma_wait3A_354 : memref<10240xf32, #tpu.memory_space<vmem_shared>>)
    %dma_wait3A_355 = arith.constant 1 : i32
    %dma_wait3A_356 = arith.constant 3 : i32
    %dma_wait3A_357 = arith.constant 0 : i32
    %dma_wait3A_358 = arith.constant 0 : i32
    %dma_wait3A_359 = tpu.memref_slice %arg8[%dma_wait3A_355, %dma_wait3A_357, %dma_wait3A_358] : memref<6x8x128xi32, #tpu.memory_space<vmem>> -> memref<1x8x128xi32, #tpu.memory_space<vmem>>
    %dma_wait3A_360 = tpu.memref_squeeze %dma_wait3A_359 : memref<1x8x128xi32, #tpu.memory_space<vmem>> -> memref<8x128xi32, #tpu.memory_space<vmem>>
    %dma_wait3A_361 = arith.constant 0 : i32
    %dma_wait3A_362 = tpu.memref_slice %dma_wait3A_360[%dma_wait3A_356, %dma_wait3A_361] : memref<8x128xi32, #tpu.memory_space<vmem>> -> memref<1x128xi32, #tpu.memory_space<vmem>>
    %dma_wait3A_363 = tpu.memref_squeeze %dma_wait3A_362 : memref<1x128xi32, #tpu.memory_space<vmem>> -> memref<128xi32, #tpu.memory_space<vmem>>
    %dma_wait3A_364 = arith.constant 0 : i32
    %dma_wait3A_365 = tpu.memref_slice %arg15[%dma_wait3A_364] : memref<10240xf32, #tpu.memory_space<vmem_shared>> -> memref<10240xf32, #tpu.memory_space<vmem_shared>>
    tpu.wait_indirect_dma semaphore(%arg13 : memref<!tpu.dma_semaphore, #tpu.memory_space<semaphore_mem>>) src(%arg9 : memref<128xf32, #tpu.memory_space<vmem>>) dst(%dma_wait3A_365 : memref<10240xf32, #tpu.memory_space<vmem_shared>>)
    %dma_wait3A_366 = arith.constant 1 : i32
    %dma_wait3A_367 = arith.constant 4 : i32
    %dma_wait3A_368 = arith.constant 0 : i32
    %dma_wait3A_369 = arith.constant 0 : i32
    %dma_wait3A_370 = tpu.memref_slice %arg8[%dma_wait3A_366, %dma_wait3A_368, %dma_wait3A_369] : memref<6x8x128xi32, #tpu.memory_space<vmem>> -> memref<1x8x128xi32, #tpu.memory_space<vmem>>
    %dma_wait3A_371 = tpu.memref_squeeze %dma_wait3A_370 : memref<1x8x128xi32, #tpu.memory_space<vmem>> -> memref<8x128xi32, #tpu.memory_space<vmem>>
    %dma_wait3A_372 = arith.constant 0 : i32
    %dma_wait3A_373 = tpu.memref_slice %dma_wait3A_371[%dma_wait3A_367, %dma_wait3A_372] : memref<8x128xi32, #tpu.memory_space<vmem>> -> memref<1x128xi32, #tpu.memory_space<vmem>>
    %dma_wait3A_374 = tpu.memref_squeeze %dma_wait3A_373 : memref<1x128xi32, #tpu.memory_space<vmem>> -> memref<128xi32, #tpu.memory_space<vmem>>
    %dma_wait3A_375 = arith.constant 0 : i32
    %dma_wait3A_376 = tpu.memref_slice %arg15[%dma_wait3A_375] : memref<10240xf32, #tpu.memory_space<vmem_shared>> -> memref<10240xf32, #tpu.memory_space<vmem_shared>>
    tpu.wait_indirect_dma semaphore(%arg13 : memref<!tpu.dma_semaphore, #tpu.memory_space<semaphore_mem>>) src(%arg9 : memref<128xf32, #tpu.memory_space<vmem>>) dst(%dma_wait3A_376 : memref<10240xf32, #tpu.memory_space<vmem_shared>>)
    %dma_wait3A_377 = arith.constant 1 : i32
    %dma_wait3A_378 = arith.constant 5 : i32
    %dma_wait3A_379 = arith.constant 0 : i32
    %dma_wait3A_380 = arith.constant 0 : i32
    %dma_wait3A_381 = tpu.memref_slice %arg8[%dma_wait3A_377, %dma_wait3A_379, %dma_wait3A_380] : memref<6x8x128xi32, #tpu.memory_space<vmem>> -> memref<1x8x128xi32, #tpu.memory_space<vmem>>
    %dma_wait3A_382 = tpu.memref_squeeze %dma_wait3A_381 : memref<1x8x128xi32, #tpu.memory_space<vmem>> -> memref<8x128xi32, #tpu.memory_space<vmem>>
    %dma_wait3A_383 = arith.constant 0 : i32
    %dma_wait3A_384 = tpu.memref_slice %dma_wait3A_382[%dma_wait3A_378, %dma_wait3A_383] : memref<8x128xi32, #tpu.memory_space<vmem>> -> memref<1x128xi32, #tpu.memory_space<vmem>>
    %dma_wait3A_385 = tpu.memref_squeeze %dma_wait3A_384 : memref<1x128xi32, #tpu.memory_space<vmem>> -> memref<128xi32, #tpu.memory_space<vmem>>
    %dma_wait3A_386 = arith.constant 0 : i32
    %dma_wait3A_387 = tpu.memref_slice %arg15[%dma_wait3A_386] : memref<10240xf32, #tpu.memory_space<vmem_shared>> -> memref<10240xf32, #tpu.memory_space<vmem_shared>>
    tpu.wait_indirect_dma semaphore(%arg13 : memref<!tpu.dma_semaphore, #tpu.memory_space<semaphore_mem>>) src(%arg9 : memref<128xf32, #tpu.memory_space<vmem>>) dst(%dma_wait3A_387 : memref<10240xf32, #tpu.memory_space<vmem_shared>>)
    %dma_wait3A_388 = arith.constant 1 : i32
    %dma_wait3A_389 = arith.constant 6 : i32
    %dma_wait3A_390 = arith.constant 0 : i32
    %dma_wait3A_391 = arith.constant 0 : i32
    %dma_wait3A_392 = tpu.memref_slice %arg8[%dma_wait3A_388, %dma_wait3A_390, %dma_wait3A_391] : memref<6x8x128xi32, #tpu.memory_space<vmem>> -> memref<1x8x128xi32, #tpu.memory_space<vmem>>
    %dma_wait3A_393 = tpu.memref_squeeze %dma_wait3A_392 : memref<1x8x128xi32, #tpu.memory_space<vmem>> -> memref<8x128xi32, #tpu.memory_space<vmem>>
    %dma_wait3A_394 = arith.constant 0 : i32
    %dma_wait3A_395 = tpu.memref_slice %dma_wait3A_393[%dma_wait3A_389, %dma_wait3A_394] : memref<8x128xi32, #tpu.memory_space<vmem>> -> memref<1x128xi32, #tpu.memory_space<vmem>>
    %dma_wait3A_396 = tpu.memref_squeeze %dma_wait3A_395 : memref<1x128xi32, #tpu.memory_space<vmem>> -> memref<128xi32, #tpu.memory_space<vmem>>
    %dma_wait3A_397 = arith.constant 0 : i32
    %dma_wait3A_398 = tpu.memref_slice %arg15[%dma_wait3A_397] : memref<10240xf32, #tpu.memory_space<vmem_shared>> -> memref<10240xf32, #tpu.memory_space<vmem_shared>>
    tpu.wait_indirect_dma semaphore(%arg13 : memref<!tpu.dma_semaphore, #tpu.memory_space<semaphore_mem>>) src(%arg9 : memref<128xf32, #tpu.memory_space<vmem>>) dst(%dma_wait3A_398 : memref<10240xf32, #tpu.memory_space<vmem_shared>>)
    %dma_wait3A_399 = arith.constant 1 : i32
    %dma_wait3A_400 = arith.constant 7 : i32
    %dma_wait3A_401 = arith.constant 0 : i32
    %dma_wait3A_402 = arith.constant 0 : i32
    %dma_wait3A_403 = tpu.memref_slice %arg8[%dma_wait3A_399, %dma_wait3A_401, %dma_wait3A_402] : memref<6x8x128xi32, #tpu.memory_space<vmem>> -> memref<1x8x128xi32, #tpu.memory_space<vmem>>
    %dma_wait3A_404 = tpu.memref_squeeze %dma_wait3A_403 : memref<1x8x128xi32, #tpu.memory_space<vmem>> -> memref<8x128xi32, #tpu.memory_space<vmem>>
    %dma_wait3A_405 = arith.constant 0 : i32
    %dma_wait3A_406 = tpu.memref_slice %dma_wait3A_404[%dma_wait3A_400, %dma_wait3A_405] : memref<8x128xi32, #tpu.memory_space<vmem>> -> memref<1x128xi32, #tpu.memory_space<vmem>>
    %dma_wait3A_407 = tpu.memref_squeeze %dma_wait3A_406 : memref<1x128xi32, #tpu.memory_space<vmem>> -> memref<128xi32, #tpu.memory_space<vmem>>
    %dma_wait3A_408 = arith.constant 0 : i32
    %dma_wait3A_409 = tpu.memref_slice %arg15[%dma_wait3A_408] : memref<10240xf32, #tpu.memory_space<vmem_shared>> -> memref<10240xf32, #tpu.memory_space<vmem_shared>>
    tpu.wait_indirect_dma semaphore(%arg13 : memref<!tpu.dma_semaphore, #tpu.memory_space<semaphore_mem>>) src(%arg9 : memref<128xf32, #tpu.memory_space<vmem>>) dst(%dma_wait3A_409 : memref<10240xf32, #tpu.memory_space<vmem_shared>>)
    %dma_wait3A_410 = arith.constant 2 : i32
    %dma_wait3A_411 = arith.constant 0 : i32
    %dma_wait3A_412 = arith.constant 0 : i32
    %dma_wait3A_413 = arith.constant 0 : i32
    %dma_wait3A_414 = tpu.memref_slice %arg8[%dma_wait3A_410, %dma_wait3A_412, %dma_wait3A_413] : memref<6x8x128xi32, #tpu.memory_space<vmem>> -> memref<1x8x128xi32, #tpu.memory_space<vmem>>
    %dma_wait3A_415 = tpu.memref_squeeze %dma_wait3A_414 : memref<1x8x128xi32, #tpu.memory_space<vmem>> -> memref<8x128xi32, #tpu.memory_space<vmem>>
    %dma_wait3A_416 = arith.constant 0 : i32
    %dma_wait3A_417 = tpu.memref_slice %dma_wait3A_415[%dma_wait3A_411, %dma_wait3A_416] : memref<8x128xi32, #tpu.memory_space<vmem>> -> memref<1x128xi32, #tpu.memory_space<vmem>>
    %dma_wait3A_418 = tpu.memref_squeeze %dma_wait3A_417 : memref<1x128xi32, #tpu.memory_space<vmem>> -> memref<128xi32, #tpu.memory_space<vmem>>
    %dma_wait3A_419 = arith.constant 0 : i32
    %dma_wait3A_420 = tpu.memref_slice %arg15[%dma_wait3A_419] : memref<10240xf32, #tpu.memory_space<vmem_shared>> -> memref<10240xf32, #tpu.memory_space<vmem_shared>>
    tpu.wait_indirect_dma semaphore(%arg13 : memref<!tpu.dma_semaphore, #tpu.memory_space<semaphore_mem>>) src(%arg9 : memref<128xf32, #tpu.memory_space<vmem>>) dst(%dma_wait3A_420 : memref<10240xf32, #tpu.memory_space<vmem_shared>>)
    %dma_wait3A_421 = arith.constant 2 : i32
    %dma_wait3A_422 = arith.constant 1 : i32
    %dma_wait3A_423 = arith.constant 0 : i32
    %dma_wait3A_424 = arith.constant 0 : i32
    %dma_wait3A_425 = tpu.memref_slice %arg8[%dma_wait3A_421, %dma_wait3A_423, %dma_wait3A_424] : memref<6x8x128xi32, #tpu.memory_space<vmem>> -> memref<1x8x128xi32, #tpu.memory_space<vmem>>
    %dma_wait3A_426 = tpu.memref_squeeze %dma_wait3A_425 : memref<1x8x128xi32, #tpu.memory_space<vmem>> -> memref<8x128xi32, #tpu.memory_space<vmem>>
    %dma_wait3A_427 = arith.constant 0 : i32
    %dma_wait3A_428 = tpu.memref_slice %dma_wait3A_426[%dma_wait3A_422, %dma_wait3A_427] : memref<8x128xi32, #tpu.memory_space<vmem>> -> memref<1x128xi32, #tpu.memory_space<vmem>>
    %dma_wait3A_429 = tpu.memref_squeeze %dma_wait3A_428 : memref<1x128xi32, #tpu.memory_space<vmem>> -> memref<128xi32, #tpu.memory_space<vmem>>
    %dma_wait3A_430 = arith.constant 0 : i32
    %dma_wait3A_431 = tpu.memref_slice %arg15[%dma_wait3A_430] : memref<10240xf32, #tpu.memory_space<vmem_shared>> -> memref<10240xf32, #tpu.memory_space<vmem_shared>>
    tpu.wait_indirect_dma semaphore(%arg13 : memref<!tpu.dma_semaphore, #tpu.memory_space<semaphore_mem>>) src(%arg9 : memref<128xf32, #tpu.memory_space<vmem>>) dst(%dma_wait3A_431 : memref<10240xf32, #tpu.memory_space<vmem_shared>>)
    %dma_wait3A_432 = arith.constant 2 : i32
    %dma_wait3A_433 = arith.constant 2 : i32
    %dma_wait3A_434 = arith.constant 0 : i32
    %dma_wait3A_435 = arith.constant 0 : i32
    %dma_wait3A_436 = tpu.memref_slice %arg8[%dma_wait3A_432, %dma_wait3A_434, %dma_wait3A_435] : memref<6x8x128xi32, #tpu.memory_space<vmem>> -> memref<1x8x128xi32, #tpu.memory_space<vmem>>
    %dma_wait3A_437 = tpu.memref_squeeze %dma_wait3A_436 : memref<1x8x128xi32, #tpu.memory_space<vmem>> -> memref<8x128xi32, #tpu.memory_space<vmem>>
    %dma_wait3A_438 = arith.constant 0 : i32
    %dma_wait3A_439 = tpu.memref_slice %dma_wait3A_437[%dma_wait3A_433, %dma_wait3A_438] : memref<8x128xi32, #tpu.memory_space<vmem>> -> memref<1x128xi32, #tpu.memory_space<vmem>>
    %dma_wait3A_440 = tpu.memref_squeeze %dma_wait3A_439 : memref<1x128xi32, #tpu.memory_space<vmem>> -> memref<128xi32, #tpu.memory_space<vmem>>
    %dma_wait3A_441 = arith.constant 0 : i32
    %dma_wait3A_442 = tpu.memref_slice %arg15[%dma_wait3A_441] : memref<10240xf32, #tpu.memory_space<vmem_shared>> -> memref<10240xf32, #tpu.memory_space<vmem_shared>>
    tpu.wait_indirect_dma semaphore(%arg13 : memref<!tpu.dma_semaphore, #tpu.memory_space<semaphore_mem>>) src(%arg9 : memref<128xf32, #tpu.memory_space<vmem>>) dst(%dma_wait3A_442 : memref<10240xf32, #tpu.memory_space<vmem_shared>>)
    %dma_wait3A_443 = arith.constant 2 : i32
    %dma_wait3A_444 = arith.constant 3 : i32
    %dma_wait3A_445 = arith.constant 0 : i32
    %dma_wait3A_446 = arith.constant 0 : i32
    %dma_wait3A_447 = tpu.memref_slice %arg8[%dma_wait3A_443, %dma_wait3A_445, %dma_wait3A_446] : memref<6x8x128xi32, #tpu.memory_space<vmem>> -> memref<1x8x128xi32, #tpu.memory_space<vmem>>
    %dma_wait3A_448 = tpu.memref_squeeze %dma_wait3A_447 : memref<1x8x128xi32, #tpu.memory_space<vmem>> -> memref<8x128xi32, #tpu.memory_space<vmem>>
    %dma_wait3A_449 = arith.constant 0 : i32
    %dma_wait3A_450 = tpu.memref_slice %dma_wait3A_448[%dma_wait3A_444, %dma_wait3A_449] : memref<8x128xi32, #tpu.memory_space<vmem>> -> memref<1x128xi32, #tpu.memory_space<vmem>>
    %dma_wait3A_451 = tpu.memref_squeeze %dma_wait3A_450 : memref<1x128xi32, #tpu.memory_space<vmem>> -> memref<128xi32, #tpu.memory_space<vmem>>
    %dma_wait3A_452 = arith.constant 0 : i32
    %dma_wait3A_453 = tpu.memref_slice %arg15[%dma_wait3A_452] : memref<10240xf32, #tpu.memory_space<vmem_shared>> -> memref<10240xf32, #tpu.memory_space<vmem_shared>>
    tpu.wait_indirect_dma semaphore(%arg13 : memref<!tpu.dma_semaphore, #tpu.memory_space<semaphore_mem>>) src(%arg9 : memref<128xf32, #tpu.memory_space<vmem>>) dst(%dma_wait3A_453 : memref<10240xf32, #tpu.memory_space<vmem_shared>>)
    %dma_wait3A_454 = arith.constant 2 : i32
    %dma_wait3A_455 = arith.constant 4 : i32
    %dma_wait3A_456 = arith.constant 0 : i32
    %dma_wait3A_457 = arith.constant 0 : i32
    %dma_wait3A_458 = tpu.memref_slice %arg8[%dma_wait3A_454, %dma_wait3A_456, %dma_wait3A_457] : memref<6x8x128xi32, #tpu.memory_space<vmem>> -> memref<1x8x128xi32, #tpu.memory_space<vmem>>
    %dma_wait3A_459 = tpu.memref_squeeze %dma_wait3A_458 : memref<1x8x128xi32, #tpu.memory_space<vmem>> -> memref<8x128xi32, #tpu.memory_space<vmem>>
    %dma_wait3A_460 = arith.constant 0 : i32
    %dma_wait3A_461 = tpu.memref_slice %dma_wait3A_459[%dma_wait3A_455, %dma_wait3A_460] : memref<8x128xi32, #tpu.memory_space<vmem>> -> memref<1x128xi32, #tpu.memory_space<vmem>>
    %dma_wait3A_462 = tpu.memref_squeeze %dma_wait3A_461 : memref<1x128xi32, #tpu.memory_space<vmem>> -> memref<128xi32, #tpu.memory_space<vmem>>
    %dma_wait3A_463 = arith.constant 0 : i32
    %dma_wait3A_464 = tpu.memref_slice %arg15[%dma_wait3A_463] : memref<10240xf32, #tpu.memory_space<vmem_shared>> -> memref<10240xf32, #tpu.memory_space<vmem_shared>>
    tpu.wait_indirect_dma semaphore(%arg13 : memref<!tpu.dma_semaphore, #tpu.memory_space<semaphore_mem>>) src(%arg9 : memref<128xf32, #tpu.memory_space<vmem>>) dst(%dma_wait3A_464 : memref<10240xf32, #tpu.memory_space<vmem_shared>>)
    %dma_wait3A_465 = arith.constant 2 : i32
    %dma_wait3A_466 = arith.constant 5 : i32
    %dma_wait3A_467 = arith.constant 0 : i32
    %dma_wait3A_468 = arith.constant 0 : i32
    %dma_wait3A_469 = tpu.memref_slice %arg8[%dma_wait3A_465, %dma_wait3A_467, %dma_wait3A_468] : memref<6x8x128xi32, #tpu.memory_space<vmem>> -> memref<1x8x128xi32, #tpu.memory_space<vmem>>
    %dma_wait3A_470 = tpu.memref_squeeze %dma_wait3A_469 : memref<1x8x128xi32, #tpu.memory_space<vmem>> -> memref<8x128xi32, #tpu.memory_space<vmem>>
    %dma_wait3A_471 = arith.constant 0 : i32
    %dma_wait3A_472 = tpu.memref_slice %dma_wait3A_470[%dma_wait3A_466, %dma_wait3A_471] : memref<8x128xi32, #tpu.memory_space<vmem>> -> memref<1x128xi32, #tpu.memory_space<vmem>>
    %dma_wait3A_473 = tpu.memref_squeeze %dma_wait3A_472 : memref<1x128xi32, #tpu.memory_space<vmem>> -> memref<128xi32, #tpu.memory_space<vmem>>
    %dma_wait3A_474 = arith.constant 0 : i32
    %dma_wait3A_475 = tpu.memref_slice %arg15[%dma_wait3A_474] : memref<10240xf32, #tpu.memory_space<vmem_shared>> -> memref<10240xf32, #tpu.memory_space<vmem_shared>>
    tpu.wait_indirect_dma semaphore(%arg13 : memref<!tpu.dma_semaphore, #tpu.memory_space<semaphore_mem>>) src(%arg9 : memref<128xf32, #tpu.memory_space<vmem>>) dst(%dma_wait3A_475 : memref<10240xf32, #tpu.memory_space<vmem_shared>>)
    %dma_wait3A_476 = arith.constant 2 : i32
    %dma_wait3A_477 = arith.constant 6 : i32
    %dma_wait3A_478 = arith.constant 0 : i32
    %dma_wait3A_479 = arith.constant 0 : i32
    %dma_wait3A_480 = tpu.memref_slice %arg8[%dma_wait3A_476, %dma_wait3A_478, %dma_wait3A_479] : memref<6x8x128xi32, #tpu.memory_space<vmem>> -> memref<1x8x128xi32, #tpu.memory_space<vmem>>
    %dma_wait3A_481 = tpu.memref_squeeze %dma_wait3A_480 : memref<1x8x128xi32, #tpu.memory_space<vmem>> -> memref<8x128xi32, #tpu.memory_space<vmem>>
    %dma_wait3A_482 = arith.constant 0 : i32
    %dma_wait3A_483 = tpu.memref_slice %dma_wait3A_481[%dma_wait3A_477, %dma_wait3A_482] : memref<8x128xi32, #tpu.memory_space<vmem>> -> memref<1x128xi32, #tpu.memory_space<vmem>>
    %dma_wait3A_484 = tpu.memref_squeeze %dma_wait3A_483 : memref<1x128xi32, #tpu.memory_space<vmem>> -> memref<128xi32, #tpu.memory_space<vmem>>
    %dma_wait3A_485 = arith.constant 0 : i32
    %dma_wait3A_486 = tpu.memref_slice %arg15[%dma_wait3A_485] : memref<10240xf32, #tpu.memory_space<vmem_shared>> -> memref<10240xf32, #tpu.memory_space<vmem_shared>>
    tpu.wait_indirect_dma semaphore(%arg13 : memref<!tpu.dma_semaphore, #tpu.memory_space<semaphore_mem>>) src(%arg9 : memref<128xf32, #tpu.memory_space<vmem>>) dst(%dma_wait3A_486 : memref<10240xf32, #tpu.memory_space<vmem_shared>>)
    %dma_wait3A_487 = arith.constant 2 : i32
    %dma_wait3A_488 = arith.constant 7 : i32
    %dma_wait3A_489 = arith.constant 0 : i32
    %dma_wait3A_490 = arith.constant 0 : i32
    %dma_wait3A_491 = tpu.memref_slice %arg8[%dma_wait3A_487, %dma_wait3A_489, %dma_wait3A_490] : memref<6x8x128xi32, #tpu.memory_space<vmem>> -> memref<1x8x128xi32, #tpu.memory_space<vmem>>
    %dma_wait3A_492 = tpu.memref_squeeze %dma_wait3A_491 : memref<1x8x128xi32, #tpu.memory_space<vmem>> -> memref<8x128xi32, #tpu.memory_space<vmem>>
    %dma_wait3A_493 = arith.constant 0 : i32
    %dma_wait3A_494 = tpu.memref_slice %dma_wait3A_492[%dma_wait3A_488, %dma_wait3A_493] : memref<8x128xi32, #tpu.memory_space<vmem>> -> memref<1x128xi32, #tpu.memory_space<vmem>>
    %dma_wait3A_495 = tpu.memref_squeeze %dma_wait3A_494 : memref<1x128xi32, #tpu.memory_space<vmem>> -> memref<128xi32, #tpu.memory_space<vmem>>
    %dma_wait3A_496 = arith.constant 0 : i32
    %dma_wait3A_497 = tpu.memref_slice %arg15[%dma_wait3A_496] : memref<10240xf32, #tpu.memory_space<vmem_shared>> -> memref<10240xf32, #tpu.memory_space<vmem_shared>>
    tpu.wait_indirect_dma semaphore(%arg13 : memref<!tpu.dma_semaphore, #tpu.memory_space<semaphore_mem>>) src(%arg9 : memref<128xf32, #tpu.memory_space<vmem>>) dst(%dma_wait3A_497 : memref<10240xf32, #tpu.memory_space<vmem_shared>>)
    %dma_wait3A_498 = arith.constant 3 : i32
    %dma_wait3A_499 = arith.constant 0 : i32
    %dma_wait3A_500 = arith.constant 0 : i32
    %dma_wait3A_501 = arith.constant 0 : i32
    %dma_wait3A_502 = tpu.memref_slice %arg8[%dma_wait3A_498, %dma_wait3A_500, %dma_wait3A_501] : memref<6x8x128xi32, #tpu.memory_space<vmem>> -> memref<1x8x128xi32, #tpu.memory_space<vmem>>
    %dma_wait3A_503 = tpu.memref_squeeze %dma_wait3A_502 : memref<1x8x128xi32, #tpu.memory_space<vmem>> -> memref<8x128xi32, #tpu.memory_space<vmem>>
    %dma_wait3A_504 = arith.constant 0 : i32
    %dma_wait3A_505 = tpu.memref_slice %dma_wait3A_503[%dma_wait3A_499, %dma_wait3A_504] : memref<8x128xi32, #tpu.memory_space<vmem>> -> memref<1x128xi32, #tpu.memory_space<vmem>>
    %dma_wait3A_506 = tpu.memref_squeeze %dma_wait3A_505 : memref<1x128xi32, #tpu.memory_space<vmem>> -> memref<128xi32, #tpu.memory_space<vmem>>
    %dma_wait3A_507 = arith.constant 0 : i32
    %dma_wait3A_508 = tpu.memref_slice %arg15[%dma_wait3A_507] : memref<10240xf32, #tpu.memory_space<vmem_shared>> -> memref<10240xf32, #tpu.memory_space<vmem_shared>>
    tpu.wait_indirect_dma semaphore(%arg13 : memref<!tpu.dma_semaphore, #tpu.memory_space<semaphore_mem>>) src(%arg9 : memref<128xf32, #tpu.memory_space<vmem>>) dst(%dma_wait3A_508 : memref<10240xf32, #tpu.memory_space<vmem_shared>>)
    %dma_wait3A_509 = arith.constant 3 : i32
    %dma_wait3A_510 = arith.constant 1 : i32
    %dma_wait3A_511 = arith.constant 0 : i32
    %dma_wait3A_512 = arith.constant 0 : i32
    %dma_wait3A_513 = tpu.memref_slice %arg8[%dma_wait3A_509, %dma_wait3A_511, %dma_wait3A_512] : memref<6x8x128xi32, #tpu.memory_space<vmem>> -> memref<1x8x128xi32, #tpu.memory_space<vmem>>
    %dma_wait3A_514 = tpu.memref_squeeze %dma_wait3A_513 : memref<1x8x128xi32, #tpu.memory_space<vmem>> -> memref<8x128xi32, #tpu.memory_space<vmem>>
    %dma_wait3A_515 = arith.constant 0 : i32
    %dma_wait3A_516 = tpu.memref_slice %dma_wait3A_514[%dma_wait3A_510, %dma_wait3A_515] : memref<8x128xi32, #tpu.memory_space<vmem>> -> memref<1x128xi32, #tpu.memory_space<vmem>>
    %dma_wait3A_517 = tpu.memref_squeeze %dma_wait3A_516 : memref<1x128xi32, #tpu.memory_space<vmem>> -> memref<128xi32, #tpu.memory_space<vmem>>
    %dma_wait3A_518 = arith.constant 0 : i32
    %dma_wait3A_519 = tpu.memref_slice %arg15[%dma_wait3A_518] : memref<10240xf32, #tpu.memory_space<vmem_shared>> -> memref<10240xf32, #tpu.memory_space<vmem_shared>>
    tpu.wait_indirect_dma semaphore(%arg13 : memref<!tpu.dma_semaphore, #tpu.memory_space<semaphore_mem>>) src(%arg9 : memref<128xf32, #tpu.memory_space<vmem>>) dst(%dma_wait3A_519 : memref<10240xf32, #tpu.memory_space<vmem_shared>>)
    %dma_wait3A_520 = arith.constant 3 : i32
    %dma_wait3A_521 = arith.constant 2 : i32
    %dma_wait3A_522 = arith.constant 0 : i32
    %dma_wait3A_523 = arith.constant 0 : i32
    %dma_wait3A_524 = tpu.memref_slice %arg8[%dma_wait3A_520, %dma_wait3A_522, %dma_wait3A_523] : memref<6x8x128xi32, #tpu.memory_space<vmem>> -> memref<1x8x128xi32, #tpu.memory_space<vmem>>
    %dma_wait3A_525 = tpu.memref_squeeze %dma_wait3A_524 : memref<1x8x128xi32, #tpu.memory_space<vmem>> -> memref<8x128xi32, #tpu.memory_space<vmem>>
    %dma_wait3A_526 = arith.constant 0 : i32
    %dma_wait3A_527 = tpu.memref_slice %dma_wait3A_525[%dma_wait3A_521, %dma_wait3A_526] : memref<8x128xi32, #tpu.memory_space<vmem>> -> memref<1x128xi32, #tpu.memory_space<vmem>>
    %dma_wait3A_528 = tpu.memref_squeeze %dma_wait3A_527 : memref<1x128xi32, #tpu.memory_space<vmem>> -> memref<128xi32, #tpu.memory_space<vmem>>
    %dma_wait3A_529 = arith.constant 0 : i32
    %dma_wait3A_530 = tpu.memref_slice %arg15[%dma_wait3A_529] : memref<10240xf32, #tpu.memory_space<vmem_shared>> -> memref<10240xf32, #tpu.memory_space<vmem_shared>>
    tpu.wait_indirect_dma semaphore(%arg13 : memref<!tpu.dma_semaphore, #tpu.memory_space<semaphore_mem>>) src(%arg9 : memref<128xf32, #tpu.memory_space<vmem>>) dst(%dma_wait3A_530 : memref<10240xf32, #tpu.memory_space<vmem_shared>>)
    %dma_wait3A_531 = arith.constant 3 : i32
    %dma_wait3A_532 = arith.constant 3 : i32
    %dma_wait3A_533 = arith.constant 0 : i32
    %dma_wait3A_534 = arith.constant 0 : i32
    %dma_wait3A_535 = tpu.memref_slice %arg8[%dma_wait3A_531, %dma_wait3A_533, %dma_wait3A_534] : memref<6x8x128xi32, #tpu.memory_space<vmem>> -> memref<1x8x128xi32, #tpu.memory_space<vmem>>
    %dma_wait3A_536 = tpu.memref_squeeze %dma_wait3A_535 : memref<1x8x128xi32, #tpu.memory_space<vmem>> -> memref<8x128xi32, #tpu.memory_space<vmem>>
    %dma_wait3A_537 = arith.constant 0 : i32
    %dma_wait3A_538 = tpu.memref_slice %dma_wait3A_536[%dma_wait3A_532, %dma_wait3A_537] : memref<8x128xi32, #tpu.memory_space<vmem>> -> memref<1x128xi32, #tpu.memory_space<vmem>>
    %dma_wait3A_539 = tpu.memref_squeeze %dma_wait3A_538 : memref<1x128xi32, #tpu.memory_space<vmem>> -> memref<128xi32, #tpu.memory_space<vmem>>
    %dma_wait3A_540 = arith.constant 0 : i32
    %dma_wait3A_541 = tpu.memref_slice %arg15[%dma_wait3A_540] : memref<10240xf32, #tpu.memory_space<vmem_shared>> -> memref<10240xf32, #tpu.memory_space<vmem_shared>>
    tpu.wait_indirect_dma semaphore(%arg13 : memref<!tpu.dma_semaphore, #tpu.memory_space<semaphore_mem>>) src(%arg9 : memref<128xf32, #tpu.memory_space<vmem>>) dst(%dma_wait3A_541 : memref<10240xf32, #tpu.memory_space<vmem_shared>>)
    %dma_wait3A_542 = arith.constant 3 : i32
    %dma_wait3A_543 = arith.constant 4 : i32
    %dma_wait3A_544 = arith.constant 0 : i32
    %dma_wait3A_545 = arith.constant 0 : i32
    %dma_wait3A_546 = tpu.memref_slice %arg8[%dma_wait3A_542, %dma_wait3A_544, %dma_wait3A_545] : memref<6x8x128xi32, #tpu.memory_space<vmem>> -> memref<1x8x128xi32, #tpu.memory_space<vmem>>
    %dma_wait3A_547 = tpu.memref_squeeze %dma_wait3A_546 : memref<1x8x128xi32, #tpu.memory_space<vmem>> -> memref<8x128xi32, #tpu.memory_space<vmem>>
    %dma_wait3A_548 = arith.constant 0 : i32
    %dma_wait3A_549 = tpu.memref_slice %dma_wait3A_547[%dma_wait3A_543, %dma_wait3A_548] : memref<8x128xi32, #tpu.memory_space<vmem>> -> memref<1x128xi32, #tpu.memory_space<vmem>>
    %dma_wait3A_550 = tpu.memref_squeeze %dma_wait3A_549 : memref<1x128xi32, #tpu.memory_space<vmem>> -> memref<128xi32, #tpu.memory_space<vmem>>
    %dma_wait3A_551 = arith.constant 0 : i32
    %dma_wait3A_552 = tpu.memref_slice %arg15[%dma_wait3A_551] : memref<10240xf32, #tpu.memory_space<vmem_shared>> -> memref<10240xf32, #tpu.memory_space<vmem_shared>>
    tpu.wait_indirect_dma semaphore(%arg13 : memref<!tpu.dma_semaphore, #tpu.memory_space<semaphore_mem>>) src(%arg9 : memref<128xf32, #tpu.memory_space<vmem>>) dst(%dma_wait3A_552 : memref<10240xf32, #tpu.memory_space<vmem_shared>>)
    %dma_wait3A_553 = arith.constant 3 : i32
    %dma_wait3A_554 = arith.constant 5 : i32
    %dma_wait3A_555 = arith.constant 0 : i32
    %dma_wait3A_556 = arith.constant 0 : i32
    %dma_wait3A_557 = tpu.memref_slice %arg8[%dma_wait3A_553, %dma_wait3A_555, %dma_wait3A_556] : memref<6x8x128xi32, #tpu.memory_space<vmem>> -> memref<1x8x128xi32, #tpu.memory_space<vmem>>
    %dma_wait3A_558 = tpu.memref_squeeze %dma_wait3A_557 : memref<1x8x128xi32, #tpu.memory_space<vmem>> -> memref<8x128xi32, #tpu.memory_space<vmem>>
    %dma_wait3A_559 = arith.constant 0 : i32
    %dma_wait3A_560 = tpu.memref_slice %dma_wait3A_558[%dma_wait3A_554, %dma_wait3A_559] : memref<8x128xi32, #tpu.memory_space<vmem>> -> memref<1x128xi32, #tpu.memory_space<vmem>>
    %dma_wait3A_561 = tpu.memref_squeeze %dma_wait3A_560 : memref<1x128xi32, #tpu.memory_space<vmem>> -> memref<128xi32, #tpu.memory_space<vmem>>
    %dma_wait3A_562 = arith.constant 0 : i32
    %dma_wait3A_563 = tpu.memref_slice %arg15[%dma_wait3A_562] : memref<10240xf32, #tpu.memory_space<vmem_shared>> -> memref<10240xf32, #tpu.memory_space<vmem_shared>>
    tpu.wait_indirect_dma semaphore(%arg13 : memref<!tpu.dma_semaphore, #tpu.memory_space<semaphore_mem>>) src(%arg9 : memref<128xf32, #tpu.memory_space<vmem>>) dst(%dma_wait3A_563 : memref<10240xf32, #tpu.memory_space<vmem_shared>>)
    %dma_wait3A_564 = arith.constant 3 : i32
    %dma_wait3A_565 = arith.constant 6 : i32
    %dma_wait3A_566 = arith.constant 0 : i32
    %dma_wait3A_567 = arith.constant 0 : i32
    %dma_wait3A_568 = tpu.memref_slice %arg8[%dma_wait3A_564, %dma_wait3A_566, %dma_wait3A_567] : memref<6x8x128xi32, #tpu.memory_space<vmem>> -> memref<1x8x128xi32, #tpu.memory_space<vmem>>
    %dma_wait3A_569 = tpu.memref_squeeze %dma_wait3A_568 : memref<1x8x128xi32, #tpu.memory_space<vmem>> -> memref<8x128xi32, #tpu.memory_space<vmem>>
    %dma_wait3A_570 = arith.constant 0 : i32
    %dma_wait3A_571 = tpu.memref_slice %dma_wait3A_569[%dma_wait3A_565, %dma_wait3A_570] : memref<8x128xi32, #tpu.memory_space<vmem>> -> memref<1x128xi32, #tpu.memory_space<vmem>>
    %dma_wait3A_572 = tpu.memref_squeeze %dma_wait3A_571 : memref<1x128xi32, #tpu.memory_space<vmem>> -> memref<128xi32, #tpu.memory_space<vmem>>
    %dma_wait3A_573 = arith.constant 0 : i32
    %dma_wait3A_574 = tpu.memref_slice %arg15[%dma_wait3A_573] : memref<10240xf32, #tpu.memory_space<vmem_shared>> -> memref<10240xf32, #tpu.memory_space<vmem_shared>>
    tpu.wait_indirect_dma semaphore(%arg13 : memref<!tpu.dma_semaphore, #tpu.memory_space<semaphore_mem>>) src(%arg9 : memref<128xf32, #tpu.memory_space<vmem>>) dst(%dma_wait3A_574 : memref<10240xf32, #tpu.memory_space<vmem_shared>>)
    %dma_wait3A_575 = arith.constant 3 : i32
    %dma_wait3A_576 = arith.constant 7 : i32
    %dma_wait3A_577 = arith.constant 0 : i32
    %dma_wait3A_578 = arith.constant 0 : i32
    %dma_wait3A_579 = tpu.memref_slice %arg8[%dma_wait3A_575, %dma_wait3A_577, %dma_wait3A_578] : memref<6x8x128xi32, #tpu.memory_space<vmem>> -> memref<1x8x128xi32, #tpu.memory_space<vmem>>
    %dma_wait3A_580 = tpu.memref_squeeze %dma_wait3A_579 : memref<1x8x128xi32, #tpu.memory_space<vmem>> -> memref<8x128xi32, #tpu.memory_space<vmem>>
    %dma_wait3A_581 = arith.constant 0 : i32
    %dma_wait3A_582 = tpu.memref_slice %dma_wait3A_580[%dma_wait3A_576, %dma_wait3A_581] : memref<8x128xi32, #tpu.memory_space<vmem>> -> memref<1x128xi32, #tpu.memory_space<vmem>>
    %dma_wait3A_583 = tpu.memref_squeeze %dma_wait3A_582 : memref<1x128xi32, #tpu.memory_space<vmem>> -> memref<128xi32, #tpu.memory_space<vmem>>
    %dma_wait3A_584 = arith.constant 0 : i32
    %dma_wait3A_585 = tpu.memref_slice %arg15[%dma_wait3A_584] : memref<10240xf32, #tpu.memory_space<vmem_shared>> -> memref<10240xf32, #tpu.memory_space<vmem_shared>>
    tpu.wait_indirect_dma semaphore(%arg13 : memref<!tpu.dma_semaphore, #tpu.memory_space<semaphore_mem>>) src(%arg9 : memref<128xf32, #tpu.memory_space<vmem>>) dst(%dma_wait3A_585 : memref<10240xf32, #tpu.memory_space<vmem_shared>>)
    %dma_wait3A_586 = arith.constant 4 : i32
    %dma_wait3A_587 = arith.constant 0 : i32
    %dma_wait3A_588 = arith.constant 0 : i32
    %dma_wait3A_589 = arith.constant 0 : i32
    %dma_wait3A_590 = tpu.memref_slice %arg8[%dma_wait3A_586, %dma_wait3A_588, %dma_wait3A_589] : memref<6x8x128xi32, #tpu.memory_space<vmem>> -> memref<1x8x128xi32, #tpu.memory_space<vmem>>
    %dma_wait3A_591 = tpu.memref_squeeze %dma_wait3A_590 : memref<1x8x128xi32, #tpu.memory_space<vmem>> -> memref<8x128xi32, #tpu.memory_space<vmem>>
    %dma_wait3A_592 = arith.constant 0 : i32
    %dma_wait3A_593 = tpu.memref_slice %dma_wait3A_591[%dma_wait3A_587, %dma_wait3A_592] : memref<8x128xi32, #tpu.memory_space<vmem>> -> memref<1x128xi32, #tpu.memory_space<vmem>>
    %dma_wait3A_594 = tpu.memref_squeeze %dma_wait3A_593 : memref<1x128xi32, #tpu.memory_space<vmem>> -> memref<128xi32, #tpu.memory_space<vmem>>
    %dma_wait3A_595 = arith.constant 0 : i32
    %dma_wait3A_596 = tpu.memref_slice %arg15[%dma_wait3A_595] : memref<10240xf32, #tpu.memory_space<vmem_shared>> -> memref<10240xf32, #tpu.memory_space<vmem_shared>>
    tpu.wait_indirect_dma semaphore(%arg13 : memref<!tpu.dma_semaphore, #tpu.memory_space<semaphore_mem>>) src(%arg9 : memref<128xf32, #tpu.memory_space<vmem>>) dst(%dma_wait3A_596 : memref<10240xf32, #tpu.memory_space<vmem_shared>>)
    %dma_wait3A_597 = arith.constant 4 : i32
    %dma_wait3A_598 = arith.constant 1 : i32
    %dma_wait3A_599 = arith.constant 0 : i32
    %dma_wait3A_600 = arith.constant 0 : i32
    %dma_wait3A_601 = tpu.memref_slice %arg8[%dma_wait3A_597, %dma_wait3A_599, %dma_wait3A_600] : memref<6x8x128xi32, #tpu.memory_space<vmem>> -> memref<1x8x128xi32, #tpu.memory_space<vmem>>
    %dma_wait3A_602 = tpu.memref_squeeze %dma_wait3A_601 : memref<1x8x128xi32, #tpu.memory_space<vmem>> -> memref<8x128xi32, #tpu.memory_space<vmem>>
    %dma_wait3A_603 = arith.constant 0 : i32
    %dma_wait3A_604 = tpu.memref_slice %dma_wait3A_602[%dma_wait3A_598, %dma_wait3A_603] : memref<8x128xi32, #tpu.memory_space<vmem>> -> memref<1x128xi32, #tpu.memory_space<vmem>>
    %dma_wait3A_605 = tpu.memref_squeeze %dma_wait3A_604 : memref<1x128xi32, #tpu.memory_space<vmem>> -> memref<128xi32, #tpu.memory_space<vmem>>
    %dma_wait3A_606 = arith.constant 0 : i32
    %dma_wait3A_607 = tpu.memref_slice %arg15[%dma_wait3A_606] : memref<10240xf32, #tpu.memory_space<vmem_shared>> -> memref<10240xf32, #tpu.memory_space<vmem_shared>>
    tpu.wait_indirect_dma semaphore(%arg13 : memref<!tpu.dma_semaphore, #tpu.memory_space<semaphore_mem>>) src(%arg9 : memref<128xf32, #tpu.memory_space<vmem>>) dst(%dma_wait3A_607 : memref<10240xf32, #tpu.memory_space<vmem_shared>>)
    %dma_wait3A_608 = arith.constant 4 : i32
    %dma_wait3A_609 = arith.constant 2 : i32
    %dma_wait3A_610 = arith.constant 0 : i32
    %dma_wait3A_611 = arith.constant 0 : i32
    %dma_wait3A_612 = tpu.memref_slice %arg8[%dma_wait3A_608, %dma_wait3A_610, %dma_wait3A_611] : memref<6x8x128xi32, #tpu.memory_space<vmem>> -> memref<1x8x128xi32, #tpu.memory_space<vmem>>
    %dma_wait3A_613 = tpu.memref_squeeze %dma_wait3A_612 : memref<1x8x128xi32, #tpu.memory_space<vmem>> -> memref<8x128xi32, #tpu.memory_space<vmem>>
    %dma_wait3A_614 = arith.constant 0 : i32
    %dma_wait3A_615 = tpu.memref_slice %dma_wait3A_613[%dma_wait3A_609, %dma_wait3A_614] : memref<8x128xi32, #tpu.memory_space<vmem>> -> memref<1x128xi32, #tpu.memory_space<vmem>>
    %dma_wait3A_616 = tpu.memref_squeeze %dma_wait3A_615 : memref<1x128xi32, #tpu.memory_space<vmem>> -> memref<128xi32, #tpu.memory_space<vmem>>
    %dma_wait3A_617 = arith.constant 0 : i32
    %dma_wait3A_618 = tpu.memref_slice %arg15[%dma_wait3A_617] : memref<10240xf32, #tpu.memory_space<vmem_shared>> -> memref<10240xf32, #tpu.memory_space<vmem_shared>>
    tpu.wait_indirect_dma semaphore(%arg13 : memref<!tpu.dma_semaphore, #tpu.memory_space<semaphore_mem>>) src(%arg9 : memref<128xf32, #tpu.memory_space<vmem>>) dst(%dma_wait3A_618 : memref<10240xf32, #tpu.memory_space<vmem_shared>>)
    %dma_wait3A_619 = arith.constant 4 : i32
    %dma_wait3A_620 = arith.constant 3 : i32
    %dma_wait3A_621 = arith.constant 0 : i32
    %dma_wait3A_622 = arith.constant 0 : i32
    %dma_wait3A_623 = tpu.memref_slice %arg8[%dma_wait3A_619, %dma_wait3A_621, %dma_wait3A_622] : memref<6x8x128xi32, #tpu.memory_space<vmem>> -> memref<1x8x128xi32, #tpu.memory_space<vmem>>
    %dma_wait3A_624 = tpu.memref_squeeze %dma_wait3A_623 : memref<1x8x128xi32, #tpu.memory_space<vmem>> -> memref<8x128xi32, #tpu.memory_space<vmem>>
    %dma_wait3A_625 = arith.constant 0 : i32
    %dma_wait3A_626 = tpu.memref_slice %dma_wait3A_624[%dma_wait3A_620, %dma_wait3A_625] : memref<8x128xi32, #tpu.memory_space<vmem>> -> memref<1x128xi32, #tpu.memory_space<vmem>>
    %dma_wait3A_627 = tpu.memref_squeeze %dma_wait3A_626 : memref<1x128xi32, #tpu.memory_space<vmem>> -> memref<128xi32, #tpu.memory_space<vmem>>
    %dma_wait3A_628 = arith.constant 0 : i32
    %dma_wait3A_629 = tpu.memref_slice %arg15[%dma_wait3A_628] : memref<10240xf32, #tpu.memory_space<vmem_shared>> -> memref<10240xf32, #tpu.memory_space<vmem_shared>>
    tpu.wait_indirect_dma semaphore(%arg13 : memref<!tpu.dma_semaphore, #tpu.memory_space<semaphore_mem>>) src(%arg9 : memref<128xf32, #tpu.memory_space<vmem>>) dst(%dma_wait3A_629 : memref<10240xf32, #tpu.memory_space<vmem_shared>>)
    %dma_wait3A_630 = arith.constant 4 : i32
    %dma_wait3A_631 = arith.constant 4 : i32
    %dma_wait3A_632 = arith.constant 0 : i32
    %dma_wait3A_633 = arith.constant 0 : i32
    %dma_wait3A_634 = tpu.memref_slice %arg8[%dma_wait3A_630, %dma_wait3A_632, %dma_wait3A_633] : memref<6x8x128xi32, #tpu.memory_space<vmem>> -> memref<1x8x128xi32, #tpu.memory_space<vmem>>
    %dma_wait3A_635 = tpu.memref_squeeze %dma_wait3A_634 : memref<1x8x128xi32, #tpu.memory_space<vmem>> -> memref<8x128xi32, #tpu.memory_space<vmem>>
    %dma_wait3A_636 = arith.constant 0 : i32
    %dma_wait3A_637 = tpu.memref_slice %dma_wait3A_635[%dma_wait3A_631, %dma_wait3A_636] : memref<8x128xi32, #tpu.memory_space<vmem>> -> memref<1x128xi32, #tpu.memory_space<vmem>>
    %dma_wait3A_638 = tpu.memref_squeeze %dma_wait3A_637 : memref<1x128xi32, #tpu.memory_space<vmem>> -> memref<128xi32, #tpu.memory_space<vmem>>
    %dma_wait3A_639 = arith.constant 0 : i32
    %dma_wait3A_640 = tpu.memref_slice %arg15[%dma_wait3A_639] : memref<10240xf32, #tpu.memory_space<vmem_shared>> -> memref<10240xf32, #tpu.memory_space<vmem_shared>>
    tpu.wait_indirect_dma semaphore(%arg13 : memref<!tpu.dma_semaphore, #tpu.memory_space<semaphore_mem>>) src(%arg9 : memref<128xf32, #tpu.memory_space<vmem>>) dst(%dma_wait3A_640 : memref<10240xf32, #tpu.memory_space<vmem_shared>>)
    %dma_wait3A_641 = arith.constant 4 : i32
    %dma_wait3A_642 = arith.constant 5 : i32
    %dma_wait3A_643 = arith.constant 0 : i32
    %dma_wait3A_644 = arith.constant 0 : i32
    %dma_wait3A_645 = tpu.memref_slice %arg8[%dma_wait3A_641, %dma_wait3A_643, %dma_wait3A_644] : memref<6x8x128xi32, #tpu.memory_space<vmem>> -> memref<1x8x128xi32, #tpu.memory_space<vmem>>
    %dma_wait3A_646 = tpu.memref_squeeze %dma_wait3A_645 : memref<1x8x128xi32, #tpu.memory_space<vmem>> -> memref<8x128xi32, #tpu.memory_space<vmem>>
    %dma_wait3A_647 = arith.constant 0 : i32
    %dma_wait3A_648 = tpu.memref_slice %dma_wait3A_646[%dma_wait3A_642, %dma_wait3A_647] : memref<8x128xi32, #tpu.memory_space<vmem>> -> memref<1x128xi32, #tpu.memory_space<vmem>>
    %dma_wait3A_649 = tpu.memref_squeeze %dma_wait3A_648 : memref<1x128xi32, #tpu.memory_space<vmem>> -> memref<128xi32, #tpu.memory_space<vmem>>
    %dma_wait3A_650 = arith.constant 0 : i32
    %dma_wait3A_651 = tpu.memref_slice %arg15[%dma_wait3A_650] : memref<10240xf32, #tpu.memory_space<vmem_shared>> -> memref<10240xf32, #tpu.memory_space<vmem_shared>>
    tpu.wait_indirect_dma semaphore(%arg13 : memref<!tpu.dma_semaphore, #tpu.memory_space<semaphore_mem>>) src(%arg9 : memref<128xf32, #tpu.memory_space<vmem>>) dst(%dma_wait3A_651 : memref<10240xf32, #tpu.memory_space<vmem_shared>>)
    %dma_wait3A_652 = arith.constant 4 : i32
    %dma_wait3A_653 = arith.constant 6 : i32
    %dma_wait3A_654 = arith.constant 0 : i32
    %dma_wait3A_655 = arith.constant 0 : i32
    %dma_wait3A_656 = tpu.memref_slice %arg8[%dma_wait3A_652, %dma_wait3A_654, %dma_wait3A_655] : memref<6x8x128xi32, #tpu.memory_space<vmem>> -> memref<1x8x128xi32, #tpu.memory_space<vmem>>
    %dma_wait3A_657 = tpu.memref_squeeze %dma_wait3A_656 : memref<1x8x128xi32, #tpu.memory_space<vmem>> -> memref<8x128xi32, #tpu.memory_space<vmem>>
    %dma_wait3A_658 = arith.constant 0 : i32
    %dma_wait3A_659 = tpu.memref_slice %dma_wait3A_657[%dma_wait3A_653, %dma_wait3A_658] : memref<8x128xi32, #tpu.memory_space<vmem>> -> memref<1x128xi32, #tpu.memory_space<vmem>>
    %dma_wait3A_660 = tpu.memref_squeeze %dma_wait3A_659 : memref<1x128xi32, #tpu.memory_space<vmem>> -> memref<128xi32, #tpu.memory_space<vmem>>
    %dma_wait3A_661 = arith.constant 0 : i32
    %dma_wait3A_662 = tpu.memref_slice %arg15[%dma_wait3A_661] : memref<10240xf32, #tpu.memory_space<vmem_shared>> -> memref<10240xf32, #tpu.memory_space<vmem_shared>>
    tpu.wait_indirect_dma semaphore(%arg13 : memref<!tpu.dma_semaphore, #tpu.memory_space<semaphore_mem>>) src(%arg9 : memref<128xf32, #tpu.memory_space<vmem>>) dst(%dma_wait3A_662 : memref<10240xf32, #tpu.memory_space<vmem_shared>>)
    %dma_wait3A_663 = arith.constant 4 : i32
    %dma_wait3A_664 = arith.constant 7 : i32
    %dma_wait3A_665 = arith.constant 0 : i32
    %dma_wait3A_666 = arith.constant 0 : i32
    %dma_wait3A_667 = tpu.memref_slice %arg8[%dma_wait3A_663, %dma_wait3A_665, %dma_wait3A_666] : memref<6x8x128xi32, #tpu.memory_space<vmem>> -> memref<1x8x128xi32, #tpu.memory_space<vmem>>
    %dma_wait3A_668 = tpu.memref_squeeze %dma_wait3A_667 : memref<1x8x128xi32, #tpu.memory_space<vmem>> -> memref<8x128xi32, #tpu.memory_space<vmem>>
    %dma_wait3A_669 = arith.constant 0 : i32
    %dma_wait3A_670 = tpu.memref_slice %dma_wait3A_668[%dma_wait3A_664, %dma_wait3A_669] : memref<8x128xi32, #tpu.memory_space<vmem>> -> memref<1x128xi32, #tpu.memory_space<vmem>>
    %dma_wait3A_671 = tpu.memref_squeeze %dma_wait3A_670 : memref<1x128xi32, #tpu.memory_space<vmem>> -> memref<128xi32, #tpu.memory_space<vmem>>
    %dma_wait3A_672 = arith.constant 0 : i32
    %dma_wait3A_673 = tpu.memref_slice %arg15[%dma_wait3A_672] : memref<10240xf32, #tpu.memory_space<vmem_shared>> -> memref<10240xf32, #tpu.memory_space<vmem_shared>>
    tpu.wait_indirect_dma semaphore(%arg13 : memref<!tpu.dma_semaphore, #tpu.memory_space<semaphore_mem>>) src(%arg9 : memref<128xf32, #tpu.memory_space<vmem>>) dst(%dma_wait3A_673 : memref<10240xf32, #tpu.memory_space<vmem_shared>>)
    %dma_wait3A_674 = arith.constant 5 : i32
    %dma_wait3A_675 = arith.constant 0 : i32
    %dma_wait3A_676 = arith.constant 0 : i32
    %dma_wait3A_677 = arith.constant 0 : i32
    %dma_wait3A_678 = tpu.memref_slice %arg8[%dma_wait3A_674, %dma_wait3A_676, %dma_wait3A_677] : memref<6x8x128xi32, #tpu.memory_space<vmem>> -> memref<1x8x128xi32, #tpu.memory_space<vmem>>
    %dma_wait3A_679 = tpu.memref_squeeze %dma_wait3A_678 : memref<1x8x128xi32, #tpu.memory_space<vmem>> -> memref<8x128xi32, #tpu.memory_space<vmem>>
    %dma_wait3A_680 = arith.constant 0 : i32
    %dma_wait3A_681 = tpu.memref_slice %dma_wait3A_679[%dma_wait3A_675, %dma_wait3A_680] : memref<8x128xi32, #tpu.memory_space<vmem>> -> memref<1x128xi32, #tpu.memory_space<vmem>>
    %dma_wait3A_682 = tpu.memref_squeeze %dma_wait3A_681 : memref<1x128xi32, #tpu.memory_space<vmem>> -> memref<128xi32, #tpu.memory_space<vmem>>
    %dma_wait3A_683 = arith.constant 0 : i32
    %dma_wait3A_684 = tpu.memref_slice %arg15[%dma_wait3A_683] : memref<10240xf32, #tpu.memory_space<vmem_shared>> -> memref<10240xf32, #tpu.memory_space<vmem_shared>>
    tpu.wait_indirect_dma semaphore(%arg13 : memref<!tpu.dma_semaphore, #tpu.memory_space<semaphore_mem>>) src(%arg9 : memref<128xf32, #tpu.memory_space<vmem>>) dst(%dma_wait3A_684 : memref<10240xf32, #tpu.memory_space<vmem_shared>>)
    %dma_wait3A_685 = arith.constant 5 : i32
    %dma_wait3A_686 = arith.constant 1 : i32
    %dma_wait3A_687 = arith.constant 0 : i32
    %dma_wait3A_688 = arith.constant 0 : i32
    %dma_wait3A_689 = tpu.memref_slice %arg8[%dma_wait3A_685, %dma_wait3A_687, %dma_wait3A_688] : memref<6x8x128xi32, #tpu.memory_space<vmem>> -> memref<1x8x128xi32, #tpu.memory_space<vmem>>
    %dma_wait3A_690 = tpu.memref_squeeze %dma_wait3A_689 : memref<1x8x128xi32, #tpu.memory_space<vmem>> -> memref<8x128xi32, #tpu.memory_space<vmem>>
    %dma_wait3A_691 = arith.constant 0 : i32
    %dma_wait3A_692 = tpu.memref_slice %dma_wait3A_690[%dma_wait3A_686, %dma_wait3A_691] : memref<8x128xi32, #tpu.memory_space<vmem>> -> memref<1x128xi32, #tpu.memory_space<vmem>>
    %dma_wait3A_693 = tpu.memref_squeeze %dma_wait3A_692 : memref<1x128xi32, #tpu.memory_space<vmem>> -> memref<128xi32, #tpu.memory_space<vmem>>
    %dma_wait3A_694 = arith.constant 0 : i32
    %dma_wait3A_695 = tpu.memref_slice %arg15[%dma_wait3A_694] : memref<10240xf32, #tpu.memory_space<vmem_shared>> -> memref<10240xf32, #tpu.memory_space<vmem_shared>>
    tpu.wait_indirect_dma semaphore(%arg13 : memref<!tpu.dma_semaphore, #tpu.memory_space<semaphore_mem>>) src(%arg9 : memref<128xf32, #tpu.memory_space<vmem>>) dst(%dma_wait3A_695 : memref<10240xf32, #tpu.memory_space<vmem_shared>>)
    %dma_wait3A_696 = arith.constant 5 : i32
    %dma_wait3A_697 = arith.constant 2 : i32
    %dma_wait3A_698 = arith.constant 0 : i32
    %dma_wait3A_699 = arith.constant 0 : i32
    %dma_wait3A_700 = tpu.memref_slice %arg8[%dma_wait3A_696, %dma_wait3A_698, %dma_wait3A_699] : memref<6x8x128xi32, #tpu.memory_space<vmem>> -> memref<1x8x128xi32, #tpu.memory_space<vmem>>
    %dma_wait3A_701 = tpu.memref_squeeze %dma_wait3A_700 : memref<1x8x128xi32, #tpu.memory_space<vmem>> -> memref<8x128xi32, #tpu.memory_space<vmem>>
    %dma_wait3A_702 = arith.constant 0 : i32
    %dma_wait3A_703 = tpu.memref_slice %dma_wait3A_701[%dma_wait3A_697, %dma_wait3A_702] : memref<8x128xi32, #tpu.memory_space<vmem>> -> memref<1x128xi32, #tpu.memory_space<vmem>>
    %dma_wait3A_704 = tpu.memref_squeeze %dma_wait3A_703 : memref<1x128xi32, #tpu.memory_space<vmem>> -> memref<128xi32, #tpu.memory_space<vmem>>
    %dma_wait3A_705 = arith.constant 0 : i32
    %dma_wait3A_706 = tpu.memref_slice %arg15[%dma_wait3A_705] : memref<10240xf32, #tpu.memory_space<vmem_shared>> -> memref<10240xf32, #tpu.memory_space<vmem_shared>>
    tpu.wait_indirect_dma semaphore(%arg13 : memref<!tpu.dma_semaphore, #tpu.memory_space<semaphore_mem>>) src(%arg9 : memref<128xf32, #tpu.memory_space<vmem>>) dst(%dma_wait3A_706 : memref<10240xf32, #tpu.memory_space<vmem_shared>>)
    %dma_wait3A_707 = arith.constant 5 : i32
    %dma_wait3A_708 = arith.constant 3 : i32
    %dma_wait3A_709 = arith.constant 0 : i32
    %dma_wait3A_710 = arith.constant 0 : i32
    %dma_wait3A_711 = tpu.memref_slice %arg8[%dma_wait3A_707, %dma_wait3A_709, %dma_wait3A_710] : memref<6x8x128xi32, #tpu.memory_space<vmem>> -> memref<1x8x128xi32, #tpu.memory_space<vmem>>
    %dma_wait3A_712 = tpu.memref_squeeze %dma_wait3A_711 : memref<1x8x128xi32, #tpu.memory_space<vmem>> -> memref<8x128xi32, #tpu.memory_space<vmem>>
    %dma_wait3A_713 = arith.constant 0 : i32
    %dma_wait3A_714 = tpu.memref_slice %dma_wait3A_712[%dma_wait3A_708, %dma_wait3A_713] : memref<8x128xi32, #tpu.memory_space<vmem>> -> memref<1x128xi32, #tpu.memory_space<vmem>>
    %dma_wait3A_715 = tpu.memref_squeeze %dma_wait3A_714 : memref<1x128xi32, #tpu.memory_space<vmem>> -> memref<128xi32, #tpu.memory_space<vmem>>
    %dma_wait3A_716 = arith.constant 0 : i32
    %dma_wait3A_717 = tpu.memref_slice %arg15[%dma_wait3A_716] : memref<10240xf32, #tpu.memory_space<vmem_shared>> -> memref<10240xf32, #tpu.memory_space<vmem_shared>>
    tpu.wait_indirect_dma semaphore(%arg13 : memref<!tpu.dma_semaphore, #tpu.memory_space<semaphore_mem>>) src(%arg9 : memref<128xf32, #tpu.memory_space<vmem>>) dst(%dma_wait3A_717 : memref<10240xf32, #tpu.memory_space<vmem_shared>>)
    %dma_wait3A_718 = arith.constant 5 : i32
    %dma_wait3A_719 = arith.constant 4 : i32
    %dma_wait3A_720 = arith.constant 0 : i32
    %dma_wait3A_721 = arith.constant 0 : i32
    %dma_wait3A_722 = tpu.memref_slice %arg8[%dma_wait3A_718, %dma_wait3A_720, %dma_wait3A_721] : memref<6x8x128xi32, #tpu.memory_space<vmem>> -> memref<1x8x128xi32, #tpu.memory_space<vmem>>
    %dma_wait3A_723 = tpu.memref_squeeze %dma_wait3A_722 : memref<1x8x128xi32, #tpu.memory_space<vmem>> -> memref<8x128xi32, #tpu.memory_space<vmem>>
    %dma_wait3A_724 = arith.constant 0 : i32
    %dma_wait3A_725 = tpu.memref_slice %dma_wait3A_723[%dma_wait3A_719, %dma_wait3A_724] : memref<8x128xi32, #tpu.memory_space<vmem>> -> memref<1x128xi32, #tpu.memory_space<vmem>>
    %dma_wait3A_726 = tpu.memref_squeeze %dma_wait3A_725 : memref<1x128xi32, #tpu.memory_space<vmem>> -> memref<128xi32, #tpu.memory_space<vmem>>
    %dma_wait3A_727 = arith.constant 0 : i32
    %dma_wait3A_728 = tpu.memref_slice %arg15[%dma_wait3A_727] : memref<10240xf32, #tpu.memory_space<vmem_shared>> -> memref<10240xf32, #tpu.memory_space<vmem_shared>>
    tpu.wait_indirect_dma semaphore(%arg13 : memref<!tpu.dma_semaphore, #tpu.memory_space<semaphore_mem>>) src(%arg9 : memref<128xf32, #tpu.memory_space<vmem>>) dst(%dma_wait3A_728 : memref<10240xf32, #tpu.memory_space<vmem_shared>>)
    %dma_wait3A_729 = arith.constant 5 : i32
    %dma_wait3A_730 = arith.constant 5 : i32
    %dma_wait3A_731 = arith.constant 0 : i32
    %dma_wait3A_732 = arith.constant 0 : i32
    %dma_wait3A_733 = tpu.memref_slice %arg8[%dma_wait3A_729, %dma_wait3A_731, %dma_wait3A_732] : memref<6x8x128xi32, #tpu.memory_space<vmem>> -> memref<1x8x128xi32, #tpu.memory_space<vmem>>
    %dma_wait3A_734 = tpu.memref_squeeze %dma_wait3A_733 : memref<1x8x128xi32, #tpu.memory_space<vmem>> -> memref<8x128xi32, #tpu.memory_space<vmem>>
    %dma_wait3A_735 = arith.constant 0 : i32
    %dma_wait3A_736 = tpu.memref_slice %dma_wait3A_734[%dma_wait3A_730, %dma_wait3A_735] : memref<8x128xi32, #tpu.memory_space<vmem>> -> memref<1x128xi32, #tpu.memory_space<vmem>>
    %dma_wait3A_737 = tpu.memref_squeeze %dma_wait3A_736 : memref<1x128xi32, #tpu.memory_space<vmem>> -> memref<128xi32, #tpu.memory_space<vmem>>
    %dma_wait3A_738 = arith.constant 0 : i32
    %dma_wait3A_739 = tpu.memref_slice %arg15[%dma_wait3A_738] : memref<10240xf32, #tpu.memory_space<vmem_shared>> -> memref<10240xf32, #tpu.memory_space<vmem_shared>>
    tpu.wait_indirect_dma semaphore(%arg13 : memref<!tpu.dma_semaphore, #tpu.memory_space<semaphore_mem>>) src(%arg9 : memref<128xf32, #tpu.memory_space<vmem>>) dst(%dma_wait3A_739 : memref<10240xf32, #tpu.memory_space<vmem_shared>>)
    %dma_wait3A_740 = arith.constant 5 : i32
    %dma_wait3A_741 = arith.constant 6 : i32
    %dma_wait3A_742 = arith.constant 0 : i32
    %dma_wait3A_743 = arith.constant 0 : i32
    %dma_wait3A_744 = tpu.memref_slice %arg8[%dma_wait3A_740, %dma_wait3A_742, %dma_wait3A_743] : memref<6x8x128xi32, #tpu.memory_space<vmem>> -> memref<1x8x128xi32, #tpu.memory_space<vmem>>
    %dma_wait3A_745 = tpu.memref_squeeze %dma_wait3A_744 : memref<1x8x128xi32, #tpu.memory_space<vmem>> -> memref<8x128xi32, #tpu.memory_space<vmem>>
    %dma_wait3A_746 = arith.constant 0 : i32
    %dma_wait3A_747 = tpu.memref_slice %dma_wait3A_745[%dma_wait3A_741, %dma_wait3A_746] : memref<8x128xi32, #tpu.memory_space<vmem>> -> memref<1x128xi32, #tpu.memory_space<vmem>>
    %dma_wait3A_748 = tpu.memref_squeeze %dma_wait3A_747 : memref<1x128xi32, #tpu.memory_space<vmem>> -> memref<128xi32, #tpu.memory_space<vmem>>
    %dma_wait3A_749 = arith.constant 0 : i32
    %dma_wait3A_750 = tpu.memref_slice %arg15[%dma_wait3A_749] : memref<10240xf32, #tpu.memory_space<vmem_shared>> -> memref<10240xf32, #tpu.memory_space<vmem_shared>>
    tpu.wait_indirect_dma semaphore(%arg13 : memref<!tpu.dma_semaphore, #tpu.memory_space<semaphore_mem>>) src(%arg9 : memref<128xf32, #tpu.memory_space<vmem>>) dst(%dma_wait3A_750 : memref<10240xf32, #tpu.memory_space<vmem_shared>>)
    %dma_wait3A_751 = arith.constant 5 : i32
    %dma_wait3A_752 = arith.constant 7 : i32
    %dma_wait3A_753 = arith.constant 0 : i32
    %dma_wait3A_754 = arith.constant 0 : i32
    %dma_wait3A_755 = tpu.memref_slice %arg8[%dma_wait3A_751, %dma_wait3A_753, %dma_wait3A_754] : memref<6x8x128xi32, #tpu.memory_space<vmem>> -> memref<1x8x128xi32, #tpu.memory_space<vmem>>
    %dma_wait3A_756 = tpu.memref_squeeze %dma_wait3A_755 : memref<1x8x128xi32, #tpu.memory_space<vmem>> -> memref<8x128xi32, #tpu.memory_space<vmem>>
    %dma_wait3A_757 = arith.constant 0 : i32
    %dma_wait3A_758 = tpu.memref_slice %dma_wait3A_756[%dma_wait3A_752, %dma_wait3A_757] : memref<8x128xi32, #tpu.memory_space<vmem>> -> memref<1x128xi32, #tpu.memory_space<vmem>>
    %dma_wait3A_759 = tpu.memref_squeeze %dma_wait3A_758 : memref<1x128xi32, #tpu.memory_space<vmem>> -> memref<128xi32, #tpu.memory_space<vmem>>
    %dma_wait3A_760 = arith.constant 0 : i32
    %dma_wait3A_761 = tpu.memref_slice %arg15[%dma_wait3A_760] : memref<10240xf32, #tpu.memory_space<vmem_shared>> -> memref<10240xf32, #tpu.memory_space<vmem_shared>>
    tpu.wait_indirect_dma semaphore(%arg13 : memref<!tpu.dma_semaphore, #tpu.memory_space<semaphore_mem>>) src(%arg9 : memref<128xf32, #tpu.memory_space<vmem>>) dst(%dma_wait3A_761 : memref<10240xf32, #tpu.memory_space<vmem_shared>>)
    %barrier3A_762 = arith.constant 0 : index
    tpu.barrier barrier_id(%barrier3A_762)
    "tpu.region"() ({
      %run_scoped3A = tpu.sem_alloc : memref<!tpu.dma_semaphore, #tpu.memory_space<semaphore_mem>>
      %dma_start3A_765 = arith.constant 0 : i32
      %dma_start3A_766 = arith.constant 0 : i32
      %dma_start3A_767 = tpu.memref_slice %arg4[%arg0, %dma_start3A_765, %dma_start3A_766] : memref<2x10240x128xf32, #tpu.memory_space<hbm>> -> memref<1x10240x128xf32, #tpu.memory_space<hbm>>
      %dma_start3A_768 = tpu.memref_squeeze %dma_start3A_767 : memref<1x10240x128xf32, #tpu.memory_space<hbm>> -> memref<10240x128xf32, #tpu.memory_space<hbm>>
      %dma_start3A_769 = arith.constant 0 : i32
      %dma_start3A_770 = tpu.memref_slice %dma_start3A_768[%mul3A_201, %dma_start3A_769] : memref<10240x128xf32, #tpu.memory_space<hbm>> -> memref<640x128xf32, #tpu.memory_space<hbm>>
      %dma_start3A_771 = arith.constant 0 : i32
      %dma_start3A_772 = tpu.memref_slice %arg14[%mul3A_201, %dma_start3A_771] : memref<10240x128xf32, #tpu.memory_space<vmem_shared>> -> memref<640x128xf32, #tpu.memory_space<vmem_shared>>
      tpu.enqueue_dma source(%dma_start3A_772 : memref<640x128xf32, #tpu.memory_space<vmem_shared>>) target(%dma_start3A_770 : memref<640x128xf32, #tpu.memory_space<hbm>>) target_semaphore(%run_scoped3A : memref<!tpu.dma_semaphore, #tpu.memory_space<semaphore_mem>>)
      %dma_wait3A_773 = arith.constant 0 : i32
      %dma_wait3A_774 = arith.constant 0 : i32
      %dma_wait3A_775 = tpu.memref_slice %arg4[%arg0, %dma_wait3A_773, %dma_wait3A_774] : memref<2x10240x128xf32, #tpu.memory_space<hbm>> -> memref<1x10240x128xf32, #tpu.memory_space<hbm>>
      %dma_wait3A_776 = tpu.memref_squeeze %dma_wait3A_775 : memref<1x10240x128xf32, #tpu.memory_space<hbm>> -> memref<10240x128xf32, #tpu.memory_space<hbm>>
      %dma_wait3A_777 = arith.constant 0 : i32
      %dma_wait3A_778 = tpu.memref_slice %dma_wait3A_776[%mul3A_201, %dma_wait3A_777] : memref<10240x128xf32, #tpu.memory_space<hbm>> -> memref<640x128xf32, #tpu.memory_space<hbm>>
      %dma_wait3A_779 = arith.constant 0 : i32
      %dma_wait3A_780 = tpu.memref_slice %arg14[%mul3A_201, %dma_wait3A_779] : memref<10240x128xf32, #tpu.memory_space<vmem_shared>> -> memref<640x128xf32, #tpu.memory_space<vmem_shared>>
      tpu.wait_dma2 semaphore(%run_scoped3A : memref<!tpu.dma_semaphore, #tpu.memory_space<semaphore_mem>>) src(%dma_wait3A_780 : memref<640x128xf32, #tpu.memory_space<vmem_shared>>) dst(%dma_wait3A_778 : memref<640x128xf32, #tpu.memory_space<hbm>>)
      tpu.yield
    }) : () -> ()
    %eq3A = arith.constant 0 : i32
    %eq3A_763 = arith.cmpi eq, %arg1, %eq3A : i32
    %convert_element_type3A = arith.extui %eq3A_763 : i1 to i32
    %cond3A = arith.constant 0 : i32
    %cond3A_764 = arith.cmpi ne, %convert_element_type3A, %cond3A : i32
    scf.if %cond3A_764 {
      %run_scoped3A = arith.constant 0 : i32
      "tpu.region"() ({
        %run_scoped3A_765 = tpu.sem_alloc : memref<!tpu.dma_semaphore, #tpu.memory_space<semaphore_mem>>
        %dma_start3A_766 = arith.constant 0 : i32
        %dma_start3A_767 = arith.constant 0 : i32
        %dma_start3A_768 = tpu.memref_slice %arg5[%arg0, %dma_start3A_766, %dma_start3A_767] : memref<2x1x10240xf32, #tpu.memory_space<hbm>> -> memref<1x1x10240xf32, #tpu.memory_space<hbm>>
        %dma_start3A_769 = tpu.memref_squeeze %dma_start3A_768 : memref<1x1x10240xf32, #tpu.memory_space<hbm>> -> memref<1x10240xf32, #tpu.memory_space<hbm>>
        %dma_start3A_770 = arith.constant 0 : i32
        %dma_start3A_771 = tpu.memref_slice %dma_start3A_769[%run_scoped3A, %dma_start3A_770] : memref<1x10240xf32, #tpu.memory_space<hbm>> -> memref<1x10240xf32, #tpu.memory_space<hbm>>
        %dma_start3A_772 = tpu.memref_squeeze %dma_start3A_771 : memref<1x10240xf32, #tpu.memory_space<hbm>> -> memref<10240xf32, #tpu.memory_space<hbm>>
        tpu.enqueue_dma source(%arg15 : memref<10240xf32, #tpu.memory_space<vmem_shared>>) target(%dma_start3A_772 : memref<10240xf32, #tpu.memory_space<hbm>>) target_semaphore(%run_scoped3A_765 : memref<!tpu.dma_semaphore, #tpu.memory_space<semaphore_mem>>)
        %dma_wait3A_773 = arith.constant 0 : i32
        %dma_wait3A_774 = arith.constant 0 : i32
        %dma_wait3A_775 = tpu.memref_slice %arg5[%arg0, %dma_wait3A_773, %dma_wait3A_774] : memref<2x1x10240xf32, #tpu.memory_space<hbm>> -> memref<1x1x10240xf32, #tpu.memory_space<hbm>>
        %dma_wait3A_776 = tpu.memref_squeeze %dma_wait3A_775 : memref<1x1x10240xf32, #tpu.memory_space<hbm>> -> memref<1x10240xf32, #tpu.memory_space<hbm>>
        %dma_wait3A_777 = arith.constant 0 : i32
        %dma_wait3A_778 = tpu.memref_slice %dma_wait3A_776[%run_scoped3A, %dma_wait3A_777] : memref<1x10240xf32, #tpu.memory_space<hbm>> -> memref<1x10240xf32, #tpu.memory_space<hbm>>
        %dma_wait3A_779 = tpu.memref_squeeze %dma_wait3A_778 : memref<1x10240xf32, #tpu.memory_space<hbm>> -> memref<10240xf32, #tpu.memory_space<hbm>>
        tpu.wait_dma2 semaphore(%run_scoped3A_765 : memref<!tpu.dma_semaphore, #tpu.memory_space<semaphore_mem>>) src(%arg15 : memref<10240xf32, #tpu.memory_space<vmem_shared>>) dst(%dma_wait3A_779 : memref<10240xf32, #tpu.memory_space<hbm>>)
        tpu.yield
      }) : () -> ()
    } else {
    }
    return
  }
}

module attributes {stable_mosaic.version = 14 : i64} {
  func.func @_mm_body(%arg0: i32, %arg1: memref<16000x128xf32, #tpu.memory_space<vmem>>, %arg2: memref<128x128xf32, #tpu.memory_space<vmem>>, %arg3: memref<1x128xf32, #tpu.memory_space<vmem>>, %arg4: memref<16000x128xf32, #tpu.memory_space<vmem>>) attributes {dimension_semantics = [#tpu.dimension_semantics<arbitrary>], iteration_bounds = array<i64: 8>, scalar_prefetch = 0 : i64, scratch_operands = 0 : i64, tpu.core_type = #tpu.core_type<tc>, window_params = [{transform_indices = @transform_0, window_bounds = array<i64: 16000, 128>}, {pipeline_mode = #tpu.pipeline_mode<synchronous>, transform_indices = @transform_1, window_bounds = array<i64: 128, 128>}, {pipeline_mode = #tpu.pipeline_mode<synchronous>, transform_indices = @transform_2, window_bounds = array<i64: 1, 128>}, {transform_indices = @transform_3, window_bounds = array<i64: 16000, 128>}]} {
    %get3A = arith.constant 0 : index
    %get3A_0 = arith.constant 0 : index
    %get3A_1 = vector.load %arg1[%get3A, %get3A_0] : memref<16000x128xf32, #tpu.memory_space<vmem>>, vector<16000x128xf32>
    %get3A_2 = arith.constant 0 : index
    %get3A_3 = arith.constant 0 : index
    %get3A_4 = vector.load %arg2[%get3A_2, %get3A_3] : memref<128x128xf32, #tpu.memory_space<vmem>>, vector<128x128xf32>
    %dot_general3A = arith.constant dense<0.000000e+00> : vector<16000x128xf32>
    %dot_general3A_5 = tpu.matmul %get3A_1, %get3A_4, %dot_general3A {dimension_numbers = #tpu.dot_dimension_numbers<[1], [0], [0], [1], [0, 0, 1, 1], [], []>, transpose_lhs_hint = false} : vector<16000x128xf32>, vector<128x128xf32>, vector<16000x128xf32> -> vector<16000x128xf32>
    %get3A_6 = arith.constant 0 : index
    %get3A_7 = arith.constant 0 : index
    %get3A_8 = vector.load %arg3[%get3A_6, %get3A_7] : memref<1x128xf32, #tpu.memory_space<vmem>>, vector<1x128xf32>
    %add3A = vector.broadcast %get3A_8 : vector<1x128xf32> to vector<16000x128xf32>
    %add3A_9 = arith.addf %dot_general3A_5, %add3A : vector<16000x128xf32>
    %max3A = arith.constant 0.000000e+00 : f32
    %max3A_10 = vector.broadcast %max3A : f32 to vector<16000x128xf32>
    %max3A_11 = arith.maximumf %add3A_9, %max3A_10 : vector<16000x128xf32>
    %swap3A = arith.constant 0 : index
    %swap3A_12 = arith.constant 0 : index
    %swap3A_13 = vector.load %arg4[%swap3A, %swap3A_12] : memref<16000x128xf32, #tpu.memory_space<vmem>>, vector<16000x128xf32>
    tpu.vector_store %arg4[%swap3A, %swap3A_12], %max3A_11 {strides = array<i32>} : memref<16000x128xf32, #tpu.memory_space<vmem>>, vector<16000x128xf32>,
    return
  }
  func.func @transform_0(%arg0: i32) -> (i32, i32) {
    %add3A = arith.constant 12 : i32
    %add3A_0 = arith.addi %arg0, %add3A : i32
    %c0_i32 = arith.constant 0 : i32
    %c0_i32_1 = arith.constant 0 : i32
    return %add3A_0, %c0_i32 : i32, i32
  }
  func.func @transform_1(%arg0: i32) -> (i32, i32) {
    %c0_i32 = arith.constant 0 : i32
    %c0_i32_0 = arith.constant 0 : i32
    %c0_i32_1 = arith.constant 0 : i32
    return %c0_i32, %c0_i32_0 : i32, i32
  }
  func.func @transform_2(%arg0: i32) -> (i32, i32) {
    %c0_i32 = arith.constant 0 : i32
    %c0_i32_0 = arith.constant 0 : i32
    %c0_i32_1 = arith.constant 0 : i32
    return %c0_i32, %c0_i32_0 : i32, i32
  }
  func.func @transform_3(%arg0: i32) -> (i32, i32) {
    %c0_i32 = arith.constant 0 : i32
    %c0_i32_0 = arith.constant 0 : i32
    return %arg0, %c0_i32 : i32, i32
  }
}

module attributes {stable_mosaic.version = 14 : i64} {
  func.func @_mm_body(%arg0: i32, %arg1: memref<16000x128xf32, #tpu.memory_space<vmem>>, %arg2: memref<128x128xf32, #tpu.memory_space<vmem>>, %arg3: memref<1x128xf32, #tpu.memory_space<vmem>>, %arg4: memref<16000x128xf32, #tpu.memory_space<vmem>>) attributes {dimension_semantics = [#tpu.dimension_semantics<arbitrary>], iteration_bounds = array<i64: 12>, scalar_prefetch = 0 : i64, scratch_operands = 0 : i64, tpu.core_type = #tpu.core_type<tc>, window_params = [{transform_indices = @transform_0, window_bounds = array<i64: 16000, 128>}, {pipeline_mode = #tpu.pipeline_mode<synchronous>, transform_indices = @transform_1, window_bounds = array<i64: 128, 128>}, {pipeline_mode = #tpu.pipeline_mode<synchronous>, transform_indices = @transform_2, window_bounds = array<i64: 1, 128>}, {transform_indices = @transform_3, window_bounds = array<i64: 16000, 128>}]} {
    %get3A = arith.constant 0 : index
    %get3A_0 = arith.constant 0 : index
    %get3A_1 = vector.load %arg1[%get3A, %get3A_0] : memref<16000x128xf32, #tpu.memory_space<vmem>>, vector<16000x128xf32>
    %get3A_2 = arith.constant 0 : index
    %get3A_3 = arith.constant 0 : index
    %get3A_4 = vector.load %arg2[%get3A_2, %get3A_3] : memref<128x128xf32, #tpu.memory_space<vmem>>, vector<128x128xf32>
    %dot_general3A = arith.constant dense<0.000000e+00> : vector<16000x128xf32>
    %dot_general3A_5 = tpu.matmul %get3A_1, %get3A_4, %dot_general3A {dimension_numbers = #tpu.dot_dimension_numbers<[1], [0], [0], [1], [0, 0, 1, 1], [], []>, transpose_lhs_hint = false} : vector<16000x128xf32>, vector<128x128xf32>, vector<16000x128xf32> -> vector<16000x128xf32>
    %get3A_6 = arith.constant 0 : index
    %get3A_7 = arith.constant 0 : index
    %get3A_8 = vector.load %arg3[%get3A_6, %get3A_7] : memref<1x128xf32, #tpu.memory_space<vmem>>, vector<1x128xf32>
    %add3A = vector.broadcast %get3A_8 : vector<1x128xf32> to vector<16000x128xf32>
    %add3A_9 = arith.addf %dot_general3A_5, %add3A : vector<16000x128xf32>
    %max3A = arith.constant 0.000000e+00 : f32
    %max3A_10 = vector.broadcast %max3A : f32 to vector<16000x128xf32>
    %max3A_11 = arith.maximumf %add3A_9, %max3A_10 : vector<16000x128xf32>
    %swap3A = arith.constant 0 : index
    %swap3A_12 = arith.constant 0 : index
    %swap3A_13 = vector.load %arg4[%swap3A, %swap3A_12] : memref<16000x128xf32, #tpu.memory_space<vmem>>, vector<16000x128xf32>
    tpu.vector_store %arg4[%swap3A, %swap3A_12], %max3A_11 {strides = array<i32>} : memref<16000x128xf32, #tpu.memory_space<vmem>>, vector<16000x128xf32>,
    return
  }
  func.func @transform_0(%arg0: i32) -> (i32, i32) {
    %add3A = arith.constant 0 : i32
    %add3A_0 = arith.addi %arg0, %add3A : i32
    %c0_i32 = arith.constant 0 : i32
    %c0_i32_1 = arith.constant 0 : i32
    return %add3A_0, %c0_i32 : i32, i32
  }
  func.func @transform_1(%arg0: i32) -> (i32, i32) {
    %c0_i32 = arith.constant 0 : i32
    %c0_i32_0 = arith.constant 0 : i32
    %c0_i32_1 = arith.constant 0 : i32
    return %c0_i32, %c0_i32_0 : i32, i32
  }
  func.func @transform_2(%arg0: i32) -> (i32, i32) {
    %c0_i32 = arith.constant 0 : i32
    %c0_i32_0 = arith.constant 0 : i32
    %c0_i32_1 = arith.constant 0 : i32
    return %c0_i32, %c0_i32_0 : i32, i32
  }
  func.func @transform_3(%arg0: i32) -> (i32, i32) {
    %c0_i32 = arith.constant 0 : i32
    %c0_i32_0 = arith.constant 0 : i32
    return %arg0, %c0_i32 : i32, i32
  }
}

module attributes {stable_mosaic.version = 14 : i64} {
  func.func @_combine_body(%arg0: i32, %arg1: memref<2x1024x128xf32, #tpu.memory_space<vmem>>, %arg2: memref<2x1024x128xf32, #tpu.memory_space<vmem>>, %arg3: memref<2x1024xf32, #tpu.memory_space<vmem>>, %arg4: memref<2x1024xf32, #tpu.memory_space<vmem>>, %arg5: memref<1024x128xf32, #tpu.memory_space<vmem>>) attributes {dimension_semantics = [#tpu.dimension_semantics<arbitrary>], iteration_bounds = array<i64: 10>, scalar_prefetch = 0 : i64, scratch_operands = 0 : i64, tpu.core_type = #tpu.core_type<tc>, window_params = [{transform_indices = @transform_0, window_bounds = array<i64: 2, 1024, 128>}, {transform_indices = @transform_1, window_bounds = array<i64: 2, 1024, 128>}, {transform_indices = @transform_2, window_bounds = array<i64: 2, 1024>}, {transform_indices = @transform_3, window_bounds = array<i64: 2, 1024>}, {transform_indices = @transform_4, window_bounds = array<i64: 1024, 128>}]} {
    %get3A = arith.constant 0 : index
    %get3A_0 = arith.constant 0 : index
    %get3A_1 = vector.load %arg3[%get3A, %get3A_0] : memref<2x1024xf32, #tpu.memory_space<vmem>>, vector<1x1024xf32>
    %get3A_2 = vector.shape_cast %get3A_1 : vector<1x1024xf32> to vector<1024xf32>
    %get3A_3 = arith.constant 1 : index
    %get3A_4 = arith.constant 0 : index
    %get3A_5 = vector.load %arg3[%get3A_3, %get3A_4] : memref<2x1024xf32, #tpu.memory_space<vmem>>, vector<1x1024xf32>
    %get3A_6 = vector.shape_cast %get3A_5 : vector<1x1024xf32> to vector<1024xf32>
    %add3A = arith.addf %get3A_2, %get3A_6 : vector<1024xf32>
    %add3A_7 = arith.constant 0.000000e+00 : f32
    %add3A_8 = vector.broadcast %add3A_7 : f32 to vector<1024xf32>
    %add3A_9 = arith.addf %add3A_8, %add3A : vector<1024xf32>
    %get3A_10 = arith.constant 0 : index
    %get3A_11 = arith.constant 0 : index
    %get3A_12 = vector.load %arg4[%get3A_10, %get3A_11] : memref<2x1024xf32, #tpu.memory_space<vmem>>, vector<1x1024xf32>
    %get3A_13 = vector.shape_cast %get3A_12 : vector<1x1024xf32> to vector<1024xf32>
    %get3A_14 = arith.constant 1 : index
    %get3A_15 = arith.constant 0 : index
    %get3A_16 = vector.load %arg4[%get3A_14, %get3A_15] : memref<2x1024xf32, #tpu.memory_space<vmem>>, vector<1x1024xf32>
    %get3A_17 = vector.shape_cast %get3A_16 : vector<1x1024xf32> to vector<1024xf32>
    %add3A_18 = arith.addf %get3A_13, %get3A_17 : vector<1024xf32>
    %add3A_19 = arith.addf %add3A_9, %add3A_18 : vector<1024xf32>
    %get3A_20 = arith.constant 0 : index
    %get3A_21 = arith.constant 0 : index
    %get3A_22 = arith.constant 0 : index
    %get3A_23 = vector.load %arg1[%get3A_20, %get3A_21, %get3A_22] : memref<2x1024x128xf32, #tpu.memory_space<vmem>>, vector<1x1024x128xf32>
    %get3A_24 = vector.shape_cast %get3A_23 : vector<1x1024x128xf32> to vector<1024x128xf32>
    %get3A_25 = arith.constant 1 : index
    %get3A_26 = arith.constant 0 : index
    %get3A_27 = arith.constant 0 : index
    %get3A_28 = vector.load %arg1[%get3A_25, %get3A_26, %get3A_27] : memref<2x1024x128xf32, #tpu.memory_space<vmem>>, vector<1x1024x128xf32>
    %get3A_29 = vector.shape_cast %get3A_28 : vector<1x1024x128xf32> to vector<1024x128xf32>
    %add3A_30 = arith.addf %get3A_24, %get3A_29 : vector<1024x128xf32>
    %add3A_31 = arith.constant 0.000000e+00 : f32
    %add3A_32 = vector.broadcast %add3A_31 : f32 to vector<1024x128xf32>
    %add3A_33 = arith.addf %add3A_32, %add3A_30 : vector<1024x128xf32>
    %get3A_34 = arith.constant 0 : index
    %get3A_35 = arith.constant 0 : index
    %get3A_36 = arith.constant 0 : index
    %get3A_37 = vector.load %arg2[%get3A_34, %get3A_35, %get3A_36] : memref<2x1024x128xf32, #tpu.memory_space<vmem>>, vector<1x1024x128xf32>
    %get3A_38 = vector.shape_cast %get3A_37 : vector<1x1024x128xf32> to vector<1024x128xf32>
    %get3A_39 = arith.constant 1 : index
    %get3A_40 = arith.constant 0 : index
    %get3A_41 = arith.constant 0 : index
    %get3A_42 = vector.load %arg2[%get3A_39, %get3A_40, %get3A_41] : memref<2x1024x128xf32, #tpu.memory_space<vmem>>, vector<1x1024x128xf32>
    %get3A_43 = vector.shape_cast %get3A_42 : vector<1x1024x128xf32> to vector<1024x128xf32>
    %add3A_44 = arith.addf %get3A_38, %get3A_43 : vector<1024x128xf32>
    %add3A_45 = arith.addf %add3A_33, %add3A_44 : vector<1024x128xf32>
    %max3A = arith.constant 1.000000e+00 : f32
    %max3A_46 = vector.broadcast %max3A : f32 to vector<1024xf32>
    %max3A_47 = arith.maximumf %add3A_19, %max3A_46 : vector<1024xf32>
    %div3A = arith.constant 1.000000e+00 : f32
    %div3A_48 = vector.broadcast %div3A : f32 to vector<1024xf32>
    %div3A_49 = arith.divf %div3A_48, %max3A_47 : vector<1024xf32>
    %broadcast_in_dim3A = vector.shape_cast %div3A_49 : vector<1024xf32> to vector<1024x1xf32>
    %mul3A = vector.broadcast %broadcast_in_dim3A : vector<1024x1xf32> to vector<1024x128xf32>
    %mul3A_50 = arith.mulf %add3A_45, %mul3A : vector<1024x128xf32>
    %swap3A = arith.constant 0 : index
    %swap3A_51 = arith.constant 0 : index
    %swap3A_52 = vector.load %arg5[%swap3A, %swap3A_51] : memref<1024x128xf32, #tpu.memory_space<vmem>>, vector<1024x128xf32>
    tpu.vector_store %arg5[%swap3A, %swap3A_51], %mul3A_50 {strides = array<i32>} : memref<1024x128xf32, #tpu.memory_space<vmem>>, vector<1024x128xf32>,
    return
  }
  func.func @transform_0(%arg0: i32) -> (i32, i32, i32) {
    %c0_i32 = arith.constant 0 : i32
    %c0_i32_0 = arith.constant 0 : i32
    %c0_i32_1 = arith.constant 0 : i32
    return %c0_i32, %arg0, %c0_i32_0 : i32, i32, i32
  }
  func.func @transform_1(%arg0: i32) -> (i32, i32, i32) {
    %c0_i32 = arith.constant 0 : i32
    %c0_i32_0 = arith.constant 0 : i32
    %c0_i32_1 = arith.constant 0 : i32
    return %c0_i32, %arg0, %c0_i32_0 : i32, i32, i32
  }
  func.func @transform_2(%arg0: i32) -> (i32, i32) {
    %c0_i32 = arith.constant 0 : i32
    %c0_i32_0 = arith.constant 0 : i32
    return %c0_i32, %arg0 : i32, i32
  }
  func.func @transform_3(%arg0: i32) -> (i32, i32) {
    %c0_i32 = arith.constant 0 : i32
    %c0_i32_0 = arith.constant 0 : i32
    return %c0_i32, %arg0 : i32, i32
  }
  func.func @transform_4(%arg0: i32) -> (i32, i32) {
    %c0_i32 = arith.constant 0 : i32
    %c0_i32_0 = arith.constant 0 : i32
    return %arg0, %c0_i32 : i32, i32
  }
}

</mosaic_0001>

<sc_bundles>
// kernel: kernel.10.cloned.1.call-start
scs
__scs_entry_jumppad:
0x0: {  	(pc) =	sbr.rel $0x88, $3  }
0x1: {  	(tag) =	ssettag $0x0;
	lr =	simm.s32 $0x1  }
0x2: {  	[smem:$0x3F9D] =	sst lr;
	_ =	strace $0xD0000000  }
0x3: {  	_ = 	snop  }
0x4: {  	_ = 	snop  }
0x5: {  	_ = 	snop  }
0x6: {  	_ = 	snop  }
0x7: {  	_ = 	snop  }
__scs_overlays_trampoline_lowered:
0x8: {  	[smem:$0x3FAC] =	sst s0  }
0x9: {  	[smem:$0x3FAD] =	sst s1  }
0xa: {  	[smem:$0x3FAE] =	sst s2  }
0xb: {  	[smem:$0x3FAF] =	sst s3  }
0xc: {  	[smem:$0x3FB0] =	sst s4  }
0xd: {  	[smem:$0x3FB1] =	sst s5  }
0xe: {  	[smem:$0x3FB2] =	sst s6  }
0xf: {  	[smem:$0x3FB3] =	sst s7  }
0x10: {  	[smem:$0x3FB4] =	sst s8  }
0x11: {  	[smem:$0x3FB5] =	sst s9;
	s0 =	simm.s32 @!p0 $0x0  }
0x12: {  	s1 =	sld [smem:$0x3F9B];
	s0 =	simm.s32 @p0 $0x1  }
0x13: {  	[smem:$0x3FB6] =	sst s0;
	s0 =	simm.s32 @!p1 $0x0  }
0x14: {  	s2 =	sld [smem:$0x3F9A];
	s0 =	simm.s32 @p1 $0x1  }
0x15: {  	[smem:$0x3FB7] =	sst s0;
	s0 =	simm.s32 @!p2 $0x0  }
0x16: {  	s3 =	sld [smem:$0x3FDB];
	s0 =	simm.s32 @p2 $0x1  }
0x17: {  	s4 =	simm.s32 $0x1BF5;
	[smem:$0x3FB9] =	sst s0  }
0x18: {  	s0 =	sld [smem:$0x3F9C];
	_ =	swait.ge [sflag:s4], $0x0  }
0x19: {  	s7 =	sld [smem:$0x3F9D]  }
0x1a: {  	s8 =	sadd.s32 $0xFFFFE003, lr  }
0x1b: {  	s9 =	sadd.s32 $0xFFFFFEF7, lr;
	s5 =	simm.s32 $0xFFFFFFFF;
	p2 =	slt.u32 s8, $0xFFFFF086  }
0x1c: {  	p1 =	slt.u32 s9, $0xF7A;
	s5 =	simm.s32 @!p2 $0x0  }
0x1d: {  	s5 =	simm.s32 @p1 $0x1;
	p0 =	seq.s32 s7, s2  }
0x1e: {  	s7 =	smul.u32 @!p0 $0xF7A, s2;
	p2 =	seq.s32 @!p0 s5, $0x0  }
0x1f: {  	s9 =	smul.u32 $0xF7A, s1;
	s8 =	simm.s32 @!p0 $0x1BF5;
	p2 =	por !p2, p0  }
0x20: {  	[sflag:s8] =	ssyncset.s32 @!p0 $0xFFFFF086;
	s6 =	sadd.s32 @!p0 s3, s7;
	s7 =	simm.s32 @!p0 $0x108  }
0x21: {  	s3 =	sadd.s32 s3, s9;
	s6 =	sadd.s32 @!p0 $0x88, s6;
	s7 =	simm.s32 @p2 $0x1082  }
0x22: {  	[simem:s7], [sflag:s8] =	dma.local @!p0 [hbm:s6], $0xF7A  }
0x23: {  	s9 =	sor.u32 $0xD0000000, s2;
	s6 =	simm.s32 $0x108;
	_ =	swait.ge @!p0 [sflag:s8], $0x0  }
0x24: {  	s3 =	sadd.s32 $0x88, s3;
	s6 =	simm.s32 @!p1 $0x1082;
	[sflag:s4] =	ssyncset.s32 $0xFFFFF086  }
0x25: {  	[simem:s6], [sflag:s4] =	dma.local [hbm:s3], $0xF7A  }
0x26: {  	[smem:$0x3F9D] =	sst s1;
	(tag) =	ssettag s2;
	_ =	strace s9  }
0x27: {  	s1 =	sld [smem:$0x3FAD]  }
0x28: {  	s2 =	sld [smem:$0x3FAE]  }
0x29: {  	s4 =	sld [smem:$0x3FB0]  }
0x2a: {  	p0 =	seq.s32 s5, $0x0;
	s5 =	sld [smem:$0x3FB1]  }
0x2b: {  	s6 =	sld [smem:$0x3FB2]  }
0x2c: {  	s7 =	sld [smem:$0x3FB3]  }
0x2d: {  	s3 =	simm.s32 $0x108;
	s8 =	sld [smem:$0x3FB4]  }
0x2e: {  	s3 =	simm.s32 @!p0 $0x1082;
	s9 =	sld [smem:$0x3FB5]  }
0x2f: {  	lr =	sadd.s32 s0, s3;
	s0 =	sld [smem:$0x3FAC]  }
0x30: {  	s3 =	sld [smem:$0x3FAF]  }
0x31: {  	[smem:$0x3FB8] =	sst s10  }
0x32: {  	s10 =	sld [smem:$0x3FB6];
	_ =	sdelay $0x3  }
0x33: {  	p0 =	seq.s32 s10, $0x1;
	s10 =	sld [smem:$0x3FB8];
	_ =	sdelay $0x3  }
0x34: {  	[smem:$0x3FB8] =	sst s10  }
0x35: {  	s10 =	sld [smem:$0x3FB7];
	_ =	sdelay $0x3  }
0x36: {  	p1 =	seq.s32 s10, $0x1;
	s10 =	sld [smem:$0x3FB8];
	_ =	sdelay $0x3  }
0x37: {  	[smem:$0x3FB8] =	sst s10  }
0x38: {  	s10 =	sld [smem:$0x3FB9]  }
0x39: {  	_ = 	snop;
	(pc) =	sbr.ind lr, $3  }
0x3a: {  	_ = 	snop  }
0x3b: {  	_ = 	snop  }
0x3c: {  	p2 =	seq.s32 s10, $0x1;
	s10 =	sld [smem:$0x3FB8]  }
0x3d: {  	_ =	shalt  }
0x3e: {  	_ =	shalt  }
0x3f: {  	_ =	shalt  }
0x40: {  	_ =	shalt  }
0x41: {  	_ =	shalt  }
0x42: {  	_ =	shalt  }
0x43: {  	_ =	shalt  }
0x44: {  	_ =	shalt  }
0x45: {  	_ =	shalt  }
0x46: {  	_ =	shalt  }
0x47: {  	_ =	shalt  }
0x48: {  	_ =	shalt  }
0x49: {  	_ =	shalt  }
0x4a: {  	_ =	shalt  }
0x4b: {  	_ =	shalt  }
0x4c: {  	_ =	shalt  }
0x4d: {  	_ =	shalt  }
0x4e: {  	_ =	shalt  }
0x4f: {  	_ =	shalt  }
0x50: {  	_ =	shalt  }
0x51: {  	_ =	shalt  }
0x52: {  	_ =	shalt  }
0x53: {  	_ =	shalt  }
0x54: {  	_ =	shalt  }
0x55: {  	_ =	shalt  }
0x56: {  	_ =	shalt  }
0x57: {  	_ =	shalt  }
0x58: {  	_ =	shalt  }
0x59: {  	_ =	shalt  }
0x5a: {  	_ =	shalt  }
0x5b: {  	_ =	shalt  }
0x5c: {  	_ =	shalt  }
0x5d: {  	_ =	shalt  }
0x5e: {  	_ =	shalt  }
0x5f: {  	_ =	shalt  }
0x60: {  	_ =	shalt  }
0x61: {  	_ =	shalt  }
0x62: {  	_ =	shalt  }
0x63: {  	_ =	shalt  }
0x64: {  	_ =	shalt  }
0x65: {  	_ =	shalt  }
0x66: {  	_ =	shalt  }
0x67: {  	_ =	shalt  }
0x68: {  	_ =	shalt  }
0x69: {  	_ =	shalt  }
0x6a: {  	_ =	shalt  }
0x6b: {  	_ =	shalt  }
0x6c: {  	_ =	shalt  }
0x6d: {  	_ =	shalt  }
0x6e: {  	_ =	shalt  }
0x6f: {  	_ =	shalt  }
0x70: {  	_ =	shalt  }
0x71: {  	_ =	shalt  }
0x72: {  	_ =	shalt  }
0x73: {  	_ =	shalt  }
0x74: {  	_ =	shalt  }
0x75: {  	_ =	shalt  }
0x76: {  	_ =	shalt  }
0x77: {  	_ =	shalt  }
0x78: {  	_ =	shalt  }
0x79: {  	_ =	shalt  }
0x7a: {  	_ =	shalt  }
0x7b: {  	_ =	shalt  }
0x7c: {  	_ =	shalt  }
0x7d: {  	_ =	shalt  }
0x7e: {  	_ =	shalt  }
0x7f: {  	_ =	shalt  }
0x80: {  	_ =	shalt  }
0x81: {  	_ =	shalt  }
0x82: {  	_ =	shalt  }
0x83: {  	_ =	shalt  }
0x84: {  	_ =	shalt  }
0x85: {  	_ =	shalt  }
0x86: {  	_ =	shalt  }
0x87: {  	_ =	shalt  }
.Lfunc_end0:
.L_simem_size_0:
called_computation.1_lowered:
.L_overlay_start_0:
0x88: {  	s2 =	sld [smem:$0x3FD9]  }
0x89: {  	s3 =	sld [smem:$0x3FFE];
	_ =	sdelay $0x1  }
0x8a: {  	s1 =	srdreg.scid  }
0x8b: {  	s0 =	sand.u32 $0x1, s1  }
0x8c: {  	s17 =	sshll.u32 s0, $0xA;
	s2 =	sadd.s32 s3, s2  }
0x8d: {  	s2 =	sadd.s32 s2, s17  }
0x8e: {  	[smem:$0x3FC4] =	sst s2  }
0x8f: {  	_ = 	snop  }
0x90: {  	(tm) =	ssettm $0x1  }
0x91: {  	s18 =	sld [smem:$0x3FFB];
	_ =	sdelay $0x3  }
0x92: {  	_ =	strace s18  }
0x93: {  	s2 =	sld [smem:$0x3FFC];
	_ =	sdelay $0x3  }
0x94: {  	_ =	strace s2  }
0x95: {  	s2 =	sld [smem:$0x3FFD];
	_ =	sdelay $0x3  }
0x96: {  	_ =	strace s2  }
0x97: {  	_ =	strace $0x8FFFFFFF  }
0x98: {  	s19 =	sld [smem:$0x3FDB];
	_ =	sdelay $0x1  }
0x99: {  	s20 =	simm.s32 $_scs_section_size  }
0x9a: {  	s4 =	simm.s32 $_size__tile_overlayer_lowered;
	s5 =	simm.s32 $_tile_overlayer_lowered  }
0x9b: {  	s6 =	simm.s32 $0x1BFF;
	s21 =	sshll.u32 s5, $0x1;
	s3 =	sadd.s32 s20, s19  }
0x9c: {  	s22 =	simm.s32 $0x0;
	s4 =	sshll.u32 s4, $0x1;
	s5 =	sadd.s32 s21, s3  }
0x9d: {  	[timem:s22], [sflag:s6] =	dma.local [hbm:s5], s4  }
0x9e: {  	_ =	swait.ge [sflag:s6], s4  }
0x9f: {  	s4 =	ssub.s32 $0x0, s4;
	[sflag:s6] =	ssyncset.done $0x0  }
0xa0: {  	[sflag:s6] =	ssyncadd.s32 s4;
	_ =	sdelay $0x1  }
0xa1: {  	s23 =	simm.s32 $0x1B8B  }
0xa2: {  	_ =	swait.ge [sflag:s23], $0x1  }
0xa3: {  	[sflag:s23] =	ssyncset.done $0x0  }
0xa4: {  	[sflag:s23] =	ssyncadd.s32 $0xFFFFFFFF  }
0xa5: {  	s4 =	sld [smem:$0x0]  }
0xa6: {  	s5 =	sand.u32 $0xFFFFFFFE, s1  }
0xa7: {  	p0 =	sne.s32 s1, s5  }
0xa8: {  	s5 =	sshll.u32 @p0 s5, $0xE  }
0xa9: {  	s5 =	sadd.s32 @p0 $0x11B8D, s5;
	s6 =	sshll.u32 @p0 s4, $0x11  }
0xaa: {  	s5 =	sor.u32 @p0 s6, s5  }
0xab: {  	[sflag:s5] =	ssyncadd.remote.s32 @p0 $0x1;
	_ =	sdelay $0x1  }
0xac: {  	s5 =	simm.s32 @p0 $0x1B8D  }
0xad: {  	_ =	swait.eq @p0 [sflag:s5], $0x1  }
0xae: {  	[sflag:s5] =	ssyncadd.s32 @p0 $0xFFFFFFFF  }
0xaf: {  	s6 =	sshll.u32 @!p0 s1, $0xE  }
0xb0: {  	s6 =	sor.u32 @!p0 $0x4000, s6;
	s5 =	simm.s32 @!p0 $0x1B8D  }
0xb1: {  	s4 =	sshll.u32 @!p0 s4, $0x11;
	s6 =	sadd.s32 @!p0 $0x11B8D, s6;
	_ =	swait.eq @!p0 [sflag:s5], $0x1  }
0xb2: {  	s4 =	sor.u32 @!p0 s4, s6;
	[sflag:s5] =	ssyncadd.s32 @!p0 $0xFFFFFFFF  }
0xb3: {  	s25 =	simm.s32 $0x1B8E;
	s24 =	sld [smem:$0x3FFE];
	[sflag:s4] =	ssyncadd.remote.s32 @!p0 $0x1  }
0xb4: {  	s26 =	simm.s32 $execute0_lowered;
	[smem:$0x3FD2] =	sst s25  }
0xb5: {  	s5 =	sshll.u32 s26, $0x1;
	_ =	strace $0x80000049;
	[dreg:$0x1] =	wrdreg $0xFFFFFFFF  }
0xb6: {  	s28 =	simm.s32 $_size_execute0_lowered;
	s3 =	sadd.s32 s3, s5;
	[dreg:$0x0] =	wrdreg $0x0  }
0xb7: {  	s5 =	sshll.u32 s28, $0x1;
	[dreg:$0x2] =	wrdreg s3  }
0xb8: {  	[dreg:$0x3] =	wrdreg s5  }
0xb9: {  	[dreg:$0x4] =	wrdreg $0xC0  }
0xba: {  	_ =	task [dreg:s22], $0x5FFFF  }
0xbb: {  	[dreg:$0x1] =	wrdreg $0xFFFFFFFF  }
0xbc: {  	[dreg:$0x0] =	wrdreg $0x60  }
0xbd: {  	[dreg:$0x2] =	wrdreg s24  }
0xbe: {  	[dreg:$0x3] =	wrdreg $0x93000  }
0xbf: {  	[dreg:$0x4] =	wrdreg $0x1D3000  }
0xc0: {  	[dreg:$0x5] =	wrdreg $0xA  }
0xc1: {  	_ =	task.clear_ibuf [dreg:s22], $0x6FFFF;
	_ =	strace $0x90000049  }
0xc2: {  	s29 =	simm.s32 $0xA;
	_ =	strace $0x8000004B  }
0xc3: {  	_ =	swait.ge [sflag:s29], $0x1  }
0xc4: {  	[sflag:s29] =	ssyncadd.s32 $0xFFFFFFFF  }
0xc5: {  	_ =	strace $0x9000004B  }
0xc6: {  	_ =	sfence  }
0xc7: {  	s30 =	sld [smem:$0x0];
	_ =	sdelay $0x2  }
0xc8: {  	s31 =	sshll.u32 s1, $0xD;
	s1 =	sshrl.u32 s1, $0x2  }
0xc9: {  	s4 =	sand.u32 $0x4000, s31;
	s1 =	sadd.s32 s1, s30  }
0xca: {  	s0 =	sor.u32 s4, s0;
	s1 =	sshll.u32 s1, $0x11  }
0xcb: {  	s0 =	sor.u32 s1, s0  }
0xcc: {  	s0 =	sadd.s32 $0x8F2B, s0  }
0xcd: {  	[sflag:s0] =	ssyncadd.remote.s32 $0x1  }
0xce: {  	_ =	sfence.sel $0xFFFF  }
0xcf: {  	[dreg:$0x0] =	wrdreg $0xFFFFFFFF;
	(pc) =	sbr.abs _section_cstart, $3  }
0xd0: {  	[dreg:$0x1] =	wrdreg $0xFFFFFFFF  }
0xd1: {  	_ =	task.clear_ibuf [dreg:s22], $0x2FFFF;
	_ =	strace $0x9FFFFFFF  }
0xd2: {  	(tm) =	ssettm $0x7FFFFFFF  }
0xd3: {  	_ =	shalt  }
tec
execute0_lowered:
.L_overlay_start_1:
0x0: {  	(tag) =	ssettag $0x1  }
0x1: {  	s0 =	rddreg [dreg:$0x0]  }
0x2: {  	s1 =	rddreg [dreg:$0x1]  }
0x3: {  	s2 =	rddreg [dreg:$0x2];
	s3 =	simm.s32 $0x0  }
0x4: {  	s4 =	srdreg.scid;
	s23 =	stileid.u32;
	s28 =	simm.s32 $0x80  }
0x5: {  	s29 =	simm.s32 $0x9000;
	s30 =	simm.s32 $0x2;
	s31 =	simm.s32 $0x3  }
0x6: {  	[smem:$0x7FF] =	sst s3;
	s4 =	sand.u32 $0x1, s4;
	s6 =	smul.u32 $0x50000, s23  }
0x7: {  	s13 =	sadd.s32 $0x352400, s0;
	s12 =	smul.u32 $0xA00, s23;
	s20 =	sshll.u32 s23, $0x10  }
0x8: {  	s18 =	smul.u32 $0x2800, s23;
	s26 =	sshll.u32 s23, $0x9;
	p0 =	sne.s32 s23, $0x0  }
0x9: {  	_ =	strace $0x8000004A;
	s5 =	sshll.u32 s4, $0xD;
	s7 =	smul.u32 $0x28000, s4  }
0xa: {  	s8 =	smul.u32 $0x500, s4;
	s9 =	ssub.s32 $0x2, s4;
	s4 =	sshll.u32 s4, $0x14  }
0xb: {  	s11 =	smov.u32 s13;
	s5 =	sadd.s32 s5, s0;
	s6 =	sshrl.u32 s6, $0x2  }
0xc: {  	s10 =	sshrl.u32 s9, $0x1;
	s25 =	sshrl.u32 s12, $0x2;
	s7 =	sadd.s32 s7, s0  }
0xd: {  	s6 =	sadd.s32 s6, s1;
	s0 =	sadd.s32 s8, s0;
	s17 =	ssub.s32 s9, s10  }
0xe: {  	s10 =	sor.u32 s20, s4;
	s19 =	sadd.s32 $0x4000, s6;
	s21 =	sadd.s32 $0x8000, s6  }
0xf: {  	s22 =	sadd.s32 $0xC000, s6;
	s24 =	sadd.s32 $0x10000, s6;
	s12 =	sadd.s32 s13, s10  }
0x10: {  	s13 =	sadd.s32 s25, s2;
	s7 =	sadd.s32 $0x556E00, s7;
	s15 =	sadd.s32 $0x556400, s0  }
0x11: {  	s16 =	smax.u32 s17, $0x1;
	s17 =	sor.u32 $0x4000, s10;
	[dreg:$0x4] =	wrdreg s19  }
.Ltmp0:
0x12: {  	s0 =	sadd.s32 s26, s5;
	[dreg:$0x5] =	wrdreg s21;
	(pc) =	sbr.rel .LBB2_1-.Ltmp0, $4  }
0x13: {  	s20 =	sor.u32 $0x2000, s10;
	s25 =	simm.s32 $0x4000;
	[dreg:$0x6] =	wrdreg s22  }
0x14: {  	s26 =	simm.s32 $0x1;
	[dreg:$0x7] =	wrdreg s24;
	s14 =	sadd.s32 $0x800, s12  }
0x15: {  	s4 =	sadd.s32 $0x552400, s0;
	s19 =	sor.u32 $0x3000, s10;
	s21 =	sor.u32 $0x1000, s10  }
0x16: {  	v0 =	vimm.f32 $0.0e+00;
	v1 =	vimm.f32 $1.000000000e+00;
	s22 =	simm.s32 $0x4;
	s24 =	sadd.s32 s18, s7;
	s0 =	simm.s32 $0x0  }
.LBB2_6:
0x17: {  	_ =	swait.ge [sflag:s30], $0x4000  }
0x18: {  	[sflag:s30] =	ssyncset.done $0x0  }
0x19: {  	[sflag:s30] =	ssyncadd.s32 $0xFFFFC000  }
0x1a: {  	[spmem:s1] =	stream.indirect.scatter.add.f32 [tilespmem:s25], [sflag:$0x4], $0x80, s8, s28, $0xb8;
	[tilespmem:$0x1D580] =	vst v63  }
0x1b: {  	_ =	swait.ge [sflag:s22], $0x4000  }
0x1c: {  	[sflag:s22] =	ssyncset.done $0x0  }
0x1d: {  	[sflag:s22] =	ssyncadd.s32 $0xFFFFC000  }
0x1e: {  	[spmem:s2] =	stream.indirect.scatter.add.f32 [tilespmem:s29], [sflag:$0x3], $0x1, s8, s28, $0xb8;
	[tilespmem:$0x1D580] =	vst v63  }
0x1f: {  	_ =	swait.ge [sflag:s31], $0x80  }
0x20: {  	[sflag:s31] =	ssyncset.done $0x0  }
0x21: {  	[sflag:s31] =	ssyncadd.s32 $0xFFFFFF80  }
0x22: {  	_ =	swait.ge [sflag:s31], $0x80  }
0x23: {  	[sflag:s31] =	ssyncset.done $0x0  }
0x24: {  	[sflag:s31] =	ssyncadd.s32 $0xFFFFFF80  }
0x25: {  	_ =	swait.ge [sflag:s31], $0x80  }
0x26: {  	[sflag:s31] =	ssyncset.done $0x0  }
0x27: {  	[sflag:s31] =	ssyncadd.s32 $0xFFFFFF80  }
0x28: {  	_ =	swait.ge [sflag:s31], $0x80  }
0x29: {  	[sflag:s31] =	ssyncset.done $0x0  }
0x2a: {  	[sflag:s31] =	ssyncadd.s32 $0xFFFFFF80  }
0x2b: {  	_ =	swait.ge [sflag:s31], $0x80  }
0x2c: {  	[sflag:s31] =	ssyncset.done $0x0  }
0x2d: {  	[sflag:s31] =	ssyncadd.s32 $0xFFFFFF80  }
0x2e: {  	_ =	swait.ge [sflag:s31], $0x80  }
0x2f: {  	[sflag:s31] =	ssyncset.done $0x0  }
0x30: {  	[sflag:s31] =	ssyncadd.s32 $0xFFFFFF80  }
0x31: {  	_ =	swait.ge [sflag:s31], $0x80  }
0x32: {  	[sflag:s31] =	ssyncset.done $0x0  }
0x33: {  	[sflag:s31] =	ssyncadd.s32 $0xFFFFFF80  }
0x34: {  	_ =	swait.ge [sflag:s31], $0x80  }
0x35: {  	[sflag:s31] =	ssyncset.done $0x0  }
0x36: {  	[sflag:s31] =	ssyncadd.s32 $0xFFFFFF80  }
0x37: {  	_ =	swait.ge [sflag:s31], $0x80  }
0x38: {  	[sflag:s31] =	ssyncset.done $0x0  }
0x39: {  	[sflag:s31] =	ssyncadd.s32 $0xFFFFFF80  }
0x3a: {  	_ =	swait.ge [sflag:s31], $0x80  }
0x3b: {  	[sflag:s31] =	ssyncset.done $0x0  }
0x3c: {  	[sflag:s31] =	ssyncadd.s32 $0xFFFFFF80  }
0x3d: {  	_ =	swait.ge [sflag:s31], $0x80  }
0x3e: {  	[sflag:s31] =	ssyncset.done $0x0  }
0x3f: {  	[sflag:s31] =	ssyncadd.s32 $0xFFFFFF80  }
0x40: {  	_ =	swait.ge [sflag:s31], $0x80  }
0x41: {  	[sflag:s31] =	ssyncset.done $0x0  }
0x42: {  	[sflag:s31] =	ssyncadd.s32 $0xFFFFFF80  }
0x43: {  	_ =	swait.ge [sflag:s31], $0x80  }
0x44: {  	[sflag:s31] =	ssyncset.done $0x0  }
0x45: {  	[sflag:s31] =	ssyncadd.s32 $0xFFFFFF80  }
0x46: {  	_ =	swait.ge [sflag:s31], $0x80  }
0x47: {  	[sflag:s31] =	ssyncset.done $0x0  }
0x48: {  	[sflag:s31] =	ssyncadd.s32 $0xFFFFFF80  }
0x49: {  	_ =	swait.ge [sflag:s31], $0x80  }
0x4a: {  	[sflag:s31] =	ssyncset.done $0x0  }
0x4b: {  	[sflag:s31] =	ssyncadd.s32 $0xFFFFFF80  }
0x4c: {  	_ =	swait.ge [sflag:s31], $0x80  }
0x4d: {  	[sflag:s31] =	ssyncset.done $0x0  }
0x4e: {  	[sflag:s31] =	ssyncadd.s32 $0xFFFFFF80  }
0x4f: {  	_ =	swait.ge [sflag:s31], $0x80  }
0x50: {  	[sflag:s31] =	ssyncset.done $0x0  }
0x51: {  	[sflag:s31] =	ssyncadd.s32 $0xFFFFFF80  }
0x52: {  	_ =	swait.ge [sflag:s31], $0x80  }
0x53: {  	[sflag:s31] =	ssyncset.done $0x0  }
0x54: {  	[sflag:s31] =	ssyncadd.s32 $0xFFFFFF80  }
0x55: {  	_ =	swait.ge [sflag:s31], $0x80  }
0x56: {  	[sflag:s31] =	ssyncset.done $0x0  }
0x57: {  	[sflag:s31] =	ssyncadd.s32 $0xFFFFFF80  }
0x58: {  	_ =	swait.ge [sflag:s31], $0x80  }
0x59: {  	[sflag:s31] =	ssyncset.done $0x0  }
0x5a: {  	[sflag:s31] =	ssyncadd.s32 $0xFFFFFF80  }
0x5b: {  	_ =	swait.ge [sflag:s31], $0x80  }
0x5c: {  	[sflag:s31] =	ssyncset.done $0x0  }
0x5d: {  	[sflag:s31] =	ssyncadd.s32 $0xFFFFFF80  }
0x5e: {  	_ =	swait.ge [sflag:s31], $0x80  }
0x5f: {  	[sflag:s31] =	ssyncset.done $0x0  }
0x60: {  	[sflag:s31] =	ssyncadd.s32 $0xFFFFFF80  }
0x61: {  	_ =	swait.ge [sflag:s31], $0x80  }
0x62: {  	[sflag:s31] =	ssyncset.done $0x0  }
0x63: {  	[sflag:s31] =	ssyncadd.s32 $0xFFFFFF80  }
0x64: {  	_ =	swait.ge [sflag:s31], $0x80  }
0x65: {  	[sflag:s31] =	ssyncset.done $0x0  }
0x66: {  	[sflag:s31] =	ssyncadd.s32 $0xFFFFFF80  }
0x67: {  	_ =	swait.ge [sflag:s31], $0x80  }
0x68: {  	[sflag:s31] =	ssyncset.done $0x0  }
0x69: {  	[sflag:s31] =	ssyncadd.s32 $0xFFFFFF80  }
0x6a: {  	_ =	swait.ge [sflag:s31], $0x80  }
0x6b: {  	[sflag:s31] =	ssyncset.done $0x0  }
0x6c: {  	[sflag:s31] =	ssyncadd.s32 $0xFFFFFF80  }
0x6d: {  	_ =	swait.ge [sflag:s31], $0x80  }
0x6e: {  	[sflag:s31] =	ssyncset.done $0x0  }
0x6f: {  	[sflag:s31] =	ssyncadd.s32 $0xFFFFFF80  }
0x70: {  	_ =	swait.ge [sflag:s31], $0x80  }
0x71: {  	[sflag:s31] =	ssyncset.done $0x0  }
0x72: {  	[sflag:s31] =	ssyncadd.s32 $0xFFFFFF80  }
0x73: {  	_ =	swait.ge [sflag:s31], $0x80  }
0x74: {  	[sflag:s31] =	ssyncset.done $0x0  }
0x75: {  	[sflag:s31] =	ssyncadd.s32 $0xFFFFFF80  }
0x76: {  	_ =	swait.ge [sflag:s31], $0x80  }
0x77: {  	[sflag:s31] =	ssyncset.done $0x0  }
0x78: {  	[sflag:s31] =	ssyncadd.s32 $0xFFFFFF80  }
0x79: {  	_ =	swait.ge [sflag:s31], $0x80  }
0x7a: {  	[sflag:s31] =	ssyncset.done $0x0  }
0x7b: {  	[sflag:s31] =	ssyncadd.s32 $0xFFFFFF80  }
0x7c: {  	_ =	swait.ge [sflag:s31], $0x80  }
0x7d: {  	s5 =	stileid.u32;
	[sflag:s31] =	ssyncset.done $0x0  }
0x7e: {  	s5 =	sshll.u32 s5, $0x6;
	[sflag:s31] =	ssyncadd.s32 $0xFFFFFF80  }
0x7f: {  	s7 =	sshrl.u32 s6, $0x3;
	s5 =	sor.u32 $0x1C04, s5;
	[bflag:$0x0] =	sbarrier.arrive $0xFFFF  }
0x80: {  	[hbm:s24], [sflag:s5] =	dma.local [spmem:s7], $0x2800  }
0x81: {  	_ =	swait.ge [sflag:s22], $0x2800  }
0x82: {  	s0 =	sadd.s32 $0x1, s0;
	[sflag:s22] =	ssyncset.done $0x0  }
0x83: {  	p1 =	sne.s32 s0, s16;
	s7 =	sshrl.u32 @!p0 s2, $0x3;
	[sflag:s22] =	ssyncadd.s32 $0xFFFFD800  }
0x84: {  	[hbm:s15], [sflag:s5] =	dma.local @!p0 [spmem:s7], $0x500  }
.Ltmp1:
0x85: {  	_ = 	snop;
	(pc) =	sbr.rel @!p1 .LBB2_7-.Ltmp1, $4  }
0x86: {  	s5 =	simm.s32 @!p0 $0x4  }
0x87: {  	_ =	swait.ge @!p0 [sflag:s5], $0x500  }
0x88: {  	[sflag:s5] =	ssyncset.done @!p0 $0x0  }
0x89: {  	[sflag:s5] =	ssyncadd.s32 @!p0 $0xFFFFFB00  }
.LBB2_1:
0x8a: {  	s5 =	simm.s32 $0x0;
	s7 =	simm.s32 $0x200  }
.LBB2_2:
0x8b: {  	p1 =	sne.s32 s7, $0xFE00;
	[tilespmem:s5+$0x70] =	vst v0  }
0x8c: {  	[tilespmem:s5+$0x0] =	vst v0  }
0x8d: {  	[tilespmem:s5+$0x10] =	vst v0  }
.Ltmp2:
0x8e: {  	[tilespmem:s5+$0x20] =	vst v0;
	(pc) =	sbr.rel @p1 .LBB2_2-.Ltmp2, $4  }
0x8f: {  	[tilespmem:s5+$0x30] =	vst v0  }
0x90: {  	[tilespmem:s5+$0x40] =	vst v0  }
0x91: {  	[tilespmem:s5+$0x50] =	vst v0  }
0x92: {  	[tilespmem:s5+$0x60] =	vst v0;
	s5 =	sshra.s32 s7, $0x2;
	s7 =	sadd.s32 $0x200, s7  }
0x93: {  	[tilespmem:s5+$0x70] =	vst v0  }
0x94: {  	[tilespmem:s5+$0x0] =	vst v0  }
0x95: {  	[tilespmem:s5+$0x10] =	vst v0  }
0x96: {  	[tilespmem:s5+$0x20] =	vst v0  }
0x97: {  	[tilespmem:s5+$0x30] =	vst v0  }
0x98: {  	[tilespmem:s5+$0x40] =	vst v0  }
0x99: {  	[tilespmem:s5+$0x50] =	vst v0  }
0x9a: {  	[tilespmem:s5+$0x60] =	vst v0  }
0x9b: {  	[tilespmem:$0x9000] =	vst v1  }
0x9c: {  	[tilespmem:$0x9010] =	vst v1  }
0x9d: {  	[tilespmem:$0x9020] =	vst v1  }
0x9e: {  	[tilespmem:$0x9030] =	vst v1  }
0x9f: {  	[tilespmem:$0x9040] =	vst v1  }
0xa0: {  	[tilespmem:$0x9050] =	vst v1  }
0xa1: {  	[tilespmem:$0x9060] =	vst v1  }
0xa2: {  	[tilespmem:$0x9070] =	vst v1  }
0xa3: {  	[tilespmem:$0x9080] =	vst v0  }
0xa4: {  	[tilespmem:$0x9090] =	vst v0  }
0xa5: {  	[tilespmem:$0x90A0] =	vst v0  }
0xa6: {  	[tilespmem:$0x90B0] =	vst v0  }
0xa7: {  	[tilespmem:$0x90C0] =	vst v0  }
0xa8: {  	[tilespmem:$0x90D0] =	vst v0  }
0xa9: {  	[tilespmem:$0x90E0] =	vst v0  }
0xaa: {  	[tilespmem:$0x90F0] =	vst v0  }
0xab: {  	[tilespmem:$0x9100] =	vst v0  }
0xac: {  	[tilespmem:$0x9110] =	vst v0  }
0xad: {  	[tilespmem:$0x9120] =	vst v0  }
0xae: {  	[tilespmem:$0x9130] =	vst v0  }
0xaf: {  	[tilespmem:$0x9140] =	vst v0  }
0xb0: {  	[tilespmem:$0x9150] =	vst v0  }
0xb1: {  	[tilespmem:$0x9160] =	vst v0  }
0xb2: {  	[tilespmem:$0x9170] =	vst v0  }
0xb3: {  	[tilespmem:$0x9180] =	vst v0  }
0xb4: {  	[tilespmem:$0x9190] =	vst v0  }
0xb5: {  	[tilespmem:$0x91A0] =	vst v0  }
0xb6: {  	[tilespmem:$0x91B0] =	vst v0  }
0xb7: {  	[tilespmem:$0x91C0] =	vst v0  }
0xb8: {  	[tilespmem:$0x91D0] =	vst v0  }
0xb9: {  	[tilespmem:$0x91E0] =	vst v0  }
0xba: {  	[tilespmem:$0x91F0] =	vst v0  }
0xbb: {  	[tilespmem:$0x9200] =	vst v0  }
0xbc: {  	[tilespmem:$0x9210] =	vst v0  }
0xbd: {  	[tilespmem:$0x9220] =	vst v0  }
0xbe: {  	[tilespmem:$0x9230] =	vst v0  }
0xbf: {  	[tilespmem:$0x9240] =	vst v0  }
0xc0: {  	[tilespmem:$0x9250] =	vst v0  }
0xc1: {  	[tilespmem:$0x9260] =	vst v0  }
0xc2: {  	[tilespmem:$0x9270] =	vst v0  }
0xc3: {  	[tilespmem:$0x9280] =	vst v0  }
0xc4: {  	[tilespmem:$0x9290] =	vst v0  }
0xc5: {  	[tilespmem:$0x92A0] =	vst v0  }
0xc6: {  	[tilespmem:$0x92B0] =	vst v0  }
0xc7: {  	[tilespmem:$0x92C0] =	vst v0  }
0xc8: {  	[tilespmem:$0x92D0] =	vst v0  }
0xc9: {  	[tilespmem:$0x92E0] =	vst v0  }
0xca: {  	s23 =	simm.s32 $0x0;
	[tilespmem:$0x92F0] =	vst v0  }
0xcb: {  	[spmem:s6] =	stream.linear.scatter [tilespmem:s23], [sflag:$0x4], $0x4000, $0x38;
	[tilespmem:$0x1D580] =	vst v63  }
0xcc: {  	_ =	swait.ge [sflag:s22], $0x4000  }
0xcd: {  	[sflag:s22] =	ssyncset.done $0x0  }
0xce: {  	s18 =	rddreg [dreg:$0x4];
	[sflag:s22] =	ssyncadd.s32 $0xFFFFC000  }
0xcf: {  	[spmem:s18] =	stream.linear.scatter [tilespmem:s23], [sflag:$0x4], $0x4000, $0x38;
	[tilespmem:$0x1D580] =	vst v63  }
0xd0: {  	_ =	swait.ge [sflag:s22], $0x4000  }
0xd1: {  	[sflag:s22] =	ssyncset.done $0x0  }
0xd2: {  	s7 =	rddreg [dreg:$0x5];
	[sflag:s22] =	ssyncadd.s32 $0xFFFFC000  }
0xd3: {  	[spmem:s7] =	stream.linear.scatter [tilespmem:s23], [sflag:$0x4], $0x4000, $0x38;
	[tilespmem:$0x1D580] =	vst v63  }
0xd4: {  	_ =	swait.ge [sflag:s22], $0x4000  }
0xd5: {  	[sflag:s22] =	ssyncset.done $0x0  }
0xd6: {  	s8 =	rddreg [dreg:$0x6];
	[sflag:s22] =	ssyncadd.s32 $0xFFFFC000  }
0xd7: {  	[spmem:s8] =	stream.linear.scatter [tilespmem:s23], [sflag:$0x4], $0x4000, $0x38;
	[tilespmem:$0x1D580] =	vst v63  }
0xd8: {  	_ =	swait.ge [sflag:s22], $0x4000  }
0xd9: {  	[sflag:s22] =	ssyncset.done $0x0  }
0xda: {  	s9 =	rddreg [dreg:$0x7];
	[sflag:s22] =	ssyncadd.s32 $0xFFFFC000  }
0xdb: {  	[spmem:s9] =	stream.linear.scatter [tilespmem:s23], [sflag:$0x4], $0x4000, $0x38;
	[tilespmem:$0x1D580] =	vst v63  }
0xdc: {  	_ =	swait.ge [sflag:s22], $0x4000  }
0xdd: {  	[sflag:s22] =	ssyncset.done $0x0  }
0xde: {  	s18 =	simm.s32 $0x9080;
	[sflag:s22] =	ssyncadd.s32 $0xFFFFC000  }
0xdf: {  	[spmem:s13] =	stream.linear.scatter [tilespmem:s18], [sflag:$0x4], $0x280, $0x38;
	[tilespmem:$0x1D580] =	vst v63  }
0xe0: {  	_ =	swait.ge [sflag:s22], $0x280  }
0xe1: {  	[sflag:s22] =	ssyncset.done $0x0  }
0xe2: {  	[sflag:s22] =	ssyncadd.s32 $0xFFFFFD80  }
0xe3: {  	[bflag:$0x0] =	sbarrier.arrive $0xFFFF  }
0xe4: {  	[tilespmem:s23], [sflag:$0x1] =	stream.linear.gather [hbm4b:s12+s23], $0x4000, $0x38;
	[tilespmem:$0x1D580] =	vst v63  }
0xe5: {  	s5 =	smov.u32 s11;
	s18 =	smov.u32 s4  }
0xe6: {  	[tilespmem:s25], [sflag:$0x2] =	stream.linear.gather [hbm4b:s14+s23], $0x4000, $0x38;
	[tilespmem:$0x1D580] =	vst v63  }
.LBB2_4:
0xe7: {  	s8 =	sshra.s32 s23, $0x2  }
0xe8: {  	s7 =	sadd.s32 $0x8000, s8  }
0xe9: {  	[tilespmem:s7], [sflag:$0x4] =	stream.linear.gather [hbm4b:s18+s3], $0x400, $0x38;
	[tilespmem:$0x1D580] =	vst v63  }
0xea: {  	_ =	swait.ge [sflag:s22], $0x400  }
0xeb: {  	[sflag:s22] =	ssyncset.done $0x0  }
0xec: {  	[sflag:s22] =	ssyncadd.s32 $0xFFFFFC00  }
0xed: {  	_ =	swait.ge [sflag:s26], $0x4000  }
0xee: {  	[sflag:s26] =	ssyncset.done $0x0  }
0xef: {  	[sflag:s26] =	ssyncadd.s32 $0xFFFFC000  }
0xf0: {  	[spmem:s1] =	stream.indirect.scatter.add.f32 [tilespmem:s3], [sflag:$0x4], $0x80, s7, s28, $0xb8;
	[tilespmem:$0x1D580] =	vst v63  }
0xf1: {  	_ =	swait.ge [sflag:s22], $0x4000  }
0xf2: {  	[sflag:s22] =	ssyncset.done $0x0  }
0xf3: {  	[sflag:s22] =	ssyncadd.s32 $0xFFFFC000  }
0xf4: {  	[spmem:s2] =	stream.indirect.scatter.add.f32 [tilespmem:s29], [sflag:$0x3], $0x1, s7, s28, $0xb8;
	[tilespmem:$0x1D580] =	vst v63  }
0xf5: {  	s9 =	sadd.s32 s5, s21  }
0xf6: {  	[tilespmem:s3], [sflag:$0x1] =	stream.linear.gather [hbm4b:s9+s3], $0x4000, $0x38;
	[tilespmem:$0x1D580] =	vst v63  }
0xf7: {  	_ =	swait.ge [sflag:s30], $0x4000  }
0xf8: {  	[sflag:s30] =	ssyncset.done $0x0  }
0xf9: {  	s9 =	sadd.s32 $0x8080, s8;
	[sflag:s30] =	ssyncadd.s32 $0xFFFFC000  }
0xfa: {  	[spmem:s1] =	stream.indirect.scatter.add.f32 [tilespmem:s25], [sflag:$0x4], $0x80, s9, s28, $0xb8;
	[tilespmem:$0x1D580] =	vst v63  }
0xfb: {  	_ =	swait.ge [sflag:s22], $0x4000  }
0xfc: {  	[sflag:s22] =	ssyncset.done $0x0  }
0xfd: {  	s7 =	sadd.s32 s5, s10;
	[sflag:s22] =	ssyncadd.s32 $0xFFFFC000  }
0xfe: {  	[spmem:s2] =	stream.indirect.scatter.add.f32 [tilespmem:s29], [sflag:$0x3], $0x1, s9, s28, $0xb8;
	[tilespmem:$0x1D580] =	vst v63  }
0xff: {  	s9 =	sadd.s32 $0x1800, s7  }
0x100: {  	[tilespmem:s25], [sflag:$0x2] =	stream.linear.gather [hbm4b:s9+s3], $0x4000, $0x38;
	[tilespmem:$0x1D580] =	vst v63  }
0x101: {  	_ =	swait.ge [sflag:s26], $0x4000  }
0x102: {  	[sflag:s26] =	ssyncset.done $0x0  }
0x103: {  	s9 =	sadd.s32 $0x8100, s8;
	[sflag:s26] =	ssyncadd.s32 $0xFFFFC000  }
0x104: {  	[spmem:s1] =	stream.indirect.scatter.add.f32 [tilespmem:s3], [sflag:$0x4], $0x80, s9, s28, $0xb8;
	[tilespmem:$0x1D580] =	vst v63  }
0x105: {  	_ =	swait.ge [sflag:s22], $0x4000  }
0x106: {  	[sflag:s22] =	ssyncset.done $0x0  }
0x107: {  	[sflag:s22] =	ssyncadd.s32 $0xFFFFC000  }
0x108: {  	[spmem:s2] =	stream.indirect.scatter.add.f32 [tilespmem:s29], [sflag:$0x3], $0x1, s9, s28, $0xb8;
	[tilespmem:$0x1D580] =	vst v63  }
0x109: {  	s9 =	sadd.s32 s5, s20  }
0x10a: {  	[tilespmem:s3], [sflag:$0x1] =	stream.linear.gather [hbm4b:s9+s3], $0x4000, $0x38;
	[tilespmem:$0x1D580] =	vst v63  }
0x10b: {  	_ =	swait.ge [sflag:s30], $0x4000  }
0x10c: {  	[sflag:s30] =	ssyncset.done $0x0  }
0x10d: {  	s9 =	sadd.s32 $0x8180, s8;
	[sflag:s30] =	ssyncadd.s32 $0xFFFFC000  }
0x10e: {  	[spmem:s1] =	stream.indirect.scatter.add.f32 [tilespmem:s25], [sflag:$0x4], $0x80, s9, s28, $0xb8;
	[tilespmem:$0x1D580] =	vst v63  }
0x10f: {  	_ =	swait.ge [sflag:s22], $0x4000  }
0x110: {  	[sflag:s22] =	ssyncset.done $0x0  }
0x111: {  	[sflag:s22] =	ssyncadd.s32 $0xFFFFC000  }
0x112: {  	[spmem:s2] =	stream.indirect.scatter.add.f32 [tilespmem:s29], [sflag:$0x3], $0x1, s9, s28, $0xb8;
	[tilespmem:$0x1D580] =	vst v63  }
0x113: {  	s9 =	sadd.s32 $0x2800, s7  }
0x114: {  	[tilespmem:s25], [sflag:$0x2] =	stream.linear.gather [hbm4b:s9+s3], $0x4000, $0x38;
	[tilespmem:$0x1D580] =	vst v63  }
0x115: {  	_ =	swait.ge [sflag:s26], $0x4000  }
0x116: {  	[sflag:s26] =	ssyncset.done $0x0  }
0x117: {  	s9 =	sadd.s32 $0x8200, s8;
	[sflag:s26] =	ssyncadd.s32 $0xFFFFC000  }
0x118: {  	[spmem:s1] =	stream.indirect.scatter.add.f32 [tilespmem:s3], [sflag:$0x4], $0x80, s9, s28, $0xb8;
	[tilespmem:$0x1D580] =	vst v63  }
0x119: {  	_ =	swait.ge [sflag:s22], $0x4000  }
0x11a: {  	[sflag:s22] =	ssyncset.done $0x0  }
0x11b: {  	[sflag:s22] =	ssyncadd.s32 $0xFFFFC000  }
0x11c: {  	[spmem:s2] =	stream.indirect.scatter.add.f32 [tilespmem:s29], [sflag:$0x3], $0x1, s9, s28, $0xb8;
	[tilespmem:$0x1D580] =	vst v63  }
0x11d: {  	s9 =	sadd.s32 s5, s19  }
0x11e: {  	[tilespmem:s3], [sflag:$0x1] =	stream.linear.gather [hbm4b:s9+s3], $0x4000, $0x38;
	[tilespmem:$0x1D580] =	vst v63  }
0x11f: {  	_ =	swait.ge [sflag:s30], $0x4000  }
0x120: {  	[sflag:s30] =	ssyncset.done $0x0  }
0x121: {  	s9 =	sadd.s32 $0x8280, s8;
	[sflag:s30] =	ssyncadd.s32 $0xFFFFC000  }
0x122: {  	[spmem:s1] =	stream.indirect.scatter.add.f32 [tilespmem:s25], [sflag:$0x4], $0x80, s9, s28, $0xb8;
	[tilespmem:$0x1D580] =	vst v63  }
0x123: {  	_ =	swait.ge [sflag:s22], $0x4000  }
0x124: {  	[sflag:s22] =	ssyncset.done $0x0  }
0x125: {  	[sflag:s22] =	ssyncadd.s32 $0xFFFFC000  }
0x126: {  	[spmem:s2] =	stream.indirect.scatter.add.f32 [tilespmem:s29], [sflag:$0x3], $0x1, s9, s28, $0xb8;
	[tilespmem:$0x1D580] =	vst v63  }
0x127: {  	s9 =	sadd.s32 $0x3800, s7  }
0x128: {  	[tilespmem:s25], [sflag:$0x2] =	stream.linear.gather [hbm4b:s9+s3], $0x4000, $0x38;
	[tilespmem:$0x1D580] =	vst v63  }
0x129: {  	_ =	swait.ge [sflag:s26], $0x4000  }
0x12a: {  	[sflag:s26] =	ssyncset.done $0x0  }
0x12b: {  	p1 =	seq.s32 s23, $0x3000;
	s9 =	sadd.s32 $0x8300, s8;
	[sflag:s26] =	ssyncadd.s32 $0xFFFFC000  }
0x12c: {  	[spmem:s1] =	stream.indirect.scatter.add.f32 [tilespmem:s3], [sflag:$0x4], $0x80, s9, s28, $0xb8;
	[tilespmem:$0x1D580] =	vst v63  }
.Ltmp3:
0x12d: {  	_ = 	snop;
	(pc) =	sbr.rel @p1 .LBB2_6-.Ltmp3, $4  }
0x12e: {  	_ =	swait.ge [sflag:s22], $0x4000  }
0x12f: {  	[sflag:s22] =	ssyncset.done $0x0  }
0x130: {  	s8 =	sadd.s32 $0x8380, s8;
	[sflag:s22] =	ssyncadd.s32 $0xFFFFC000  }
0x131: {  	[spmem:s2] =	stream.indirect.scatter.add.f32 [tilespmem:s29], [sflag:$0x3], $0x1, s9, s28, $0xb8;
	[tilespmem:$0x1D580] =	vst v63  }
0x132: {  	s9 =	sadd.s32 s5, s17  }
0x133: {  	[tilespmem:s3], [sflag:$0x1] =	stream.linear.gather [hbm4b:s9+s3], $0x4000, $0x38;
	[tilespmem:$0x1D580] =	vst v63  }
0x134: {  	_ =	swait.ge [sflag:s30], $0x4000  }
0x135: {  	[sflag:s30] =	ssyncset.done $0x0  }
0x136: {  	[sflag:s30] =	ssyncadd.s32 $0xFFFFC000  }
0x137: {  	[spmem:s1] =	stream.indirect.scatter.add.f32 [tilespmem:s25], [sflag:$0x4], $0x80, s8, s28, $0xb8;
	[tilespmem:$0x1D580] =	vst v63  }
0x138: {  	_ =	swait.ge [sflag:s22], $0x4000  }
.Ltmp4:
0x139: {  	[sflag:s22] =	ssyncset.done $0x0;
	(pc) =	sbr.rel .LBB2_4-.Ltmp4, $4  }
0x13a: {  	s7 =	sadd.s32 $0x4800, s7;
	[sflag:s22] =	ssyncadd.s32 $0xFFFFC000  }
0x13b: {  	[spmem:s2] =	stream.indirect.scatter.add.f32 [tilespmem:s29], [sflag:$0x3], $0x1, s8, s28, $0xb8;
	[tilespmem:$0x1D580] =	vst v63  }
0x13c: {  	s23 =	sadd.s32 $0x1000, s23;
	s5 =	sadd.s32 $0x4000, s5;
	s18 =	sadd.s32 $0x80, s18  }
0x13d: {  	[tilespmem:s25], [sflag:$0x2] =	stream.linear.gather [hbm4b:s7+s3], $0x4000, $0x38;
	[tilespmem:$0x1D580] =	vst v63  }
.LBB2_7:
0x13e: {  	_ =	sfence.sel $0x180000  }
0x13f: {  	[bflag:$0x0] =	sbarrier.arrive $0xFFFF  }
0x140: {  	_ =	strace $0x9000004A  }
0x141: {  	[bflag:$0x2] =	sbarrier.arrive $0xFFFF  }
0x142: {  	s0 =	rddreg [dreg:$0x3]  }
0x143: {  	s0 =	sadd.s32 @!p0 $0x100000, s0  }
0x144: {  	[sflag:s0] =	ssyncadd.tile.s32 @!p0 $0x1;
	_ =	shalt  }
.Lfunc_end2:
_tile_overlayer_lowered:
.L_overlay_start_2:
0x145: {  	(tag) =	ssettag $0x2  }
0x146: {  	s0 =	rddreg [dreg:$0x0];
	s2 =	stileid.u32  }
0x147: {  	s1 =	rddreg [dreg:$0x1];
	p0 =	sne.s32 s2, $0x0  }
0x148: {  	s3 =	rddreg [dreg:$0x2];
	[bflag:$0x3] =	sbarrier.arrive $0xFFFF;
	s2 =	simm.s32 @!p0 $0x1C04  }
0x149: {  	[timem:s3], [sflag:s2] =	dma.local @!p0 [hbm:s0], s1  }
0x14a: {  	s0 =	simm.s32 @!p0 $0x4  }
0x14b: {  	_ =	swait.ge @!p0 [sflag:s0], s1  }
0x14c: {  	s1 =	ssub.s32 @!p0 $0x0, s1;
	[sflag:s0] =	ssyncset.done @!p0 $0x0  }
0x14d: {  	[sflag:s0] =	ssyncadd.s32 @!p0 s1  }
0x14e: {  	[bflag:$0x3] =	sbarrier.arrive $0xFFFF  }
0x14f: {  	_ =	shalt  }

// kernel: kernel.7.cloned.1.call-start
scs
__scs_entry_jumppad:
0x0: {  	(pc) =	sbr.rel $0x88, $3  }
0x1: {  	(tag) =	ssettag $0x0;
	lr =	simm.s32 $0x1  }
0x2: {  	[smem:$0x3F9D] =	sst lr;
	_ =	strace $0xD0000000  }
0x3: {  	_ = 	snop  }
0x4: {  	_ = 	snop  }
0x5: {  	_ = 	snop  }
0x6: {  	_ = 	snop  }
0x7: {  	_ = 	snop  }
__scs_overlays_trampoline_lowered:
0x8: {  	[smem:$0x3FAC] =	sst s0  }
0x9: {  	[smem:$0x3FAD] =	sst s1  }
0xa: {  	[smem:$0x3FAE] =	sst s2  }
0xb: {  	[smem:$0x3FAF] =	sst s3  }
0xc: {  	[smem:$0x3FB0] =	sst s4  }
0xd: {  	[smem:$0x3FB1] =	sst s5  }
0xe: {  	[smem:$0x3FB2] =	sst s6  }
0xf: {  	[smem:$0x3FB3] =	sst s7  }
0x10: {  	[smem:$0x3FB4] =	sst s8  }
0x11: {  	[smem:$0x3FB5] =	sst s9;
	s0 =	simm.s32 @!p0 $0x0  }
0x12: {  	s1 =	sld [smem:$0x3F9B];
	s0 =	simm.s32 @p0 $0x1  }
0x13: {  	[smem:$0x3FB6] =	sst s0;
	s0 =	simm.s32 @!p1 $0x0  }
0x14: {  	s2 =	sld [smem:$0x3F9A];
	s0 =	simm.s32 @p1 $0x1  }
0x15: {  	[smem:$0x3FB7] =	sst s0;
	s0 =	simm.s32 @!p2 $0x0  }
0x16: {  	s3 =	sld [smem:$0x3FDB];
	s0 =	simm.s32 @p2 $0x1  }
0x17: {  	s4 =	simm.s32 $0x1BF5;
	[smem:$0x3FB9] =	sst s0  }
0x18: {  	s0 =	sld [smem:$0x3F9C];
	_ =	swait.ge [sflag:s4], $0x0  }
0x19: {  	s7 =	sld [smem:$0x3F9D]  }
0x1a: {  	s8 =	sadd.s32 $0xFFFFE003, lr  }
0x1b: {  	s9 =	sadd.s32 $0xFFFFFEF7, lr;
	s5 =	simm.s32 $0xFFFFFFFF;
	p2 =	slt.u32 s8, $0xFFFFF086  }
0x1c: {  	p1 =	slt.u32 s9, $0xF7A;
	s5 =	simm.s32 @!p2 $0x0  }
0x1d: {  	s5 =	simm.s32 @p1 $0x1;
	p0 =	seq.s32 s7, s2  }
0x1e: {  	s7 =	smul.u32 @!p0 $0xF7A, s2;
	p2 =	seq.s32 @!p0 s5, $0x0  }
0x1f: {  	s9 =	smul.u32 $0xF7A, s1;
	s8 =	simm.s32 @!p0 $0x1BF5;
	p2 =	por !p2, p0  }
0x20: {  	[sflag:s8] =	ssyncset.s32 @!p0 $0xFFFFF086;
	s6 =	sadd.s32 @!p0 s3, s7;
	s7 =	simm.s32 @!p0 $0x108  }
0x21: {  	s3 =	sadd.s32 s3, s9;
	s6 =	sadd.s32 @!p0 $0x88, s6;
	s7 =	simm.s32 @p2 $0x1082  }
0x22: {  	[simem:s7], [sflag:s8] =	dma.local @!p0 [hbm:s6], $0xF7A  }
0x23: {  	s9 =	sor.u32 $0xD0000000, s2;
	s6 =	simm.s32 $0x108;
	_ =	swait.ge @!p0 [sflag:s8], $0x0  }
0x24: {  	s3 =	sadd.s32 $0x88, s3;
	s6 =	simm.s32 @!p1 $0x1082;
	[sflag:s4] =	ssyncset.s32 $0xFFFFF086  }
0x25: {  	[simem:s6], [sflag:s4] =	dma.local [hbm:s3], $0xF7A  }
0x26: {  	[smem:$0x3F9D] =	sst s1;
	(tag) =	ssettag s2;
	_ =	strace s9  }
0x27: {  	s1 =	sld [smem:$0x3FAD]  }
0x28: {  	s2 =	sld [smem:$0x3FAE]  }
0x29: {  	s4 =	sld [smem:$0x3FB0]  }
0x2a: {  	p0 =	seq.s32 s5, $0x0;
	s5 =	sld [smem:$0x3FB1]  }
0x2b: {  	s6 =	sld [smem:$0x3FB2]  }
0x2c: {  	s7 =	sld [smem:$0x3FB3]  }
0x2d: {  	s3 =	simm.s32 $0x108;
	s8 =	sld [smem:$0x3FB4]  }
0x2e: {  	s3 =	simm.s32 @!p0 $0x1082;
	s9 =	sld [smem:$0x3FB5]  }
0x2f: {  	lr =	sadd.s32 s0, s3;
	s0 =	sld [smem:$0x3FAC]  }
0x30: {  	s3 =	sld [smem:$0x3FAF]  }
0x31: {  	[smem:$0x3FB8] =	sst s10  }
0x32: {  	s10 =	sld [smem:$0x3FB6];
	_ =	sdelay $0x3  }
0x33: {  	p0 =	seq.s32 s10, $0x1;
	s10 =	sld [smem:$0x3FB8];
	_ =	sdelay $0x3  }
0x34: {  	[smem:$0x3FB8] =	sst s10  }
0x35: {  	s10 =	sld [smem:$0x3FB7];
	_ =	sdelay $0x3  }
0x36: {  	p1 =	seq.s32 s10, $0x1;
	s10 =	sld [smem:$0x3FB8];
	_ =	sdelay $0x3  }
0x37: {  	[smem:$0x3FB8] =	sst s10  }
0x38: {  	s10 =	sld [smem:$0x3FB9]  }
0x39: {  	_ = 	snop;
	(pc) =	sbr.ind lr, $3  }
0x3a: {  	_ = 	snop  }
0x3b: {  	_ = 	snop  }
0x3c: {  	p2 =	seq.s32 s10, $0x1;
	s10 =	sld [smem:$0x3FB8]  }
0x3d: {  	_ =	shalt  }
0x3e: {  	_ =	shalt  }
0x3f: {  	_ =	shalt  }
0x40: {  	_ =	shalt  }
0x41: {  	_ =	shalt  }
0x42: {  	_ =	shalt  }
0x43: {  	_ =	shalt  }
0x44: {  	_ =	shalt  }
0x45: {  	_ =	shalt  }
0x46: {  	_ =	shalt  }
0x47: {  	_ =	shalt  }
0x48: {  	_ =	shalt  }
0x49: {  	_ =	shalt  }
0x4a: {  	_ =	shalt  }
0x4b: {  	_ =	shalt  }
0x4c: {  	_ =	shalt  }
0x4d: {  	_ =	shalt  }
0x4e: {  	_ =	shalt  }
0x4f: {  	_ =	shalt  }
0x50: {  	_ =	shalt  }
0x51: {  	_ =	shalt  }
0x52: {  	_ =	shalt  }
0x53: {  	_ =	shalt  }
0x54: {  	_ =	shalt  }
0x55: {  	_ =	shalt  }
0x56: {  	_ =	shalt  }
0x57: {  	_ =	shalt  }
0x58: {  	_ =	shalt  }
0x59: {  	_ =	shalt  }
0x5a: {  	_ =	shalt  }
0x5b: {  	_ =	shalt  }
0x5c: {  	_ =	shalt  }
0x5d: {  	_ =	shalt  }
0x5e: {  	_ =	shalt  }
0x5f: {  	_ =	shalt  }
0x60: {  	_ =	shalt  }
0x61: {  	_ =	shalt  }
0x62: {  	_ =	shalt  }
0x63: {  	_ =	shalt  }
0x64: {  	_ =	shalt  }
0x65: {  	_ =	shalt  }
0x66: {  	_ =	shalt  }
0x67: {  	_ =	shalt  }
0x68: {  	_ =	shalt  }
0x69: {  	_ =	shalt  }
0x6a: {  	_ =	shalt  }
0x6b: {  	_ =	shalt  }
0x6c: {  	_ =	shalt  }
0x6d: {  	_ =	shalt  }
0x6e: {  	_ =	shalt  }
0x6f: {  	_ =	shalt  }
0x70: {  	_ =	shalt  }
0x71: {  	_ =	shalt  }
0x72: {  	_ =	shalt  }
0x73: {  	_ =	shalt  }
0x74: {  	_ =	shalt  }
0x75: {  	_ =	shalt  }
0x76: {  	_ =	shalt  }
0x77: {  	_ =	shalt  }
0x78: {  	_ =	shalt  }
0x79: {  	_ =	shalt  }
0x7a: {  	_ =	shalt  }
0x7b: {  	_ =	shalt  }
0x7c: {  	_ =	shalt  }
0x7d: {  	_ =	shalt  }
0x7e: {  	_ =	shalt  }
0x7f: {  	_ =	shalt  }
0x80: {  	_ =	shalt  }
0x81: {  	_ =	shalt  }
0x82: {  	_ =	shalt  }
0x83: {  	_ =	shalt  }
0x84: {  	_ =	shalt  }
0x85: {  	_ =	shalt  }
0x86: {  	_ =	shalt  }
0x87: {  	_ =	shalt  }
.Lfunc_end0:
.L_simem_size_0:
called_computation_lowered:
.L_overlay_start_0:
0x88: {  	s2 =	sld [smem:$0x3FD9]  }
0x89: {  	s3 =	sld [smem:$0x3FFE];
	_ =	sdelay $0x1  }
0x8a: {  	s1 =	srdreg.scid  }
0x8b: {  	s0 =	sand.u32 $0x1, s1  }
0x8c: {  	s17 =	sshll.u32 s0, $0xA;
	s2 =	sadd.s32 s3, s2  }
0x8d: {  	s2 =	sadd.s32 s2, s17  }
0x8e: {  	[smem:$0x3FC4] =	sst s2  }
0x8f: {  	_ = 	snop  }
0x90: {  	s2 =	sld [smem:$0x3FD0];
	(tm) =	ssettm $0x1  }
0x91: {  	s18 =	sld [smem:$0x3FFB];
	_ =	sdelay $0x3  }
0x92: {  	_ =	strace s18  }
0x93: {  	s3 =	sld [smem:$0x3FFC];
	_ =	sdelay $0x3  }
0x94: {  	_ =	strace s3  }
0x95: {  	s3 =	sld [smem:$0x3FFD];
	_ =	sdelay $0x3  }
0x96: {  	_ =	strace s3  }
0x97: {  	_ =	strace $0x8FFFFFFF  }
0x98: {  	s19 =	sld [smem:$0x3FDB];
	_ =	sdelay $0x1  }
0x99: {  	s4 =	simm.s32 $_scs_section_size  }
0x9a: {  	s5 =	simm.s32 $_size__tile_overlayer_lowered;
	s6 =	simm.s32 $_tile_overlayer_lowered  }
0x9b: {  	s22 =	simm.s32 $0x1BFF;
	s21 =	sshll.u32 s6, $0x1;
	s3 =	sadd.s32 s4, s19  }
0x9c: {  	s7 =	simm.s32 $0x0;
	s20 =	sshll.u32 s5, $0x1;
	s5 =	sadd.s32 s21, s3  }
0x9d: {  	[timem:s7], [sflag:s22] =	dma.local [hbm:s5], s20  }
0x9e: {  	_ =	swait.ge [sflag:s22], s20  }
0x9f: {  	s4 =	ssub.s32 $0x0, s20;
	[sflag:s22] =	ssyncset.done $0x0  }
0xa0: {  	[sflag:s22] =	ssyncadd.s32 s4;
	_ =	sdelay $0x1  }
0xa1: {  	s23 =	simm.s32 $0x1B8B  }
0xa2: {  	_ =	swait.ge [sflag:s23], $0x1  }
0xa3: {  	[sflag:s23] =	ssyncset.done $0x0  }
0xa4: {  	s25 =	simm.s32 $0x1B8E;
	s24 =	sld [smem:$0x3FFE];
	[sflag:s23] =	ssyncadd.s32 $0xFFFFFFFF  }
0xa5: {  	s26 =	simm.s32 $execute0_lowered;
	[smem:$0x3FD2] =	sst s25  }
0xa6: {  	s5 =	sshll.u32 s26, $0x1;
	_ =	strace $0x80000046;
	[dreg:$0x1] =	wrdreg $0xFFFFFFFF  }
0xa7: {  	s28 =	simm.s32 $_size_execute0_lowered;
	s3 =	sadd.s32 s3, s5;
	[dreg:$0x0] =	wrdreg $0x0  }
0xa8: {  	s5 =	sshll.u32 s28, $0x1;
	[dreg:$0x2] =	wrdreg s3  }
0xa9: {  	[dreg:$0x3] =	wrdreg s5  }
0xaa: {  	[dreg:$0x4] =	wrdreg $0xC0  }
0xab: {  	_ =	task [dreg:s7], $0x5FFFF  }
0xac: {  	[dreg:$0x1] =	wrdreg $0xFFFFFFFF  }
0xad: {  	[dreg:$0x0] =	wrdreg $0x60  }
0xae: {  	[dreg:$0x2] =	wrdreg s24  }
0xaf: {  	[dreg:$0x3] =	wrdreg s2  }
0xb0: {  	[dreg:$0x4] =	wrdreg $0x9B000  }
0xb1: {  	[dreg:$0x5] =	wrdreg $0x1DB000  }
0xb2: {  	[dreg:$0x6] =	wrdreg $0x9  }
0xb3: {  	_ =	task.clear_ibuf [dreg:s7], $0x7FFFF;
	_ =	strace $0x90000046  }
0xb4: {  	s29 =	simm.s32 $0x9;
	_ =	strace $0x80000048  }
0xb5: {  	_ =	swait.ge [sflag:s29], $0x1  }
0xb6: {  	[sflag:s29] =	ssyncadd.s32 $0xFFFFFFFF  }
0xb7: {  	_ =	strace $0x90000048  }
0xb8: {  	_ =	sfence  }
0xb9: {  	s30 =	sld [smem:$0x0];
	_ =	sdelay $0x2  }
0xba: {  	s31 =	sshll.u32 s1, $0xD;
	s1 =	sshrl.u32 s1, $0x2  }
0xbb: {  	s3 =	sand.u32 $0x4000, s31;
	s1 =	sadd.s32 s1, s30  }
0xbc: {  	s0 =	sor.u32 s3, s0;
	s1 =	sshll.u32 s1, $0x11  }
0xbd: {  	s0 =	sor.u32 s1, s0  }
0xbe: {  	s0 =	sadd.s32 $0x8F2B, s0  }
0xbf: {  	[sflag:s0] =	ssyncadd.remote.s32 $0x1  }
0xc0: {  	_ =	sfence.sel $0xFFFF  }
0xc1: {  	[dreg:$0x0] =	wrdreg $0xFFFFFFFF;
	(pc) =	sbr.abs _section_cstart, $3  }
0xc2: {  	[dreg:$0x1] =	wrdreg $0xFFFFFFFF  }
0xc3: {  	_ =	task.clear_ibuf [dreg:s7], $0x2FFFF;
	_ =	strace $0x9FFFFFFF  }
0xc4: {  	(tm) =	ssettm $0x7FFFFFFF  }
0xc5: {  	_ =	shalt  }
tec
execute0_lowered:
.L_overlay_start_1:
0x0: {  	(tag) =	ssettag $0x1  }
0x1: {  	s0 =	rddreg [dreg:$0x0]  }
0x2: {  	s4 =	rddreg [dreg:$0x1]  }
0x3: {  	s1 =	rddreg [dreg:$0x2]  }
0x4: {  	s2 =	rddreg [dreg:$0x3]  }
0x5: {  	s5 =	srdreg.scid;
	s3 =	simm.s32 $0x0;
	s23 =	stileid.u32  }
0x6: {  	s28 =	simm.s32 $0x80;
	s29 =	simm.s32 $0x9800;
	s30 =	simm.s32 $0x2  }
0x7: {  	s31 =	simm.s32 $0x3;
	s5 =	sand.u32 $0x1, s5;
	s10 =	smul.u32 $0x50000, s23  }
0x8: {  	[smem:$0x7FF] =	sst s3;
	s7 =	sadd.s32 $0x1A00, s0;
	s21 =	smul.u32 $0xA00, s23  }
0x9: {  	p0 =	sne.s32 s23, $0x0;
	s6 =	smul.u32 $0x28000, s5;
	_ =	strace $0x80000047  }
0xa: {  	s8 =	smul.u32 $0x500, s5;
	s9 =	ssub.s32 $0x2, s5;
	s18 =	sshll.u32 s5, $0x4  }
0xb: {  	s15 =	smul.u32 $0x300, s5;
	s16 =	sshrl.u32 s9, $0x1;
	s19 =	sshrl.u32 s10, $0x2  }
0xc: {  	s20 =	sor.u32 s23, s18;
	s14 =	sadd.s32 s6, s0;
	s0 =	sadd.s32 s8, s0  }
0xd: {  	s17 =	ssub.s32 s9, s16;
	s6 =	sadd.s32 s19, s1;
	s24 =	smul.u32 $0x18000, s20  }
0xe: {  	s9 =	sshrl.u32 s21, $0x2;
	s16 =	smul.u32 $0x30, s23;
	s11 =	sadd.s32 $0x4000, s6  }
0xf: {  	s21 =	smul.u32 $0x2800, s23;
	s22 =	sadd.s32 $0x8000, s6;
	[dreg:$0x5] =	wrdreg s11  }
0x10: {  	s25 =	sadd.s32 $0xC000, s6;
	s26 =	sadd.s32 $0x10000, s6;
	[dreg:$0x6] =	wrdreg s22  }
0x11: {  	s12 =	sadd.s32 s9, s2;
	s10 =	sadd.s32 $0x302400, s14;
	[dreg:$0x7] =	wrdreg s25  }
0x12: {  	s14 =	sadd.s32 $0x301A00, s0;
	[dreg:$0x8] =	wrdreg s26;
	s25 =	smul.u32 $0x3000, s5  }
0x13: {  	s11 =	sadd.s32 s7, s24;
	s24 =	sadd.s32 s16, s15;
	s26 =	smul.u32 $0x300, s23  }
.Ltmp0:
0x14: {  	s15 =	smax.u32 s17, $0x1;
	s22 =	simm.s32 $0x4;
	(pc) =	sbr.rel .LBB2_1-.Ltmp0, $4  }
0x15: {  	s13 =	sadd.s32 $0x800, s11;
	s16 =	sshll.u32 s24, $0xB;
	s24 =	sadd.s32 s21, s10  }
0x16: {  	s17 =	sor.u32 $0x4000, s16;
	s18 =	sor.u32 $0x3000, s16;
	s19 =	sor.u32 $0x2000, s16  }
0x17: {  	s20 =	sor.u32 $0x1000, s16;
	s0 =	sadd.s32 s25, s4;
	s25 =	simm.s32 $0x4000  }
0x18: {  	v0 =	vimm.f32 $0.0e+00;
	v1 =	vimm.f32 $1.000000000e+00;
	s4 =	sadd.s32 s26, s0;
	s26 =	simm.s32 $0x1;
	s0 =	simm.s32 $0x0  }
.LBB2_6:
0x19: {  	_ =	swait.ge [sflag:s30], $0x4000  }
0x1a: {  	[sflag:s30] =	ssyncset.done $0x0  }
0x1b: {  	[sflag:s30] =	ssyncadd.s32 $0xFFFFC000  }
0x1c: {  	[spmem:s1] =	stream.indirect.scatter.add.f32 [tilespmem:s25], [sflag:$0x4], $0x80, s8, s28, $0xb8;
	[tilespmem:$0x1DD80] =	vst v63  }
0x1d: {  	_ =	swait.ge [sflag:s22], $0x4000  }
0x1e: {  	[sflag:s22] =	ssyncset.done $0x0  }
0x1f: {  	[sflag:s22] =	ssyncadd.s32 $0xFFFFC000  }
0x20: {  	[spmem:s2] =	stream.indirect.scatter.add.f32 [tilespmem:s29], [sflag:$0x3], $0x1, s8, s28, $0xb8;
	[tilespmem:$0x1DD80] =	vst v63  }
0x21: {  	_ =	swait.ge [sflag:s31], $0x80  }
0x22: {  	[sflag:s31] =	ssyncset.done $0x0  }
0x23: {  	[sflag:s31] =	ssyncadd.s32 $0xFFFFFF80  }
0x24: {  	_ =	swait.ge [sflag:s31], $0x80  }
0x25: {  	[sflag:s31] =	ssyncset.done $0x0  }
0x26: {  	[sflag:s31] =	ssyncadd.s32 $0xFFFFFF80  }
0x27: {  	_ =	swait.ge [sflag:s31], $0x80  }
0x28: {  	[sflag:s31] =	ssyncset.done $0x0  }
0x29: {  	[sflag:s31] =	ssyncadd.s32 $0xFFFFFF80  }
0x2a: {  	_ =	swait.ge [sflag:s31], $0x80  }
0x2b: {  	[sflag:s31] =	ssyncset.done $0x0  }
0x2c: {  	[sflag:s31] =	ssyncadd.s32 $0xFFFFFF80  }
0x2d: {  	_ =	swait.ge [sflag:s31], $0x80  }
0x2e: {  	[sflag:s31] =	ssyncset.done $0x0  }
0x2f: {  	[sflag:s31] =	ssyncadd.s32 $0xFFFFFF80  }
0x30: {  	_ =	swait.ge [sflag:s31], $0x80  }
0x31: {  	[sflag:s31] =	ssyncset.done $0x0  }
0x32: {  	[sflag:s31] =	ssyncadd.s32 $0xFFFFFF80  }
0x33: {  	_ =	swait.ge [sflag:s31], $0x80  }
0x34: {  	[sflag:s31] =	ssyncset.done $0x0  }
0x35: {  	[sflag:s31] =	ssyncadd.s32 $0xFFFFFF80  }
0x36: {  	_ =	swait.ge [sflag:s31], $0x80  }
0x37: {  	[sflag:s31] =	ssyncset.done $0x0  }
0x38: {  	[sflag:s31] =	ssyncadd.s32 $0xFFFFFF80  }
0x39: {  	_ =	swait.ge [sflag:s31], $0x80  }
0x3a: {  	[sflag:s31] =	ssyncset.done $0x0  }
0x3b: {  	[sflag:s31] =	ssyncadd.s32 $0xFFFFFF80  }
0x3c: {  	_ =	swait.ge [sflag:s31], $0x80  }
0x3d: {  	[sflag:s31] =	ssyncset.done $0x0  }
0x3e: {  	[sflag:s31] =	ssyncadd.s32 $0xFFFFFF80  }
0x3f: {  	_ =	swait.ge [sflag:s31], $0x80  }
0x40: {  	[sflag:s31] =	ssyncset.done $0x0  }
0x41: {  	[sflag:s31] =	ssyncadd.s32 $0xFFFFFF80  }
0x42: {  	_ =	swait.ge [sflag:s31], $0x80  }
0x43: {  	[sflag:s31] =	ssyncset.done $0x0  }
0x44: {  	[sflag:s31] =	ssyncadd.s32 $0xFFFFFF80  }
0x45: {  	_ =	swait.ge [sflag:s31], $0x80  }
0x46: {  	[sflag:s31] =	ssyncset.done $0x0  }
0x47: {  	[sflag:s31] =	ssyncadd.s32 $0xFFFFFF80  }
0x48: {  	_ =	swait.ge [sflag:s31], $0x80  }
0x49: {  	[sflag:s31] =	ssyncset.done $0x0  }
0x4a: {  	[sflag:s31] =	ssyncadd.s32 $0xFFFFFF80  }
0x4b: {  	_ =	swait.ge [sflag:s31], $0x80  }
0x4c: {  	[sflag:s31] =	ssyncset.done $0x0  }
0x4d: {  	[sflag:s31] =	ssyncadd.s32 $0xFFFFFF80  }
0x4e: {  	_ =	swait.ge [sflag:s31], $0x80  }
0x4f: {  	[sflag:s31] =	ssyncset.done $0x0  }
0x50: {  	[sflag:s31] =	ssyncadd.s32 $0xFFFFFF80  }
0x51: {  	_ =	swait.ge [sflag:s31], $0x80  }
0x52: {  	[sflag:s31] =	ssyncset.done $0x0  }
0x53: {  	[sflag:s31] =	ssyncadd.s32 $0xFFFFFF80  }
0x54: {  	_ =	swait.ge [sflag:s31], $0x80  }
0x55: {  	[sflag:s31] =	ssyncset.done $0x0  }
0x56: {  	[sflag:s31] =	ssyncadd.s32 $0xFFFFFF80  }
0x57: {  	_ =	swait.ge [sflag:s31], $0x80  }
0x58: {  	[sflag:s31] =	ssyncset.done $0x0  }
0x59: {  	[sflag:s31] =	ssyncadd.s32 $0xFFFFFF80  }
0x5a: {  	_ =	swait.ge [sflag:s31], $0x80  }
0x5b: {  	[sflag:s31] =	ssyncset.done $0x0  }
0x5c: {  	[sflag:s31] =	ssyncadd.s32 $0xFFFFFF80  }
0x5d: {  	_ =	swait.ge [sflag:s31], $0x80  }
0x5e: {  	[sflag:s31] =	ssyncset.done $0x0  }
0x5f: {  	[sflag:s31] =	ssyncadd.s32 $0xFFFFFF80  }
0x60: {  	_ =	swait.ge [sflag:s31], $0x80  }
0x61: {  	[sflag:s31] =	ssyncset.done $0x0  }
0x62: {  	[sflag:s31] =	ssyncadd.s32 $0xFFFFFF80  }
0x63: {  	_ =	swait.ge [sflag:s31], $0x80  }
0x64: {  	[sflag:s31] =	ssyncset.done $0x0  }
0x65: {  	[sflag:s31] =	ssyncadd.s32 $0xFFFFFF80  }
0x66: {  	_ =	swait.ge [sflag:s31], $0x80  }
0x67: {  	[sflag:s31] =	ssyncset.done $0x0  }
0x68: {  	[sflag:s31] =	ssyncadd.s32 $0xFFFFFF80  }
0x69: {  	_ =	swait.ge [sflag:s31], $0x80  }
0x6a: {  	[sflag:s31] =	ssyncset.done $0x0  }
0x6b: {  	[sflag:s31] =	ssyncadd.s32 $0xFFFFFF80  }
0x6c: {  	_ =	swait.ge [sflag:s31], $0x80  }
0x6d: {  	[sflag:s31] =	ssyncset.done $0x0  }
0x6e: {  	[sflag:s31] =	ssyncadd.s32 $0xFFFFFF80  }
0x6f: {  	_ =	swait.ge [sflag:s31], $0x80  }
0x70: {  	[sflag:s31] =	ssyncset.done $0x0  }
0x71: {  	[sflag:s31] =	ssyncadd.s32 $0xFFFFFF80  }
0x72: {  	_ =	swait.ge [sflag:s31], $0x80  }
0x73: {  	[sflag:s31] =	ssyncset.done $0x0  }
0x74: {  	[sflag:s31] =	ssyncadd.s32 $0xFFFFFF80  }
0x75: {  	_ =	swait.ge [sflag:s31], $0x80  }
0x76: {  	[sflag:s31] =	ssyncset.done $0x0  }
0x77: {  	[sflag:s31] =	ssyncadd.s32 $0xFFFFFF80  }
0x78: {  	_ =	swait.ge [sflag:s31], $0x80  }
0x79: {  	[sflag:s31] =	ssyncset.done $0x0  }
0x7a: {  	[sflag:s31] =	ssyncadd.s32 $0xFFFFFF80  }
0x7b: {  	_ =	swait.ge [sflag:s31], $0x80  }
0x7c: {  	[sflag:s31] =	ssyncset.done $0x0  }
0x7d: {  	[sflag:s31] =	ssyncadd.s32 $0xFFFFFF80  }
0x7e: {  	_ =	swait.ge [sflag:s31], $0x80  }
0x7f: {  	[sflag:s31] =	ssyncset.done $0x0  }
0x80: {  	[sflag:s31] =	ssyncadd.s32 $0xFFFFFF80  }
0x81: {  	_ =	swait.ge [sflag:s31], $0x80  }
0x82: {  	[sflag:s31] =	ssyncset.done $0x0  }
0x83: {  	[sflag:s31] =	ssyncadd.s32 $0xFFFFFF80  }
0x84: {  	_ =	swait.ge [sflag:s31], $0x80  }
0x85: {  	[sflag:s31] =	ssyncset.done $0x0  }
0x86: {  	[sflag:s31] =	ssyncadd.s32 $0xFFFFFF80  }
0x87: {  	_ =	swait.ge [sflag:s31], $0x80  }
0x88: {  	[sflag:s31] =	ssyncset.done $0x0  }
0x89: {  	[sflag:s31] =	ssyncadd.s32 $0xFFFFFF80  }
0x8a: {  	_ =	swait.ge [sflag:s31], $0x80  }
0x8b: {  	[sflag:s31] =	ssyncset.done $0x0  }
0x8c: {  	[sflag:s31] =	ssyncadd.s32 $0xFFFFFF80  }
0x8d: {  	_ =	swait.ge [sflag:s31], $0x80  }
0x8e: {  	[sflag:s31] =	ssyncset.done $0x0  }
0x8f: {  	[sflag:s31] =	ssyncadd.s32 $0xFFFFFF80  }
0x90: {  	_ =	swait.ge [sflag:s31], $0x80  }
0x91: {  	[sflag:s31] =	ssyncset.done $0x0  }
0x92: {  	[sflag:s31] =	ssyncadd.s32 $0xFFFFFF80  }
0x93: {  	_ =	swait.ge [sflag:s31], $0x80  }
0x94: {  	[sflag:s31] =	ssyncset.done $0x0  }
0x95: {  	[sflag:s31] =	ssyncadd.s32 $0xFFFFFF80  }
0x96: {  	_ =	swait.ge [sflag:s31], $0x80  }
0x97: {  	[sflag:s31] =	ssyncset.done $0x0  }
0x98: {  	[sflag:s31] =	ssyncadd.s32 $0xFFFFFF80  }
0x99: {  	_ =	swait.ge [sflag:s31], $0x80  }
0x9a: {  	[sflag:s31] =	ssyncset.done $0x0  }
0x9b: {  	[sflag:s31] =	ssyncadd.s32 $0xFFFFFF80  }
0x9c: {  	_ =	swait.ge [sflag:s31], $0x80  }
0x9d: {  	[sflag:s31] =	ssyncset.done $0x0  }
0x9e: {  	[sflag:s31] =	ssyncadd.s32 $0xFFFFFF80  }
0x9f: {  	_ =	swait.ge [sflag:s31], $0x80  }
0xa0: {  	[sflag:s31] =	ssyncset.done $0x0  }
0xa1: {  	[sflag:s31] =	ssyncadd.s32 $0xFFFFFF80  }
0xa2: {  	_ =	swait.ge [sflag:s31], $0x80  }
0xa3: {  	[sflag:s31] =	ssyncset.done $0x0  }
0xa4: {  	[sflag:s31] =	ssyncadd.s32 $0xFFFFFF80  }
0xa5: {  	_ =	swait.ge [sflag:s31], $0x80  }
0xa6: {  	[sflag:s31] =	ssyncset.done $0x0  }
0xa7: {  	[sflag:s31] =	ssyncadd.s32 $0xFFFFFF80  }
0xa8: {  	_ =	swait.ge [sflag:s31], $0x80  }
0xa9: {  	[sflag:s31] =	ssyncset.done $0x0  }
0xaa: {  	[sflag:s31] =	ssyncadd.s32 $0xFFFFFF80  }
0xab: {  	_ =	swait.ge [sflag:s31], $0x80  }
0xac: {  	[sflag:s31] =	ssyncset.done $0x0  }
0xad: {  	[sflag:s31] =	ssyncadd.s32 $0xFFFFFF80  }
0xae: {  	_ =	swait.ge [sflag:s31], $0x80  }
0xaf: {  	s5 =	stileid.u32;
	[sflag:s31] =	ssyncset.done $0x0  }
0xb0: {  	s5 =	sshll.u32 s5, $0x6;
	[sflag:s31] =	ssyncadd.s32 $0xFFFFFF80  }
0xb1: {  	s23 =	sshrl.u32 s6, $0x3;
	s5 =	sor.u32 $0x1C04, s5;
	[bflag:$0x0] =	sbarrier.arrive $0xFFFF  }
0xb2: {  	[hbm:s24], [sflag:s5] =	dma.local [spmem:s23], $0x2800  }
0xb3: {  	_ =	swait.ge [sflag:s22], $0x2800  }
0xb4: {  	s0 =	sadd.s32 $0x1, s0;
	[sflag:s22] =	ssyncset.done $0x0  }
0xb5: {  	p1 =	sne.s32 s0, s15;
	s8 =	sshrl.u32 @!p0 s2, $0x3;
	[sflag:s22] =	ssyncadd.s32 $0xFFFFD800  }
0xb6: {  	[hbm:s14], [sflag:s5] =	dma.local @!p0 [spmem:s8], $0x500  }
.Ltmp1:
0xb7: {  	_ = 	snop;
	(pc) =	sbr.rel @!p1 .LBB2_7-.Ltmp1, $4  }
0xb8: {  	s5 =	simm.s32 @!p0 $0x4  }
0xb9: {  	_ =	swait.ge @!p0 [sflag:s5], $0x500  }
0xba: {  	[sflag:s5] =	ssyncset.done @!p0 $0x0  }
0xbb: {  	[sflag:s5] =	ssyncadd.s32 @!p0 $0xFFFFFB00  }
.LBB2_1:
0xbc: {  	s5 =	simm.s32 $0x0;
	s8 =	simm.s32 $0x200  }
.LBB2_2:
0xbd: {  	p1 =	sne.s32 s8, $0xFE00;
	[tilespmem:s5+$0x70] =	vst v0  }
0xbe: {  	[tilespmem:s5+$0x0] =	vst v0  }
0xbf: {  	[tilespmem:s5+$0x10] =	vst v0  }
.Ltmp2:
0xc0: {  	[tilespmem:s5+$0x20] =	vst v0;
	(pc) =	sbr.rel @p1 .LBB2_2-.Ltmp2, $4  }
0xc1: {  	[tilespmem:s5+$0x30] =	vst v0  }
0xc2: {  	[tilespmem:s5+$0x40] =	vst v0  }
0xc3: {  	[tilespmem:s5+$0x50] =	vst v0  }
0xc4: {  	[tilespmem:s5+$0x60] =	vst v0;
	s5 =	sshra.s32 s8, $0x2;
	s8 =	sadd.s32 $0x200, s8  }
0xc5: {  	[tilespmem:s5+$0x70] =	vst v0  }
0xc6: {  	[tilespmem:s5+$0x0] =	vst v0  }
0xc7: {  	[tilespmem:s5+$0x10] =	vst v0  }
0xc8: {  	[tilespmem:s5+$0x20] =	vst v0  }
0xc9: {  	[tilespmem:s5+$0x30] =	vst v0  }
0xca: {  	[tilespmem:s5+$0x40] =	vst v0  }
0xcb: {  	[tilespmem:s5+$0x50] =	vst v0  }
0xcc: {  	[tilespmem:s5+$0x60] =	vst v0  }
0xcd: {  	[tilespmem:$0x9800] =	vst v1  }
0xce: {  	[tilespmem:$0x9810] =	vst v1  }
0xcf: {  	[tilespmem:$0x9820] =	vst v1  }
0xd0: {  	[tilespmem:$0x9830] =	vst v1  }
0xd1: {  	[tilespmem:$0x9840] =	vst v1  }
0xd2: {  	[tilespmem:$0x9850] =	vst v1  }
0xd3: {  	[tilespmem:$0x9860] =	vst v1  }
0xd4: {  	[tilespmem:$0x9870] =	vst v1  }
0xd5: {  	[tilespmem:$0x9880] =	vst v0  }
0xd6: {  	[tilespmem:$0x9890] =	vst v0  }
0xd7: {  	[tilespmem:$0x98A0] =	vst v0  }
0xd8: {  	[tilespmem:$0x98B0] =	vst v0  }
0xd9: {  	[tilespmem:$0x98C0] =	vst v0  }
0xda: {  	[tilespmem:$0x98D0] =	vst v0  }
0xdb: {  	[tilespmem:$0x98E0] =	vst v0  }
0xdc: {  	[tilespmem:$0x98F0] =	vst v0  }
0xdd: {  	[tilespmem:$0x9900] =	vst v0  }
0xde: {  	[tilespmem:$0x9910] =	vst v0  }
0xdf: {  	[tilespmem:$0x9920] =	vst v0  }
0xe0: {  	[tilespmem:$0x9930] =	vst v0  }
0xe1: {  	[tilespmem:$0x9940] =	vst v0  }
0xe2: {  	[tilespmem:$0x9950] =	vst v0  }
0xe3: {  	[tilespmem:$0x9960] =	vst v0  }
0xe4: {  	[tilespmem:$0x9970] =	vst v0  }
0xe5: {  	[tilespmem:$0x9980] =	vst v0  }
0xe6: {  	[tilespmem:$0x9990] =	vst v0  }
0xe7: {  	[tilespmem:$0x99A0] =	vst v0  }
0xe8: {  	[tilespmem:$0x99B0] =	vst v0  }
0xe9: {  	[tilespmem:$0x99C0] =	vst v0  }
0xea: {  	[tilespmem:$0x99D0] =	vst v0  }
0xeb: {  	[tilespmem:$0x99E0] =	vst v0  }
0xec: {  	[tilespmem:$0x99F0] =	vst v0  }
0xed: {  	[tilespmem:$0x9A00] =	vst v0  }
0xee: {  	[tilespmem:$0x9A10] =	vst v0  }
0xef: {  	[tilespmem:$0x9A20] =	vst v0  }
0xf0: {  	[tilespmem:$0x9A30] =	vst v0  }
0xf1: {  	[tilespmem:$0x9A40] =	vst v0  }
0xf2: {  	[tilespmem:$0x9A50] =	vst v0  }
0xf3: {  	[tilespmem:$0x9A60] =	vst v0  }
0xf4: {  	[tilespmem:$0x9A70] =	vst v0  }
0xf5: {  	[tilespmem:$0x9A80] =	vst v0  }
0xf6: {  	[tilespmem:$0x9A90] =	vst v0  }
0xf7: {  	[tilespmem:$0x9AA0] =	vst v0  }
0xf8: {  	[tilespmem:$0x9AB0] =	vst v0  }
0xf9: {  	[tilespmem:$0x9AC0] =	vst v0  }
0xfa: {  	[tilespmem:$0x9AD0] =	vst v0  }
0xfb: {  	[tilespmem:$0x9AE0] =	vst v0  }
0xfc: {  	s23 =	simm.s32 $0x0;
	[tilespmem:$0x9AF0] =	vst v0  }
0xfd: {  	[spmem:s6] =	stream.linear.scatter [tilespmem:s23], [sflag:$0x4], $0x4000, $0x38;
	[tilespmem:$0x1DD80] =	vst v63  }
0xfe: {  	_ =	swait.ge [sflag:s22], $0x4000  }
0xff: {  	[sflag:s22] =	ssyncset.done $0x0  }
0x100: {  	s21 =	rddreg [dreg:$0x5];
	[sflag:s22] =	ssyncadd.s32 $0xFFFFC000  }
0x101: {  	[spmem:s21] =	stream.linear.scatter [tilespmem:s23], [sflag:$0x4], $0x4000, $0x38;
	[tilespmem:$0x1DD80] =	vst v63  }
0x102: {  	_ =	swait.ge [sflag:s22], $0x4000  }
0x103: {  	[sflag:s22] =	ssyncset.done $0x0  }
0x104: {  	s8 =	rddreg [dreg:$0x6];
	[sflag:s22] =	ssyncadd.s32 $0xFFFFC000  }
0x105: {  	[spmem:s8] =	stream.linear.scatter [tilespmem:s23], [sflag:$0x4], $0x4000, $0x38;
	[tilespmem:$0x1DD80] =	vst v63  }
0x106: {  	_ =	swait.ge [sflag:s22], $0x4000  }
0x107: {  	[sflag:s22] =	ssyncset.done $0x0  }
0x108: {  	s9 =	rddreg [dreg:$0x7];
	[sflag:s22] =	ssyncadd.s32 $0xFFFFC000  }
0x109: {  	[spmem:s9] =	stream.linear.scatter [tilespmem:s23], [sflag:$0x4], $0x4000, $0x38;
	[tilespmem:$0x1DD80] =	vst v63  }
0x10a: {  	_ =	swait.ge [sflag:s22], $0x4000  }
0x10b: {  	[sflag:s22] =	ssyncset.done $0x0  }
0x10c: {  	s10 =	rddreg [dreg:$0x8];
	[sflag:s22] =	ssyncadd.s32 $0xFFFFC000  }
0x10d: {  	[spmem:s10] =	stream.linear.scatter [tilespmem:s23], [sflag:$0x4], $0x4000, $0x38;
	[tilespmem:$0x1DD80] =	vst v63  }
0x10e: {  	_ =	swait.ge [sflag:s22], $0x4000  }
0x10f: {  	[sflag:s22] =	ssyncset.done $0x0  }
0x110: {  	s21 =	simm.s32 $0x9880;
	[sflag:s22] =	ssyncadd.s32 $0xFFFFC000  }
0x111: {  	[spmem:s12] =	stream.linear.scatter [tilespmem:s21], [sflag:$0x4], $0x280, $0x38;
	[tilespmem:$0x1DD80] =	vst v63  }
0x112: {  	_ =	swait.ge [sflag:s22], $0x280  }
0x113: {  	[sflag:s22] =	ssyncset.done $0x0  }
0x114: {  	[sflag:s22] =	ssyncadd.s32 $0xFFFFFD80  }
0x115: {  	[bflag:$0x0] =	sbarrier.arrive $0xFFFF  }
0x116: {  	[tilespmem:s23], [sflag:$0x1] =	stream.linear.gather [hbm4b:s11+s23], $0x4000, $0x38;
	[tilespmem:$0x1DD80] =	vst v63  }
0x117: {  	s5 =	smov.u32 s7;
	s21 =	smov.u32 s4  }
0x118: {  	[tilespmem:s25], [sflag:$0x2] =	stream.linear.gather [hbm4b:s13+s23], $0x4000, $0x38;
	[tilespmem:$0x1DD80] =	vst v63  }
.LBB2_4:
0x119: {  	s8 =	sshra.s32 s23, $0x2  }
0x11a: {  	s9 =	sadd.s32 $0x8000, s8  }
0x11b: {  	[tilespmem:s9], [sflag:$0x4] =	stream.linear.gather [hbm4b:s21+s3], $0x400, $0x38;
	[tilespmem:$0x1DD80] =	vst v63  }
0x11c: {  	_ =	swait.ge [sflag:s22], $0x400  }
0x11d: {  	[sflag:s22] =	ssyncset.done $0x0  }
0x11e: {  	[sflag:s22] =	ssyncadd.s32 $0xFFFFFC00  }
0x11f: {  	_ =	swait.ge [sflag:s26], $0x4000  }
0x120: {  	[sflag:s26] =	ssyncset.done $0x0  }
0x121: {  	[sflag:s26] =	ssyncadd.s32 $0xFFFFC000  }
0x122: {  	[spmem:s1] =	stream.indirect.scatter.add.f32 [tilespmem:s3], [sflag:$0x4], $0x80, s9, s28, $0xb8;
	[tilespmem:$0x1DD80] =	vst v63  }
0x123: {  	_ =	swait.ge [sflag:s22], $0x4000  }
0x124: {  	[sflag:s22] =	ssyncset.done $0x0  }
0x125: {  	[sflag:s22] =	ssyncadd.s32 $0xFFFFC000  }
0x126: {  	[spmem:s2] =	stream.indirect.scatter.add.f32 [tilespmem:s29], [sflag:$0x3], $0x1, s9, s28, $0xb8;
	[tilespmem:$0x1DD80] =	vst v63  }
0x127: {  	s10 =	sadd.s32 s5, s20  }
0x128: {  	[tilespmem:s3], [sflag:$0x1] =	stream.linear.gather [hbm4b:s10+s3], $0x4000, $0x38;
	[tilespmem:$0x1DD80] =	vst v63  }
0x129: {  	_ =	swait.ge [sflag:s30], $0x4000  }
0x12a: {  	[sflag:s30] =	ssyncset.done $0x0  }
0x12b: {  	s10 =	sadd.s32 $0x8080, s8;
	[sflag:s30] =	ssyncadd.s32 $0xFFFFC000  }
0x12c: {  	[spmem:s1] =	stream.indirect.scatter.add.f32 [tilespmem:s25], [sflag:$0x4], $0x80, s10, s28, $0xb8;
	[tilespmem:$0x1DD80] =	vst v63  }
0x12d: {  	_ =	swait.ge [sflag:s22], $0x4000  }
0x12e: {  	[sflag:s22] =	ssyncset.done $0x0  }
0x12f: {  	s9 =	sadd.s32 s5, s16;
	[sflag:s22] =	ssyncadd.s32 $0xFFFFC000  }
0x130: {  	[spmem:s2] =	stream.indirect.scatter.add.f32 [tilespmem:s29], [sflag:$0x3], $0x1, s10, s28, $0xb8;
	[tilespmem:$0x1DD80] =	vst v63  }
0x131: {  	s10 =	sadd.s32 $0x1800, s9  }
0x132: {  	[tilespmem:s25], [sflag:$0x2] =	stream.linear.gather [hbm4b:s10+s3], $0x4000, $0x38;
	[tilespmem:$0x1DD80] =	vst v63  }
0x133: {  	_ =	swait.ge [sflag:s26], $0x4000  }
0x134: {  	[sflag:s26] =	ssyncset.done $0x0  }
0x135: {  	s10 =	sadd.s32 $0x8100, s8;
	[sflag:s26] =	ssyncadd.s32 $0xFFFFC000  }
0x136: {  	[spmem:s1] =	stream.indirect.scatter.add.f32 [tilespmem:s3], [sflag:$0x4], $0x80, s10, s28, $0xb8;
	[tilespmem:$0x1DD80] =	vst v63  }
0x137: {  	_ =	swait.ge [sflag:s22], $0x4000  }
0x138: {  	[sflag:s22] =	ssyncset.done $0x0  }
0x139: {  	[sflag:s22] =	ssyncadd.s32 $0xFFFFC000  }
0x13a: {  	[spmem:s2] =	stream.indirect.scatter.add.f32 [tilespmem:s29], [sflag:$0x3], $0x1, s10, s28, $0xb8;
	[tilespmem:$0x1DD80] =	vst v63  }
0x13b: {  	s10 =	sadd.s32 s5, s19  }
0x13c: {  	[tilespmem:s3], [sflag:$0x1] =	stream.linear.gather [hbm4b:s10+s3], $0x4000, $0x38;
	[tilespmem:$0x1DD80] =	vst v63  }
0x13d: {  	_ =	swait.ge [sflag:s30], $0x4000  }
0x13e: {  	[sflag:s30] =	ssyncset.done $0x0  }
0x13f: {  	s10 =	sadd.s32 $0x8180, s8;
	[sflag:s30] =	ssyncadd.s32 $0xFFFFC000  }
0x140: {  	[spmem:s1] =	stream.indirect.scatter.add.f32 [tilespmem:s25], [sflag:$0x4], $0x80, s10, s28, $0xb8;
	[tilespmem:$0x1DD80] =	vst v63  }
0x141: {  	_ =	swait.ge [sflag:s22], $0x4000  }
0x142: {  	[sflag:s22] =	ssyncset.done $0x0  }
0x143: {  	[sflag:s22] =	ssyncadd.s32 $0xFFFFC000  }
0x144: {  	[spmem:s2] =	stream.indirect.scatter.add.f32 [tilespmem:s29], [sflag:$0x3], $0x1, s10, s28, $0xb8;
	[tilespmem:$0x1DD80] =	vst v63  }
0x145: {  	s10 =	sadd.s32 $0x2800, s9  }
0x146: {  	[tilespmem:s25], [sflag:$0x2] =	stream.linear.gather [hbm4b:s10+s3], $0x4000, $0x38;
	[tilespmem:$0x1DD80] =	vst v63  }
0x147: {  	_ =	swait.ge [sflag:s26], $0x4000  }
0x148: {  	[sflag:s26] =	ssyncset.done $0x0  }
0x149: {  	s10 =	sadd.s32 $0x8200, s8;
	[sflag:s26] =	ssyncadd.s32 $0xFFFFC000  }
0x14a: {  	[spmem:s1] =	stream.indirect.scatter.add.f32 [tilespmem:s3], [sflag:$0x4], $0x80, s10, s28, $0xb8;
	[tilespmem:$0x1DD80] =	vst v63  }
0x14b: {  	_ =	swait.ge [sflag:s22], $0x4000  }
0x14c: {  	[sflag:s22] =	ssyncset.done $0x0  }
0x14d: {  	[sflag:s22] =	ssyncadd.s32 $0xFFFFC000  }
0x14e: {  	[spmem:s2] =	stream.indirect.scatter.add.f32 [tilespmem:s29], [sflag:$0x3], $0x1, s10, s28, $0xb8;
	[tilespmem:$0x1DD80] =	vst v63  }
0x14f: {  	s10 =	sadd.s32 s5, s18  }
0x150: {  	[tilespmem:s3], [sflag:$0x1] =	stream.linear.gather [hbm4b:s10+s3], $0x4000, $0x38;
	[tilespmem:$0x1DD80] =	vst v63  }
0x151: {  	_ =	swait.ge [sflag:s30], $0x4000  }
0x152: {  	[sflag:s30] =	ssyncset.done $0x0  }
0x153: {  	s10 =	sadd.s32 $0x8280, s8;
	[sflag:s30] =	ssyncadd.s32 $0xFFFFC000  }
0x154: {  	[spmem:s1] =	stream.indirect.scatter.add.f32 [tilespmem:s25], [sflag:$0x4], $0x80, s10, s28, $0xb8;
	[tilespmem:$0x1DD80] =	vst v63  }
0x155: {  	_ =	swait.ge [sflag:s22], $0x4000  }
0x156: {  	[sflag:s22] =	ssyncset.done $0x0  }
0x157: {  	[sflag:s22] =	ssyncadd.s32 $0xFFFFC000  }
0x158: {  	[spmem:s2] =	stream.indirect.scatter.add.f32 [tilespmem:s29], [sflag:$0x3], $0x1, s10, s28, $0xb8;
	[tilespmem:$0x1DD80] =	vst v63  }
0x159: {  	s10 =	sadd.s32 $0x3800, s9  }
0x15a: {  	[tilespmem:s25], [sflag:$0x2] =	stream.linear.gather [hbm4b:s10+s3], $0x4000, $0x38;
	[tilespmem:$0x1DD80] =	vst v63  }
0x15b: {  	_ =	swait.ge [sflag:s26], $0x4000  }
0x15c: {  	[sflag:s26] =	ssyncset.done $0x0  }
0x15d: {  	p1 =	seq.s32 s23, $0x5000;
	s10 =	sadd.s32 $0x8300, s8;
	[sflag:s26] =	ssyncadd.s32 $0xFFFFC000  }
0x15e: {  	[spmem:s1] =	stream.indirect.scatter.add.f32 [tilespmem:s3], [sflag:$0x4], $0x80, s10, s28, $0xb8;
	[tilespmem:$0x1DD80] =	vst v63  }
.Ltmp3:
0x15f: {  	_ = 	snop;
	(pc) =	sbr.rel @p1 .LBB2_6-.Ltmp3, $4  }
0x160: {  	_ =	swait.ge [sflag:s22], $0x4000  }
0x161: {  	[sflag:s22] =	ssyncset.done $0x0  }
0x162: {  	s8 =	sadd.s32 $0x8380, s8;
	[sflag:s22] =	ssyncadd.s32 $0xFFFFC000  }
0x163: {  	[spmem:s2] =	stream.indirect.scatter.add.f32 [tilespmem:s29], [sflag:$0x3], $0x1, s10, s28, $0xb8;
	[tilespmem:$0x1DD80] =	vst v63  }
0x164: {  	s10 =	sadd.s32 s5, s17  }
0x165: {  	[tilespmem:s3], [sflag:$0x1] =	stream.linear.gather [hbm4b:s10+s3], $0x4000, $0x38;
	[tilespmem:$0x1DD80] =	vst v63  }
0x166: {  	_ =	swait.ge [sflag:s30], $0x4000  }
0x167: {  	[sflag:s30] =	ssyncset.done $0x0  }
0x168: {  	[sflag:s30] =	ssyncadd.s32 $0xFFFFC000  }
0x169: {  	[spmem:s1] =	stream.indirect.scatter.add.f32 [tilespmem:s25], [sflag:$0x4], $0x80, s8, s28, $0xb8;
	[tilespmem:$0x1DD80] =	vst v63  }
0x16a: {  	_ =	swait.ge [sflag:s22], $0x4000  }
.Ltmp4:
0x16b: {  	[sflag:s22] =	ssyncset.done $0x0;
	(pc) =	sbr.rel .LBB2_4-.Ltmp4, $4  }
0x16c: {  	s23 =	sadd.s32 $0x1000, s23;
	[sflag:s22] =	ssyncadd.s32 $0xFFFFC000  }
0x16d: {  	[spmem:s2] =	stream.indirect.scatter.add.f32 [tilespmem:s29], [sflag:$0x3], $0x1, s8, s28, $0xb8;
	[tilespmem:$0x1DD80] =	vst v63  }
0x16e: {  	s5 =	sadd.s32 $0x4000, s5;
	s21 =	sadd.s32 $0x80, s21;
	s10 =	sadd.s32 $0x4800, s9  }
0x16f: {  	[tilespmem:s25], [sflag:$0x2] =	stream.linear.gather [hbm4b:s10+s3], $0x4000, $0x38;
	[tilespmem:$0x1DD80] =	vst v63  }
.LBB2_7:
0x170: {  	_ =	sfence.sel $0x180000  }
0x171: {  	[bflag:$0x0] =	sbarrier.arrive $0xFFFF  }
0x172: {  	_ =	strace $0x90000047  }
0x173: {  	[bflag:$0x2] =	sbarrier.arrive $0xFFFF  }
0x174: {  	s0 =	rddreg [dreg:$0x4]  }
0x175: {  	s0 =	sadd.s32 @!p0 $0x100000, s0  }
0x176: {  	[sflag:s0] =	ssyncadd.tile.s32 @!p0 $0x1;
	_ =	shalt  }
.Lfunc_end2:
_tile_overlayer_lowered:
.L_overlay_start_2:
0x177: {  	(tag) =	ssettag $0x2  }
0x178: {  	s0 =	rddreg [dreg:$0x0];
	s2 =	stileid.u32  }
0x179: {  	s1 =	rddreg [dreg:$0x1];
	p0 =	sne.s32 s2, $0x0  }
0x17a: {  	s3 =	rddreg [dreg:$0x2];
	[bflag:$0x3] =	sbarrier.arrive $0xFFFF;
	s2 =	simm.s32 @!p0 $0x1C04  }
0x17b: {  	[timem:s3], [sflag:s2] =	dma.local @!p0 [hbm:s0], s1  }
0x17c: {  	s0 =	simm.s32 @!p0 $0x4  }
0x17d: {  	_ =	swait.ge @!p0 [sflag:s0], s1  }
0x17e: {  	s1 =	ssub.s32 @!p0 $0x0, s1;
	[sflag:s0] =	ssyncset.done @!p0 $0x0  }
0x17f: {  	[sflag:s0] =	ssyncadd.s32 @!p0 s1  }
0x180: {  	[bflag:$0x3] =	sbarrier.arrive $0xFFFF  }
0x181: {  	_ =	shalt  }

</sc_bundles>
